<compile_context>
chip_gen: v7x
topology: tpu7x:2x2x1
jax: 0.10.2.dev20260603
libtpu: 0.0.44.dev20260713+nightly
codegen_flags: <defaults>
</compile_context>

<pallas_src>
import functools

import jax
import jax.numpy as jnp
from jax import lax
from jax.experimental import pallas as pl
from jax.experimental.pallas import tpu as pltpu
from jax.experimental.pallas import tpu_sc as plsc

N = 10000
E = 320000
D = 128
H1 = 8
C1 = 8
HC = 64
NCLS = 40
W = HC + 16

NC = 2
NS = 16
NW = NC * NS
EPW = E // NW
CH = 80
EPC = EPW // CH
NP = 12000
STRIPE = NP // NS

_BN = 2000

_SC_PARAMS = pltpu.CompilerParams(use_tc_tiling_on_sc=False)


def _lrelu(x):
    return jnp.where(x >= 0, x, 0.2 * x)



def _prep1_body(x_ref, w1_ref, asrc_ref, adst_ref, comb_ref, td_ref,
                m1_ref, mx_ref):
    i = pl.program_id(0)
    ng = pl.num_programs(0)
    xp = jnp.dot(x_ref[...], w1_ref[...], preferred_element_type=jnp.float32)
    xph = xp.reshape(_BN, H1, C1)
    xp_perm = jnp.transpose(xph, (0, 2, 1)).reshape(_BN, HC)
    a_s = jnp.sum(xph * asrc_ref[...][None, :, :], axis=-1)
    a_d = jnp.sum(xph * adst_ref[...][None, :, :], axis=-1)
    comb_ref[...] = jnp.concatenate([xp_perm, a_s, a_s], axis=1)
    td_ref[...] = jnp.concatenate([a_d, a_d], axis=1)
    blkmax = jnp.concatenate(
        [jnp.max(a_s, axis=0), jnp.max(a_d, axis=0)])[None, :]

    @pl.when(i == 0)
    def _():
        mx_ref[...] = blkmax

    @pl.when(i > 0)
    def _():
        mx_ref[...] = jnp.maximum(mx_ref[...], blkmax)

    @pl.when(i == ng - 1)
    def _():
        mx = mx_ref[...]
        m = _lrelu(mx[:, 0:H1] + mx[:, H1:2 * H1])
        m1_ref[...] = jnp.concatenate([m, m], axis=1)


def _prep1(x, W1, att_src1, att_dst1):
    return pl.pallas_call(
        _prep1_body,
        grid=(N // _BN,),
        in_specs=[
            pl.BlockSpec((_BN, D), lambda i: (i, 0)),
            pl.BlockSpec((D, HC), lambda i: (0, 0)),
            pl.BlockSpec((H1, C1), lambda i: (0, 0)),
            pl.BlockSpec((H1, C1), lambda i: (0, 0)),
        ],
        out_specs=[
            pl.BlockSpec((_BN, W), lambda i: (i, 0)),
            pl.BlockSpec((_BN, 16), lambda i: (i, 0)),
            pl.BlockSpec((1, 16), lambda i: (0, 0)),
        ],
        out_shape=[
            jax.ShapeDtypeStruct((N, W), jnp.float32),
            jax.ShapeDtypeStruct((N, 16), jnp.float32),
            jax.ShapeDtypeStruct((1, 16), jnp.float32),
        ],
        scratch_shapes=[pltpu.VMEM((1, 16), jnp.float32)],
    )(x, W1, att_src1, att_dst1)



def _sc_layer(comb, td, src3, dst3, m, zrow):
    mesh = plsc.VectorSubcoreMesh(core_axis_name="c", subcore_axis_name="s")

    @functools.partial(
        pl.kernel,
        out_type=jax.ShapeDtypeStruct((NC, NP, W), jnp.float32),
        mesh=mesh,
        compiler_params=_SC_PARAMS,
        scratch_types=[
            pltpu.VMEM((EPC, CH), jnp.int32),
            pltpu.VMEM((EPC, CH), jnp.int32),
            pltpu.VMEM((16,), jnp.float32),
            pltpu.VMEM((4, CH, W), jnp.float32),
            pltpu.VMEM((4, CH, 16), jnp.float32),
            pltpu.VMEM((2, CH, W), jnp.float32),
            pltpu.VMEM_SHARED((NP, W), jnp.float32),
            pltpu.SemaphoreType.DMA((4,)),
            pltpu.SemaphoreType.DMA((2,)),
        ],
    )
    def k(comb_hbm, td_hbm, src_hbm, dst_hbm, m_hbm, z_hbm, acc_out,
          src_v, dst_v, m_v, sb, db, msgb, spm, gsem, ssem):
        c = lax.axis_index("c")
        s = lax.axis_index("s")
        wid = s * NC + c
        pltpu.sync_copy(z_hbm, spm.at[pl.ds(s * STRIPE, STRIPE)])
        pltpu.sync_copy(src_hbm.at[wid], src_v)
        pltpu.sync_copy(dst_hbm.at[wid], dst_v)
        pltpu.sync_copy(m_hbm, m_v)
        plsc.subcore_barrier()

        def fire(j, b):
            pltpu.make_async_copy(
                comb_hbm.at[src_v.at[j]], sb.at[b], gsem.at[b]).start()
            pltpu.make_async_copy(
                td_hbm.at[dst_v.at[j]], db.at[b], gsem.at[b]).start()

        def wait_g(b):
            pltpu.make_async_copy(
                comb_hbm.at[src_v.at[0]], sb.at[b], gsem.at[b]).wait()
            pltpu.make_async_copy(
                td_hbm.at[src_v.at[0]], db.at[b], gsem.at[b]).wait()

        def work(j, b, sbuf):
            mv = m_v[...]
            sbb = sb.at[b]
            dbb = db.at[b]
            mbb = msgb.at[sbuf]

            @pl.loop(0, CH)
            def _(e):
                z = sbb[e, pl.ds(HC, 16)] + dbb[e, :]
                ex = jnp.exp(_lrelu(z) - mv)
                mbb[e, pl.ds(HC, 16)] = ex
                for g in range(4):
                    mbb[e, pl.ds(16 * g, 16)] = sbb[e, pl.ds(16 * g, 16)] * ex

            pltpu.async_copy(mbb, spm.at[dst_v.at[j]], ssem.at[sbuf],
                             add=True)

        def wait_s(sbuf):
            pltpu.make_async_copy(
                msgb.at[sbuf], spm.at[dst_v.at[0]], ssem.at[sbuf]).wait()

        fire(0, 0)
        fire(1, 1)
        fire(2, 2)

        @pl.loop(0, EPC - 1, step=4)
        def _(j):
            for u in range(4):
                q = j + u

                @pl.when(q + 3 < EPC)
                def _():
                    fire(q + 3, (u + 3) % 4)
                wait_g(u)

                @pl.when(q >= 2)
                def _():
                    wait_s(u % 2)
                work(q, u, u % 2)

        wait_g(0)
        wait_s(0)
        work(EPC - 1, 0, 0)
        wait_s(1)
        wait_s(0)
        plsc.subcore_barrier()
        pltpu.sync_copy(spm.at[pl.ds(s * STRIPE, STRIPE)],
                        acc_out.at[c, pl.ds(s * STRIPE, STRIPE)])

    return k(comb, td, src3, dst3, m, zrow)



def _ln(h, w, b):
    mu = jnp.mean(h, axis=-1, keepdims=True)
    var = jnp.mean((h - mu) ** 2, axis=-1, keepdims=True)
    return (h - mu) / jnp.sqrt(var + 1e-05) * w + b


def _post1_body(acc0_ref, acc1_ref, b1_ref, fc1w_ref, fc1b_ref, fc2w_ref,
                fc2b_ref, ln1w_ref, ln1b_ref, w2_ref, as2_ref, ad2_ref,
                h1_ref, comb2_ref, td2_ref, m2_ref, mx_ref):
    i = pl.program_id(0)
    ng = pl.num_programs(0)
    acc = acc0_ref[0] + acc1_ref[0]
    den = acc[:, HC:HC + H1]
    nperm = acc[:, 0:HC].reshape(_BN, C1, H1)
    g = jnp.transpose(nperm, (0, 2, 1)) / (den[:, :, None] + 1e-16)
    h = jax.nn.relu(g.reshape(_BN, HC) + b1_ref[...])
    hc = h
    h = jax.nn.relu(
        jnp.dot(h, fc1w_ref[...], preferred_element_type=jnp.float32)
        + fc1b_ref[...])
    h = jax.nn.relu(
        jnp.dot(h, fc2w_ref[...], preferred_element_type=jnp.float32)
        + fc2b_ref[...] + hc)
    h = _ln(h, ln1w_ref[...], ln1b_ref[...])
    h1_ref[...] = h
    xp2 = jnp.dot(h, w2_ref[...], preferred_element_type=jnp.float32)
    a_s2 = jnp.sum(xp2 * as2_ref[...], axis=1, keepdims=True)
    a_d2 = jnp.sum(xp2 * ad2_ref[...], axis=1, keepdims=True)
    comb2_ref[...] = jnp.concatenate(
        [xp2, jnp.broadcast_to(a_s2, (_BN, 16))], axis=1)
    td2_ref[...] = jnp.broadcast_to(a_d2, (_BN, 16))
    blkmax = jnp.concatenate(
        [jnp.max(a_s2, axis=0), jnp.max(a_d2, axis=0),
         jnp.zeros((14,), jnp.float32)])[None, :]

    @pl.when(i == 0)
    def _():
        mx_ref[...] = blkmax

    @pl.when(i > 0)
    def _():
        mx_ref[...] = jnp.maximum(mx_ref[...], blkmax)

    @pl.when(i == ng - 1)
    def _():
        mx = mx_ref[...]
        m = _lrelu(mx[:, 0:1] + mx[:, 1:2])
        m2_ref[...] = jnp.broadcast_to(m, (1, 16))


def _post1(acc, b1, fc1_w, fc1_b, fc2_w, fc2_b, ln1_w, ln1_b, W2,
           att_src2, att_dst2):
    return pl.pallas_call(
        _post1_body,
        grid=(N // _BN,),
        in_specs=[
            pl.BlockSpec((1, _BN, W), lambda i: (0, i, 0)),
            pl.BlockSpec((1, _BN, W), lambda i: (1, i, 0)),
            pl.BlockSpec((1, HC), lambda i: (0, 0)),
            pl.BlockSpec((HC, HC), lambda i: (0, 0)),
            pl.BlockSpec((1, HC), lambda i: (0, 0)),
            pl.BlockSpec((HC, HC), lambda i: (0, 0)),
            pl.BlockSpec((1, HC), lambda i: (0, 0)),
            pl.BlockSpec((1, HC), lambda i: (0, 0)),
            pl.BlockSpec((1, HC), lambda i: (0, 0)),
            pl.BlockSpec((HC, HC), lambda i: (0, 0)),
            pl.BlockSpec((1, HC), lambda i: (0, 0)),
            pl.BlockSpec((1, HC), lambda i: (0, 0)),
        ],
        out_specs=[
            pl.BlockSpec((_BN, HC), lambda i: (i, 0)),
            pl.BlockSpec((_BN, W), lambda i: (i, 0)),
            pl.BlockSpec((_BN, 16), lambda i: (i, 0)),
            pl.BlockSpec((1, 16), lambda i: (0, 0)),
        ],
        out_shape=[
            jax.ShapeDtypeStruct((N, HC), jnp.float32),
            jax.ShapeDtypeStruct((N, W), jnp.float32),
            jax.ShapeDtypeStruct((N, 16), jnp.float32),
            jax.ShapeDtypeStruct((1, 16), jnp.float32),
        ],
        scratch_shapes=[pltpu.VMEM((1, 16), jnp.float32)],
    )(acc, acc, b1, fc1_w, fc1_b, fc2_w, fc2_b, ln1_w, ln1_b, W2,
      att_src2, att_dst2)



def _post2_body(acc0_ref, acc1_ref, h1_ref, b2_ref, fc3w_ref, fc3b_ref,
                fc4w_ref, fc4b_ref, ln2w_ref, ln2b_ref, fcfw_ref, fcfb_ref,
                out_ref):
    acc = acc0_ref[0] + acc1_ref[0]
    den = acc[:, HC:HC + 1]
    h = acc[:, 0:HC] / (den + 1e-16) + b2_ref[...]
    h = jax.nn.relu(
        jnp.dot(h, fc3w_ref[...], preferred_element_type=jnp.float32)
        + fc3b_ref[...])
    h = (jnp.dot(h, fc4w_ref[...], preferred_element_type=jnp.float32)
         + fc4b_ref[...] + h1_ref[...])
    h = _ln(h, ln2w_ref[...], ln2b_ref[...])
    logits = (jnp.dot(h, fcfw_ref[...], preferred_element_type=jnp.float32)
              + fcfb_ref[...])
    m = jnp.max(logits, axis=1, keepdims=True)
    zs = logits - m
    out_ref[...] = zs - jnp.log(jnp.sum(jnp.exp(zs), axis=1, keepdims=True))


def _post2(acc, h1, b2, fc3_w, fc3_b, fc4_w, fc4_b, ln2_w, ln2_b,
           fcf_w, fcf_b):
    return pl.pallas_call(
        _post2_body,
        grid=(N // _BN,),
        in_specs=[
            pl.BlockSpec((1, _BN, W), lambda i: (0, i, 0)),
            pl.BlockSpec((1, _BN, W), lambda i: (1, i, 0)),
            pl.BlockSpec((_BN, HC), lambda i: (i, 0)),
            pl.BlockSpec((1, HC), lambda i: (0, 0)),
            pl.BlockSpec((HC, HC), lambda i: (0, 0)),
            pl.BlockSpec((1, HC), lambda i: (0, 0)),
            pl.BlockSpec((HC, HC), lambda i: (0, 0)),
            pl.BlockSpec((1, HC), lambda i: (0, 0)),
            pl.BlockSpec((1, HC), lambda i: (0, 0)),
            pl.BlockSpec((1, HC), lambda i: (0, 0)),
            pl.BlockSpec((HC, NCLS), lambda i: (0, 0)),
            pl.BlockSpec((1, NCLS), lambda i: (0, 0)),
        ],
        out_specs=[pl.BlockSpec((_BN, NCLS), lambda i: (i, 0))],
        out_shape=[jax.ShapeDtypeStruct((N, NCLS), jnp.float32)],
    )(acc, acc, h1, b2, fc3_w, fc3_b, fc4_w, fc4_b, ln2_w, ln2_b,
      fcf_w, fcf_b)



def kernel(x, edge_index, W1, att_src1, att_dst1, b1, ln1_w, ln1_b, fc1_w,
           fc1_b, fc2_w, fc2_b, W2, att_src2, att_dst2, b2, fc3_w, fc3_b,
           fc4_w, fc4_b, ln2_w, ln2_b, fcf_w, fcf_b):
    src3 = edge_index[0].reshape(NW, EPC, CH)
    dst3 = edge_index[1].reshape(NW, EPC, CH)
    zrow = jnp.zeros((STRIPE, W), jnp.float32)
    r1 = lambda v: v.reshape(1, -1)

    comb1, td1, m1 = _prep1(x, W1, att_src1, att_dst1)
    acc1 = _sc_layer(comb1, td1, src3, dst3, m1.reshape(16), zrow)
    h1, comb2, td2, m2 = _post1(
        acc1, r1(b1), fc1_w, r1(fc1_b), fc2_w, r1(fc2_b),
        r1(ln1_w), r1(ln1_b), W2, att_src2, att_dst2)
    acc2 = _sc_layer(comb2, td2, src3, dst3, m2.reshape(16), zrow)
    out = _post2(
        acc2, h1, r1(b2), fc3_w, r1(fc3_b), fc4_w,
        r1(fc4_b), r1(ln2_w), r1(ln2_b), fcf_w, r1(fcf_b))
    return out[0]

# --- scband reference (transcript-rebuilt; emitter-appended) ---
"""Pipeline reference for scband-gat-23364622090831 (READ-ONLY COPY).

The authoritative reference and input builder live on the scoring server;
editing this copy changes nothing except your own understanding.
"""

import jax, jax.numpy as jnp
import numpy as np

N = 10000
E = 320000
D = 128
H1 = 8
C1 = 8
HC = 64
NCLS = 40


def _gat_conv(x, edge_index, W, att_src, att_dst, bias, heads, out_ch):
    n = x.shape[0]
    src = edge_index[0]
    dst = edge_index[1]
    xp = (x @ W).reshape(n, heads, out_ch)
    a_s = jnp.sum(xp * att_src[None, :, :], axis=-1)
    a_d = jnp.sum(xp * att_dst[None, :, :], axis=-1)
    alpha = jax.nn.leaky_relu(a_s[src] + a_d[dst], 0.2)
    amax = jax.ops.segment_max(alpha, dst, num_segments=n)
    amax = jnp.where(jnp.isfinite(amax), amax, 0.0)
    ex = jnp.exp(alpha - amax[dst])
    denom = jax.ops.segment_sum(ex, dst, num_segments=n)
    coef = ex / (denom[dst] + 1e-16)
    out = jax.ops.segment_sum(xp[src] * coef[:, :, None], dst, num_segments=n)
    return out.reshape(n, heads * out_ch) + bias


def _layer_norm(x, w, b, eps=1e-05):
    mu = jnp.mean(x, axis=-1, keepdims=True)
    var = jnp.var(x, axis=-1, keepdims=True)
    return (x - mu) / jnp.sqrt(var + eps) * w + b


def setup_inputs(seed: int = 0):
    key = jax.random.key(seed)
    ks = jax.random.split(key, 30)
    s = 0.1
    inp = {}
    inp['x'] = jax.random.normal(ks[0], (N, D), dtype=jnp.float32)
    inp['edge_index'] = jax.random.randint(ks[1], (2, E), 0, N, dtype=jnp.int32)
    inp['W1'] = jax.random.normal(ks[2], (D, H1 * C1), dtype=jnp.float32) * s
    inp['att_src1'] = jax.random.normal(ks[3], (H1, C1), dtype=jnp.float32) * s
    inp['att_dst1'] = jax.random.normal(ks[4], (H1, C1), dtype=jnp.float32) * s
    inp['b1'] = jnp.zeros((HC,), dtype=jnp.float32)
    inp['ln1_w'] = jnp.ones((HC,), dtype=jnp.float32)
    inp['ln1_b'] = jnp.zeros((HC,), dtype=jnp.float32)
    inp['fc1_w'] = jax.random.normal(ks[5], (HC, HC), dtype=jnp.float32) * s
    inp['fc1_b'] = jnp.zeros((HC,), dtype=jnp.float32)
    inp['fc2_w'] = jax.random.normal(ks[6], (HC, HC), dtype=jnp.float32) * s
    inp['fc2_b'] = jnp.zeros((HC,), dtype=jnp.float32)
    inp['W2'] = jax.random.normal(ks[7], (HC, HC), dtype=jnp.float32) * s
    inp['att_src2'] = jax.random.normal(ks[8], (1, HC), dtype=jnp.float32) * s
    inp['att_dst2'] = jax.random.normal(ks[9], (1, HC), dtype=jnp.float32) * s
    inp['b2'] = jnp.zeros((HC,), dtype=jnp.float32)
    inp['fc3_w'] = jax.random.normal(ks[10], (HC, HC), dtype=jnp.float32) * s
    inp['fc3_b'] = jnp.zeros((HC,), dtype=jnp.float32)
    inp['fc4_w'] = jax.random.normal(ks[11], (HC, HC), dtype=jnp.float32) * s
    inp['fc4_b'] = jnp.zeros((HC,), dtype=jnp.float32)
    inp['ln2_w'] = jnp.ones((HC,), dtype=jnp.float32)
    inp['ln2_b'] = jnp.zeros((HC,), dtype=jnp.float32)
    inp['fcf_w'] = jax.random.normal(ks[12], (HC, NCLS), dtype=jnp.float32) * s
    inp['fcf_b'] = jnp.zeros((NCLS,), dtype=jnp.float32)
    return inp


def reference(x, edge_index, W1, att_src1, att_dst1, b1, ln1_w, ln1_b, fc1_w, fc1_b, fc2_w, fc2_b, W2, att_src2, att_dst2, b2, fc3_w, fc3_b, fc4_w, fc4_b, ln2_w, ln2_b, fcf_w, fcf_b):
    h = jax.nn.relu(_gat_conv(x, edge_index, W1, att_src1, att_dst1, b1, H1, C1))
    hc = h
    h = jax.nn.relu(h @ fc1_w + fc1_b)
    h = jax.nn.relu(h @ fc2_w + fc2_b + hc)
    h = _layer_norm(h, ln1_w, ln1_b)
    hc = h
    h = _gat_conv(h, edge_index, W2, att_src2, att_dst2, b2, 1, HC)
    h = jax.nn.relu(h @ fc3_w + fc3_b)
    h = h @ fc4_w + fc4_b + hc
    h = _layer_norm(h, ln2_w, ln2_b)
    h = h @ fcf_w + fcf_b
    return jax.nn.log_softmax(h, axis=1)

if __name__ == "__main__":
    import jax
    _d = setup_inputs()
    print(jax.jit(kernel)(*tuple(_d.values())))

</pallas_src>

<mosaic_0001>
#map = affine_map<(d0, d1) -> (0, 0)>
#map1 = affine_map<(d0, d1) -> (0, 0, 0)>
#map2 = affine_map<(d0, d1) -> (0)>
module attributes {stable_mosaic.version = 14 : i64} {
  func.func @k(%arg0: i32, %arg1: i32, %arg2: memref<10000x80xf32, #tpu.memory_space<hbm>>, %arg3: memref<10000x16xf32, #tpu.memory_space<hbm>>, %arg4: memref<32x125x80xi32, #tpu.memory_space<hbm>>, %arg5: memref<32x125x80xi32, #tpu.memory_space<hbm>>, %arg6: memref<16xf32, #tpu.memory_space<hbm>>, %arg7: memref<750x80xf32, #tpu.memory_space<hbm>>, %arg8: memref<2x12000x80xf32, #tpu.memory_space<hbm>>, %arg9: memref<125x80xi32, #tpu.memory_space<vmem>>, %arg10: memref<125x80xi32, #tpu.memory_space<vmem>>, %arg11: memref<16xf32, #tpu.memory_space<vmem>>, %arg12: memref<4x80x80xf32, #tpu.memory_space<vmem>>, %arg13: memref<4x80x16xf32, #tpu.memory_space<vmem>>, %arg14: memref<2x80x80xf32, #tpu.memory_space<vmem>>, %arg15: memref<12000x80xf32, #tpu.memory_space<vmem_shared>>, %arg16: memref<4x!tpu.dma_semaphore, #tpu.memory_space<semaphore_mem>>, %arg17: memref<2x!tpu.dma_semaphore, #tpu.memory_space<semaphore_mem>>) attributes {dimension_semantics = [#tpu.dimension_semantics<core_parallel>, #tpu.dimension_semantics<subcore_parallel>], iteration_bounds = array<i64: 2, 16>, scalar_prefetch = 0 : i64, scratch_operands = 9 : i64, tpu.core_type = #tpu.core_type<sc_vector_subcore>, window_params = [{transform_indices = #map}, {transform_indices = #map}, {transform_indices = #map1}, {transform_indices = #map1}, {transform_indices = #map2}, {transform_indices = #map}, {transform_indices = #map1}]} {
    %mul3A = arith.constant 2 : i32
    %mul3A_0 = arith.muli %arg1, %mul3A : i32
    %add3A = arith.addi %mul3A_0, %arg0 : i32
    %mul3A_1 = arith.constant 750 : i32
    %mul3A_2 = arith.muli %arg1, %mul3A_1 : i32
    "tpu.region"() ({
      %run_scoped3A = tpu.sem_alloc : memref<!tpu.dma_semaphore, #tpu.memory_space<semaphore_mem>>
      %dma_start3A_200 = arith.constant 0 : i32
      %dma_start3A_201 = tpu.memref_slice %arg15[%mul3A_2, %dma_start3A_200] : memref<12000x80xf32, #tpu.memory_space<vmem_shared>> -> memref<750x80xf32, #tpu.memory_space<vmem_shared>>
      tpu.enqueue_dma source(%arg7 : memref<750x80xf32, #tpu.memory_space<hbm>>) target(%dma_start3A_201 : memref<750x80xf32, #tpu.memory_space<vmem_shared>>) target_semaphore(%run_scoped3A : memref<!tpu.dma_semaphore, #tpu.memory_space<semaphore_mem>>)
      %dma_wait3A_202 = arith.constant 0 : i32
      %dma_wait3A_203 = tpu.memref_slice %arg15[%mul3A_2, %dma_wait3A_202] : memref<12000x80xf32, #tpu.memory_space<vmem_shared>> -> memref<750x80xf32, #tpu.memory_space<vmem_shared>>
      tpu.wait_dma2 semaphore(%run_scoped3A : memref<!tpu.dma_semaphore, #tpu.memory_space<semaphore_mem>>) src(%arg7 : memref<750x80xf32, #tpu.memory_space<hbm>>) dst(%dma_wait3A_203 : memref<750x80xf32, #tpu.memory_space<vmem_shared>>)
      tpu.yield
    }) : () -> ()
    "tpu.region"() ({
      %run_scoped3A = tpu.sem_alloc : memref<!tpu.dma_semaphore, #tpu.memory_space<semaphore_mem>>
      %dma_start3A_200 = arith.constant 0 : i32
      %dma_start3A_201 = arith.constant 0 : i32
      %dma_start3A_202 = tpu.memref_slice %arg4[%add3A, %dma_start3A_200, %dma_start3A_201] : memref<32x125x80xi32, #tpu.memory_space<hbm>> -> memref<1x125x80xi32, #tpu.memory_space<hbm>>
      %dma_start3A_203 = tpu.memref_squeeze %dma_start3A_202 : memref<1x125x80xi32, #tpu.memory_space<hbm>> -> memref<125x80xi32, #tpu.memory_space<hbm>>
      %dma_start3A_204 = arith.constant 0 : i32
      %dma_start3A_205 = arith.constant 0 : i32
      %dma_start3A_206 = tpu.memref_slice %arg4[%add3A, %dma_start3A_204, %dma_start3A_205] : memref<32x125x80xi32, #tpu.memory_space<hbm>> -> memref<1x125x80xi32, #tpu.memory_space<hbm>>
      %dma_start3A_207 = tpu.memref_squeeze %dma_start3A_206 : memref<1x125x80xi32, #tpu.memory_space<hbm>> -> memref<125x80xi32, #tpu.memory_space<hbm>>
      tpu.enqueue_dma source(%dma_start3A_207 : memref<125x80xi32, #tpu.memory_space<hbm>>) target(%arg9 : memref<125x80xi32, #tpu.memory_space<vmem>>) target_semaphore(%run_scoped3A : memref<!tpu.dma_semaphore, #tpu.memory_space<semaphore_mem>>)
      %dma_wait3A_208 = arith.constant 0 : i32
      %dma_wait3A_209 = arith.constant 0 : i32
      %dma_wait3A_210 = tpu.memref_slice %arg4[%add3A, %dma_wait3A_208, %dma_wait3A_209] : memref<32x125x80xi32, #tpu.memory_space<hbm>> -> memref<1x125x80xi32, #tpu.memory_space<hbm>>
      %dma_wait3A_211 = tpu.memref_squeeze %dma_wait3A_210 : memref<1x125x80xi32, #tpu.memory_space<hbm>> -> memref<125x80xi32, #tpu.memory_space<hbm>>
      %dma_wait3A_212 = arith.constant 0 : i32
      %dma_wait3A_213 = arith.constant 0 : i32
      %dma_wait3A_214 = tpu.memref_slice %arg4[%add3A, %dma_wait3A_212, %dma_wait3A_213] : memref<32x125x80xi32, #tpu.memory_space<hbm>> -> memref<1x125x80xi32, #tpu.memory_space<hbm>>
      %dma_wait3A_215 = tpu.memref_squeeze %dma_wait3A_214 : memref<1x125x80xi32, #tpu.memory_space<hbm>> -> memref<125x80xi32, #tpu.memory_space<hbm>>
      tpu.wait_dma2 semaphore(%run_scoped3A : memref<!tpu.dma_semaphore, #tpu.memory_space<semaphore_mem>>) src(%dma_wait3A_215 : memref<125x80xi32, #tpu.memory_space<hbm>>) dst(%arg9 : memref<125x80xi32, #tpu.memory_space<vmem>>)
      tpu.yield
    }) : () -> ()
    "tpu.region"() ({
      %run_scoped3A = tpu.sem_alloc : memref<!tpu.dma_semaphore, #tpu.memory_space<semaphore_mem>>
      %dma_start3A_200 = arith.constant 0 : i32
      %dma_start3A_201 = arith.constant 0 : i32
      %dma_start3A_202 = tpu.memref_slice %arg5[%add3A, %dma_start3A_200, %dma_start3A_201] : memref<32x125x80xi32, #tpu.memory_space<hbm>> -> memref<1x125x80xi32, #tpu.memory_space<hbm>>
      %dma_start3A_203 = tpu.memref_squeeze %dma_start3A_202 : memref<1x125x80xi32, #tpu.memory_space<hbm>> -> memref<125x80xi32, #tpu.memory_space<hbm>>
      %dma_start3A_204 = arith.constant 0 : i32
      %dma_start3A_205 = arith.constant 0 : i32
      %dma_start3A_206 = tpu.memref_slice %arg5[%add3A, %dma_start3A_204, %dma_start3A_205] : memref<32x125x80xi32, #tpu.memory_space<hbm>> -> memref<1x125x80xi32, #tpu.memory_space<hbm>>
      %dma_start3A_207 = tpu.memref_squeeze %dma_start3A_206 : memref<1x125x80xi32, #tpu.memory_space<hbm>> -> memref<125x80xi32, #tpu.memory_space<hbm>>
      tpu.enqueue_dma source(%dma_start3A_207 : memref<125x80xi32, #tpu.memory_space<hbm>>) target(%arg10 : memref<125x80xi32, #tpu.memory_space<vmem>>) target_semaphore(%run_scoped3A : memref<!tpu.dma_semaphore, #tpu.memory_space<semaphore_mem>>)
      %dma_wait3A_208 = arith.constant 0 : i32
      %dma_wait3A_209 = arith.constant 0 : i32
      %dma_wait3A_210 = tpu.memref_slice %arg5[%add3A, %dma_wait3A_208, %dma_wait3A_209] : memref<32x125x80xi32, #tpu.memory_space<hbm>> -> memref<1x125x80xi32, #tpu.memory_space<hbm>>
      %dma_wait3A_211 = tpu.memref_squeeze %dma_wait3A_210 : memref<1x125x80xi32, #tpu.memory_space<hbm>> -> memref<125x80xi32, #tpu.memory_space<hbm>>
      %dma_wait3A_212 = arith.constant 0 : i32
      %dma_wait3A_213 = arith.constant 0 : i32
      %dma_wait3A_214 = tpu.memref_slice %arg5[%add3A, %dma_wait3A_212, %dma_wait3A_213] : memref<32x125x80xi32, #tpu.memory_space<hbm>> -> memref<1x125x80xi32, #tpu.memory_space<hbm>>
      %dma_wait3A_215 = tpu.memref_squeeze %dma_wait3A_214 : memref<1x125x80xi32, #tpu.memory_space<hbm>> -> memref<125x80xi32, #tpu.memory_space<hbm>>
      tpu.wait_dma2 semaphore(%run_scoped3A : memref<!tpu.dma_semaphore, #tpu.memory_space<semaphore_mem>>) src(%dma_wait3A_215 : memref<125x80xi32, #tpu.memory_space<hbm>>) dst(%arg10 : memref<125x80xi32, #tpu.memory_space<vmem>>)
      tpu.yield
    }) : () -> ()
    "tpu.region"() ({
      %run_scoped3A = tpu.sem_alloc : memref<!tpu.dma_semaphore, #tpu.memory_space<semaphore_mem>>
      tpu.enqueue_dma source(%arg6 : memref<16xf32, #tpu.memory_space<hbm>>) target(%arg11 : memref<16xf32, #tpu.memory_space<vmem>>) target_semaphore(%run_scoped3A : memref<!tpu.dma_semaphore, #tpu.memory_space<semaphore_mem>>)
      tpu.wait_dma2 semaphore(%run_scoped3A : memref<!tpu.dma_semaphore, #tpu.memory_space<semaphore_mem>>) src(%arg6 : memref<16xf32, #tpu.memory_space<hbm>>) dst(%arg11 : memref<16xf32, #tpu.memory_space<vmem>>)
      tpu.yield
    }) : () -> ()
    %barrier3A = arith.constant 0 : index
    tpu.barrier barrier_id(%barrier3A)
    %dma_start3A = arith.constant 0 : i32
    %dma_start3A_3 = arith.constant 0 : i32
    %dma_start3A_4 = arith.constant 0 : i32
    %dma_start3A_5 = arith.constant 0 : i32
    %dma_start3A_6 = arith.constant 0 : i32
    %dma_start3A_7 = tpu.memref_slice %arg12[%dma_start3A_3, %dma_start3A_5, %dma_start3A_6] : memref<4x80x80xf32, #tpu.memory_space<vmem>> -> memref<1x80x80xf32, #tpu.memory_space<vmem>>
    %dma_start3A_8 = tpu.memref_squeeze %dma_start3A_7 : memref<1x80x80xf32, #tpu.memory_space<vmem>> -> memref<80x80xf32, #tpu.memory_space<vmem>>
    %dma_start3A_9 = arith.constant 0 : i32
    %dma_start3A_10 = tpu.memref_slice %arg9[%dma_start3A, %dma_start3A_9] : memref<125x80xi32, #tpu.memory_space<vmem>> -> memref<1x80xi32, #tpu.memory_space<vmem>>
    %dma_start3A_11 = tpu.memref_squeeze %dma_start3A_10 : memref<1x80xi32, #tpu.memory_space<vmem>> -> memref<80xi32, #tpu.memory_space<vmem>>
    %dma_start3A_12 = arith.constant 0 : i32
    %dma_start3A_13 = arith.constant 0 : i32
    %dma_start3A_14 = tpu.memref_slice %arg2[%dma_start3A_12, %dma_start3A_13] : memref<10000x80xf32, #tpu.memory_space<hbm>> -> memref<10000x80xf32, #tpu.memory_space<hbm>>
    %dma_start3A_15 = tpu.memref_slice %arg16[%dma_start3A_4] : memref<4x!tpu.dma_semaphore, #tpu.memory_space<semaphore_mem>> -> memref<1x!tpu.dma_semaphore, #tpu.memory_space<semaphore_mem>>
    %dma_start3A_16 = tpu.memref_squeeze %dma_start3A_15 : memref<1x!tpu.dma_semaphore, #tpu.memory_space<semaphore_mem>> -> memref<!tpu.dma_semaphore, #tpu.memory_space<semaphore_mem>>
    tpu.enqueue_indirect_dma source(%dma_start3A_14 : memref<10000x80xf32, #tpu.memory_space<hbm>>) target(%dma_start3A_8 : memref<80x80xf32, #tpu.memory_space<vmem>>) offsets(%dma_start3A_11 : memref<80xi32, #tpu.memory_space<vmem>>) semaphore(%dma_start3A_16 : memref<!tpu.dma_semaphore, #tpu.memory_space<semaphore_mem>>)
    %dma_start3A_17 = arith.constant 0 : i32
    %dma_start3A_18 = arith.constant 0 : i32
    %dma_start3A_19 = arith.constant 0 : i32
    %dma_start3A_20 = arith.constant 0 : i32
    %dma_start3A_21 = arith.constant 0 : i32
    %dma_start3A_22 = tpu.memref_slice %arg13[%dma_start3A_18, %dma_start3A_20, %dma_start3A_21] : memref<4x80x16xf32, #tpu.memory_space<vmem>> -> memref<1x80x16xf32, #tpu.memory_space<vmem>>
    %dma_start3A_23 = tpu.memref_squeeze %dma_start3A_22 : memref<1x80x16xf32, #tpu.memory_space<vmem>> -> memref<80x16xf32, #tpu.memory_space<vmem>>
    %dma_start3A_24 = arith.constant 0 : i32
    %dma_start3A_25 = tpu.memref_slice %arg10[%dma_start3A_17, %dma_start3A_24] : memref<125x80xi32, #tpu.memory_space<vmem>> -> memref<1x80xi32, #tpu.memory_space<vmem>>
    %dma_start3A_26 = tpu.memref_squeeze %dma_start3A_25 : memref<1x80xi32, #tpu.memory_space<vmem>> -> memref<80xi32, #tpu.memory_space<vmem>>
    %dma_start3A_27 = arith.constant 0 : i32
    %dma_start3A_28 = arith.constant 0 : i32
    %dma_start3A_29 = tpu.memref_slice %arg3[%dma_start3A_27, %dma_start3A_28] : memref<10000x16xf32, #tpu.memory_space<hbm>> -> memref<10000x16xf32, #tpu.memory_space<hbm>>
    %dma_start3A_30 = tpu.memref_slice %arg16[%dma_start3A_19] : memref<4x!tpu.dma_semaphore, #tpu.memory_space<semaphore_mem>> -> memref<1x!tpu.dma_semaphore, #tpu.memory_space<semaphore_mem>>
    %dma_start3A_31 = tpu.memref_squeeze %dma_start3A_30 : memref<1x!tpu.dma_semaphore, #tpu.memory_space<semaphore_mem>> -> memref<!tpu.dma_semaphore, #tpu.memory_space<semaphore_mem>>
    tpu.enqueue_indirect_dma source(%dma_start3A_29 : memref<10000x16xf32, #tpu.memory_space<hbm>>) target(%dma_start3A_23 : memref<80x16xf32, #tpu.memory_space<vmem>>) offsets(%dma_start3A_26 : memref<80xi32, #tpu.memory_space<vmem>>) semaphore(%dma_start3A_31 : memref<!tpu.dma_semaphore, #tpu.memory_space<semaphore_mem>>)
    %dma_start3A_32 = arith.constant 1 : i32
    %dma_start3A_33 = arith.constant 1 : i32
    %dma_start3A_34 = arith.constant 1 : i32
    %dma_start3A_35 = arith.constant 0 : i32
    %dma_start3A_36 = arith.constant 0 : i32
    %dma_start3A_37 = tpu.memref_slice %arg12[%dma_start3A_33, %dma_start3A_35, %dma_start3A_36] : memref<4x80x80xf32, #tpu.memory_space<vmem>> -> memref<1x80x80xf32, #tpu.memory_space<vmem>>
    %dma_start3A_38 = tpu.memref_squeeze %dma_start3A_37 : memref<1x80x80xf32, #tpu.memory_space<vmem>> -> memref<80x80xf32, #tpu.memory_space<vmem>>
    %dma_start3A_39 = arith.constant 0 : i32
    %dma_start3A_40 = tpu.memref_slice %arg9[%dma_start3A_32, %dma_start3A_39] : memref<125x80xi32, #tpu.memory_space<vmem>> -> memref<1x80xi32, #tpu.memory_space<vmem>>
    %dma_start3A_41 = tpu.memref_squeeze %dma_start3A_40 : memref<1x80xi32, #tpu.memory_space<vmem>> -> memref<80xi32, #tpu.memory_space<vmem>>
    %dma_start3A_42 = arith.constant 0 : i32
    %dma_start3A_43 = arith.constant 0 : i32
    %dma_start3A_44 = tpu.memref_slice %arg2[%dma_start3A_42, %dma_start3A_43] : memref<10000x80xf32, #tpu.memory_space<hbm>> -> memref<10000x80xf32, #tpu.memory_space<hbm>>
    %dma_start3A_45 = tpu.memref_slice %arg16[%dma_start3A_34] : memref<4x!tpu.dma_semaphore, #tpu.memory_space<semaphore_mem>> -> memref<1x!tpu.dma_semaphore, #tpu.memory_space<semaphore_mem>>
    %dma_start3A_46 = tpu.memref_squeeze %dma_start3A_45 : memref<1x!tpu.dma_semaphore, #tpu.memory_space<semaphore_mem>> -> memref<!tpu.dma_semaphore, #tpu.memory_space<semaphore_mem>>
    tpu.enqueue_indirect_dma source(%dma_start3A_44 : memref<10000x80xf32, #tpu.memory_space<hbm>>) target(%dma_start3A_38 : memref<80x80xf32, #tpu.memory_space<vmem>>) offsets(%dma_start3A_41 : memref<80xi32, #tpu.memory_space<vmem>>) semaphore(%dma_start3A_46 : memref<!tpu.dma_semaphore, #tpu.memory_space<semaphore_mem>>)
    %dma_start3A_47 = arith.constant 1 : i32
    %dma_start3A_48 = arith.constant 1 : i32
    %dma_start3A_49 = arith.constant 1 : i32
    %dma_start3A_50 = arith.constant 0 : i32
    %dma_start3A_51 = arith.constant 0 : i32
    %dma_start3A_52 = tpu.memref_slice %arg13[%dma_start3A_48, %dma_start3A_50, %dma_start3A_51] : memref<4x80x16xf32, #tpu.memory_space<vmem>> -> memref<1x80x16xf32, #tpu.memory_space<vmem>>
    %dma_start3A_53 = tpu.memref_squeeze %dma_start3A_52 : memref<1x80x16xf32, #tpu.memory_space<vmem>> -> memref<80x16xf32, #tpu.memory_space<vmem>>
    %dma_start3A_54 = arith.constant 0 : i32
    %dma_start3A_55 = tpu.memref_slice %arg10[%dma_start3A_47, %dma_start3A_54] : memref<125x80xi32, #tpu.memory_space<vmem>> -> memref<1x80xi32, #tpu.memory_space<vmem>>
    %dma_start3A_56 = tpu.memref_squeeze %dma_start3A_55 : memref<1x80xi32, #tpu.memory_space<vmem>> -> memref<80xi32, #tpu.memory_space<vmem>>
    %dma_start3A_57 = arith.constant 0 : i32
    %dma_start3A_58 = arith.constant 0 : i32
    %dma_start3A_59 = tpu.memref_slice %arg3[%dma_start3A_57, %dma_start3A_58] : memref<10000x16xf32, #tpu.memory_space<hbm>> -> memref<10000x16xf32, #tpu.memory_space<hbm>>
    %dma_start3A_60 = tpu.memref_slice %arg16[%dma_start3A_49] : memref<4x!tpu.dma_semaphore, #tpu.memory_space<semaphore_mem>> -> memref<1x!tpu.dma_semaphore, #tpu.memory_space<semaphore_mem>>
    %dma_start3A_61 = tpu.memref_squeeze %dma_start3A_60 : memref<1x!tpu.dma_semaphore, #tpu.memory_space<semaphore_mem>> -> memref<!tpu.dma_semaphore, #tpu.memory_space<semaphore_mem>>
    tpu.enqueue_indirect_dma source(%dma_start3A_59 : memref<10000x16xf32, #tpu.memory_space<hbm>>) target(%dma_start3A_53 : memref<80x16xf32, #tpu.memory_space<vmem>>) offsets(%dma_start3A_56 : memref<80xi32, #tpu.memory_space<vmem>>) semaphore(%dma_start3A_61 : memref<!tpu.dma_semaphore, #tpu.memory_space<semaphore_mem>>)
    %dma_start3A_62 = arith.constant 2 : i32
    %dma_start3A_63 = arith.constant 2 : i32
    %dma_start3A_64 = arith.constant 2 : i32
    %dma_start3A_65 = arith.constant 0 : i32
    %dma_start3A_66 = arith.constant 0 : i32
    %dma_start3A_67 = tpu.memref_slice %arg12[%dma_start3A_63, %dma_start3A_65, %dma_start3A_66] : memref<4x80x80xf32, #tpu.memory_space<vmem>> -> memref<1x80x80xf32, #tpu.memory_space<vmem>>
    %dma_start3A_68 = tpu.memref_squeeze %dma_start3A_67 : memref<1x80x80xf32, #tpu.memory_space<vmem>> -> memref<80x80xf32, #tpu.memory_space<vmem>>
    %dma_start3A_69 = arith.constant 0 : i32
    %dma_start3A_70 = tpu.memref_slice %arg9[%dma_start3A_62, %dma_start3A_69] : memref<125x80xi32, #tpu.memory_space<vmem>> -> memref<1x80xi32, #tpu.memory_space<vmem>>
    %dma_start3A_71 = tpu.memref_squeeze %dma_start3A_70 : memref<1x80xi32, #tpu.memory_space<vmem>> -> memref<80xi32, #tpu.memory_space<vmem>>
    %dma_start3A_72 = arith.constant 0 : i32
    %dma_start3A_73 = arith.constant 0 : i32
    %dma_start3A_74 = tpu.memref_slice %arg2[%dma_start3A_72, %dma_start3A_73] : memref<10000x80xf32, #tpu.memory_space<hbm>> -> memref<10000x80xf32, #tpu.memory_space<hbm>>
    %dma_start3A_75 = tpu.memref_slice %arg16[%dma_start3A_64] : memref<4x!tpu.dma_semaphore, #tpu.memory_space<semaphore_mem>> -> memref<1x!tpu.dma_semaphore, #tpu.memory_space<semaphore_mem>>
    %dma_start3A_76 = tpu.memref_squeeze %dma_start3A_75 : memref<1x!tpu.dma_semaphore, #tpu.memory_space<semaphore_mem>> -> memref<!tpu.dma_semaphore, #tpu.memory_space<semaphore_mem>>
    tpu.enqueue_indirect_dma source(%dma_start3A_74 : memref<10000x80xf32, #tpu.memory_space<hbm>>) target(%dma_start3A_68 : memref<80x80xf32, #tpu.memory_space<vmem>>) offsets(%dma_start3A_71 : memref<80xi32, #tpu.memory_space<vmem>>) semaphore(%dma_start3A_76 : memref<!tpu.dma_semaphore, #tpu.memory_space<semaphore_mem>>)
    %dma_start3A_77 = arith.constant 2 : i32
    %dma_start3A_78 = arith.constant 2 : i32
    %dma_start3A_79 = arith.constant 2 : i32
    %dma_start3A_80 = arith.constant 0 : i32
    %dma_start3A_81 = arith.constant 0 : i32
    %dma_start3A_82 = tpu.memref_slice %arg13[%dma_start3A_78, %dma_start3A_80, %dma_start3A_81] : memref<4x80x16xf32, #tpu.memory_space<vmem>> -> memref<1x80x16xf32, #tpu.memory_space<vmem>>
    %dma_start3A_83 = tpu.memref_squeeze %dma_start3A_82 : memref<1x80x16xf32, #tpu.memory_space<vmem>> -> memref<80x16xf32, #tpu.memory_space<vmem>>
    %dma_start3A_84 = arith.constant 0 : i32
    %dma_start3A_85 = tpu.memref_slice %arg10[%dma_start3A_77, %dma_start3A_84] : memref<125x80xi32, #tpu.memory_space<vmem>> -> memref<1x80xi32, #tpu.memory_space<vmem>>
    %dma_start3A_86 = tpu.memref_squeeze %dma_start3A_85 : memref<1x80xi32, #tpu.memory_space<vmem>> -> memref<80xi32, #tpu.memory_space<vmem>>
    %dma_start3A_87 = arith.constant 0 : i32
    %dma_start3A_88 = arith.constant 0 : i32
    %dma_start3A_89 = tpu.memref_slice %arg3[%dma_start3A_87, %dma_start3A_88] : memref<10000x16xf32, #tpu.memory_space<hbm>> -> memref<10000x16xf32, #tpu.memory_space<hbm>>
    %dma_start3A_90 = tpu.memref_slice %arg16[%dma_start3A_79] : memref<4x!tpu.dma_semaphore, #tpu.memory_space<semaphore_mem>> -> memref<1x!tpu.dma_semaphore, #tpu.memory_space<semaphore_mem>>
    %dma_start3A_91 = tpu.memref_squeeze %dma_start3A_90 : memref<1x!tpu.dma_semaphore, #tpu.memory_space<semaphore_mem>> -> memref<!tpu.dma_semaphore, #tpu.memory_space<semaphore_mem>>
    tpu.enqueue_indirect_dma source(%dma_start3A_89 : memref<10000x16xf32, #tpu.memory_space<hbm>>) target(%dma_start3A_83 : memref<80x16xf32, #tpu.memory_space<vmem>>) offsets(%dma_start3A_86 : memref<80xi32, #tpu.memory_space<vmem>>) semaphore(%dma_start3A_91 : memref<!tpu.dma_semaphore, #tpu.memory_space<semaphore_mem>>)
    %scan3A = arith.constant 0 : i32
    %scan3A_92 = arith.constant 31 : i32
    %scan3A_93 = arith.addi %scan3A, %scan3A_92 : i32
    %scan3A_94 = arith.constant 1 : i32
    scf.for %scan3A_200 = %scan3A to %scan3A_93 step %scan3A_94  : i32 {
      %mul3A_201 = arith.constant 4 : i32
      %mul3A_202 = arith.muli %scan3A_200, %mul3A_201 : i32
      %add3A_203 = arith.constant 0 : i32
      %add3A_204 = arith.addi %add3A_203, %mul3A_202 : i32
      %add3A_205 = arith.constant 0 : i32
      %add3A_206 = arith.addi %add3A_204, %add3A_205 : i32
      %add3A_207 = arith.constant 3 : i32
      %add3A_208 = arith.addi %add3A_206, %add3A_207 : i32
      %lt3A = arith.constant 125 : i32
      %lt3A_209 = arith.cmpi slt, %add3A_208, %lt3A : i32
      %convert_element_type3A = arith.extui %lt3A_209 : i1 to i32
      %cond3A = arith.constant 0 : i32
      %cond3A_210 = arith.cmpi ne, %convert_element_type3A, %cond3A : i32
      scf.if %cond3A_210 {
        %add3A_477 = arith.constant 3 : i32
        %add3A_478 = arith.addi %add3A_206, %add3A_477 : i32
        %dma_start3A_479 = arith.constant 3 : i32
        %dma_start3A_480 = arith.constant 3 : i32
        %dma_start3A_481 = arith.constant 0 : i32
        %dma_start3A_482 = arith.constant 0 : i32
        %dma_start3A_483 = tpu.memref_slice %arg12[%dma_start3A_479, %dma_start3A_481, %dma_start3A_482] : memref<4x80x80xf32, #tpu.memory_space<vmem>> -> memref<1x80x80xf32, #tpu.memory_space<vmem>>
        %dma_start3A_484 = tpu.memref_squeeze %dma_start3A_483 : memref<1x80x80xf32, #tpu.memory_space<vmem>> -> memref<80x80xf32, #tpu.memory_space<vmem>>
        %dma_start3A_485 = arith.constant 0 : i32
        %dma_start3A_486 = tpu.memref_slice %arg9[%add3A_478, %dma_start3A_485] : memref<125x80xi32, #tpu.memory_space<vmem>> -> memref<1x80xi32, #tpu.memory_space<vmem>>
        %dma_start3A_487 = tpu.memref_squeeze %dma_start3A_486 : memref<1x80xi32, #tpu.memory_space<vmem>> -> memref<80xi32, #tpu.memory_space<vmem>>
        %dma_start3A_488 = arith.constant 0 : i32
        %dma_start3A_489 = arith.constant 0 : i32
        %dma_start3A_490 = tpu.memref_slice %arg2[%dma_start3A_488, %dma_start3A_489] : memref<10000x80xf32, #tpu.memory_space<hbm>> -> memref<10000x80xf32, #tpu.memory_space<hbm>>
        %dma_start3A_491 = tpu.memref_slice %arg16[%dma_start3A_480] : memref<4x!tpu.dma_semaphore, #tpu.memory_space<semaphore_mem>> -> memref<1x!tpu.dma_semaphore, #tpu.memory_space<semaphore_mem>>
        %dma_start3A_492 = tpu.memref_squeeze %dma_start3A_491 : memref<1x!tpu.dma_semaphore, #tpu.memory_space<semaphore_mem>> -> memref<!tpu.dma_semaphore, #tpu.memory_space<semaphore_mem>>
        tpu.enqueue_indirect_dma source(%dma_start3A_490 : memref<10000x80xf32, #tpu.memory_space<hbm>>) target(%dma_start3A_484 : memref<80x80xf32, #tpu.memory_space<vmem>>) offsets(%dma_start3A_487 : memref<80xi32, #tpu.memory_space<vmem>>) semaphore(%dma_start3A_492 : memref<!tpu.dma_semaphore, #tpu.memory_space<semaphore_mem>>)
        %dma_start3A_493 = arith.constant 3 : i32
        %dma_start3A_494 = arith.constant 3 : i32
        %dma_start3A_495 = arith.constant 0 : i32
        %dma_start3A_496 = arith.constant 0 : i32
        %dma_start3A_497 = tpu.memref_slice %arg13[%dma_start3A_493, %dma_start3A_495, %dma_start3A_496] : memref<4x80x16xf32, #tpu.memory_space<vmem>> -> memref<1x80x16xf32, #tpu.memory_space<vmem>>
        %dma_start3A_498 = tpu.memref_squeeze %dma_start3A_497 : memref<1x80x16xf32, #tpu.memory_space<vmem>> -> memref<80x16xf32, #tpu.memory_space<vmem>>
        %dma_start3A_499 = arith.constant 0 : i32
        %dma_start3A_500 = tpu.memref_slice %arg10[%add3A_478, %dma_start3A_499] : memref<125x80xi32, #tpu.memory_space<vmem>> -> memref<1x80xi32, #tpu.memory_space<vmem>>
        %dma_start3A_501 = tpu.memref_squeeze %dma_start3A_500 : memref<1x80xi32, #tpu.memory_space<vmem>> -> memref<80xi32, #tpu.memory_space<vmem>>
        %dma_start3A_502 = arith.constant 0 : i32
        %dma_start3A_503 = arith.constant 0 : i32
        %dma_start3A_504 = tpu.memref_slice %arg3[%dma_start3A_502, %dma_start3A_503] : memref<10000x16xf32, #tpu.memory_space<hbm>> -> memref<10000x16xf32, #tpu.memory_space<hbm>>
        %dma_start3A_505 = tpu.memref_slice %arg16[%dma_start3A_494] : memref<4x!tpu.dma_semaphore, #tpu.memory_space<semaphore_mem>> -> memref<1x!tpu.dma_semaphore, #tpu.memory_space<semaphore_mem>>
        %dma_start3A_506 = tpu.memref_squeeze %dma_start3A_505 : memref<1x!tpu.dma_semaphore, #tpu.memory_space<semaphore_mem>> -> memref<!tpu.dma_semaphore, #tpu.memory_space<semaphore_mem>>
        tpu.enqueue_indirect_dma source(%dma_start3A_504 : memref<10000x16xf32, #tpu.memory_space<hbm>>) target(%dma_start3A_498 : memref<80x16xf32, #tpu.memory_space<vmem>>) offsets(%dma_start3A_501 : memref<80xi32, #tpu.memory_space<vmem>>) semaphore(%dma_start3A_506 : memref<!tpu.dma_semaphore, #tpu.memory_space<semaphore_mem>>)
      } else {
      }
      %dma_wait3A_211 = arith.constant 0 : i32
      %dma_wait3A_212 = arith.constant 0 : i32
      %dma_wait3A_213 = arith.constant 0 : i32
      %dma_wait3A_214 = arith.constant 0 : i32
      %dma_wait3A_215 = arith.constant 0 : i32
      %dma_wait3A_216 = tpu.memref_slice %arg12[%dma_wait3A_212, %dma_wait3A_214, %dma_wait3A_215] : memref<4x80x80xf32, #tpu.memory_space<vmem>> -> memref<1x80x80xf32, #tpu.memory_space<vmem>>
      %dma_wait3A_217 = tpu.memref_squeeze %dma_wait3A_216 : memref<1x80x80xf32, #tpu.memory_space<vmem>> -> memref<80x80xf32, #tpu.memory_space<vmem>>
      %dma_wait3A_218 = arith.constant 0 : i32
      %dma_wait3A_219 = tpu.memref_slice %arg9[%dma_wait3A_211, %dma_wait3A_218] : memref<125x80xi32, #tpu.memory_space<vmem>> -> memref<1x80xi32, #tpu.memory_space<vmem>>
      %dma_wait3A_220 = tpu.memref_squeeze %dma_wait3A_219 : memref<1x80xi32, #tpu.memory_space<vmem>> -> memref<80xi32, #tpu.memory_space<vmem>>
      %dma_wait3A_221 = arith.constant 0 : i32
      %dma_wait3A_222 = arith.constant 0 : i32
      %dma_wait3A_223 = tpu.memref_slice %arg2[%dma_wait3A_221, %dma_wait3A_222] : memref<10000x80xf32, #tpu.memory_space<hbm>> -> memref<10000x80xf32, #tpu.memory_space<hbm>>
      %dma_wait3A_224 = tpu.memref_slice %arg16[%dma_wait3A_213] : memref<4x!tpu.dma_semaphore, #tpu.memory_space<semaphore_mem>> -> memref<1x!tpu.dma_semaphore, #tpu.memory_space<semaphore_mem>>
      %dma_wait3A_225 = tpu.memref_squeeze %dma_wait3A_224 : memref<1x!tpu.dma_semaphore, #tpu.memory_space<semaphore_mem>> -> memref<!tpu.dma_semaphore, #tpu.memory_space<semaphore_mem>>
      tpu.wait_indirect_dma semaphore(%dma_wait3A_225 : memref<!tpu.dma_semaphore, #tpu.memory_space<semaphore_mem>>) src(%dma_wait3A_223 : memref<10000x80xf32, #tpu.memory_space<hbm>>) dst(%dma_wait3A_217 : memref<80x80xf32, #tpu.memory_space<vmem>>)
      %dma_wait3A_226 = arith.constant 0 : i32
      %dma_wait3A_227 = arith.constant 0 : i32
      %dma_wait3A_228 = arith.constant 0 : i32
      %dma_wait3A_229 = arith.constant 0 : i32
      %dma_wait3A_230 = arith.constant 0 : i32
      %dma_wait3A_231 = tpu.memref_slice %arg13[%dma_wait3A_227, %dma_wait3A_229, %dma_wait3A_230] : memref<4x80x16xf32, #tpu.memory_space<vmem>> -> memref<1x80x16xf32, #tpu.memory_space<vmem>>
      %dma_wait3A_232 = tpu.memref_squeeze %dma_wait3A_231 : memref<1x80x16xf32, #tpu.memory_space<vmem>> -> memref<80x16xf32, #tpu.memory_space<vmem>>
      %dma_wait3A_233 = arith.constant 0 : i32
      %dma_wait3A_234 = tpu.memref_slice %arg9[%dma_wait3A_226, %dma_wait3A_233] : memref<125x80xi32, #tpu.memory_space<vmem>> -> memref<1x80xi32, #tpu.memory_space<vmem>>
      %dma_wait3A_235 = tpu.memref_squeeze %dma_wait3A_234 : memref<1x80xi32, #tpu.memory_space<vmem>> -> memref<80xi32, #tpu.memory_space<vmem>>
      %dma_wait3A_236 = arith.constant 0 : i32
      %dma_wait3A_237 = arith.constant 0 : i32
      %dma_wait3A_238 = tpu.memref_slice %arg3[%dma_wait3A_236, %dma_wait3A_237] : memref<10000x16xf32, #tpu.memory_space<hbm>> -> memref<10000x16xf32, #tpu.memory_space<hbm>>
      %dma_wait3A_239 = tpu.memref_slice %arg16[%dma_wait3A_228] : memref<4x!tpu.dma_semaphore, #tpu.memory_space<semaphore_mem>> -> memref<1x!tpu.dma_semaphore, #tpu.memory_space<semaphore_mem>>
      %dma_wait3A_240 = tpu.memref_squeeze %dma_wait3A_239 : memref<1x!tpu.dma_semaphore, #tpu.memory_space<semaphore_mem>> -> memref<!tpu.dma_semaphore, #tpu.memory_space<semaphore_mem>>
      tpu.wait_indirect_dma semaphore(%dma_wait3A_240 : memref<!tpu.dma_semaphore, #tpu.memory_space<semaphore_mem>>) src(%dma_wait3A_238 : memref<10000x16xf32, #tpu.memory_space<hbm>>) dst(%dma_wait3A_232 : memref<80x16xf32, #tpu.memory_space<vmem>>)
      %ge3A = arith.constant 2 : i32
      %ge3A_241 = arith.cmpi sge, %add3A_206, %ge3A : i32
      %convert_element_type3A_242 = arith.extui %ge3A_241 : i1 to i32
      %cond3A_243 = arith.constant 0 : i32
      %cond3A_244 = arith.cmpi ne, %convert_element_type3A_242, %cond3A_243 : i32
      scf.if %cond3A_244 {
        %dma_wait3A_477 = arith.constant 0 : i32
        %dma_wait3A_478 = arith.constant 0 : i32
        %dma_wait3A_479 = arith.constant 0 : i32
        %dma_wait3A_480 = arith.constant 0 : i32
        %dma_wait3A_481 = arith.constant 0 : i32
        %dma_wait3A_482 = tpu.memref_slice %arg14[%dma_wait3A_477, %dma_wait3A_480, %dma_wait3A_481] : memref<2x80x80xf32, #tpu.memory_space<vmem>> -> memref<1x80x80xf32, #tpu.memory_space<vmem>>
        %dma_wait3A_483 = tpu.memref_squeeze %dma_wait3A_482 : memref<1x80x80xf32, #tpu.memory_space<vmem>> -> memref<80x80xf32, #tpu.memory_space<vmem>>
        %dma_wait3A_484 = arith.constant 0 : i32
        %dma_wait3A_485 = tpu.memref_slice %arg10[%dma_wait3A_478, %dma_wait3A_484] : memref<125x80xi32, #tpu.memory_space<vmem>> -> memref<1x80xi32, #tpu.memory_space<vmem>>
        %dma_wait3A_486 = tpu.memref_squeeze %dma_wait3A_485 : memref<1x80xi32, #tpu.memory_space<vmem>> -> memref<80xi32, #tpu.memory_space<vmem>>
        %dma_wait3A_487 = arith.constant 0 : i32
        %dma_wait3A_488 = arith.constant 0 : i32
        %dma_wait3A_489 = tpu.memref_slice %arg15[%dma_wait3A_487, %dma_wait3A_488] : memref<12000x80xf32, #tpu.memory_space<vmem_shared>> -> memref<12000x80xf32, #tpu.memory_space<vmem_shared>>
        %dma_wait3A_490 = tpu.memref_slice %arg17[%dma_wait3A_479] : memref<2x!tpu.dma_semaphore, #tpu.memory_space<semaphore_mem>> -> memref<1x!tpu.dma_semaphore, #tpu.memory_space<semaphore_mem>>
        %dma_wait3A_491 = tpu.memref_squeeze %dma_wait3A_490 : memref<1x!tpu.dma_semaphore, #tpu.memory_space<semaphore_mem>> -> memref<!tpu.dma_semaphore, #tpu.memory_space<semaphore_mem>>
        tpu.wait_indirect_dma semaphore(%dma_wait3A_491 : memref<!tpu.dma_semaphore, #tpu.memory_space<semaphore_mem>>) src(%dma_wait3A_483 : memref<80x80xf32, #tpu.memory_space<vmem>>) dst(%dma_wait3A_489 : memref<12000x80xf32, #tpu.memory_space<vmem_shared>>)
      } else {
      }
      %get3A_245 = arith.constant 0 : index
      %get3A_246 = tpu.vector_load %arg11[%get3A_245] {strides = array<i32>} : memref<16xf32, #tpu.memory_space<vmem>>, vector<16xf32>,
      %get3A_247 = vector.shape_cast %get3A_246 : vector<16xf32> to vector<16xf32>
      %scan3A_248 = arith.constant 0 : i32
      %scan3A_249 = arith.constant 0 : i32
      %scan3A_250 = arith.constant 0 : i32
      %scan3A_251 = arith.constant 0 : i32
      %scan3A_252 = arith.constant 80 : i32
      %scan3A_253 = arith.addi %scan3A_251, %scan3A_252 : i32
      %scan3A_254 = arith.constant 1 : i32
      scf.for %scan3A_477 = %scan3A_251 to %scan3A_253 step %scan3A_254  : i32 {
        %mul3A_478 = arith.constant 1 : i32
        %mul3A_479 = arith.muli %scan3A_477, %mul3A_478 : i32
        %add3A_480 = arith.constant 0 : i32
        %add3A_481 = arith.addi %add3A_480, %mul3A_479 : i32
        %get3A_482 = arith.constant 0 : i32
        %get3A_483 = arith.constant 0 : i32
        %get3A_484 = tpu.memref_slice %arg12[%scan3A_248, %get3A_482, %get3A_483] : memref<4x80x80xf32, #tpu.memory_space<vmem>> -> memref<1x80x80xf32, #tpu.memory_space<vmem>>
        %get3A_485 = tpu.memref_squeeze %get3A_484 : memref<1x80x80xf32, #tpu.memory_space<vmem>> -> memref<80x80xf32, #tpu.memory_space<vmem>>
        %get3A_486 = arith.index_cast %add3A_481 : i32 to index
        %get3A_487 = arith.constant 64 : index
        %get3A_488 = tpu.vector_load %get3A_485[%get3A_486, %get3A_487] {strides = array<i32>} : memref<80x80xf32, #tpu.memory_space<vmem>>, vector<1x16xf32>,
        %get3A_489 = vector.shape_cast %get3A_488 : vector<1x16xf32> to vector<16xf32>
        %get3A_490 = arith.constant 0 : i32
        %get3A_491 = arith.constant 0 : i32
        %get3A_492 = tpu.memref_slice %arg13[%scan3A_249, %get3A_490, %get3A_491] : memref<4x80x16xf32, #tpu.memory_space<vmem>> -> memref<1x80x16xf32, #tpu.memory_space<vmem>>
        %get3A_493 = tpu.memref_squeeze %get3A_492 : memref<1x80x16xf32, #tpu.memory_space<vmem>> -> memref<80x16xf32, #tpu.memory_space<vmem>>
        %get3A_494 = arith.index_cast %add3A_481 : i32 to index
        %get3A_495 = arith.constant 0 : index
        %get3A_496 = tpu.vector_load %get3A_493[%get3A_494, %get3A_495] {strides = array<i32>} : memref<80x16xf32, #tpu.memory_space<vmem>>, vector<1x16xf32>,
        %get3A_497 = vector.shape_cast %get3A_496 : vector<1x16xf32> to vector<16xf32>
        %add3A_498 = arith.addf %get3A_489, %get3A_497 : vector<16xf32>
        %ge3A_499 = arith.constant 0.000000e+00 : f32
        %ge3A_500 = vector.broadcast %ge3A_499 : f32 to vector<16xf32>
        %ge3A_501 = arith.cmpf oge, %add3A_498, %ge3A_500 : vector<16xf32>
        %mul3A_502 = arith.constant 2.000000e-01 : f32
        %mul3A_503 = vector.broadcast %mul3A_502 : f32 to vector<16xf32>
        %mul3A_504 = arith.mulf %mul3A_503, %add3A_498 : vector<16xf32>
        %select_n3A = arith.select %ge3A_501, %add3A_498, %mul3A_504 : vector<16xi1>, vector<16xf32>
        %sub3A = arith.subf %select_n3A, %get3A_247 : vector<16xf32>
        %exp3A = math.exp %sub3A : vector<16xf32>
        %swap3A = arith.constant 0 : i32
        %swap3A_505 = arith.constant 0 : i32
        %swap3A_506 = tpu.memref_slice %arg14[%scan3A_250, %swap3A, %swap3A_505] : memref<2x80x80xf32, #tpu.memory_space<vmem>> -> memref<1x80x80xf32, #tpu.memory_space<vmem>>
        %swap3A_507 = tpu.memref_squeeze %swap3A_506 : memref<1x80x80xf32, #tpu.memory_space<vmem>> -> memref<80x80xf32, #tpu.memory_space<vmem>>
        %swap3A_508 = arith.index_cast %add3A_481 : i32 to index
        %swap3A_509 = arith.constant 64 : index
        %swap3A_510 = tpu.vector_load %swap3A_507[%swap3A_508, %swap3A_509] {strides = array<i32>} : memref<80x80xf32, #tpu.memory_space<vmem>>, vector<1x16xf32>,
        %swap3A_511 = vector.shape_cast %swap3A_510 : vector<1x16xf32> to vector<16xf32>
        %swap3A_512 = vector.shape_cast %exp3A : vector<16xf32> to vector<1x16xf32>
        tpu.vector_store %swap3A_507[%swap3A_508, %swap3A_509], %swap3A_512 {strides = array<i32>} : memref<80x80xf32, #tpu.memory_space<vmem>>, vector<1x16xf32>,
        %get3A_513 = arith.constant 0 : i32
        %get3A_514 = arith.constant 0 : i32
        %get3A_515 = tpu.memref_slice %arg12[%scan3A_248, %get3A_513, %get3A_514] : memref<4x80x80xf32, #tpu.memory_space<vmem>> -> memref<1x80x80xf32, #tpu.memory_space<vmem>>
        %get3A_516 = tpu.memref_squeeze %get3A_515 : memref<1x80x80xf32, #tpu.memory_space<vmem>> -> memref<80x80xf32, #tpu.memory_space<vmem>>
        %get3A_517 = arith.index_cast %add3A_481 : i32 to index
        %get3A_518 = arith.constant 0 : index
        %get3A_519 = tpu.vector_load %get3A_516[%get3A_517, %get3A_518] {strides = array<i32>} : memref<80x80xf32, #tpu.memory_space<vmem>>, vector<1x16xf32>,
        %get3A_520 = vector.shape_cast %get3A_519 : vector<1x16xf32> to vector<16xf32>
        %mul3A_521 = arith.mulf %get3A_520, %exp3A : vector<16xf32>
        %swap3A_522 = arith.constant 0 : i32
        %swap3A_523 = arith.constant 0 : i32
        %swap3A_524 = tpu.memref_slice %arg14[%scan3A_250, %swap3A_522, %swap3A_523] : memref<2x80x80xf32, #tpu.memory_space<vmem>> -> memref<1x80x80xf32, #tpu.memory_space<vmem>>
        %swap3A_525 = tpu.memref_squeeze %swap3A_524 : memref<1x80x80xf32, #tpu.memory_space<vmem>> -> memref<80x80xf32, #tpu.memory_space<vmem>>
        %swap3A_526 = arith.index_cast %add3A_481 : i32 to index
        %swap3A_527 = arith.constant 0 : index
        %swap3A_528 = tpu.vector_load %swap3A_525[%swap3A_526, %swap3A_527] {strides = array<i32>} : memref<80x80xf32, #tpu.memory_space<vmem>>, vector<1x16xf32>,
        %swap3A_529 = vector.shape_cast %swap3A_528 : vector<1x16xf32> to vector<16xf32>
        %swap3A_530 = vector.shape_cast %mul3A_521 : vector<16xf32> to vector<1x16xf32>
        tpu.vector_store %swap3A_525[%swap3A_526, %swap3A_527], %swap3A_530 {strides = array<i32>} : memref<80x80xf32, #tpu.memory_space<vmem>>, vector<1x16xf32>,
        %get3A_531 = arith.constant 0 : i32
        %get3A_532 = arith.constant 0 : i32
        %get3A_533 = tpu.memref_slice %arg12[%scan3A_248, %get3A_531, %get3A_532] : memref<4x80x80xf32, #tpu.memory_space<vmem>> -> memref<1x80x80xf32, #tpu.memory_space<vmem>>
        %get3A_534 = tpu.memref_squeeze %get3A_533 : memref<1x80x80xf32, #tpu.memory_space<vmem>> -> memref<80x80xf32, #tpu.memory_space<vmem>>
        %get3A_535 = arith.index_cast %add3A_481 : i32 to index
        %get3A_536 = arith.constant 16 : index
        %get3A_537 = tpu.vector_load %get3A_534[%get3A_535, %get3A_536] {strides = array<i32>} : memref<80x80xf32, #tpu.memory_space<vmem>>, vector<1x16xf32>,
        %get3A_538 = vector.shape_cast %get3A_537 : vector<1x16xf32> to vector<16xf32>
        %mul3A_539 = arith.mulf %get3A_538, %exp3A : vector<16xf32>
        %swap3A_540 = arith.constant 0 : i32
        %swap3A_541 = arith.constant 0 : i32
        %swap3A_542 = tpu.memref_slice %arg14[%scan3A_250, %swap3A_540, %swap3A_541] : memref<2x80x80xf32, #tpu.memory_space<vmem>> -> memref<1x80x80xf32, #tpu.memory_space<vmem>>
        %swap3A_543 = tpu.memref_squeeze %swap3A_542 : memref<1x80x80xf32, #tpu.memory_space<vmem>> -> memref<80x80xf32, #tpu.memory_space<vmem>>
        %swap3A_544 = arith.index_cast %add3A_481 : i32 to index
        %swap3A_545 = arith.constant 16 : index
        %swap3A_546 = tpu.vector_load %swap3A_543[%swap3A_544, %swap3A_545] {strides = array<i32>} : memref<80x80xf32, #tpu.memory_space<vmem>>, vector<1x16xf32>,
        %swap3A_547 = vector.shape_cast %swap3A_546 : vector<1x16xf32> to vector<16xf32>
        %swap3A_548 = vector.shape_cast %mul3A_539 : vector<16xf32> to vector<1x16xf32>
        tpu.vector_store %swap3A_543[%swap3A_544, %swap3A_545], %swap3A_548 {strides = array<i32>} : memref<80x80xf32, #tpu.memory_space<vmem>>, vector<1x16xf32>,
        %get3A_549 = arith.constant 0 : i32
        %get3A_550 = arith.constant 0 : i32
        %get3A_551 = tpu.memref_slice %arg12[%scan3A_248, %get3A_549, %get3A_550] : memref<4x80x80xf32, #tpu.memory_space<vmem>> -> memref<1x80x80xf32, #tpu.memory_space<vmem>>
        %get3A_552 = tpu.memref_squeeze %get3A_551 : memref<1x80x80xf32, #tpu.memory_space<vmem>> -> memref<80x80xf32, #tpu.memory_space<vmem>>
        %get3A_553 = arith.index_cast %add3A_481 : i32 to index
        %get3A_554 = arith.constant 32 : index
        %get3A_555 = tpu.vector_load %get3A_552[%get3A_553, %get3A_554] {strides = array<i32>} : memref<80x80xf32, #tpu.memory_space<vmem>>, vector<1x16xf32>,
        %get3A_556 = vector.shape_cast %get3A_555 : vector<1x16xf32> to vector<16xf32>
        %mul3A_557 = arith.mulf %get3A_556, %exp3A : vector<16xf32>
        %swap3A_558 = arith.constant 0 : i32
        %swap3A_559 = arith.constant 0 : i32
        %swap3A_560 = tpu.memref_slice %arg14[%scan3A_250, %swap3A_558, %swap3A_559] : memref<2x80x80xf32, #tpu.memory_space<vmem>> -> memref<1x80x80xf32, #tpu.memory_space<vmem>>
        %swap3A_561 = tpu.memref_squeeze %swap3A_560 : memref<1x80x80xf32, #tpu.memory_space<vmem>> -> memref<80x80xf32, #tpu.memory_space<vmem>>
        %swap3A_562 = arith.index_cast %add3A_481 : i32 to index
        %swap3A_563 = arith.constant 32 : index
        %swap3A_564 = tpu.vector_load %swap3A_561[%swap3A_562, %swap3A_563] {strides = array<i32>} : memref<80x80xf32, #tpu.memory_space<vmem>>, vector<1x16xf32>,
        %swap3A_565 = vector.shape_cast %swap3A_564 : vector<1x16xf32> to vector<16xf32>
        %swap3A_566 = vector.shape_cast %mul3A_557 : vector<16xf32> to vector<1x16xf32>
        tpu.vector_store %swap3A_561[%swap3A_562, %swap3A_563], %swap3A_566 {strides = array<i32>} : memref<80x80xf32, #tpu.memory_space<vmem>>, vector<1x16xf32>,
        %get3A_567 = arith.constant 0 : i32
        %get3A_568 = arith.constant 0 : i32
        %get3A_569 = tpu.memref_slice %arg12[%scan3A_248, %get3A_567, %get3A_568] : memref<4x80x80xf32, #tpu.memory_space<vmem>> -> memref<1x80x80xf32, #tpu.memory_space<vmem>>
        %get3A_570 = tpu.memref_squeeze %get3A_569 : memref<1x80x80xf32, #tpu.memory_space<vmem>> -> memref<80x80xf32, #tpu.memory_space<vmem>>
        %get3A_571 = arith.index_cast %add3A_481 : i32 to index
        %get3A_572 = arith.constant 48 : index
        %get3A_573 = tpu.vector_load %get3A_570[%get3A_571, %get3A_572] {strides = array<i32>} : memref<80x80xf32, #tpu.memory_space<vmem>>, vector<1x16xf32>,
        %get3A_574 = vector.shape_cast %get3A_573 : vector<1x16xf32> to vector<16xf32>
        %mul3A_575 = arith.mulf %get3A_574, %exp3A : vector<16xf32>
        %swap3A_576 = arith.constant 0 : i32
        %swap3A_577 = arith.constant 0 : i32
        %swap3A_578 = tpu.memref_slice %arg14[%scan3A_250, %swap3A_576, %swap3A_577] : memref<2x80x80xf32, #tpu.memory_space<vmem>> -> memref<1x80x80xf32, #tpu.memory_space<vmem>>
        %swap3A_579 = tpu.memref_squeeze %swap3A_578 : memref<1x80x80xf32, #tpu.memory_space<vmem>> -> memref<80x80xf32, #tpu.memory_space<vmem>>
        %swap3A_580 = arith.index_cast %add3A_481 : i32 to index
        %swap3A_581 = arith.constant 48 : index
        %swap3A_582 = tpu.vector_load %swap3A_579[%swap3A_580, %swap3A_581] {strides = array<i32>} : memref<80x80xf32, #tpu.memory_space<vmem>>, vector<1x16xf32>,
        %swap3A_583 = vector.shape_cast %swap3A_582 : vector<1x16xf32> to vector<16xf32>
        %swap3A_584 = vector.shape_cast %mul3A_575 : vector<16xf32> to vector<1x16xf32>
        tpu.vector_store %swap3A_579[%swap3A_580, %swap3A_581], %swap3A_584 {strides = array<i32>} : memref<80x80xf32, #tpu.memory_space<vmem>>, vector<1x16xf32>,
      }
      %scan3A_255 = arith.constant 80 : i32
      %dma_start3A_256 = arith.constant 0 : i32
      %dma_start3A_257 = arith.constant 0 : i32
      %dma_start3A_258 = arith.constant 0 : i32
      %dma_start3A_259 = arith.constant 0 : i32
      %dma_start3A_260 = tpu.memref_slice %arg14[%dma_start3A_256, %dma_start3A_258, %dma_start3A_259] : memref<2x80x80xf32, #tpu.memory_space<vmem>> -> memref<1x80x80xf32, #tpu.memory_space<vmem>>
      %dma_start3A_261 = tpu.memref_squeeze %dma_start3A_260 : memref<1x80x80xf32, #tpu.memory_space<vmem>> -> memref<80x80xf32, #tpu.memory_space<vmem>>
      %dma_start3A_262 = arith.constant 0 : i32
      %dma_start3A_263 = tpu.memref_slice %arg10[%add3A_206, %dma_start3A_262] : memref<125x80xi32, #tpu.memory_space<vmem>> -> memref<1x80xi32, #tpu.memory_space<vmem>>
      %dma_start3A_264 = tpu.memref_squeeze %dma_start3A_263 : memref<1x80xi32, #tpu.memory_space<vmem>> -> memref<80xi32, #tpu.memory_space<vmem>>
      %dma_start3A_265 = arith.constant 0 : i32
      %dma_start3A_266 = arith.constant 0 : i32
      %dma_start3A_267 = tpu.memref_slice %arg15[%dma_start3A_265, %dma_start3A_266] : memref<12000x80xf32, #tpu.memory_space<vmem_shared>> -> memref<12000x80xf32, #tpu.memory_space<vmem_shared>>
      %dma_start3A_268 = tpu.memref_slice %arg17[%dma_start3A_257] : memref<2x!tpu.dma_semaphore, #tpu.memory_space<semaphore_mem>> -> memref<1x!tpu.dma_semaphore, #tpu.memory_space<semaphore_mem>>
      %dma_start3A_269 = tpu.memref_squeeze %dma_start3A_268 : memref<1x!tpu.dma_semaphore, #tpu.memory_space<semaphore_mem>> -> memref<!tpu.dma_semaphore, #tpu.memory_space<semaphore_mem>>
      tpu.enqueue_indirect_dma source(%dma_start3A_261 : memref<80x80xf32, #tpu.memory_space<vmem>>) target(%dma_start3A_267 : memref<12000x80xf32, #tpu.memory_space<vmem_shared>>) offsets(%dma_start3A_264 : memref<80xi32, #tpu.memory_space<vmem>>) semaphore(%dma_start3A_269 : memref<!tpu.dma_semaphore, #tpu.memory_space<semaphore_mem>>) {add = true}
      %add3A_270 = arith.constant 1 : i32
      %add3A_271 = arith.addi %add3A_204, %add3A_270 : i32
      %add3A_272 = arith.constant 3 : i32
      %add3A_273 = arith.addi %add3A_271, %add3A_272 : i32
      %lt3A_274 = arith.constant 125 : i32
      %lt3A_275 = arith.cmpi slt, %add3A_273, %lt3A_274 : i32
      %convert_element_type3A_276 = arith.extui %lt3A_275 : i1 to i32
      %cond3A_277 = arith.constant 0 : i32
      %cond3A_278 = arith.cmpi ne, %convert_element_type3A_276, %cond3A_277 : i32
      scf.if %cond3A_278 {
        %add3A_477 = arith.constant 3 : i32
        %add3A_478 = arith.addi %add3A_271, %add3A_477 : i32
        %dma_start3A_479 = arith.constant 0 : i32
        %dma_start3A_480 = arith.constant 0 : i32
        %dma_start3A_481 = arith.constant 0 : i32
        %dma_start3A_482 = arith.constant 0 : i32
        %dma_start3A_483 = tpu.memref_slice %arg12[%dma_start3A_479, %dma_start3A_481, %dma_start3A_482] : memref<4x80x80xf32, #tpu.memory_space<vmem>> -> memref<1x80x80xf32, #tpu.memory_space<vmem>>
        %dma_start3A_484 = tpu.memref_squeeze %dma_start3A_483 : memref<1x80x80xf32, #tpu.memory_space<vmem>> -> memref<80x80xf32, #tpu.memory_space<vmem>>
        %dma_start3A_485 = arith.constant 0 : i32
        %dma_start3A_486 = tpu.memref_slice %arg9[%add3A_478, %dma_start3A_485] : memref<125x80xi32, #tpu.memory_space<vmem>> -> memref<1x80xi32, #tpu.memory_space<vmem>>
        %dma_start3A_487 = tpu.memref_squeeze %dma_start3A_486 : memref<1x80xi32, #tpu.memory_space<vmem>> -> memref<80xi32, #tpu.memory_space<vmem>>
        %dma_start3A_488 = arith.constant 0 : i32
        %dma_start3A_489 = arith.constant 0 : i32
        %dma_start3A_490 = tpu.memref_slice %arg2[%dma_start3A_488, %dma_start3A_489] : memref<10000x80xf32, #tpu.memory_space<hbm>> -> memref<10000x80xf32, #tpu.memory_space<hbm>>
        %dma_start3A_491 = tpu.memref_slice %arg16[%dma_start3A_480] : memref<4x!tpu.dma_semaphore, #tpu.memory_space<semaphore_mem>> -> memref<1x!tpu.dma_semaphore, #tpu.memory_space<semaphore_mem>>
        %dma_start3A_492 = tpu.memref_squeeze %dma_start3A_491 : memref<1x!tpu.dma_semaphore, #tpu.memory_space<semaphore_mem>> -> memref<!tpu.dma_semaphore, #tpu.memory_space<semaphore_mem>>
        tpu.enqueue_indirect_dma source(%dma_start3A_490 : memref<10000x80xf32, #tpu.memory_space<hbm>>) target(%dma_start3A_484 : memref<80x80xf32, #tpu.memory_space<vmem>>) offsets(%dma_start3A_487 : memref<80xi32, #tpu.memory_space<vmem>>) semaphore(%dma_start3A_492 : memref<!tpu.dma_semaphore, #tpu.memory_space<semaphore_mem>>)
        %dma_start3A_493 = arith.constant 0 : i32
        %dma_start3A_494 = arith.constant 0 : i32
        %dma_start3A_495 = arith.constant 0 : i32
        %dma_start3A_496 = arith.constant 0 : i32
        %dma_start3A_497 = tpu.memref_slice %arg13[%dma_start3A_493, %dma_start3A_495, %dma_start3A_496] : memref<4x80x16xf32, #tpu.memory_space<vmem>> -> memref<1x80x16xf32, #tpu.memory_space<vmem>>
        %dma_start3A_498 = tpu.memref_squeeze %dma_start3A_497 : memref<1x80x16xf32, #tpu.memory_space<vmem>> -> memref<80x16xf32, #tpu.memory_space<vmem>>
        %dma_start3A_499 = arith.constant 0 : i32
        %dma_start3A_500 = tpu.memref_slice %arg10[%add3A_478, %dma_start3A_499] : memref<125x80xi32, #tpu.memory_space<vmem>> -> memref<1x80xi32, #tpu.memory_space<vmem>>
        %dma_start3A_501 = tpu.memref_squeeze %dma_start3A_500 : memref<1x80xi32, #tpu.memory_space<vmem>> -> memref<80xi32, #tpu.memory_space<vmem>>
        %dma_start3A_502 = arith.constant 0 : i32
        %dma_start3A_503 = arith.constant 0 : i32
        %dma_start3A_504 = tpu.memref_slice %arg3[%dma_start3A_502, %dma_start3A_503] : memref<10000x16xf32, #tpu.memory_space<hbm>> -> memref<10000x16xf32, #tpu.memory_space<hbm>>
        %dma_start3A_505 = tpu.memref_slice %arg16[%dma_start3A_494] : memref<4x!tpu.dma_semaphore, #tpu.memory_space<semaphore_mem>> -> memref<1x!tpu.dma_semaphore, #tpu.memory_space<semaphore_mem>>
        %dma_start3A_506 = tpu.memref_squeeze %dma_start3A_505 : memref<1x!tpu.dma_semaphore, #tpu.memory_space<semaphore_mem>> -> memref<!tpu.dma_semaphore, #tpu.memory_space<semaphore_mem>>
        tpu.enqueue_indirect_dma source(%dma_start3A_504 : memref<10000x16xf32, #tpu.memory_space<hbm>>) target(%dma_start3A_498 : memref<80x16xf32, #tpu.memory_space<vmem>>) offsets(%dma_start3A_501 : memref<80xi32, #tpu.memory_space<vmem>>) semaphore(%dma_start3A_506 : memref<!tpu.dma_semaphore, #tpu.memory_space<semaphore_mem>>)
      } else {
      }
      %dma_wait3A_279 = arith.constant 0 : i32
      %dma_wait3A_280 = arith.constant 1 : i32
      %dma_wait3A_281 = arith.constant 1 : i32
      %dma_wait3A_282 = arith.constant 0 : i32
      %dma_wait3A_283 = arith.constant 0 : i32
      %dma_wait3A_284 = tpu.memref_slice %arg12[%dma_wait3A_280, %dma_wait3A_282, %dma_wait3A_283] : memref<4x80x80xf32, #tpu.memory_space<vmem>> -> memref<1x80x80xf32, #tpu.memory_space<vmem>>
      %dma_wait3A_285 = tpu.memref_squeeze %dma_wait3A_284 : memref<1x80x80xf32, #tpu.memory_space<vmem>> -> memref<80x80xf32, #tpu.memory_space<vmem>>
      %dma_wait3A_286 = arith.constant 0 : i32
      %dma_wait3A_287 = tpu.memref_slice %arg9[%dma_wait3A_279, %dma_wait3A_286] : memref<125x80xi32, #tpu.memory_space<vmem>> -> memref<1x80xi32, #tpu.memory_space<vmem>>
      %dma_wait3A_288 = tpu.memref_squeeze %dma_wait3A_287 : memref<1x80xi32, #tpu.memory_space<vmem>> -> memref<80xi32, #tpu.memory_space<vmem>>
      %dma_wait3A_289 = arith.constant 0 : i32
      %dma_wait3A_290 = arith.constant 0 : i32
      %dma_wait3A_291 = tpu.memref_slice %arg2[%dma_wait3A_289, %dma_wait3A_290] : memref<10000x80xf32, #tpu.memory_space<hbm>> -> memref<10000x80xf32, #tpu.memory_space<hbm>>
      %dma_wait3A_292 = tpu.memref_slice %arg16[%dma_wait3A_281] : memref<4x!tpu.dma_semaphore, #tpu.memory_space<semaphore_mem>> -> memref<1x!tpu.dma_semaphore, #tpu.memory_space<semaphore_mem>>
      %dma_wait3A_293 = tpu.memref_squeeze %dma_wait3A_292 : memref<1x!tpu.dma_semaphore, #tpu.memory_space<semaphore_mem>> -> memref<!tpu.dma_semaphore, #tpu.memory_space<semaphore_mem>>
      tpu.wait_indirect_dma semaphore(%dma_wait3A_293 : memref<!tpu.dma_semaphore, #tpu.memory_space<semaphore_mem>>) src(%dma_wait3A_291 : memref<10000x80xf32, #tpu.memory_space<hbm>>) dst(%dma_wait3A_285 : memref<80x80xf32, #tpu.memory_space<vmem>>)
      %dma_wait3A_294 = arith.constant 0 : i32
      %dma_wait3A_295 = arith.constant 1 : i32
      %dma_wait3A_296 = arith.constant 1 : i32
      %dma_wait3A_297 = arith.constant 0 : i32
      %dma_wait3A_298 = arith.constant 0 : i32
      %dma_wait3A_299 = tpu.memref_slice %arg13[%dma_wait3A_295, %dma_wait3A_297, %dma_wait3A_298] : memref<4x80x16xf32, #tpu.memory_space<vmem>> -> memref<1x80x16xf32, #tpu.memory_space<vmem>>
      %dma_wait3A_300 = tpu.memref_squeeze %dma_wait3A_299 : memref<1x80x16xf32, #tpu.memory_space<vmem>> -> memref<80x16xf32, #tpu.memory_space<vmem>>
      %dma_wait3A_301 = arith.constant 0 : i32
      %dma_wait3A_302 = tpu.memref_slice %arg9[%dma_wait3A_294, %dma_wait3A_301] : memref<125x80xi32, #tpu.memory_space<vmem>> -> memref<1x80xi32, #tpu.memory_space<vmem>>
      %dma_wait3A_303 = tpu.memref_squeeze %dma_wait3A_302 : memref<1x80xi32, #tpu.memory_space<vmem>> -> memref<80xi32, #tpu.memory_space<vmem>>
      %dma_wait3A_304 = arith.constant 0 : i32
      %dma_wait3A_305 = arith.constant 0 : i32
      %dma_wait3A_306 = tpu.memref_slice %arg3[%dma_wait3A_304, %dma_wait3A_305] : memref<10000x16xf32, #tpu.memory_space<hbm>> -> memref<10000x16xf32, #tpu.memory_space<hbm>>
      %dma_wait3A_307 = tpu.memref_slice %arg16[%dma_wait3A_296] : memref<4x!tpu.dma_semaphore, #tpu.memory_space<semaphore_mem>> -> memref<1x!tpu.dma_semaphore, #tpu.memory_space<semaphore_mem>>
      %dma_wait3A_308 = tpu.memref_squeeze %dma_wait3A_307 : memref<1x!tpu.dma_semaphore, #tpu.memory_space<semaphore_mem>> -> memref<!tpu.dma_semaphore, #tpu.memory_space<semaphore_mem>>
      tpu.wait_indirect_dma semaphore(%dma_wait3A_308 : memref<!tpu.dma_semaphore, #tpu.memory_space<semaphore_mem>>) src(%dma_wait3A_306 : memref<10000x16xf32, #tpu.memory_space<hbm>>) dst(%dma_wait3A_300 : memref<80x16xf32, #tpu.memory_space<vmem>>)
      %ge3A_309 = arith.constant 2 : i32
      %ge3A_310 = arith.cmpi sge, %add3A_271, %ge3A_309 : i32
      %convert_element_type3A_311 = arith.extui %ge3A_310 : i1 to i32
      %cond3A_312 = arith.constant 0 : i32
      %cond3A_313 = arith.cmpi ne, %convert_element_type3A_311, %cond3A_312 : i32
      scf.if %cond3A_313 {
        %dma_wait3A_477 = arith.constant 1 : i32
        %dma_wait3A_478 = arith.constant 0 : i32
        %dma_wait3A_479 = arith.constant 1 : i32
        %dma_wait3A_480 = arith.constant 0 : i32
        %dma_wait3A_481 = arith.constant 0 : i32
        %dma_wait3A_482 = tpu.memref_slice %arg14[%dma_wait3A_477, %dma_wait3A_480, %dma_wait3A_481] : memref<2x80x80xf32, #tpu.memory_space<vmem>> -> memref<1x80x80xf32, #tpu.memory_space<vmem>>
        %dma_wait3A_483 = tpu.memref_squeeze %dma_wait3A_482 : memref<1x80x80xf32, #tpu.memory_space<vmem>> -> memref<80x80xf32, #tpu.memory_space<vmem>>
        %dma_wait3A_484 = arith.constant 0 : i32
        %dma_wait3A_485 = tpu.memref_slice %arg10[%dma_wait3A_478, %dma_wait3A_484] : memref<125x80xi32, #tpu.memory_space<vmem>> -> memref<1x80xi32, #tpu.memory_space<vmem>>
        %dma_wait3A_486 = tpu.memref_squeeze %dma_wait3A_485 : memref<1x80xi32, #tpu.memory_space<vmem>> -> memref<80xi32, #tpu.memory_space<vmem>>
        %dma_wait3A_487 = arith.constant 0 : i32
        %dma_wait3A_488 = arith.constant 0 : i32
        %dma_wait3A_489 = tpu.memref_slice %arg15[%dma_wait3A_487, %dma_wait3A_488] : memref<12000x80xf32, #tpu.memory_space<vmem_shared>> -> memref<12000x80xf32, #tpu.memory_space<vmem_shared>>
        %dma_wait3A_490 = tpu.memref_slice %arg17[%dma_wait3A_479] : memref<2x!tpu.dma_semaphore, #tpu.memory_space<semaphore_mem>> -> memref<1x!tpu.dma_semaphore, #tpu.memory_space<semaphore_mem>>
        %dma_wait3A_491 = tpu.memref_squeeze %dma_wait3A_490 : memref<1x!tpu.dma_semaphore, #tpu.memory_space<semaphore_mem>> -> memref<!tpu.dma_semaphore, #tpu.memory_space<semaphore_mem>>
        tpu.wait_indirect_dma semaphore(%dma_wait3A_491 : memref<!tpu.dma_semaphore, #tpu.memory_space<semaphore_mem>>) src(%dma_wait3A_483 : memref<80x80xf32, #tpu.memory_space<vmem>>) dst(%dma_wait3A_489 : memref<12000x80xf32, #tpu.memory_space<vmem_shared>>)
      } else {
      }
      %get3A_314 = arith.constant 0 : index
      %get3A_315 = tpu.vector_load %arg11[%get3A_314] {strides = array<i32>} : memref<16xf32, #tpu.memory_space<vmem>>, vector<16xf32>,
      %get3A_316 = vector.shape_cast %get3A_315 : vector<16xf32> to vector<16xf32>
      %scan3A_317 = arith.constant 1 : i32
      %scan3A_318 = arith.constant 1 : i32
      %scan3A_319 = arith.constant 1 : i32
      %scan3A_320 = arith.constant 0 : i32
      %scan3A_321 = arith.constant 80 : i32
      %scan3A_322 = arith.addi %scan3A_320, %scan3A_321 : i32
      %scan3A_323 = arith.constant 1 : i32
      scf.for %scan3A_477 = %scan3A_320 to %scan3A_322 step %scan3A_323  : i32 {
        %mul3A_478 = arith.constant 1 : i32
        %mul3A_479 = arith.muli %scan3A_477, %mul3A_478 : i32
        %add3A_480 = arith.constant 0 : i32
        %add3A_481 = arith.addi %add3A_480, %mul3A_479 : i32
        %get3A_482 = arith.constant 0 : i32
        %get3A_483 = arith.constant 0 : i32
        %get3A_484 = tpu.memref_slice %arg12[%scan3A_317, %get3A_482, %get3A_483] : memref<4x80x80xf32, #tpu.memory_space<vmem>> -> memref<1x80x80xf32, #tpu.memory_space<vmem>>
        %get3A_485 = tpu.memref_squeeze %get3A_484 : memref<1x80x80xf32, #tpu.memory_space<vmem>> -> memref<80x80xf32, #tpu.memory_space<vmem>>
        %get3A_486 = arith.index_cast %add3A_481 : i32 to index
        %get3A_487 = arith.constant 64 : index
        %get3A_488 = tpu.vector_load %get3A_485[%get3A_486, %get3A_487] {strides = array<i32>} : memref<80x80xf32, #tpu.memory_space<vmem>>, vector<1x16xf32>,
        %get3A_489 = vector.shape_cast %get3A_488 : vector<1x16xf32> to vector<16xf32>
        %get3A_490 = arith.constant 0 : i32
        %get3A_491 = arith.constant 0 : i32
        %get3A_492 = tpu.memref_slice %arg13[%scan3A_318, %get3A_490, %get3A_491] : memref<4x80x16xf32, #tpu.memory_space<vmem>> -> memref<1x80x16xf32, #tpu.memory_space<vmem>>
        %get3A_493 = tpu.memref_squeeze %get3A_492 : memref<1x80x16xf32, #tpu.memory_space<vmem>> -> memref<80x16xf32, #tpu.memory_space<vmem>>
        %get3A_494 = arith.index_cast %add3A_481 : i32 to index
        %get3A_495 = arith.constant 0 : index
        %get3A_496 = tpu.vector_load %get3A_493[%get3A_494, %get3A_495] {strides = array<i32>} : memref<80x16xf32, #tpu.memory_space<vmem>>, vector<1x16xf32>,
        %get3A_497 = vector.shape_cast %get3A_496 : vector<1x16xf32> to vector<16xf32>
        %add3A_498 = arith.addf %get3A_489, %get3A_497 : vector<16xf32>
        %ge3A_499 = arith.constant 0.000000e+00 : f32
        %ge3A_500 = vector.broadcast %ge3A_499 : f32 to vector<16xf32>
        %ge3A_501 = arith.cmpf oge, %add3A_498, %ge3A_500 : vector<16xf32>
        %mul3A_502 = arith.constant 2.000000e-01 : f32
        %mul3A_503 = vector.broadcast %mul3A_502 : f32 to vector<16xf32>
        %mul3A_504 = arith.mulf %mul3A_503, %add3A_498 : vector<16xf32>
        %select_n3A = arith.select %ge3A_501, %add3A_498, %mul3A_504 : vector<16xi1>, vector<16xf32>
        %sub3A = arith.subf %select_n3A, %get3A_316 : vector<16xf32>
        %exp3A = math.exp %sub3A : vector<16xf32>
        %swap3A = arith.constant 0 : i32
        %swap3A_505 = arith.constant 0 : i32
        %swap3A_506 = tpu.memref_slice %arg14[%scan3A_319, %swap3A, %swap3A_505] : memref<2x80x80xf32, #tpu.memory_space<vmem>> -> memref<1x80x80xf32, #tpu.memory_space<vmem>>
        %swap3A_507 = tpu.memref_squeeze %swap3A_506 : memref<1x80x80xf32, #tpu.memory_space<vmem>> -> memref<80x80xf32, #tpu.memory_space<vmem>>
        %swap3A_508 = arith.index_cast %add3A_481 : i32 to index
        %swap3A_509 = arith.constant 64 : index
        %swap3A_510 = tpu.vector_load %swap3A_507[%swap3A_508, %swap3A_509] {strides = array<i32>} : memref<80x80xf32, #tpu.memory_space<vmem>>, vector<1x16xf32>,
        %swap3A_511 = vector.shape_cast %swap3A_510 : vector<1x16xf32> to vector<16xf32>
        %swap3A_512 = vector.shape_cast %exp3A : vector<16xf32> to vector<1x16xf32>
        tpu.vector_store %swap3A_507[%swap3A_508, %swap3A_509], %swap3A_512 {strides = array<i32>} : memref<80x80xf32, #tpu.memory_space<vmem>>, vector<1x16xf32>,
        %get3A_513 = arith.constant 0 : i32
        %get3A_514 = arith.constant 0 : i32
        %get3A_515 = tpu.memref_slice %arg12[%scan3A_317, %get3A_513, %get3A_514] : memref<4x80x80xf32, #tpu.memory_space<vmem>> -> memref<1x80x80xf32, #tpu.memory_space<vmem>>
        %get3A_516 = tpu.memref_squeeze %get3A_515 : memref<1x80x80xf32, #tpu.memory_space<vmem>> -> memref<80x80xf32, #tpu.memory_space<vmem>>
        %get3A_517 = arith.index_cast %add3A_481 : i32 to index
        %get3A_518 = arith.constant 0 : index
        %get3A_519 = tpu.vector_load %get3A_516[%get3A_517, %get3A_518] {strides = array<i32>} : memref<80x80xf32, #tpu.memory_space<vmem>>, vector<1x16xf32>,
        %get3A_520 = vector.shape_cast %get3A_519 : vector<1x16xf32> to vector<16xf32>
        %mul3A_521 = arith.mulf %get3A_520, %exp3A : vector<16xf32>
        %swap3A_522 = arith.constant 0 : i32
        %swap3A_523 = arith.constant 0 : i32
        %swap3A_524 = tpu.memref_slice %arg14[%scan3A_319, %swap3A_522, %swap3A_523] : memref<2x80x80xf32, #tpu.memory_space<vmem>> -> memref<1x80x80xf32, #tpu.memory_space<vmem>>
        %swap3A_525 = tpu.memref_squeeze %swap3A_524 : memref<1x80x80xf32, #tpu.memory_space<vmem>> -> memref<80x80xf32, #tpu.memory_space<vmem>>
        %swap3A_526 = arith.index_cast %add3A_481 : i32 to index
        %swap3A_527 = arith.constant 0 : index
        %swap3A_528 = tpu.vector_load %swap3A_525[%swap3A_526, %swap3A_527] {strides = array<i32>} : memref<80x80xf32, #tpu.memory_space<vmem>>, vector<1x16xf32>,
        %swap3A_529 = vector.shape_cast %swap3A_528 : vector<1x16xf32> to vector<16xf32>
        %swap3A_530 = vector.shape_cast %mul3A_521 : vector<16xf32> to vector<1x16xf32>
        tpu.vector_store %swap3A_525[%swap3A_526, %swap3A_527], %swap3A_530 {strides = array<i32>} : memref<80x80xf32, #tpu.memory_space<vmem>>, vector<1x16xf32>,
        %get3A_531 = arith.constant 0 : i32
        %get3A_532 = arith.constant 0 : i32
        %get3A_533 = tpu.memref_slice %arg12[%scan3A_317, %get3A_531, %get3A_532] : memref<4x80x80xf32, #tpu.memory_space<vmem>> -> memref<1x80x80xf32, #tpu.memory_space<vmem>>
        %get3A_534 = tpu.memref_squeeze %get3A_533 : memref<1x80x80xf32, #tpu.memory_space<vmem>> -> memref<80x80xf32, #tpu.memory_space<vmem>>
        %get3A_535 = arith.index_cast %add3A_481 : i32 to index
        %get3A_536 = arith.constant 16 : index
        %get3A_537 = tpu.vector_load %get3A_534[%get3A_535, %get3A_536] {strides = array<i32>} : memref<80x80xf32, #tpu.memory_space<vmem>>, vector<1x16xf32>,
        %get3A_538 = vector.shape_cast %get3A_537 : vector<1x16xf32> to vector<16xf32>
        %mul3A_539 = arith.mulf %get3A_538, %exp3A : vector<16xf32>
        %swap3A_540 = arith.constant 0 : i32
        %swap3A_541 = arith.constant 0 : i32
        %swap3A_542 = tpu.memref_slice %arg14[%scan3A_319, %swap3A_540, %swap3A_541] : memref<2x80x80xf32, #tpu.memory_space<vmem>> -> memref<1x80x80xf32, #tpu.memory_space<vmem>>
        %swap3A_543 = tpu.memref_squeeze %swap3A_542 : memref<1x80x80xf32, #tpu.memory_space<vmem>> -> memref<80x80xf32, #tpu.memory_space<vmem>>
        %swap3A_544 = arith.index_cast %add3A_481 : i32 to index
        %swap3A_545 = arith.constant 16 : index
        %swap3A_546 = tpu.vector_load %swap3A_543[%swap3A_544, %swap3A_545] {strides = array<i32>} : memref<80x80xf32, #tpu.memory_space<vmem>>, vector<1x16xf32>,
        %swap3A_547 = vector.shape_cast %swap3A_546 : vector<1x16xf32> to vector<16xf32>
        %swap3A_548 = vector.shape_cast %mul3A_539 : vector<16xf32> to vector<1x16xf32>
        tpu.vector_store %swap3A_543[%swap3A_544, %swap3A_545], %swap3A_548 {strides = array<i32>} : memref<80x80xf32, #tpu.memory_space<vmem>>, vector<1x16xf32>,
        %get3A_549 = arith.constant 0 : i32
        %get3A_550 = arith.constant 0 : i32
        %get3A_551 = tpu.memref_slice %arg12[%scan3A_317, %get3A_549, %get3A_550] : memref<4x80x80xf32, #tpu.memory_space<vmem>> -> memref<1x80x80xf32, #tpu.memory_space<vmem>>
        %get3A_552 = tpu.memref_squeeze %get3A_551 : memref<1x80x80xf32, #tpu.memory_space<vmem>> -> memref<80x80xf32, #tpu.memory_space<vmem>>
        %get3A_553 = arith.index_cast %add3A_481 : i32 to index
        %get3A_554 = arith.constant 32 : index
        %get3A_555 = tpu.vector_load %get3A_552[%get3A_553, %get3A_554] {strides = array<i32>} : memref<80x80xf32, #tpu.memory_space<vmem>>, vector<1x16xf32>,
        %get3A_556 = vector.shape_cast %get3A_555 : vector<1x16xf32> to vector<16xf32>
        %mul3A_557 = arith.mulf %get3A_556, %exp3A : vector<16xf32>
        %swap3A_558 = arith.constant 0 : i32
        %swap3A_559 = arith.constant 0 : i32
        %swap3A_560 = tpu.memref_slice %arg14[%scan3A_319, %swap3A_558, %swap3A_559] : memref<2x80x80xf32, #tpu.memory_space<vmem>> -> memref<1x80x80xf32, #tpu.memory_space<vmem>>
        %swap3A_561 = tpu.memref_squeeze %swap3A_560 : memref<1x80x80xf32, #tpu.memory_space<vmem>> -> memref<80x80xf32, #tpu.memory_space<vmem>>
        %swap3A_562 = arith.index_cast %add3A_481 : i32 to index
        %swap3A_563 = arith.constant 32 : index
        %swap3A_564 = tpu.vector_load %swap3A_561[%swap3A_562, %swap3A_563] {strides = array<i32>} : memref<80x80xf32, #tpu.memory_space<vmem>>, vector<1x16xf32>,
        %swap3A_565 = vector.shape_cast %swap3A_564 : vector<1x16xf32> to vector<16xf32>
        %swap3A_566 = vector.shape_cast %mul3A_557 : vector<16xf32> to vector<1x16xf32>
        tpu.vector_store %swap3A_561[%swap3A_562, %swap3A_563], %swap3A_566 {strides = array<i32>} : memref<80x80xf32, #tpu.memory_space<vmem>>, vector<1x16xf32>,
        %get3A_567 = arith.constant 0 : i32
        %get3A_568 = arith.constant 0 : i32
        %get3A_569 = tpu.memref_slice %arg12[%scan3A_317, %get3A_567, %get3A_568] : memref<4x80x80xf32, #tpu.memory_space<vmem>> -> memref<1x80x80xf32, #tpu.memory_space<vmem>>
        %get3A_570 = tpu.memref_squeeze %get3A_569 : memref<1x80x80xf32, #tpu.memory_space<vmem>> -> memref<80x80xf32, #tpu.memory_space<vmem>>
        %get3A_571 = arith.index_cast %add3A_481 : i32 to index
        %get3A_572 = arith.constant 48 : index
        %get3A_573 = tpu.vector_load %get3A_570[%get3A_571, %get3A_572] {strides = array<i32>} : memref<80x80xf32, #tpu.memory_space<vmem>>, vector<1x16xf32>,
        %get3A_574 = vector.shape_cast %get3A_573 : vector<1x16xf32> to vector<16xf32>
        %mul3A_575 = arith.mulf %get3A_574, %exp3A : vector<16xf32>
        %swap3A_576 = arith.constant 0 : i32
        %swap3A_577 = arith.constant 0 : i32
        %swap3A_578 = tpu.memref_slice %arg14[%scan3A_319, %swap3A_576, %swap3A_577] : memref<2x80x80xf32, #tpu.memory_space<vmem>> -> memref<1x80x80xf32, #tpu.memory_space<vmem>>
        %swap3A_579 = tpu.memref_squeeze %swap3A_578 : memref<1x80x80xf32, #tpu.memory_space<vmem>> -> memref<80x80xf32, #tpu.memory_space<vmem>>
        %swap3A_580 = arith.index_cast %add3A_481 : i32 to index
        %swap3A_581 = arith.constant 48 : index
        %swap3A_582 = tpu.vector_load %swap3A_579[%swap3A_580, %swap3A_581] {strides = array<i32>} : memref<80x80xf32, #tpu.memory_space<vmem>>, vector<1x16xf32>,
        %swap3A_583 = vector.shape_cast %swap3A_582 : vector<1x16xf32> to vector<16xf32>
        %swap3A_584 = vector.shape_cast %mul3A_575 : vector<16xf32> to vector<1x16xf32>
        tpu.vector_store %swap3A_579[%swap3A_580, %swap3A_581], %swap3A_584 {strides = array<i32>} : memref<80x80xf32, #tpu.memory_space<vmem>>, vector<1x16xf32>,
      }
      %scan3A_324 = arith.constant 80 : i32
      %dma_start3A_325 = arith.constant 1 : i32
      %dma_start3A_326 = arith.constant 1 : i32
      %dma_start3A_327 = arith.constant 0 : i32
      %dma_start3A_328 = arith.constant 0 : i32
      %dma_start3A_329 = tpu.memref_slice %arg14[%dma_start3A_325, %dma_start3A_327, %dma_start3A_328] : memref<2x80x80xf32, #tpu.memory_space<vmem>> -> memref<1x80x80xf32, #tpu.memory_space<vmem>>
      %dma_start3A_330 = tpu.memref_squeeze %dma_start3A_329 : memref<1x80x80xf32, #tpu.memory_space<vmem>> -> memref<80x80xf32, #tpu.memory_space<vmem>>
      %dma_start3A_331 = arith.constant 0 : i32
      %dma_start3A_332 = tpu.memref_slice %arg10[%add3A_271, %dma_start3A_331] : memref<125x80xi32, #tpu.memory_space<vmem>> -> memref<1x80xi32, #tpu.memory_space<vmem>>
      %dma_start3A_333 = tpu.memref_squeeze %dma_start3A_332 : memref<1x80xi32, #tpu.memory_space<vmem>> -> memref<80xi32, #tpu.memory_space<vmem>>
      %dma_start3A_334 = arith.constant 0 : i32
      %dma_start3A_335 = arith.constant 0 : i32
      %dma_start3A_336 = tpu.memref_slice %arg15[%dma_start3A_334, %dma_start3A_335] : memref<12000x80xf32, #tpu.memory_space<vmem_shared>> -> memref<12000x80xf32, #tpu.memory_space<vmem_shared>>
      %dma_start3A_337 = tpu.memref_slice %arg17[%dma_start3A_326] : memref<2x!tpu.dma_semaphore, #tpu.memory_space<semaphore_mem>> -> memref<1x!tpu.dma_semaphore, #tpu.memory_space<semaphore_mem>>
      %dma_start3A_338 = tpu.memref_squeeze %dma_start3A_337 : memref<1x!tpu.dma_semaphore, #tpu.memory_space<semaphore_mem>> -> memref<!tpu.dma_semaphore, #tpu.memory_space<semaphore_mem>>
      tpu.enqueue_indirect_dma source(%dma_start3A_330 : memref<80x80xf32, #tpu.memory_space<vmem>>) target(%dma_start3A_336 : memref<12000x80xf32, #tpu.memory_space<vmem_shared>>) offsets(%dma_start3A_333 : memref<80xi32, #tpu.memory_space<vmem>>) semaphore(%dma_start3A_338 : memref<!tpu.dma_semaphore, #tpu.memory_space<semaphore_mem>>) {add = true}
      %add3A_339 = arith.constant 2 : i32
      %add3A_340 = arith.addi %add3A_204, %add3A_339 : i32
      %add3A_341 = arith.constant 3 : i32
      %add3A_342 = arith.addi %add3A_340, %add3A_341 : i32
      %lt3A_343 = arith.constant 125 : i32
      %lt3A_344 = arith.cmpi slt, %add3A_342, %lt3A_343 : i32
      %convert_element_type3A_345 = arith.extui %lt3A_344 : i1 to i32
      %cond3A_346 = arith.constant 0 : i32
      %cond3A_347 = arith.cmpi ne, %convert_element_type3A_345, %cond3A_346 : i32
      scf.if %cond3A_347 {
        %add3A_477 = arith.constant 3 : i32
        %add3A_478 = arith.addi %add3A_340, %add3A_477 : i32
        %dma_start3A_479 = arith.constant 1 : i32
        %dma_start3A_480 = arith.constant 1 : i32
        %dma_start3A_481 = arith.constant 0 : i32
        %dma_start3A_482 = arith.constant 0 : i32
        %dma_start3A_483 = tpu.memref_slice %arg12[%dma_start3A_479, %dma_start3A_481, %dma_start3A_482] : memref<4x80x80xf32, #tpu.memory_space<vmem>> -> memref<1x80x80xf32, #tpu.memory_space<vmem>>
        %dma_start3A_484 = tpu.memref_squeeze %dma_start3A_483 : memref<1x80x80xf32, #tpu.memory_space<vmem>> -> memref<80x80xf32, #tpu.memory_space<vmem>>
        %dma_start3A_485 = arith.constant 0 : i32
        %dma_start3A_486 = tpu.memref_slice %arg9[%add3A_478, %dma_start3A_485] : memref<125x80xi32, #tpu.memory_space<vmem>> -> memref<1x80xi32, #tpu.memory_space<vmem>>
        %dma_start3A_487 = tpu.memref_squeeze %dma_start3A_486 : memref<1x80xi32, #tpu.memory_space<vmem>> -> memref<80xi32, #tpu.memory_space<vmem>>
        %dma_start3A_488 = arith.constant 0 : i32
        %dma_start3A_489 = arith.constant 0 : i32
        %dma_start3A_490 = tpu.memref_slice %arg2[%dma_start3A_488, %dma_start3A_489] : memref<10000x80xf32, #tpu.memory_space<hbm>> -> memref<10000x80xf32, #tpu.memory_space<hbm>>
        %dma_start3A_491 = tpu.memref_slice %arg16[%dma_start3A_480] : memref<4x!tpu.dma_semaphore, #tpu.memory_space<semaphore_mem>> -> memref<1x!tpu.dma_semaphore, #tpu.memory_space<semaphore_mem>>
        %dma_start3A_492 = tpu.memref_squeeze %dma_start3A_491 : memref<1x!tpu.dma_semaphore, #tpu.memory_space<semaphore_mem>> -> memref<!tpu.dma_semaphore, #tpu.memory_space<semaphore_mem>>
        tpu.enqueue_indirect_dma source(%dma_start3A_490 : memref<10000x80xf32, #tpu.memory_space<hbm>>) target(%dma_start3A_484 : memref<80x80xf32, #tpu.memory_space<vmem>>) offsets(%dma_start3A_487 : memref<80xi32, #tpu.memory_space<vmem>>) semaphore(%dma_start3A_492 : memref<!tpu.dma_semaphore, #tpu.memory_space<semaphore_mem>>)
        %dma_start3A_493 = arith.constant 1 : i32
        %dma_start3A_494 = arith.constant 1 : i32
        %dma_start3A_495 = arith.constant 0 : i32
        %dma_start3A_496 = arith.constant 0 : i32
        %dma_start3A_497 = tpu.memref_slice %arg13[%dma_start3A_493, %dma_start3A_495, %dma_start3A_496] : memref<4x80x16xf32, #tpu.memory_space<vmem>> -> memref<1x80x16xf32, #tpu.memory_space<vmem>>
        %dma_start3A_498 = tpu.memref_squeeze %dma_start3A_497 : memref<1x80x16xf32, #tpu.memory_space<vmem>> -> memref<80x16xf32, #tpu.memory_space<vmem>>
        %dma_start3A_499 = arith.constant 0 : i32
        %dma_start3A_500 = tpu.memref_slice %arg10[%add3A_478, %dma_start3A_499] : memref<125x80xi32, #tpu.memory_space<vmem>> -> memref<1x80xi32, #tpu.memory_space<vmem>>
        %dma_start3A_501 = tpu.memref_squeeze %dma_start3A_500 : memref<1x80xi32, #tpu.memory_space<vmem>> -> memref<80xi32, #tpu.memory_space<vmem>>
        %dma_start3A_502 = arith.constant 0 : i32
        %dma_start3A_503 = arith.constant 0 : i32
        %dma_start3A_504 = tpu.memref_slice %arg3[%dma_start3A_502, %dma_start3A_503] : memref<10000x16xf32, #tpu.memory_space<hbm>> -> memref<10000x16xf32, #tpu.memory_space<hbm>>
        %dma_start3A_505 = tpu.memref_slice %arg16[%dma_start3A_494] : memref<4x!tpu.dma_semaphore, #tpu.memory_space<semaphore_mem>> -> memref<1x!tpu.dma_semaphore, #tpu.memory_space<semaphore_mem>>
        %dma_start3A_506 = tpu.memref_squeeze %dma_start3A_505 : memref<1x!tpu.dma_semaphore, #tpu.memory_space<semaphore_mem>> -> memref<!tpu.dma_semaphore, #tpu.memory_space<semaphore_mem>>
        tpu.enqueue_indirect_dma source(%dma_start3A_504 : memref<10000x16xf32, #tpu.memory_space<hbm>>) target(%dma_start3A_498 : memref<80x16xf32, #tpu.memory_space<vmem>>) offsets(%dma_start3A_501 : memref<80xi32, #tpu.memory_space<vmem>>) semaphore(%dma_start3A_506 : memref<!tpu.dma_semaphore, #tpu.memory_space<semaphore_mem>>)
      } else {
      }
      %dma_wait3A_348 = arith.constant 0 : i32
      %dma_wait3A_349 = arith.constant 2 : i32
      %dma_wait3A_350 = arith.constant 2 : i32
      %dma_wait3A_351 = arith.constant 0 : i32
      %dma_wait3A_352 = arith.constant 0 : i32
      %dma_wait3A_353 = tpu.memref_slice %arg12[%dma_wait3A_349, %dma_wait3A_351, %dma_wait3A_352] : memref<4x80x80xf32, #tpu.memory_space<vmem>> -> memref<1x80x80xf32, #tpu.memory_space<vmem>>
      %dma_wait3A_354 = tpu.memref_squeeze %dma_wait3A_353 : memref<1x80x80xf32, #tpu.memory_space<vmem>> -> memref<80x80xf32, #tpu.memory_space<vmem>>
      %dma_wait3A_355 = arith.constant 0 : i32
      %dma_wait3A_356 = tpu.memref_slice %arg9[%dma_wait3A_348, %dma_wait3A_355] : memref<125x80xi32, #tpu.memory_space<vmem>> -> memref<1x80xi32, #tpu.memory_space<vmem>>
      %dma_wait3A_357 = tpu.memref_squeeze %dma_wait3A_356 : memref<1x80xi32, #tpu.memory_space<vmem>> -> memref<80xi32, #tpu.memory_space<vmem>>
      %dma_wait3A_358 = arith.constant 0 : i32
      %dma_wait3A_359 = arith.constant 0 : i32
      %dma_wait3A_360 = tpu.memref_slice %arg2[%dma_wait3A_358, %dma_wait3A_359] : memref<10000x80xf32, #tpu.memory_space<hbm>> -> memref<10000x80xf32, #tpu.memory_space<hbm>>
      %dma_wait3A_361 = tpu.memref_slice %arg16[%dma_wait3A_350] : memref<4x!tpu.dma_semaphore, #tpu.memory_space<semaphore_mem>> -> memref<1x!tpu.dma_semaphore, #tpu.memory_space<semaphore_mem>>
      %dma_wait3A_362 = tpu.memref_squeeze %dma_wait3A_361 : memref<1x!tpu.dma_semaphore, #tpu.memory_space<semaphore_mem>> -> memref<!tpu.dma_semaphore, #tpu.memory_space<semaphore_mem>>
      tpu.wait_indirect_dma semaphore(%dma_wait3A_362 : memref<!tpu.dma_semaphore, #tpu.memory_space<semaphore_mem>>) src(%dma_wait3A_360 : memref<10000x80xf32, #tpu.memory_space<hbm>>) dst(%dma_wait3A_354 : memref<80x80xf32, #tpu.memory_space<vmem>>)
      %dma_wait3A_363 = arith.constant 0 : i32
      %dma_wait3A_364 = arith.constant 2 : i32
      %dma_wait3A_365 = arith.constant 2 : i32
      %dma_wait3A_366 = arith.constant 0 : i32
      %dma_wait3A_367 = arith.constant 0 : i32
      %dma_wait3A_368 = tpu.memref_slice %arg13[%dma_wait3A_364, %dma_wait3A_366, %dma_wait3A_367] : memref<4x80x16xf32, #tpu.memory_space<vmem>> -> memref<1x80x16xf32, #tpu.memory_space<vmem>>
      %dma_wait3A_369 = tpu.memref_squeeze %dma_wait3A_368 : memref<1x80x16xf32, #tpu.memory_space<vmem>> -> memref<80x16xf32, #tpu.memory_space<vmem>>
      %dma_wait3A_370 = arith.constant 0 : i32
      %dma_wait3A_371 = tpu.memref_slice %arg9[%dma_wait3A_363, %dma_wait3A_370] : memref<125x80xi32, #tpu.memory_space<vmem>> -> memref<1x80xi32, #tpu.memory_space<vmem>>
      %dma_wait3A_372 = tpu.memref_squeeze %dma_wait3A_371 : memref<1x80xi32, #tpu.memory_space<vmem>> -> memref<80xi32, #tpu.memory_space<vmem>>
      %dma_wait3A_373 = arith.constant 0 : i32
      %dma_wait3A_374 = arith.constant 0 : i32
      %dma_wait3A_375 = tpu.memref_slice %arg3[%dma_wait3A_373, %dma_wait3A_374] : memref<10000x16xf32, #tpu.memory_space<hbm>> -> memref<10000x16xf32, #tpu.memory_space<hbm>>
      %dma_wait3A_376 = tpu.memref_slice %arg16[%dma_wait3A_365] : memref<4x!tpu.dma_semaphore, #tpu.memory_space<semaphore_mem>> -> memref<1x!tpu.dma_semaphore, #tpu.memory_space<semaphore_mem>>
      %dma_wait3A_377 = tpu.memref_squeeze %dma_wait3A_376 : memref<1x!tpu.dma_semaphore, #tpu.memory_space<semaphore_mem>> -> memref<!tpu.dma_semaphore, #tpu.memory_space<semaphore_mem>>
      tpu.wait_indirect_dma semaphore(%dma_wait3A_377 : memref<!tpu.dma_semaphore, #tpu.memory_space<semaphore_mem>>) src(%dma_wait3A_375 : memref<10000x16xf32, #tpu.memory_space<hbm>>) dst(%dma_wait3A_369 : memref<80x16xf32, #tpu.memory_space<vmem>>)
      %ge3A_378 = arith.constant 2 : i32
      %ge3A_379 = arith.cmpi sge, %add3A_340, %ge3A_378 : i32
      %convert_element_type3A_380 = arith.extui %ge3A_379 : i1 to i32
      %cond3A_381 = arith.constant 0 : i32
      %cond3A_382 = arith.cmpi ne, %convert_element_type3A_380, %cond3A_381 : i32
      scf.if %cond3A_382 {
        %dma_wait3A_477 = arith.constant 0 : i32
        %dma_wait3A_478 = arith.constant 0 : i32
        %dma_wait3A_479 = arith.constant 0 : i32
        %dma_wait3A_480 = arith.constant 0 : i32
        %dma_wait3A_481 = arith.constant 0 : i32
        %dma_wait3A_482 = tpu.memref_slice %arg14[%dma_wait3A_477, %dma_wait3A_480, %dma_wait3A_481] : memref<2x80x80xf32, #tpu.memory_space<vmem>> -> memref<1x80x80xf32, #tpu.memory_space<vmem>>
        %dma_wait3A_483 = tpu.memref_squeeze %dma_wait3A_482 : memref<1x80x80xf32, #tpu.memory_space<vmem>> -> memref<80x80xf32, #tpu.memory_space<vmem>>
        %dma_wait3A_484 = arith.constant 0 : i32
        %dma_wait3A_485 = tpu.memref_slice %arg10[%dma_wait3A_478, %dma_wait3A_484] : memref<125x80xi32, #tpu.memory_space<vmem>> -> memref<1x80xi32, #tpu.memory_space<vmem>>
        %dma_wait3A_486 = tpu.memref_squeeze %dma_wait3A_485 : memref<1x80xi32, #tpu.memory_space<vmem>> -> memref<80xi32, #tpu.memory_space<vmem>>
        %dma_wait3A_487 = arith.constant 0 : i32
        %dma_wait3A_488 = arith.constant 0 : i32
        %dma_wait3A_489 = tpu.memref_slice %arg15[%dma_wait3A_487, %dma_wait3A_488] : memref<12000x80xf32, #tpu.memory_space<vmem_shared>> -> memref<12000x80xf32, #tpu.memory_space<vmem_shared>>
        %dma_wait3A_490 = tpu.memref_slice %arg17[%dma_wait3A_479] : memref<2x!tpu.dma_semaphore, #tpu.memory_space<semaphore_mem>> -> memref<1x!tpu.dma_semaphore, #tpu.memory_space<semaphore_mem>>
        %dma_wait3A_491 = tpu.memref_squeeze %dma_wait3A_490 : memref<1x!tpu.dma_semaphore, #tpu.memory_space<semaphore_mem>> -> memref<!tpu.dma_semaphore, #tpu.memory_space<semaphore_mem>>
        tpu.wait_indirect_dma semaphore(%dma_wait3A_491 : memref<!tpu.dma_semaphore, #tpu.memory_space<semaphore_mem>>) src(%dma_wait3A_483 : memref<80x80xf32, #tpu.memory_space<vmem>>) dst(%dma_wait3A_489 : memref<12000x80xf32, #tpu.memory_space<vmem_shared>>)
      } else {
      }
      %get3A_383 = arith.constant 0 : index
      %get3A_384 = tpu.vector_load %arg11[%get3A_383] {strides = array<i32>} : memref<16xf32, #tpu.memory_space<vmem>>, vector<16xf32>,
      %get3A_385 = vector.shape_cast %get3A_384 : vector<16xf32> to vector<16xf32>
      %scan3A_386 = arith.constant 2 : i32
      %scan3A_387 = arith.constant 2 : i32
      %scan3A_388 = arith.constant 0 : i32
      %scan3A_389 = arith.constant 0 : i32
      %scan3A_390 = arith.constant 80 : i32
      %scan3A_391 = arith.addi %scan3A_389, %scan3A_390 : i32
      %scan3A_392 = arith.constant 1 : i32
      scf.for %scan3A_477 = %scan3A_389 to %scan3A_391 step %scan3A_392  : i32 {
        %mul3A_478 = arith.constant 1 : i32
        %mul3A_479 = arith.muli %scan3A_477, %mul3A_478 : i32
        %add3A_480 = arith.constant 0 : i32
        %add3A_481 = arith.addi %add3A_480, %mul3A_479 : i32
        %get3A_482 = arith.constant 0 : i32
        %get3A_483 = arith.constant 0 : i32
        %get3A_484 = tpu.memref_slice %arg12[%scan3A_386, %get3A_482, %get3A_483] : memref<4x80x80xf32, #tpu.memory_space<vmem>> -> memref<1x80x80xf32, #tpu.memory_space<vmem>>
        %get3A_485 = tpu.memref_squeeze %get3A_484 : memref<1x80x80xf32, #tpu.memory_space<vmem>> -> memref<80x80xf32, #tpu.memory_space<vmem>>
        %get3A_486 = arith.index_cast %add3A_481 : i32 to index
        %get3A_487 = arith.constant 64 : index
        %get3A_488 = tpu.vector_load %get3A_485[%get3A_486, %get3A_487] {strides = array<i32>} : memref<80x80xf32, #tpu.memory_space<vmem>>, vector<1x16xf32>,
        %get3A_489 = vector.shape_cast %get3A_488 : vector<1x16xf32> to vector<16xf32>
        %get3A_490 = arith.constant 0 : i32
        %get3A_491 = arith.constant 0 : i32
        %get3A_492 = tpu.memref_slice %arg13[%scan3A_387, %get3A_490, %get3A_491] : memref<4x80x16xf32, #tpu.memory_space<vmem>> -> memref<1x80x16xf32, #tpu.memory_space<vmem>>
        %get3A_493 = tpu.memref_squeeze %get3A_492 : memref<1x80x16xf32, #tpu.memory_space<vmem>> -> memref<80x16xf32, #tpu.memory_space<vmem>>
        %get3A_494 = arith.index_cast %add3A_481 : i32 to index
        %get3A_495 = arith.constant 0 : index
        %get3A_496 = tpu.vector_load %get3A_493[%get3A_494, %get3A_495] {strides = array<i32>} : memref<80x16xf32, #tpu.memory_space<vmem>>, vector<1x16xf32>,
        %get3A_497 = vector.shape_cast %get3A_496 : vector<1x16xf32> to vector<16xf32>
        %add3A_498 = arith.addf %get3A_489, %get3A_497 : vector<16xf32>
        %ge3A_499 = arith.constant 0.000000e+00 : f32
        %ge3A_500 = vector.broadcast %ge3A_499 : f32 to vector<16xf32>
        %ge3A_501 = arith.cmpf oge, %add3A_498, %ge3A_500 : vector<16xf32>
        %mul3A_502 = arith.constant 2.000000e-01 : f32
        %mul3A_503 = vector.broadcast %mul3A_502 : f32 to vector<16xf32>
        %mul3A_504 = arith.mulf %mul3A_503, %add3A_498 : vector<16xf32>
        %select_n3A = arith.select %ge3A_501, %add3A_498, %mul3A_504 : vector<16xi1>, vector<16xf32>
        %sub3A = arith.subf %select_n3A, %get3A_385 : vector<16xf32>
        %exp3A = math.exp %sub3A : vector<16xf32>
        %swap3A = arith.constant 0 : i32
        %swap3A_505 = arith.constant 0 : i32
        %swap3A_506 = tpu.memref_slice %arg14[%scan3A_388, %swap3A, %swap3A_505] : memref<2x80x80xf32, #tpu.memory_space<vmem>> -> memref<1x80x80xf32, #tpu.memory_space<vmem>>
        %swap3A_507 = tpu.memref_squeeze %swap3A_506 : memref<1x80x80xf32, #tpu.memory_space<vmem>> -> memref<80x80xf32, #tpu.memory_space<vmem>>
        %swap3A_508 = arith.index_cast %add3A_481 : i32 to index
        %swap3A_509 = arith.constant 64 : index
        %swap3A_510 = tpu.vector_load %swap3A_507[%swap3A_508, %swap3A_509] {strides = array<i32>} : memref<80x80xf32, #tpu.memory_space<vmem>>, vector<1x16xf32>,
        %swap3A_511 = vector.shape_cast %swap3A_510 : vector<1x16xf32> to vector<16xf32>
        %swap3A_512 = vector.shape_cast %exp3A : vector<16xf32> to vector<1x16xf32>
        tpu.vector_store %swap3A_507[%swap3A_508, %swap3A_509], %swap3A_512 {strides = array<i32>} : memref<80x80xf32, #tpu.memory_space<vmem>>, vector<1x16xf32>,
        %get3A_513 = arith.constant 0 : i32
        %get3A_514 = arith.constant 0 : i32
        %get3A_515 = tpu.memref_slice %arg12[%scan3A_386, %get3A_513, %get3A_514] : memref<4x80x80xf32, #tpu.memory_space<vmem>> -> memref<1x80x80xf32, #tpu.memory_space<vmem>>
        %get3A_516 = tpu.memref_squeeze %get3A_515 : memref<1x80x80xf32, #tpu.memory_space<vmem>> -> memref<80x80xf32, #tpu.memory_space<vmem>>
        %get3A_517 = arith.index_cast %add3A_481 : i32 to index
        %get3A_518 = arith.constant 0 : index
        %get3A_519 = tpu.vector_load %get3A_516[%get3A_517, %get3A_518] {strides = array<i32>} : memref<80x80xf32, #tpu.memory_space<vmem>>, vector<1x16xf32>,
        %get3A_520 = vector.shape_cast %get3A_519 : vector<1x16xf32> to vector<16xf32>
        %mul3A_521 = arith.mulf %get3A_520, %exp3A : vector<16xf32>
        %swap3A_522 = arith.constant 0 : i32
        %swap3A_523 = arith.constant 0 : i32
        %swap3A_524 = tpu.memref_slice %arg14[%scan3A_388, %swap3A_522, %swap3A_523] : memref<2x80x80xf32, #tpu.memory_space<vmem>> -> memref<1x80x80xf32, #tpu.memory_space<vmem>>
        %swap3A_525 = tpu.memref_squeeze %swap3A_524 : memref<1x80x80xf32, #tpu.memory_space<vmem>> -> memref<80x80xf32, #tpu.memory_space<vmem>>
        %swap3A_526 = arith.index_cast %add3A_481 : i32 to index
        %swap3A_527 = arith.constant 0 : index
        %swap3A_528 = tpu.vector_load %swap3A_525[%swap3A_526, %swap3A_527] {strides = array<i32>} : memref<80x80xf32, #tpu.memory_space<vmem>>, vector<1x16xf32>,
        %swap3A_529 = vector.shape_cast %swap3A_528 : vector<1x16xf32> to vector<16xf32>
        %swap3A_530 = vector.shape_cast %mul3A_521 : vector<16xf32> to vector<1x16xf32>
        tpu.vector_store %swap3A_525[%swap3A_526, %swap3A_527], %swap3A_530 {strides = array<i32>} : memref<80x80xf32, #tpu.memory_space<vmem>>, vector<1x16xf32>,
        %get3A_531 = arith.constant 0 : i32
        %get3A_532 = arith.constant 0 : i32
        %get3A_533 = tpu.memref_slice %arg12[%scan3A_386, %get3A_531, %get3A_532] : memref<4x80x80xf32, #tpu.memory_space<vmem>> -> memref<1x80x80xf32, #tpu.memory_space<vmem>>
        %get3A_534 = tpu.memref_squeeze %get3A_533 : memref<1x80x80xf32, #tpu.memory_space<vmem>> -> memref<80x80xf32, #tpu.memory_space<vmem>>
        %get3A_535 = arith.index_cast %add3A_481 : i32 to index
        %get3A_536 = arith.constant 16 : index
        %get3A_537 = tpu.vector_load %get3A_534[%get3A_535, %get3A_536] {strides = array<i32>} : memref<80x80xf32, #tpu.memory_space<vmem>>, vector<1x16xf32>,
        %get3A_538 = vector.shape_cast %get3A_537 : vector<1x16xf32> to vector<16xf32>
        %mul3A_539 = arith.mulf %get3A_538, %exp3A : vector<16xf32>
        %swap3A_540 = arith.constant 0 : i32
        %swap3A_541 = arith.constant 0 : i32
        %swap3A_542 = tpu.memref_slice %arg14[%scan3A_388, %swap3A_540, %swap3A_541] : memref<2x80x80xf32, #tpu.memory_space<vmem>> -> memref<1x80x80xf32, #tpu.memory_space<vmem>>
        %swap3A_543 = tpu.memref_squeeze %swap3A_542 : memref<1x80x80xf32, #tpu.memory_space<vmem>> -> memref<80x80xf32, #tpu.memory_space<vmem>>
        %swap3A_544 = arith.index_cast %add3A_481 : i32 to index
        %swap3A_545 = arith.constant 16 : index
        %swap3A_546 = tpu.vector_load %swap3A_543[%swap3A_544, %swap3A_545] {strides = array<i32>} : memref<80x80xf32, #tpu.memory_space<vmem>>, vector<1x16xf32>,
        %swap3A_547 = vector.shape_cast %swap3A_546 : vector<1x16xf32> to vector<16xf32>
        %swap3A_548 = vector.shape_cast %mul3A_539 : vector<16xf32> to vector<1x16xf32>
        tpu.vector_store %swap3A_543[%swap3A_544, %swap3A_545], %swap3A_548 {strides = array<i32>} : memref<80x80xf32, #tpu.memory_space<vmem>>, vector<1x16xf32>,
        %get3A_549 = arith.constant 0 : i32
        %get3A_550 = arith.constant 0 : i32
        %get3A_551 = tpu.memref_slice %arg12[%scan3A_386, %get3A_549, %get3A_550] : memref<4x80x80xf32, #tpu.memory_space<vmem>> -> memref<1x80x80xf32, #tpu.memory_space<vmem>>
        %get3A_552 = tpu.memref_squeeze %get3A_551 : memref<1x80x80xf32, #tpu.memory_space<vmem>> -> memref<80x80xf32, #tpu.memory_space<vmem>>
        %get3A_553 = arith.index_cast %add3A_481 : i32 to index
        %get3A_554 = arith.constant 32 : index
        %get3A_555 = tpu.vector_load %get3A_552[%get3A_553, %get3A_554] {strides = array<i32>} : memref<80x80xf32, #tpu.memory_space<vmem>>, vector<1x16xf32>,
        %get3A_556 = vector.shape_cast %get3A_555 : vector<1x16xf32> to vector<16xf32>
        %mul3A_557 = arith.mulf %get3A_556, %exp3A : vector<16xf32>
        %swap3A_558 = arith.constant 0 : i32
        %swap3A_559 = arith.constant 0 : i32
        %swap3A_560 = tpu.memref_slice %arg14[%scan3A_388, %swap3A_558, %swap3A_559] : memref<2x80x80xf32, #tpu.memory_space<vmem>> -> memref<1x80x80xf32, #tpu.memory_space<vmem>>
        %swap3A_561 = tpu.memref_squeeze %swap3A_560 : memref<1x80x80xf32, #tpu.memory_space<vmem>> -> memref<80x80xf32, #tpu.memory_space<vmem>>
        %swap3A_562 = arith.index_cast %add3A_481 : i32 to index
        %swap3A_563 = arith.constant 32 : index
        %swap3A_564 = tpu.vector_load %swap3A_561[%swap3A_562, %swap3A_563] {strides = array<i32>} : memref<80x80xf32, #tpu.memory_space<vmem>>, vector<1x16xf32>,
        %swap3A_565 = vector.shape_cast %swap3A_564 : vector<1x16xf32> to vector<16xf32>
        %swap3A_566 = vector.shape_cast %mul3A_557 : vector<16xf32> to vector<1x16xf32>
        tpu.vector_store %swap3A_561[%swap3A_562, %swap3A_563], %swap3A_566 {strides = array<i32>} : memref<80x80xf32, #tpu.memory_space<vmem>>, vector<1x16xf32>,
        %get3A_567 = arith.constant 0 : i32
        %get3A_568 = arith.constant 0 : i32
        %get3A_569 = tpu.memref_slice %arg12[%scan3A_386, %get3A_567, %get3A_568] : memref<4x80x80xf32, #tpu.memory_space<vmem>> -> memref<1x80x80xf32, #tpu.memory_space<vmem>>
        %get3A_570 = tpu.memref_squeeze %get3A_569 : memref<1x80x80xf32, #tpu.memory_space<vmem>> -> memref<80x80xf32, #tpu.memory_space<vmem>>
        %get3A_571 = arith.index_cast %add3A_481 : i32 to index
        %get3A_572 = arith.constant 48 : index
        %get3A_573 = tpu.vector_load %get3A_570[%get3A_571, %get3A_572] {strides = array<i32>} : memref<80x80xf32, #tpu.memory_space<vmem>>, vector<1x16xf32>,
        %get3A_574 = vector.shape_cast %get3A_573 : vector<1x16xf32> to vector<16xf32>
        %mul3A_575 = arith.mulf %get3A_574, %exp3A : vector<16xf32>
        %swap3A_576 = arith.constant 0 : i32
        %swap3A_577 = arith.constant 0 : i32
        %swap3A_578 = tpu.memref_slice %arg14[%scan3A_388, %swap3A_576, %swap3A_577] : memref<2x80x80xf32, #tpu.memory_space<vmem>> -> memref<1x80x80xf32, #tpu.memory_space<vmem>>
        %swap3A_579 = tpu.memref_squeeze %swap3A_578 : memref<1x80x80xf32, #tpu.memory_space<vmem>> -> memref<80x80xf32, #tpu.memory_space<vmem>>
        %swap3A_580 = arith.index_cast %add3A_481 : i32 to index
        %swap3A_581 = arith.constant 48 : index
        %swap3A_582 = tpu.vector_load %swap3A_579[%swap3A_580, %swap3A_581] {strides = array<i32>} : memref<80x80xf32, #tpu.memory_space<vmem>>, vector<1x16xf32>,
        %swap3A_583 = vector.shape_cast %swap3A_582 : vector<1x16xf32> to vector<16xf32>
        %swap3A_584 = vector.shape_cast %mul3A_575 : vector<16xf32> to vector<1x16xf32>
        tpu.vector_store %swap3A_579[%swap3A_580, %swap3A_581], %swap3A_584 {strides = array<i32>} : memref<80x80xf32, #tpu.memory_space<vmem>>, vector<1x16xf32>,
      }
      %scan3A_393 = arith.constant 80 : i32
      %dma_start3A_394 = arith.constant 0 : i32
      %dma_start3A_395 = arith.constant 0 : i32
      %dma_start3A_396 = arith.constant 0 : i32
      %dma_start3A_397 = arith.constant 0 : i32
      %dma_start3A_398 = tpu.memref_slice %arg14[%dma_start3A_394, %dma_start3A_396, %dma_start3A_397] : memref<2x80x80xf32, #tpu.memory_space<vmem>> -> memref<1x80x80xf32, #tpu.memory_space<vmem>>
      %dma_start3A_399 = tpu.memref_squeeze %dma_start3A_398 : memref<1x80x80xf32, #tpu.memory_space<vmem>> -> memref<80x80xf32, #tpu.memory_space<vmem>>
      %dma_start3A_400 = arith.constant 0 : i32
      %dma_start3A_401 = tpu.memref_slice %arg10[%add3A_340, %dma_start3A_400] : memref<125x80xi32, #tpu.memory_space<vmem>> -> memref<1x80xi32, #tpu.memory_space<vmem>>
      %dma_start3A_402 = tpu.memref_squeeze %dma_start3A_401 : memref<1x80xi32, #tpu.memory_space<vmem>> -> memref<80xi32, #tpu.memory_space<vmem>>
      %dma_start3A_403 = arith.constant 0 : i32
      %dma_start3A_404 = arith.constant 0 : i32
      %dma_start3A_405 = tpu.memref_slice %arg15[%dma_start3A_403, %dma_start3A_404] : memref<12000x80xf32, #tpu.memory_space<vmem_shared>> -> memref<12000x80xf32, #tpu.memory_space<vmem_shared>>
      %dma_start3A_406 = tpu.memref_slice %arg17[%dma_start3A_395] : memref<2x!tpu.dma_semaphore, #tpu.memory_space<semaphore_mem>> -> memref<1x!tpu.dma_semaphore, #tpu.memory_space<semaphore_mem>>
      %dma_start3A_407 = tpu.memref_squeeze %dma_start3A_406 : memref<1x!tpu.dma_semaphore, #tpu.memory_space<semaphore_mem>> -> memref<!tpu.dma_semaphore, #tpu.memory_space<semaphore_mem>>
      tpu.enqueue_indirect_dma source(%dma_start3A_399 : memref<80x80xf32, #tpu.memory_space<vmem>>) target(%dma_start3A_405 : memref<12000x80xf32, #tpu.memory_space<vmem_shared>>) offsets(%dma_start3A_402 : memref<80xi32, #tpu.memory_space<vmem>>) semaphore(%dma_start3A_407 : memref<!tpu.dma_semaphore, #tpu.memory_space<semaphore_mem>>) {add = true}
      %add3A_408 = arith.constant 3 : i32
      %add3A_409 = arith.addi %add3A_204, %add3A_408 : i32
      %add3A_410 = arith.constant 3 : i32
      %add3A_411 = arith.addi %add3A_409, %add3A_410 : i32
      %lt3A_412 = arith.constant 125 : i32
      %lt3A_413 = arith.cmpi slt, %add3A_411, %lt3A_412 : i32
      %convert_element_type3A_414 = arith.extui %lt3A_413 : i1 to i32
      %cond3A_415 = arith.constant 0 : i32
      %cond3A_416 = arith.cmpi ne, %convert_element_type3A_414, %cond3A_415 : i32
      scf.if %cond3A_416 {
        %add3A_477 = arith.constant 3 : i32
        %add3A_478 = arith.addi %add3A_409, %add3A_477 : i32
        %dma_start3A_479 = arith.constant 2 : i32
        %dma_start3A_480 = arith.constant 2 : i32
        %dma_start3A_481 = arith.constant 0 : i32
        %dma_start3A_482 = arith.constant 0 : i32
        %dma_start3A_483 = tpu.memref_slice %arg12[%dma_start3A_479, %dma_start3A_481, %dma_start3A_482] : memref<4x80x80xf32, #tpu.memory_space<vmem>> -> memref<1x80x80xf32, #tpu.memory_space<vmem>>
        %dma_start3A_484 = tpu.memref_squeeze %dma_start3A_483 : memref<1x80x80xf32, #tpu.memory_space<vmem>> -> memref<80x80xf32, #tpu.memory_space<vmem>>
        %dma_start3A_485 = arith.constant 0 : i32
        %dma_start3A_486 = tpu.memref_slice %arg9[%add3A_478, %dma_start3A_485] : memref<125x80xi32, #tpu.memory_space<vmem>> -> memref<1x80xi32, #tpu.memory_space<vmem>>
        %dma_start3A_487 = tpu.memref_squeeze %dma_start3A_486 : memref<1x80xi32, #tpu.memory_space<vmem>> -> memref<80xi32, #tpu.memory_space<vmem>>
        %dma_start3A_488 = arith.constant 0 : i32
        %dma_start3A_489 = arith.constant 0 : i32
        %dma_start3A_490 = tpu.memref_slice %arg2[%dma_start3A_488, %dma_start3A_489] : memref<10000x80xf32, #tpu.memory_space<hbm>> -> memref<10000x80xf32, #tpu.memory_space<hbm>>
        %dma_start3A_491 = tpu.memref_slice %arg16[%dma_start3A_480] : memref<4x!tpu.dma_semaphore, #tpu.memory_space<semaphore_mem>> -> memref<1x!tpu.dma_semaphore, #tpu.memory_space<semaphore_mem>>
        %dma_start3A_492 = tpu.memref_squeeze %dma_start3A_491 : memref<1x!tpu.dma_semaphore, #tpu.memory_space<semaphore_mem>> -> memref<!tpu.dma_semaphore, #tpu.memory_space<semaphore_mem>>
        tpu.enqueue_indirect_dma source(%dma_start3A_490 : memref<10000x80xf32, #tpu.memory_space<hbm>>) target(%dma_start3A_484 : memref<80x80xf32, #tpu.memory_space<vmem>>) offsets(%dma_start3A_487 : memref<80xi32, #tpu.memory_space<vmem>>) semaphore(%dma_start3A_492 : memref<!tpu.dma_semaphore, #tpu.memory_space<semaphore_mem>>)
        %dma_start3A_493 = arith.constant 2 : i32
        %dma_start3A_494 = arith.constant 2 : i32
        %dma_start3A_495 = arith.constant 0 : i32
        %dma_start3A_496 = arith.constant 0 : i32
        %dma_start3A_497 = tpu.memref_slice %arg13[%dma_start3A_493, %dma_start3A_495, %dma_start3A_496] : memref<4x80x16xf32, #tpu.memory_space<vmem>> -> memref<1x80x16xf32, #tpu.memory_space<vmem>>
        %dma_start3A_498 = tpu.memref_squeeze %dma_start3A_497 : memref<1x80x16xf32, #tpu.memory_space<vmem>> -> memref<80x16xf32, #tpu.memory_space<vmem>>
        %dma_start3A_499 = arith.constant 0 : i32
        %dma_start3A_500 = tpu.memref_slice %arg10[%add3A_478, %dma_start3A_499] : memref<125x80xi32, #tpu.memory_space<vmem>> -> memref<1x80xi32, #tpu.memory_space<vmem>>
        %dma_start3A_501 = tpu.memref_squeeze %dma_start3A_500 : memref<1x80xi32, #tpu.memory_space<vmem>> -> memref<80xi32, #tpu.memory_space<vmem>>
        %dma_start3A_502 = arith.constant 0 : i32
        %dma_start3A_503 = arith.constant 0 : i32
        %dma_start3A_504 = tpu.memref_slice %arg3[%dma_start3A_502, %dma_start3A_503] : memref<10000x16xf32, #tpu.memory_space<hbm>> -> memref<10000x16xf32, #tpu.memory_space<hbm>>
        %dma_start3A_505 = tpu.memref_slice %arg16[%dma_start3A_494] : memref<4x!tpu.dma_semaphore, #tpu.memory_space<semaphore_mem>> -> memref<1x!tpu.dma_semaphore, #tpu.memory_space<semaphore_mem>>
        %dma_start3A_506 = tpu.memref_squeeze %dma_start3A_505 : memref<1x!tpu.dma_semaphore, #tpu.memory_space<semaphore_mem>> -> memref<!tpu.dma_semaphore, #tpu.memory_space<semaphore_mem>>
        tpu.enqueue_indirect_dma source(%dma_start3A_504 : memref<10000x16xf32, #tpu.memory_space<hbm>>) target(%dma_start3A_498 : memref<80x16xf32, #tpu.memory_space<vmem>>) offsets(%dma_start3A_501 : memref<80xi32, #tpu.memory_space<vmem>>) semaphore(%dma_start3A_506 : memref<!tpu.dma_semaphore, #tpu.memory_space<semaphore_mem>>)
      } else {
      }
      %dma_wait3A_417 = arith.constant 0 : i32
      %dma_wait3A_418 = arith.constant 3 : i32
      %dma_wait3A_419 = arith.constant 3 : i32
      %dma_wait3A_420 = arith.constant 0 : i32
      %dma_wait3A_421 = arith.constant 0 : i32
      %dma_wait3A_422 = tpu.memref_slice %arg12[%dma_wait3A_418, %dma_wait3A_420, %dma_wait3A_421] : memref<4x80x80xf32, #tpu.memory_space<vmem>> -> memref<1x80x80xf32, #tpu.memory_space<vmem>>
      %dma_wait3A_423 = tpu.memref_squeeze %dma_wait3A_422 : memref<1x80x80xf32, #tpu.memory_space<vmem>> -> memref<80x80xf32, #tpu.memory_space<vmem>>
      %dma_wait3A_424 = arith.constant 0 : i32
      %dma_wait3A_425 = tpu.memref_slice %arg9[%dma_wait3A_417, %dma_wait3A_424] : memref<125x80xi32, #tpu.memory_space<vmem>> -> memref<1x80xi32, #tpu.memory_space<vmem>>
      %dma_wait3A_426 = tpu.memref_squeeze %dma_wait3A_425 : memref<1x80xi32, #tpu.memory_space<vmem>> -> memref<80xi32, #tpu.memory_space<vmem>>
      %dma_wait3A_427 = arith.constant 0 : i32
      %dma_wait3A_428 = arith.constant 0 : i32
      %dma_wait3A_429 = tpu.memref_slice %arg2[%dma_wait3A_427, %dma_wait3A_428] : memref<10000x80xf32, #tpu.memory_space<hbm>> -> memref<10000x80xf32, #tpu.memory_space<hbm>>
      %dma_wait3A_430 = tpu.memref_slice %arg16[%dma_wait3A_419] : memref<4x!tpu.dma_semaphore, #tpu.memory_space<semaphore_mem>> -> memref<1x!tpu.dma_semaphore, #tpu.memory_space<semaphore_mem>>
      %dma_wait3A_431 = tpu.memref_squeeze %dma_wait3A_430 : memref<1x!tpu.dma_semaphore, #tpu.memory_space<semaphore_mem>> -> memref<!tpu.dma_semaphore, #tpu.memory_space<semaphore_mem>>
      tpu.wait_indirect_dma semaphore(%dma_wait3A_431 : memref<!tpu.dma_semaphore, #tpu.memory_space<semaphore_mem>>) src(%dma_wait3A_429 : memref<10000x80xf32, #tpu.memory_space<hbm>>) dst(%dma_wait3A_423 : memref<80x80xf32, #tpu.memory_space<vmem>>)
      %dma_wait3A_432 = arith.constant 0 : i32
      %dma_wait3A_433 = arith.constant 3 : i32
      %dma_wait3A_434 = arith.constant 3 : i32
      %dma_wait3A_435 = arith.constant 0 : i32
      %dma_wait3A_436 = arith.constant 0 : i32
      %dma_wait3A_437 = tpu.memref_slice %arg13[%dma_wait3A_433, %dma_wait3A_435, %dma_wait3A_436] : memref<4x80x16xf32, #tpu.memory_space<vmem>> -> memref<1x80x16xf32, #tpu.memory_space<vmem>>
      %dma_wait3A_438 = tpu.memref_squeeze %dma_wait3A_437 : memref<1x80x16xf32, #tpu.memory_space<vmem>> -> memref<80x16xf32, #tpu.memory_space<vmem>>
      %dma_wait3A_439 = arith.constant 0 : i32
      %dma_wait3A_440 = tpu.memref_slice %arg9[%dma_wait3A_432, %dma_wait3A_439] : memref<125x80xi32, #tpu.memory_space<vmem>> -> memref<1x80xi32, #tpu.memory_space<vmem>>
      %dma_wait3A_441 = tpu.memref_squeeze %dma_wait3A_440 : memref<1x80xi32, #tpu.memory_space<vmem>> -> memref<80xi32, #tpu.memory_space<vmem>>
      %dma_wait3A_442 = arith.constant 0 : i32
      %dma_wait3A_443 = arith.constant 0 : i32
      %dma_wait3A_444 = tpu.memref_slice %arg3[%dma_wait3A_442, %dma_wait3A_443] : memref<10000x16xf32, #tpu.memory_space<hbm>> -> memref<10000x16xf32, #tpu.memory_space<hbm>>
      %dma_wait3A_445 = tpu.memref_slice %arg16[%dma_wait3A_434] : memref<4x!tpu.dma_semaphore, #tpu.memory_space<semaphore_mem>> -> memref<1x!tpu.dma_semaphore, #tpu.memory_space<semaphore_mem>>
      %dma_wait3A_446 = tpu.memref_squeeze %dma_wait3A_445 : memref<1x!tpu.dma_semaphore, #tpu.memory_space<semaphore_mem>> -> memref<!tpu.dma_semaphore, #tpu.memory_space<semaphore_mem>>
      tpu.wait_indirect_dma semaphore(%dma_wait3A_446 : memref<!tpu.dma_semaphore, #tpu.memory_space<semaphore_mem>>) src(%dma_wait3A_444 : memref<10000x16xf32, #tpu.memory_space<hbm>>) dst(%dma_wait3A_438 : memref<80x16xf32, #tpu.memory_space<vmem>>)
      %ge3A_447 = arith.constant 2 : i32
      %ge3A_448 = arith.cmpi sge, %add3A_409, %ge3A_447 : i32
      %convert_element_type3A_449 = arith.extui %ge3A_448 : i1 to i32
      %cond3A_450 = arith.constant 0 : i32
      %cond3A_451 = arith.cmpi ne, %convert_element_type3A_449, %cond3A_450 : i32
      scf.if %cond3A_451 {
        %dma_wait3A_477 = arith.constant 1 : i32
        %dma_wait3A_478 = arith.constant 0 : i32
        %dma_wait3A_479 = arith.constant 1 : i32
        %dma_wait3A_480 = arith.constant 0 : i32
        %dma_wait3A_481 = arith.constant 0 : i32
        %dma_wait3A_482 = tpu.memref_slice %arg14[%dma_wait3A_477, %dma_wait3A_480, %dma_wait3A_481] : memref<2x80x80xf32, #tpu.memory_space<vmem>> -> memref<1x80x80xf32, #tpu.memory_space<vmem>>
        %dma_wait3A_483 = tpu.memref_squeeze %dma_wait3A_482 : memref<1x80x80xf32, #tpu.memory_space<vmem>> -> memref<80x80xf32, #tpu.memory_space<vmem>>
        %dma_wait3A_484 = arith.constant 0 : i32
        %dma_wait3A_485 = tpu.memref_slice %arg10[%dma_wait3A_478, %dma_wait3A_484] : memref<125x80xi32, #tpu.memory_space<vmem>> -> memref<1x80xi32, #tpu.memory_space<vmem>>
        %dma_wait3A_486 = tpu.memref_squeeze %dma_wait3A_485 : memref<1x80xi32, #tpu.memory_space<vmem>> -> memref<80xi32, #tpu.memory_space<vmem>>
        %dma_wait3A_487 = arith.constant 0 : i32
        %dma_wait3A_488 = arith.constant 0 : i32
        %dma_wait3A_489 = tpu.memref_slice %arg15[%dma_wait3A_487, %dma_wait3A_488] : memref<12000x80xf32, #tpu.memory_space<vmem_shared>> -> memref<12000x80xf32, #tpu.memory_space<vmem_shared>>
        %dma_wait3A_490 = tpu.memref_slice %arg17[%dma_wait3A_479] : memref<2x!tpu.dma_semaphore, #tpu.memory_space<semaphore_mem>> -> memref<1x!tpu.dma_semaphore, #tpu.memory_space<semaphore_mem>>
        %dma_wait3A_491 = tpu.memref_squeeze %dma_wait3A_490 : memref<1x!tpu.dma_semaphore, #tpu.memory_space<semaphore_mem>> -> memref<!tpu.dma_semaphore, #tpu.memory_space<semaphore_mem>>
        tpu.wait_indirect_dma semaphore(%dma_wait3A_491 : memref<!tpu.dma_semaphore, #tpu.memory_space<semaphore_mem>>) src(%dma_wait3A_483 : memref<80x80xf32, #tpu.memory_space<vmem>>) dst(%dma_wait3A_489 : memref<12000x80xf32, #tpu.memory_space<vmem_shared>>)
      } else {
      }
      %get3A_452 = arith.constant 0 : index
      %get3A_453 = tpu.vector_load %arg11[%get3A_452] {strides = array<i32>} : memref<16xf32, #tpu.memory_space<vmem>>, vector<16xf32>,
      %get3A_454 = vector.shape_cast %get3A_453 : vector<16xf32> to vector<16xf32>
      %scan3A_455 = arith.constant 3 : i32
      %scan3A_456 = arith.constant 3 : i32
      %scan3A_457 = arith.constant 1 : i32
      %scan3A_458 = arith.constant 0 : i32
      %scan3A_459 = arith.constant 80 : i32
      %scan3A_460 = arith.addi %scan3A_458, %scan3A_459 : i32
      %scan3A_461 = arith.constant 1 : i32
      scf.for %scan3A_477 = %scan3A_458 to %scan3A_460 step %scan3A_461  : i32 {
        %mul3A_478 = arith.constant 1 : i32
        %mul3A_479 = arith.muli %scan3A_477, %mul3A_478 : i32
        %add3A_480 = arith.constant 0 : i32
        %add3A_481 = arith.addi %add3A_480, %mul3A_479 : i32
        %get3A_482 = arith.constant 0 : i32
        %get3A_483 = arith.constant 0 : i32
        %get3A_484 = tpu.memref_slice %arg12[%scan3A_455, %get3A_482, %get3A_483] : memref<4x80x80xf32, #tpu.memory_space<vmem>> -> memref<1x80x80xf32, #tpu.memory_space<vmem>>
        %get3A_485 = tpu.memref_squeeze %get3A_484 : memref<1x80x80xf32, #tpu.memory_space<vmem>> -> memref<80x80xf32, #tpu.memory_space<vmem>>
        %get3A_486 = arith.index_cast %add3A_481 : i32 to index
        %get3A_487 = arith.constant 64 : index
        %get3A_488 = tpu.vector_load %get3A_485[%get3A_486, %get3A_487] {strides = array<i32>} : memref<80x80xf32, #tpu.memory_space<vmem>>, vector<1x16xf32>,
        %get3A_489 = vector.shape_cast %get3A_488 : vector<1x16xf32> to vector<16xf32>
        %get3A_490 = arith.constant 0 : i32
        %get3A_491 = arith.constant 0 : i32
        %get3A_492 = tpu.memref_slice %arg13[%scan3A_456, %get3A_490, %get3A_491] : memref<4x80x16xf32, #tpu.memory_space<vmem>> -> memref<1x80x16xf32, #tpu.memory_space<vmem>>
        %get3A_493 = tpu.memref_squeeze %get3A_492 : memref<1x80x16xf32, #tpu.memory_space<vmem>> -> memref<80x16xf32, #tpu.memory_space<vmem>>
        %get3A_494 = arith.index_cast %add3A_481 : i32 to index
        %get3A_495 = arith.constant 0 : index
        %get3A_496 = tpu.vector_load %get3A_493[%get3A_494, %get3A_495] {strides = array<i32>} : memref<80x16xf32, #tpu.memory_space<vmem>>, vector<1x16xf32>,
        %get3A_497 = vector.shape_cast %get3A_496 : vector<1x16xf32> to vector<16xf32>
        %add3A_498 = arith.addf %get3A_489, %get3A_497 : vector<16xf32>
        %ge3A_499 = arith.constant 0.000000e+00 : f32
        %ge3A_500 = vector.broadcast %ge3A_499 : f32 to vector<16xf32>
        %ge3A_501 = arith.cmpf oge, %add3A_498, %ge3A_500 : vector<16xf32>
        %mul3A_502 = arith.constant 2.000000e-01 : f32
        %mul3A_503 = vector.broadcast %mul3A_502 : f32 to vector<16xf32>
        %mul3A_504 = arith.mulf %mul3A_503, %add3A_498 : vector<16xf32>
        %select_n3A = arith.select %ge3A_501, %add3A_498, %mul3A_504 : vector<16xi1>, vector<16xf32>
        %sub3A = arith.subf %select_n3A, %get3A_454 : vector<16xf32>
        %exp3A = math.exp %sub3A : vector<16xf32>
        %swap3A = arith.constant 0 : i32
        %swap3A_505 = arith.constant 0 : i32
        %swap3A_506 = tpu.memref_slice %arg14[%scan3A_457, %swap3A, %swap3A_505] : memref<2x80x80xf32, #tpu.memory_space<vmem>> -> memref<1x80x80xf32, #tpu.memory_space<vmem>>
        %swap3A_507 = tpu.memref_squeeze %swap3A_506 : memref<1x80x80xf32, #tpu.memory_space<vmem>> -> memref<80x80xf32, #tpu.memory_space<vmem>>
        %swap3A_508 = arith.index_cast %add3A_481 : i32 to index
        %swap3A_509 = arith.constant 64 : index
        %swap3A_510 = tpu.vector_load %swap3A_507[%swap3A_508, %swap3A_509] {strides = array<i32>} : memref<80x80xf32, #tpu.memory_space<vmem>>, vector<1x16xf32>,
        %swap3A_511 = vector.shape_cast %swap3A_510 : vector<1x16xf32> to vector<16xf32>
        %swap3A_512 = vector.shape_cast %exp3A : vector<16xf32> to vector<1x16xf32>
        tpu.vector_store %swap3A_507[%swap3A_508, %swap3A_509], %swap3A_512 {strides = array<i32>} : memref<80x80xf32, #tpu.memory_space<vmem>>, vector<1x16xf32>,
        %get3A_513 = arith.constant 0 : i32
        %get3A_514 = arith.constant 0 : i32
        %get3A_515 = tpu.memref_slice %arg12[%scan3A_455, %get3A_513, %get3A_514] : memref<4x80x80xf32, #tpu.memory_space<vmem>> -> memref<1x80x80xf32, #tpu.memory_space<vmem>>
        %get3A_516 = tpu.memref_squeeze %get3A_515 : memref<1x80x80xf32, #tpu.memory_space<vmem>> -> memref<80x80xf32, #tpu.memory_space<vmem>>
        %get3A_517 = arith.index_cast %add3A_481 : i32 to index
        %get3A_518 = arith.constant 0 : index
        %get3A_519 = tpu.vector_load %get3A_516[%get3A_517, %get3A_518] {strides = array<i32>} : memref<80x80xf32, #tpu.memory_space<vmem>>, vector<1x16xf32>,
        %get3A_520 = vector.shape_cast %get3A_519 : vector<1x16xf32> to vector<16xf32>
        %mul3A_521 = arith.mulf %get3A_520, %exp3A : vector<16xf32>
        %swap3A_522 = arith.constant 0 : i32
        %swap3A_523 = arith.constant 0 : i32
        %swap3A_524 = tpu.memref_slice %arg14[%scan3A_457, %swap3A_522, %swap3A_523] : memref<2x80x80xf32, #tpu.memory_space<vmem>> -> memref<1x80x80xf32, #tpu.memory_space<vmem>>
        %swap3A_525 = tpu.memref_squeeze %swap3A_524 : memref<1x80x80xf32, #tpu.memory_space<vmem>> -> memref<80x80xf32, #tpu.memory_space<vmem>>
        %swap3A_526 = arith.index_cast %add3A_481 : i32 to index
        %swap3A_527 = arith.constant 0 : index
        %swap3A_528 = tpu.vector_load %swap3A_525[%swap3A_526, %swap3A_527] {strides = array<i32>} : memref<80x80xf32, #tpu.memory_space<vmem>>, vector<1x16xf32>,
        %swap3A_529 = vector.shape_cast %swap3A_528 : vector<1x16xf32> to vector<16xf32>
        %swap3A_530 = vector.shape_cast %mul3A_521 : vector<16xf32> to vector<1x16xf32>
        tpu.vector_store %swap3A_525[%swap3A_526, %swap3A_527], %swap3A_530 {strides = array<i32>} : memref<80x80xf32, #tpu.memory_space<vmem>>, vector<1x16xf32>,
        %get3A_531 = arith.constant 0 : i32
        %get3A_532 = arith.constant 0 : i32
        %get3A_533 = tpu.memref_slice %arg12[%scan3A_455, %get3A_531, %get3A_532] : memref<4x80x80xf32, #tpu.memory_space<vmem>> -> memref<1x80x80xf32, #tpu.memory_space<vmem>>
        %get3A_534 = tpu.memref_squeeze %get3A_533 : memref<1x80x80xf32, #tpu.memory_space<vmem>> -> memref<80x80xf32, #tpu.memory_space<vmem>>
        %get3A_535 = arith.index_cast %add3A_481 : i32 to index
        %get3A_536 = arith.constant 16 : index
        %get3A_537 = tpu.vector_load %get3A_534[%get3A_535, %get3A_536] {strides = array<i32>} : memref<80x80xf32, #tpu.memory_space<vmem>>, vector<1x16xf32>,
        %get3A_538 = vector.shape_cast %get3A_537 : vector<1x16xf32> to vector<16xf32>
        %mul3A_539 = arith.mulf %get3A_538, %exp3A : vector<16xf32>
        %swap3A_540 = arith.constant 0 : i32
        %swap3A_541 = arith.constant 0 : i32
        %swap3A_542 = tpu.memref_slice %arg14[%scan3A_457, %swap3A_540, %swap3A_541] : memref<2x80x80xf32, #tpu.memory_space<vmem>> -> memref<1x80x80xf32, #tpu.memory_space<vmem>>
        %swap3A_543 = tpu.memref_squeeze %swap3A_542 : memref<1x80x80xf32, #tpu.memory_space<vmem>> -> memref<80x80xf32, #tpu.memory_space<vmem>>
        %swap3A_544 = arith.index_cast %add3A_481 : i32 to index
        %swap3A_545 = arith.constant 16 : index
        %swap3A_546 = tpu.vector_load %swap3A_543[%swap3A_544, %swap3A_545] {strides = array<i32>} : memref<80x80xf32, #tpu.memory_space<vmem>>, vector<1x16xf32>,
        %swap3A_547 = vector.shape_cast %swap3A_546 : vector<1x16xf32> to vector<16xf32>
        %swap3A_548 = vector.shape_cast %mul3A_539 : vector<16xf32> to vector<1x16xf32>
        tpu.vector_store %swap3A_543[%swap3A_544, %swap3A_545], %swap3A_548 {strides = array<i32>} : memref<80x80xf32, #tpu.memory_space<vmem>>, vector<1x16xf32>,
        %get3A_549 = arith.constant 0 : i32
        %get3A_550 = arith.constant 0 : i32
        %get3A_551 = tpu.memref_slice %arg12[%scan3A_455, %get3A_549, %get3A_550] : memref<4x80x80xf32, #tpu.memory_space<vmem>> -> memref<1x80x80xf32, #tpu.memory_space<vmem>>
        %get3A_552 = tpu.memref_squeeze %get3A_551 : memref<1x80x80xf32, #tpu.memory_space<vmem>> -> memref<80x80xf32, #tpu.memory_space<vmem>>
        %get3A_553 = arith.index_cast %add3A_481 : i32 to index
        %get3A_554 = arith.constant 32 : index
        %get3A_555 = tpu.vector_load %get3A_552[%get3A_553, %get3A_554] {strides = array<i32>} : memref<80x80xf32, #tpu.memory_space<vmem>>, vector<1x16xf32>,
        %get3A_556 = vector.shape_cast %get3A_555 : vector<1x16xf32> to vector<16xf32>
        %mul3A_557 = arith.mulf %get3A_556, %exp3A : vector<16xf32>
        %swap3A_558 = arith.constant 0 : i32
        %swap3A_559 = arith.constant 0 : i32
        %swap3A_560 = tpu.memref_slice %arg14[%scan3A_457, %swap3A_558, %swap3A_559] : memref<2x80x80xf32, #tpu.memory_space<vmem>> -> memref<1x80x80xf32, #tpu.memory_space<vmem>>
        %swap3A_561 = tpu.memref_squeeze %swap3A_560 : memref<1x80x80xf32, #tpu.memory_space<vmem>> -> memref<80x80xf32, #tpu.memory_space<vmem>>
        %swap3A_562 = arith.index_cast %add3A_481 : i32 to index
        %swap3A_563 = arith.constant 32 : index
        %swap3A_564 = tpu.vector_load %swap3A_561[%swap3A_562, %swap3A_563] {strides = array<i32>} : memref<80x80xf32, #tpu.memory_space<vmem>>, vector<1x16xf32>,
        %swap3A_565 = vector.shape_cast %swap3A_564 : vector<1x16xf32> to vector<16xf32>
        %swap3A_566 = vector.shape_cast %mul3A_557 : vector<16xf32> to vector<1x16xf32>
        tpu.vector_store %swap3A_561[%swap3A_562, %swap3A_563], %swap3A_566 {strides = array<i32>} : memref<80x80xf32, #tpu.memory_space<vmem>>, vector<1x16xf32>,
        %get3A_567 = arith.constant 0 : i32
        %get3A_568 = arith.constant 0 : i32
        %get3A_569 = tpu.memref_slice %arg12[%scan3A_455, %get3A_567, %get3A_568] : memref<4x80x80xf32, #tpu.memory_space<vmem>> -> memref<1x80x80xf32, #tpu.memory_space<vmem>>
        %get3A_570 = tpu.memref_squeeze %get3A_569 : memref<1x80x80xf32, #tpu.memory_space<vmem>> -> memref<80x80xf32, #tpu.memory_space<vmem>>
        %get3A_571 = arith.index_cast %add3A_481 : i32 to index
        %get3A_572 = arith.constant 48 : index
        %get3A_573 = tpu.vector_load %get3A_570[%get3A_571, %get3A_572] {strides = array<i32>} : memref<80x80xf32, #tpu.memory_space<vmem>>, vector<1x16xf32>,
        %get3A_574 = vector.shape_cast %get3A_573 : vector<1x16xf32> to vector<16xf32>
        %mul3A_575 = arith.mulf %get3A_574, %exp3A : vector<16xf32>
        %swap3A_576 = arith.constant 0 : i32
        %swap3A_577 = arith.constant 0 : i32
        %swap3A_578 = tpu.memref_slice %arg14[%scan3A_457, %swap3A_576, %swap3A_577] : memref<2x80x80xf32, #tpu.memory_space<vmem>> -> memref<1x80x80xf32, #tpu.memory_space<vmem>>
        %swap3A_579 = tpu.memref_squeeze %swap3A_578 : memref<1x80x80xf32, #tpu.memory_space<vmem>> -> memref<80x80xf32, #tpu.memory_space<vmem>>
        %swap3A_580 = arith.index_cast %add3A_481 : i32 to index
        %swap3A_581 = arith.constant 48 : index
        %swap3A_582 = tpu.vector_load %swap3A_579[%swap3A_580, %swap3A_581] {strides = array<i32>} : memref<80x80xf32, #tpu.memory_space<vmem>>, vector<1x16xf32>,
        %swap3A_583 = vector.shape_cast %swap3A_582 : vector<1x16xf32> to vector<16xf32>
        %swap3A_584 = vector.shape_cast %mul3A_575 : vector<16xf32> to vector<1x16xf32>
        tpu.vector_store %swap3A_579[%swap3A_580, %swap3A_581], %swap3A_584 {strides = array<i32>} : memref<80x80xf32, #tpu.memory_space<vmem>>, vector<1x16xf32>,
      }
      %scan3A_462 = arith.constant 80 : i32
      %dma_start3A_463 = arith.constant 1 : i32
      %dma_start3A_464 = arith.constant 1 : i32
      %dma_start3A_465 = arith.constant 0 : i32
      %dma_start3A_466 = arith.constant 0 : i32
      %dma_start3A_467 = tpu.memref_slice %arg14[%dma_start3A_463, %dma_start3A_465, %dma_start3A_466] : memref<2x80x80xf32, #tpu.memory_space<vmem>> -> memref<1x80x80xf32, #tpu.memory_space<vmem>>
      %dma_start3A_468 = tpu.memref_squeeze %dma_start3A_467 : memref<1x80x80xf32, #tpu.memory_space<vmem>> -> memref<80x80xf32, #tpu.memory_space<vmem>>
      %dma_start3A_469 = arith.constant 0 : i32
      %dma_start3A_470 = tpu.memref_slice %arg10[%add3A_409, %dma_start3A_469] : memref<125x80xi32, #tpu.memory_space<vmem>> -> memref<1x80xi32, #tpu.memory_space<vmem>>
      %dma_start3A_471 = tpu.memref_squeeze %dma_start3A_470 : memref<1x80xi32, #tpu.memory_space<vmem>> -> memref<80xi32, #tpu.memory_space<vmem>>
      %dma_start3A_472 = arith.constant 0 : i32
      %dma_start3A_473 = arith.constant 0 : i32
      %dma_start3A_474 = tpu.memref_slice %arg15[%dma_start3A_472, %dma_start3A_473] : memref<12000x80xf32, #tpu.memory_space<vmem_shared>> -> memref<12000x80xf32, #tpu.memory_space<vmem_shared>>
      %dma_start3A_475 = tpu.memref_slice %arg17[%dma_start3A_464] : memref<2x!tpu.dma_semaphore, #tpu.memory_space<semaphore_mem>> -> memref<1x!tpu.dma_semaphore, #tpu.memory_space<semaphore_mem>>
      %dma_start3A_476 = tpu.memref_squeeze %dma_start3A_475 : memref<1x!tpu.dma_semaphore, #tpu.memory_space<semaphore_mem>> -> memref<!tpu.dma_semaphore, #tpu.memory_space<semaphore_mem>>
      tpu.enqueue_indirect_dma source(%dma_start3A_468 : memref<80x80xf32, #tpu.memory_space<vmem>>) target(%dma_start3A_474 : memref<12000x80xf32, #tpu.memory_space<vmem_shared>>) offsets(%dma_start3A_471 : memref<80xi32, #tpu.memory_space<vmem>>) semaphore(%dma_start3A_476 : memref<!tpu.dma_semaphore, #tpu.memory_space<semaphore_mem>>) {add = true}
    }
    %scan3A_95 = arith.constant 31 : i32
    %dma_wait3A = arith.constant 0 : i32
    %dma_wait3A_96 = arith.constant 0 : i32
    %dma_wait3A_97 = arith.constant 0 : i32
    %dma_wait3A_98 = arith.constant 0 : i32
    %dma_wait3A_99 = arith.constant 0 : i32
    %dma_wait3A_100 = tpu.memref_slice %arg12[%dma_wait3A_96, %dma_wait3A_98, %dma_wait3A_99] : memref<4x80x80xf32, #tpu.memory_space<vmem>> -> memref<1x80x80xf32, #tpu.memory_space<vmem>>
    %dma_wait3A_101 = tpu.memref_squeeze %dma_wait3A_100 : memref<1x80x80xf32, #tpu.memory_space<vmem>> -> memref<80x80xf32, #tpu.memory_space<vmem>>
    %dma_wait3A_102 = arith.constant 0 : i32
    %dma_wait3A_103 = tpu.memref_slice %arg9[%dma_wait3A, %dma_wait3A_102] : memref<125x80xi32, #tpu.memory_space<vmem>> -> memref<1x80xi32, #tpu.memory_space<vmem>>
    %dma_wait3A_104 = tpu.memref_squeeze %dma_wait3A_103 : memref<1x80xi32, #tpu.memory_space<vmem>> -> memref<80xi32, #tpu.memory_space<vmem>>
    %dma_wait3A_105 = arith.constant 0 : i32
    %dma_wait3A_106 = arith.constant 0 : i32
    %dma_wait3A_107 = tpu.memref_slice %arg2[%dma_wait3A_105, %dma_wait3A_106] : memref<10000x80xf32, #tpu.memory_space<hbm>> -> memref<10000x80xf32, #tpu.memory_space<hbm>>
    %dma_wait3A_108 = tpu.memref_slice %arg16[%dma_wait3A_97] : memref<4x!tpu.dma_semaphore, #tpu.memory_space<semaphore_mem>> -> memref<1x!tpu.dma_semaphore, #tpu.memory_space<semaphore_mem>>
    %dma_wait3A_109 = tpu.memref_squeeze %dma_wait3A_108 : memref<1x!tpu.dma_semaphore, #tpu.memory_space<semaphore_mem>> -> memref<!tpu.dma_semaphore, #tpu.memory_space<semaphore_mem>>
    tpu.wait_indirect_dma semaphore(%dma_wait3A_109 : memref<!tpu.dma_semaphore, #tpu.memory_space<semaphore_mem>>) src(%dma_wait3A_107 : memref<10000x80xf32, #tpu.memory_space<hbm>>) dst(%dma_wait3A_101 : memref<80x80xf32, #tpu.memory_space<vmem>>)
    %dma_wait3A_110 = arith.constant 0 : i32
    %dma_wait3A_111 = arith.constant 0 : i32
    %dma_wait3A_112 = arith.constant 0 : i32
    %dma_wait3A_113 = arith.constant 0 : i32
    %dma_wait3A_114 = arith.constant 0 : i32
    %dma_wait3A_115 = tpu.memref_slice %arg13[%dma_wait3A_111, %dma_wait3A_113, %dma_wait3A_114] : memref<4x80x16xf32, #tpu.memory_space<vmem>> -> memref<1x80x16xf32, #tpu.memory_space<vmem>>
    %dma_wait3A_116 = tpu.memref_squeeze %dma_wait3A_115 : memref<1x80x16xf32, #tpu.memory_space<vmem>> -> memref<80x16xf32, #tpu.memory_space<vmem>>
    %dma_wait3A_117 = arith.constant 0 : i32
    %dma_wait3A_118 = tpu.memref_slice %arg9[%dma_wait3A_110, %dma_wait3A_117] : memref<125x80xi32, #tpu.memory_space<vmem>> -> memref<1x80xi32, #tpu.memory_space<vmem>>
    %dma_wait3A_119 = tpu.memref_squeeze %dma_wait3A_118 : memref<1x80xi32, #tpu.memory_space<vmem>> -> memref<80xi32, #tpu.memory_space<vmem>>
    %dma_wait3A_120 = arith.constant 0 : i32
    %dma_wait3A_121 = arith.constant 0 : i32
    %dma_wait3A_122 = tpu.memref_slice %arg3[%dma_wait3A_120, %dma_wait3A_121] : memref<10000x16xf32, #tpu.memory_space<hbm>> -> memref<10000x16xf32, #tpu.memory_space<hbm>>
    %dma_wait3A_123 = tpu.memref_slice %arg16[%dma_wait3A_112] : memref<4x!tpu.dma_semaphore, #tpu.memory_space<semaphore_mem>> -> memref<1x!tpu.dma_semaphore, #tpu.memory_space<semaphore_mem>>
    %dma_wait3A_124 = tpu.memref_squeeze %dma_wait3A_123 : memref<1x!tpu.dma_semaphore, #tpu.memory_space<semaphore_mem>> -> memref<!tpu.dma_semaphore, #tpu.memory_space<semaphore_mem>>
    tpu.wait_indirect_dma semaphore(%dma_wait3A_124 : memref<!tpu.dma_semaphore, #tpu.memory_space<semaphore_mem>>) src(%dma_wait3A_122 : memref<10000x16xf32, #tpu.memory_space<hbm>>) dst(%dma_wait3A_116 : memref<80x16xf32, #tpu.memory_space<vmem>>)
    %dma_wait3A_125 = arith.constant 0 : i32
    %dma_wait3A_126 = arith.constant 0 : i32
    %dma_wait3A_127 = arith.constant 0 : i32
    %dma_wait3A_128 = arith.constant 0 : i32
    %dma_wait3A_129 = arith.constant 0 : i32
    %dma_wait3A_130 = tpu.memref_slice %arg14[%dma_wait3A_125, %dma_wait3A_128, %dma_wait3A_129] : memref<2x80x80xf32, #tpu.memory_space<vmem>> -> memref<1x80x80xf32, #tpu.memory_space<vmem>>
    %dma_wait3A_131 = tpu.memref_squeeze %dma_wait3A_130 : memref<1x80x80xf32, #tpu.memory_space<vmem>> -> memref<80x80xf32, #tpu.memory_space<vmem>>
    %dma_wait3A_132 = arith.constant 0 : i32
    %dma_wait3A_133 = tpu.memref_slice %arg10[%dma_wait3A_126, %dma_wait3A_132] : memref<125x80xi32, #tpu.memory_space<vmem>> -> memref<1x80xi32, #tpu.memory_space<vmem>>
    %dma_wait3A_134 = tpu.memref_squeeze %dma_wait3A_133 : memref<1x80xi32, #tpu.memory_space<vmem>> -> memref<80xi32, #tpu.memory_space<vmem>>
    %dma_wait3A_135 = arith.constant 0 : i32
    %dma_wait3A_136 = arith.constant 0 : i32
    %dma_wait3A_137 = tpu.memref_slice %arg15[%dma_wait3A_135, %dma_wait3A_136] : memref<12000x80xf32, #tpu.memory_space<vmem_shared>> -> memref<12000x80xf32, #tpu.memory_space<vmem_shared>>
    %dma_wait3A_138 = tpu.memref_slice %arg17[%dma_wait3A_127] : memref<2x!tpu.dma_semaphore, #tpu.memory_space<semaphore_mem>> -> memref<1x!tpu.dma_semaphore, #tpu.memory_space<semaphore_mem>>
    %dma_wait3A_139 = tpu.memref_squeeze %dma_wait3A_138 : memref<1x!tpu.dma_semaphore, #tpu.memory_space<semaphore_mem>> -> memref<!tpu.dma_semaphore, #tpu.memory_space<semaphore_mem>>
    tpu.wait_indirect_dma semaphore(%dma_wait3A_139 : memref<!tpu.dma_semaphore, #tpu.memory_space<semaphore_mem>>) src(%dma_wait3A_131 : memref<80x80xf32, #tpu.memory_space<vmem>>) dst(%dma_wait3A_137 : memref<12000x80xf32, #tpu.memory_space<vmem_shared>>)
    %get3A = arith.constant 0 : index
    %get3A_140 = tpu.vector_load %arg11[%get3A] {strides = array<i32>} : memref<16xf32, #tpu.memory_space<vmem>>, vector<16xf32>,
    %get3A_141 = vector.shape_cast %get3A_140 : vector<16xf32> to vector<16xf32>
    %scan3A_142 = arith.constant 0 : i32
    %scan3A_143 = arith.constant 0 : i32
    %scan3A_144 = arith.constant 0 : i32
    %scan3A_145 = arith.constant 0 : i32
    %scan3A_146 = arith.constant 80 : i32
    %scan3A_147 = arith.addi %scan3A_145, %scan3A_146 : i32
    %scan3A_148 = arith.constant 1 : i32
    scf.for %scan3A_200 = %scan3A_145 to %scan3A_147 step %scan3A_148  : i32 {
      %mul3A_201 = arith.constant 1 : i32
      %mul3A_202 = arith.muli %scan3A_200, %mul3A_201 : i32
      %add3A_203 = arith.constant 0 : i32
      %add3A_204 = arith.addi %add3A_203, %mul3A_202 : i32
      %get3A_205 = arith.constant 0 : i32
      %get3A_206 = arith.constant 0 : i32
      %get3A_207 = tpu.memref_slice %arg12[%scan3A_142, %get3A_205, %get3A_206] : memref<4x80x80xf32, #tpu.memory_space<vmem>> -> memref<1x80x80xf32, #tpu.memory_space<vmem>>
      %get3A_208 = tpu.memref_squeeze %get3A_207 : memref<1x80x80xf32, #tpu.memory_space<vmem>> -> memref<80x80xf32, #tpu.memory_space<vmem>>
      %get3A_209 = arith.index_cast %add3A_204 : i32 to index
      %get3A_210 = arith.constant 64 : index
      %get3A_211 = tpu.vector_load %get3A_208[%get3A_209, %get3A_210] {strides = array<i32>} : memref<80x80xf32, #tpu.memory_space<vmem>>, vector<1x16xf32>,
      %get3A_212 = vector.shape_cast %get3A_211 : vector<1x16xf32> to vector<16xf32>
      %get3A_213 = arith.constant 0 : i32
      %get3A_214 = arith.constant 0 : i32
      %get3A_215 = tpu.memref_slice %arg13[%scan3A_143, %get3A_213, %get3A_214] : memref<4x80x16xf32, #tpu.memory_space<vmem>> -> memref<1x80x16xf32, #tpu.memory_space<vmem>>
      %get3A_216 = tpu.memref_squeeze %get3A_215 : memref<1x80x16xf32, #tpu.memory_space<vmem>> -> memref<80x16xf32, #tpu.memory_space<vmem>>
      %get3A_217 = arith.index_cast %add3A_204 : i32 to index
      %get3A_218 = arith.constant 0 : index
      %get3A_219 = tpu.vector_load %get3A_216[%get3A_217, %get3A_218] {strides = array<i32>} : memref<80x16xf32, #tpu.memory_space<vmem>>, vector<1x16xf32>,
      %get3A_220 = vector.shape_cast %get3A_219 : vector<1x16xf32> to vector<16xf32>
      %add3A_221 = arith.addf %get3A_212, %get3A_220 : vector<16xf32>
      %ge3A = arith.constant 0.000000e+00 : f32
      %ge3A_222 = vector.broadcast %ge3A : f32 to vector<16xf32>
      %ge3A_223 = arith.cmpf oge, %add3A_221, %ge3A_222 : vector<16xf32>
      %mul3A_224 = arith.constant 2.000000e-01 : f32
      %mul3A_225 = vector.broadcast %mul3A_224 : f32 to vector<16xf32>
      %mul3A_226 = arith.mulf %mul3A_225, %add3A_221 : vector<16xf32>
      %select_n3A = arith.select %ge3A_223, %add3A_221, %mul3A_226 : vector<16xi1>, vector<16xf32>
      %sub3A = arith.subf %select_n3A, %get3A_141 : vector<16xf32>
      %exp3A = math.exp %sub3A : vector<16xf32>
      %swap3A = arith.constant 0 : i32
      %swap3A_227 = arith.constant 0 : i32
      %swap3A_228 = tpu.memref_slice %arg14[%scan3A_144, %swap3A, %swap3A_227] : memref<2x80x80xf32, #tpu.memory_space<vmem>> -> memref<1x80x80xf32, #tpu.memory_space<vmem>>
      %swap3A_229 = tpu.memref_squeeze %swap3A_228 : memref<1x80x80xf32, #tpu.memory_space<vmem>> -> memref<80x80xf32, #tpu.memory_space<vmem>>
      %swap3A_230 = arith.index_cast %add3A_204 : i32 to index
      %swap3A_231 = arith.constant 64 : index
      %swap3A_232 = tpu.vector_load %swap3A_229[%swap3A_230, %swap3A_231] {strides = array<i32>} : memref<80x80xf32, #tpu.memory_space<vmem>>, vector<1x16xf32>,
      %swap3A_233 = vector.shape_cast %swap3A_232 : vector<1x16xf32> to vector<16xf32>
      %swap3A_234 = vector.shape_cast %exp3A : vector<16xf32> to vector<1x16xf32>
      tpu.vector_store %swap3A_229[%swap3A_230, %swap3A_231], %swap3A_234 {strides = array<i32>} : memref<80x80xf32, #tpu.memory_space<vmem>>, vector<1x16xf32>,
      %get3A_235 = arith.constant 0 : i32
      %get3A_236 = arith.constant 0 : i32
      %get3A_237 = tpu.memref_slice %arg12[%scan3A_142, %get3A_235, %get3A_236] : memref<4x80x80xf32, #tpu.memory_space<vmem>> -> memref<1x80x80xf32, #tpu.memory_space<vmem>>
      %get3A_238 = tpu.memref_squeeze %get3A_237 : memref<1x80x80xf32, #tpu.memory_space<vmem>> -> memref<80x80xf32, #tpu.memory_space<vmem>>
      %get3A_239 = arith.index_cast %add3A_204 : i32 to index
      %get3A_240 = arith.constant 0 : index
      %get3A_241 = tpu.vector_load %get3A_238[%get3A_239, %get3A_240] {strides = array<i32>} : memref<80x80xf32, #tpu.memory_space<vmem>>, vector<1x16xf32>,
      %get3A_242 = vector.shape_cast %get3A_241 : vector<1x16xf32> to vector<16xf32>
      %mul3A_243 = arith.mulf %get3A_242, %exp3A : vector<16xf32>
      %swap3A_244 = arith.constant 0 : i32
      %swap3A_245 = arith.constant 0 : i32
      %swap3A_246 = tpu.memref_slice %arg14[%scan3A_144, %swap3A_244, %swap3A_245] : memref<2x80x80xf32, #tpu.memory_space<vmem>> -> memref<1x80x80xf32, #tpu.memory_space<vmem>>
      %swap3A_247 = tpu.memref_squeeze %swap3A_246 : memref<1x80x80xf32, #tpu.memory_space<vmem>> -> memref<80x80xf32, #tpu.memory_space<vmem>>
      %swap3A_248 = arith.index_cast %add3A_204 : i32 to index
      %swap3A_249 = arith.constant 0 : index
      %swap3A_250 = tpu.vector_load %swap3A_247[%swap3A_248, %swap3A_249] {strides = array<i32>} : memref<80x80xf32, #tpu.memory_space<vmem>>, vector<1x16xf32>,
      %swap3A_251 = vector.shape_cast %swap3A_250 : vector<1x16xf32> to vector<16xf32>
      %swap3A_252 = vector.shape_cast %mul3A_243 : vector<16xf32> to vector<1x16xf32>
      tpu.vector_store %swap3A_247[%swap3A_248, %swap3A_249], %swap3A_252 {strides = array<i32>} : memref<80x80xf32, #tpu.memory_space<vmem>>, vector<1x16xf32>,
      %get3A_253 = arith.constant 0 : i32
      %get3A_254 = arith.constant 0 : i32
      %get3A_255 = tpu.memref_slice %arg12[%scan3A_142, %get3A_253, %get3A_254] : memref<4x80x80xf32, #tpu.memory_space<vmem>> -> memref<1x80x80xf32, #tpu.memory_space<vmem>>
      %get3A_256 = tpu.memref_squeeze %get3A_255 : memref<1x80x80xf32, #tpu.memory_space<vmem>> -> memref<80x80xf32, #tpu.memory_space<vmem>>
      %get3A_257 = arith.index_cast %add3A_204 : i32 to index
      %get3A_258 = arith.constant 16 : index
      %get3A_259 = tpu.vector_load %get3A_256[%get3A_257, %get3A_258] {strides = array<i32>} : memref<80x80xf32, #tpu.memory_space<vmem>>, vector<1x16xf32>,
      %get3A_260 = vector.shape_cast %get3A_259 : vector<1x16xf32> to vector<16xf32>
      %mul3A_261 = arith.mulf %get3A_260, %exp3A : vector<16xf32>
      %swap3A_262 = arith.constant 0 : i32
      %swap3A_263 = arith.constant 0 : i32
      %swap3A_264 = tpu.memref_slice %arg14[%scan3A_144, %swap3A_262, %swap3A_263] : memref<2x80x80xf32, #tpu.memory_space<vmem>> -> memref<1x80x80xf32, #tpu.memory_space<vmem>>
      %swap3A_265 = tpu.memref_squeeze %swap3A_264 : memref<1x80x80xf32, #tpu.memory_space<vmem>> -> memref<80x80xf32, #tpu.memory_space<vmem>>
      %swap3A_266 = arith.index_cast %add3A_204 : i32 to index
      %swap3A_267 = arith.constant 16 : index
      %swap3A_268 = tpu.vector_load %swap3A_265[%swap3A_266, %swap3A_267] {strides = array<i32>} : memref<80x80xf32, #tpu.memory_space<vmem>>, vector<1x16xf32>,
      %swap3A_269 = vector.shape_cast %swap3A_268 : vector<1x16xf32> to vector<16xf32>
      %swap3A_270 = vector.shape_cast %mul3A_261 : vector<16xf32> to vector<1x16xf32>
      tpu.vector_store %swap3A_265[%swap3A_266, %swap3A_267], %swap3A_270 {strides = array<i32>} : memref<80x80xf32, #tpu.memory_space<vmem>>, vector<1x16xf32>,
      %get3A_271 = arith.constant 0 : i32
      %get3A_272 = arith.constant 0 : i32
      %get3A_273 = tpu.memref_slice %arg12[%scan3A_142, %get3A_271, %get3A_272] : memref<4x80x80xf32, #tpu.memory_space<vmem>> -> memref<1x80x80xf32, #tpu.memory_space<vmem>>
      %get3A_274 = tpu.memref_squeeze %get3A_273 : memref<1x80x80xf32, #tpu.memory_space<vmem>> -> memref<80x80xf32, #tpu.memory_space<vmem>>
      %get3A_275 = arith.index_cast %add3A_204 : i32 to index
      %get3A_276 = arith.constant 32 : index
      %get3A_277 = tpu.vector_load %get3A_274[%get3A_275, %get3A_276] {strides = array<i32>} : memref<80x80xf32, #tpu.memory_space<vmem>>, vector<1x16xf32>,
      %get3A_278 = vector.shape_cast %get3A_277 : vector<1x16xf32> to vector<16xf32>
      %mul3A_279 = arith.mulf %get3A_278, %exp3A : vector<16xf32>
      %swap3A_280 = arith.constant 0 : i32
      %swap3A_281 = arith.constant 0 : i32
      %swap3A_282 = tpu.memref_slice %arg14[%scan3A_144, %swap3A_280, %swap3A_281] : memref<2x80x80xf32, #tpu.memory_space<vmem>> -> memref<1x80x80xf32, #tpu.memory_space<vmem>>
      %swap3A_283 = tpu.memref_squeeze %swap3A_282 : memref<1x80x80xf32, #tpu.memory_space<vmem>> -> memref<80x80xf32, #tpu.memory_space<vmem>>
      %swap3A_284 = arith.index_cast %add3A_204 : i32 to index
      %swap3A_285 = arith.constant 32 : index
      %swap3A_286 = tpu.vector_load %swap3A_283[%swap3A_284, %swap3A_285] {strides = array<i32>} : memref<80x80xf32, #tpu.memory_space<vmem>>, vector<1x16xf32>,
      %swap3A_287 = vector.shape_cast %swap3A_286 : vector<1x16xf32> to vector<16xf32>
      %swap3A_288 = vector.shape_cast %mul3A_279 : vector<16xf32> to vector<1x16xf32>
      tpu.vector_store %swap3A_283[%swap3A_284, %swap3A_285], %swap3A_288 {strides = array<i32>} : memref<80x80xf32, #tpu.memory_space<vmem>>, vector<1x16xf32>,
      %get3A_289 = arith.constant 0 : i32
      %get3A_290 = arith.constant 0 : i32
      %get3A_291 = tpu.memref_slice %arg12[%scan3A_142, %get3A_289, %get3A_290] : memref<4x80x80xf32, #tpu.memory_space<vmem>> -> memref<1x80x80xf32, #tpu.memory_space<vmem>>
      %get3A_292 = tpu.memref_squeeze %get3A_291 : memref<1x80x80xf32, #tpu.memory_space<vmem>> -> memref<80x80xf32, #tpu.memory_space<vmem>>
      %get3A_293 = arith.index_cast %add3A_204 : i32 to index
      %get3A_294 = arith.constant 48 : index
      %get3A_295 = tpu.vector_load %get3A_292[%get3A_293, %get3A_294] {strides = array<i32>} : memref<80x80xf32, #tpu.memory_space<vmem>>, vector<1x16xf32>,
      %get3A_296 = vector.shape_cast %get3A_295 : vector<1x16xf32> to vector<16xf32>
      %mul3A_297 = arith.mulf %get3A_296, %exp3A : vector<16xf32>
      %swap3A_298 = arith.constant 0 : i32
      %swap3A_299 = arith.constant 0 : i32
      %swap3A_300 = tpu.memref_slice %arg14[%scan3A_144, %swap3A_298, %swap3A_299] : memref<2x80x80xf32, #tpu.memory_space<vmem>> -> memref<1x80x80xf32, #tpu.memory_space<vmem>>
      %swap3A_301 = tpu.memref_squeeze %swap3A_300 : memref<1x80x80xf32, #tpu.memory_space<vmem>> -> memref<80x80xf32, #tpu.memory_space<vmem>>
      %swap3A_302 = arith.index_cast %add3A_204 : i32 to index
      %swap3A_303 = arith.constant 48 : index
      %swap3A_304 = tpu.vector_load %swap3A_301[%swap3A_302, %swap3A_303] {strides = array<i32>} : memref<80x80xf32, #tpu.memory_space<vmem>>, vector<1x16xf32>,
      %swap3A_305 = vector.shape_cast %swap3A_304 : vector<1x16xf32> to vector<16xf32>
      %swap3A_306 = vector.shape_cast %mul3A_297 : vector<16xf32> to vector<1x16xf32>
      tpu.vector_store %swap3A_301[%swap3A_302, %swap3A_303], %swap3A_306 {strides = array<i32>} : memref<80x80xf32, #tpu.memory_space<vmem>>, vector<1x16xf32>,
    }
    %scan3A_149 = arith.constant 80 : i32
    %dma_start3A_150 = arith.constant 0 : i32
    %dma_start3A_151 = arith.constant 124 : i32
    %dma_start3A_152 = arith.constant 0 : i32
    %dma_start3A_153 = arith.constant 0 : i32
    %dma_start3A_154 = arith.constant 0 : i32
    %dma_start3A_155 = tpu.memref_slice %arg14[%dma_start3A_150, %dma_start3A_153, %dma_start3A_154] : memref<2x80x80xf32, #tpu.memory_space<vmem>> -> memref<1x80x80xf32, #tpu.memory_space<vmem>>
    %dma_start3A_156 = tpu.memref_squeeze %dma_start3A_155 : memref<1x80x80xf32, #tpu.memory_space<vmem>> -> memref<80x80xf32, #tpu.memory_space<vmem>>
    %dma_start3A_157 = arith.constant 0 : i32
    %dma_start3A_158 = tpu.memref_slice %arg10[%dma_start3A_151, %dma_start3A_157] : memref<125x80xi32, #tpu.memory_space<vmem>> -> memref<1x80xi32, #tpu.memory_space<vmem>>
    %dma_start3A_159 = tpu.memref_squeeze %dma_start3A_158 : memref<1x80xi32, #tpu.memory_space<vmem>> -> memref<80xi32, #tpu.memory_space<vmem>>
    %dma_start3A_160 = arith.constant 0 : i32
    %dma_start3A_161 = arith.constant 0 : i32
    %dma_start3A_162 = tpu.memref_slice %arg15[%dma_start3A_160, %dma_start3A_161] : memref<12000x80xf32, #tpu.memory_space<vmem_shared>> -> memref<12000x80xf32, #tpu.memory_space<vmem_shared>>
    %dma_start3A_163 = tpu.memref_slice %arg17[%dma_start3A_152] : memref<2x!tpu.dma_semaphore, #tpu.memory_space<semaphore_mem>> -> memref<1x!tpu.dma_semaphore, #tpu.memory_space<semaphore_mem>>
    %dma_start3A_164 = tpu.memref_squeeze %dma_start3A_163 : memref<1x!tpu.dma_semaphore, #tpu.memory_space<semaphore_mem>> -> memref<!tpu.dma_semaphore, #tpu.memory_space<semaphore_mem>>
    tpu.enqueue_indirect_dma source(%dma_start3A_156 : memref<80x80xf32, #tpu.memory_space<vmem>>) target(%dma_start3A_162 : memref<12000x80xf32, #tpu.memory_space<vmem_shared>>) offsets(%dma_start3A_159 : memref<80xi32, #tpu.memory_space<vmem>>) semaphore(%dma_start3A_164 : memref<!tpu.dma_semaphore, #tpu.memory_space<semaphore_mem>>) {add = true}
    %dma_wait3A_165 = arith.constant 1 : i32
    %dma_wait3A_166 = arith.constant 0 : i32
    %dma_wait3A_167 = arith.constant 1 : i32
    %dma_wait3A_168 = arith.constant 0 : i32
    %dma_wait3A_169 = arith.constant 0 : i32
    %dma_wait3A_170 = tpu.memref_slice %arg14[%dma_wait3A_165, %dma_wait3A_168, %dma_wait3A_169] : memref<2x80x80xf32, #tpu.memory_space<vmem>> -> memref<1x80x80xf32, #tpu.memory_space<vmem>>
    %dma_wait3A_171 = tpu.memref_squeeze %dma_wait3A_170 : memref<1x80x80xf32, #tpu.memory_space<vmem>> -> memref<80x80xf32, #tpu.memory_space<vmem>>
    %dma_wait3A_172 = arith.constant 0 : i32
    %dma_wait3A_173 = tpu.memref_slice %arg10[%dma_wait3A_166, %dma_wait3A_172] : memref<125x80xi32, #tpu.memory_space<vmem>> -> memref<1x80xi32, #tpu.memory_space<vmem>>
    %dma_wait3A_174 = tpu.memref_squeeze %dma_wait3A_173 : memref<1x80xi32, #tpu.memory_space<vmem>> -> memref<80xi32, #tpu.memory_space<vmem>>
    %dma_wait3A_175 = arith.constant 0 : i32
    %dma_wait3A_176 = arith.constant 0 : i32
    %dma_wait3A_177 = tpu.memref_slice %arg15[%dma_wait3A_175, %dma_wait3A_176] : memref<12000x80xf32, #tpu.memory_space<vmem_shared>> -> memref<12000x80xf32, #tpu.memory_space<vmem_shared>>
    %dma_wait3A_178 = tpu.memref_slice %arg17[%dma_wait3A_167] : memref<2x!tpu.dma_semaphore, #tpu.memory_space<semaphore_mem>> -> memref<1x!tpu.dma_semaphore, #tpu.memory_space<semaphore_mem>>
    %dma_wait3A_179 = tpu.memref_squeeze %dma_wait3A_178 : memref<1x!tpu.dma_semaphore, #tpu.memory_space<semaphore_mem>> -> memref<!tpu.dma_semaphore, #tpu.memory_space<semaphore_mem>>
    tpu.wait_indirect_dma semaphore(%dma_wait3A_179 : memref<!tpu.dma_semaphore, #tpu.memory_space<semaphore_mem>>) src(%dma_wait3A_171 : memref<80x80xf32, #tpu.memory_space<vmem>>) dst(%dma_wait3A_177 : memref<12000x80xf32, #tpu.memory_space<vmem_shared>>)
    %dma_wait3A_180 = arith.constant 0 : i32
    %dma_wait3A_181 = arith.constant 0 : i32
    %dma_wait3A_182 = arith.constant 0 : i32
    %dma_wait3A_183 = arith.constant 0 : i32
    %dma_wait3A_184 = arith.constant 0 : i32
    %dma_wait3A_185 = tpu.memref_slice %arg14[%dma_wait3A_180, %dma_wait3A_183, %dma_wait3A_184] : memref<2x80x80xf32, #tpu.memory_space<vmem>> -> memref<1x80x80xf32, #tpu.memory_space<vmem>>
    %dma_wait3A_186 = tpu.memref_squeeze %dma_wait3A_185 : memref<1x80x80xf32, #tpu.memory_space<vmem>> -> memref<80x80xf32, #tpu.memory_space<vmem>>
    %dma_wait3A_187 = arith.constant 0 : i32
    %dma_wait3A_188 = tpu.memref_slice %arg10[%dma_wait3A_181, %dma_wait3A_187] : memref<125x80xi32, #tpu.memory_space<vmem>> -> memref<1x80xi32, #tpu.memory_space<vmem>>
    %dma_wait3A_189 = tpu.memref_squeeze %dma_wait3A_188 : memref<1x80xi32, #tpu.memory_space<vmem>> -> memref<80xi32, #tpu.memory_space<vmem>>
    %dma_wait3A_190 = arith.constant 0 : i32
    %dma_wait3A_191 = arith.constant 0 : i32
    %dma_wait3A_192 = tpu.memref_slice %arg15[%dma_wait3A_190, %dma_wait3A_191] : memref<12000x80xf32, #tpu.memory_space<vmem_shared>> -> memref<12000x80xf32, #tpu.memory_space<vmem_shared>>
    %dma_wait3A_193 = tpu.memref_slice %arg17[%dma_wait3A_182] : memref<2x!tpu.dma_semaphore, #tpu.memory_space<semaphore_mem>> -> memref<1x!tpu.dma_semaphore, #tpu.memory_space<semaphore_mem>>
    %dma_wait3A_194 = tpu.memref_squeeze %dma_wait3A_193 : memref<1x!tpu.dma_semaphore, #tpu.memory_space<semaphore_mem>> -> memref<!tpu.dma_semaphore, #tpu.memory_space<semaphore_mem>>
    tpu.wait_indirect_dma semaphore(%dma_wait3A_194 : memref<!tpu.dma_semaphore, #tpu.memory_space<semaphore_mem>>) src(%dma_wait3A_186 : memref<80x80xf32, #tpu.memory_space<vmem>>) dst(%dma_wait3A_192 : memref<12000x80xf32, #tpu.memory_space<vmem_shared>>)
    %barrier3A_195 = arith.constant 0 : index
    tpu.barrier barrier_id(%barrier3A_195)
    %mul3A_196 = arith.constant 750 : i32
    %mul3A_197 = arith.muli %arg1, %mul3A_196 : i32
    %mul3A_198 = arith.constant 750 : i32
    %mul3A_199 = arith.muli %arg1, %mul3A_198 : i32
    "tpu.region"() ({
      %run_scoped3A = tpu.sem_alloc : memref<!tpu.dma_semaphore, #tpu.memory_space<semaphore_mem>>
      %dma_start3A_200 = arith.constant 0 : i32
      %dma_start3A_201 = tpu.memref_slice %arg8[%arg0, %mul3A_199, %dma_start3A_200] : memref<2x12000x80xf32, #tpu.memory_space<hbm>> -> memref<1x750x80xf32, #tpu.memory_space<hbm>>
      %dma_start3A_202 = tpu.memref_squeeze %dma_start3A_201 : memref<1x750x80xf32, #tpu.memory_space<hbm>> -> memref<750x80xf32, #tpu.memory_space<hbm>>
      %dma_start3A_203 = arith.constant 0 : i32
      %dma_start3A_204 = tpu.memref_slice %arg15[%mul3A_197, %dma_start3A_203] : memref<12000x80xf32, #tpu.memory_space<vmem_shared>> -> memref<750x80xf32, #tpu.memory_space<vmem_shared>>
      tpu.enqueue_dma source(%dma_start3A_204 : memref<750x80xf32, #tpu.memory_space<vmem_shared>>) target(%dma_start3A_202 : memref<750x80xf32, #tpu.memory_space<hbm>>) target_semaphore(%run_scoped3A : memref<!tpu.dma_semaphore, #tpu.memory_space<semaphore_mem>>)
      %dma_wait3A_205 = arith.constant 0 : i32
      %dma_wait3A_206 = tpu.memref_slice %arg8[%arg0, %mul3A_199, %dma_wait3A_205] : memref<2x12000x80xf32, #tpu.memory_space<hbm>> -> memref<1x750x80xf32, #tpu.memory_space<hbm>>
      %dma_wait3A_207 = tpu.memref_squeeze %dma_wait3A_206 : memref<1x750x80xf32, #tpu.memory_space<hbm>> -> memref<750x80xf32, #tpu.memory_space<hbm>>
      %dma_wait3A_208 = arith.constant 0 : i32
      %dma_wait3A_209 = tpu.memref_slice %arg15[%mul3A_197, %dma_wait3A_208] : memref<12000x80xf32, #tpu.memory_space<vmem_shared>> -> memref<750x80xf32, #tpu.memory_space<vmem_shared>>
      tpu.wait_dma2 semaphore(%run_scoped3A : memref<!tpu.dma_semaphore, #tpu.memory_space<semaphore_mem>>) src(%dma_wait3A_209 : memref<750x80xf32, #tpu.memory_space<vmem_shared>>) dst(%dma_wait3A_207 : memref<750x80xf32, #tpu.memory_space<hbm>>)
      tpu.yield
    }) : () -> ()
    return
  }
}

#map = affine_map<(d0, d1) -> (0, 0)>
#map1 = affine_map<(d0, d1) -> (0, 0, 0)>
#map2 = affine_map<(d0, d1) -> (0)>
module attributes {stable_mosaic.version = 14 : i64} {
  func.func @k(%arg0: i32, %arg1: i32, %arg2: memref<10000x80xf32, #tpu.memory_space<hbm>>, %arg3: memref<10000x16xf32, #tpu.memory_space<hbm>>, %arg4: memref<32x125x80xi32, #tpu.memory_space<hbm>>, %arg5: memref<32x125x80xi32, #tpu.memory_space<hbm>>, %arg6: memref<16xf32, #tpu.memory_space<hbm>>, %arg7: memref<750x80xf32, #tpu.memory_space<hbm>>, %arg8: memref<2x12000x80xf32, #tpu.memory_space<hbm>>, %arg9: memref<125x80xi32, #tpu.memory_space<vmem>>, %arg10: memref<125x80xi32, #tpu.memory_space<vmem>>, %arg11: memref<16xf32, #tpu.memory_space<vmem>>, %arg12: memref<4x80x80xf32, #tpu.memory_space<vmem>>, %arg13: memref<4x80x16xf32, #tpu.memory_space<vmem>>, %arg14: memref<2x80x80xf32, #tpu.memory_space<vmem>>, %arg15: memref<12000x80xf32, #tpu.memory_space<vmem_shared>>, %arg16: memref<4x!tpu.dma_semaphore, #tpu.memory_space<semaphore_mem>>, %arg17: memref<2x!tpu.dma_semaphore, #tpu.memory_space<semaphore_mem>>) attributes {dimension_semantics = [#tpu.dimension_semantics<core_parallel>, #tpu.dimension_semantics<subcore_parallel>], iteration_bounds = array<i64: 2, 16>, scalar_prefetch = 0 : i64, scratch_operands = 9 : i64, tpu.core_type = #tpu.core_type<sc_vector_subcore>, window_params = [{transform_indices = #map}, {transform_indices = #map}, {transform_indices = #map1}, {transform_indices = #map1}, {transform_indices = #map2}, {transform_indices = #map}, {transform_indices = #map1}]} {
    %mul3A = arith.constant 2 : i32
    %mul3A_0 = arith.muli %arg1, %mul3A : i32
    %add3A = arith.addi %mul3A_0, %arg0 : i32
    %mul3A_1 = arith.constant 750 : i32
    %mul3A_2 = arith.muli %arg1, %mul3A_1 : i32
    "tpu.region"() ({
      %run_scoped3A = tpu.sem_alloc : memref<!tpu.dma_semaphore, #tpu.memory_space<semaphore_mem>>
      %dma_start3A_200 = arith.constant 0 : i32
      %dma_start3A_201 = tpu.memref_slice %arg15[%mul3A_2, %dma_start3A_200] : memref<12000x80xf32, #tpu.memory_space<vmem_shared>> -> memref<750x80xf32, #tpu.memory_space<vmem_shared>>
      tpu.enqueue_dma source(%arg7 : memref<750x80xf32, #tpu.memory_space<hbm>>) target(%dma_start3A_201 : memref<750x80xf32, #tpu.memory_space<vmem_shared>>) target_semaphore(%run_scoped3A : memref<!tpu.dma_semaphore, #tpu.memory_space<semaphore_mem>>)
      %dma_wait3A_202 = arith.constant 0 : i32
      %dma_wait3A_203 = tpu.memref_slice %arg15[%mul3A_2, %dma_wait3A_202] : memref<12000x80xf32, #tpu.memory_space<vmem_shared>> -> memref<750x80xf32, #tpu.memory_space<vmem_shared>>
      tpu.wait_dma2 semaphore(%run_scoped3A : memref<!tpu.dma_semaphore, #tpu.memory_space<semaphore_mem>>) src(%arg7 : memref<750x80xf32, #tpu.memory_space<hbm>>) dst(%dma_wait3A_203 : memref<750x80xf32, #tpu.memory_space<vmem_shared>>)
      tpu.yield
    }) : () -> ()
    "tpu.region"() ({
      %run_scoped3A = tpu.sem_alloc : memref<!tpu.dma_semaphore, #tpu.memory_space<semaphore_mem>>
      %dma_start3A_200 = arith.constant 0 : i32
      %dma_start3A_201 = arith.constant 0 : i32
      %dma_start3A_202 = tpu.memref_slice %arg4[%add3A, %dma_start3A_200, %dma_start3A_201] : memref<32x125x80xi32, #tpu.memory_space<hbm>> -> memref<1x125x80xi32, #tpu.memory_space<hbm>>
      %dma_start3A_203 = tpu.memref_squeeze %dma_start3A_202 : memref<1x125x80xi32, #tpu.memory_space<hbm>> -> memref<125x80xi32, #tpu.memory_space<hbm>>
      %dma_start3A_204 = arith.constant 0 : i32
      %dma_start3A_205 = arith.constant 0 : i32
      %dma_start3A_206 = tpu.memref_slice %arg4[%add3A, %dma_start3A_204, %dma_start3A_205] : memref<32x125x80xi32, #tpu.memory_space<hbm>> -> memref<1x125x80xi32, #tpu.memory_space<hbm>>
      %dma_start3A_207 = tpu.memref_squeeze %dma_start3A_206 : memref<1x125x80xi32, #tpu.memory_space<hbm>> -> memref<125x80xi32, #tpu.memory_space<hbm>>
      tpu.enqueue_dma source(%dma_start3A_207 : memref<125x80xi32, #tpu.memory_space<hbm>>) target(%arg9 : memref<125x80xi32, #tpu.memory_space<vmem>>) target_semaphore(%run_scoped3A : memref<!tpu.dma_semaphore, #tpu.memory_space<semaphore_mem>>)
      %dma_wait3A_208 = arith.constant 0 : i32
      %dma_wait3A_209 = arith.constant 0 : i32
      %dma_wait3A_210 = tpu.memref_slice %arg4[%add3A, %dma_wait3A_208, %dma_wait3A_209] : memref<32x125x80xi32, #tpu.memory_space<hbm>> -> memref<1x125x80xi32, #tpu.memory_space<hbm>>
      %dma_wait3A_211 = tpu.memref_squeeze %dma_wait3A_210 : memref<1x125x80xi32, #tpu.memory_space<hbm>> -> memref<125x80xi32, #tpu.memory_space<hbm>>
      %dma_wait3A_212 = arith.constant 0 : i32
      %dma_wait3A_213 = arith.constant 0 : i32
      %dma_wait3A_214 = tpu.memref_slice %arg4[%add3A, %dma_wait3A_212, %dma_wait3A_213] : memref<32x125x80xi32, #tpu.memory_space<hbm>> -> memref<1x125x80xi32, #tpu.memory_space<hbm>>
      %dma_wait3A_215 = tpu.memref_squeeze %dma_wait3A_214 : memref<1x125x80xi32, #tpu.memory_space<hbm>> -> memref<125x80xi32, #tpu.memory_space<hbm>>
      tpu.wait_dma2 semaphore(%run_scoped3A : memref<!tpu.dma_semaphore, #tpu.memory_space<semaphore_mem>>) src(%dma_wait3A_215 : memref<125x80xi32, #tpu.memory_space<hbm>>) dst(%arg9 : memref<125x80xi32, #tpu.memory_space<vmem>>)
      tpu.yield
    }) : () -> ()
    "tpu.region"() ({
      %run_scoped3A = tpu.sem_alloc : memref<!tpu.dma_semaphore, #tpu.memory_space<semaphore_mem>>
      %dma_start3A_200 = arith.constant 0 : i32
      %dma_start3A_201 = arith.constant 0 : i32
      %dma_start3A_202 = tpu.memref_slice %arg5[%add3A, %dma_start3A_200, %dma_start3A_201] : memref<32x125x80xi32, #tpu.memory_space<hbm>> -> memref<1x125x80xi32, #tpu.memory_space<hbm>>
      %dma_start3A_203 = tpu.memref_squeeze %dma_start3A_202 : memref<1x125x80xi32, #tpu.memory_space<hbm>> -> memref<125x80xi32, #tpu.memory_space<hbm>>
      %dma_start3A_204 = arith.constant 0 : i32
      %dma_start3A_205 = arith.constant 0 : i32
      %dma_start3A_206 = tpu.memref_slice %arg5[%add3A, %dma_start3A_204, %dma_start3A_205] : memref<32x125x80xi32, #tpu.memory_space<hbm>> -> memref<1x125x80xi32, #tpu.memory_space<hbm>>
      %dma_start3A_207 = tpu.memref_squeeze %dma_start3A_206 : memref<1x125x80xi32, #tpu.memory_space<hbm>> -> memref<125x80xi32, #tpu.memory_space<hbm>>
      tpu.enqueue_dma source(%dma_start3A_207 : memref<125x80xi32, #tpu.memory_space<hbm>>) target(%arg10 : memref<125x80xi32, #tpu.memory_space<vmem>>) target_semaphore(%run_scoped3A : memref<!tpu.dma_semaphore, #tpu.memory_space<semaphore_mem>>)
      %dma_wait3A_208 = arith.constant 0 : i32
      %dma_wait3A_209 = arith.constant 0 : i32
      %dma_wait3A_210 = tpu.memref_slice %arg5[%add3A, %dma_wait3A_208, %dma_wait3A_209] : memref<32x125x80xi32, #tpu.memory_space<hbm>> -> memref<1x125x80xi32, #tpu.memory_space<hbm>>
      %dma_wait3A_211 = tpu.memref_squeeze %dma_wait3A_210 : memref<1x125x80xi32, #tpu.memory_space<hbm>> -> memref<125x80xi32, #tpu.memory_space<hbm>>
      %dma_wait3A_212 = arith.constant 0 : i32
      %dma_wait3A_213 = arith.constant 0 : i32
      %dma_wait3A_214 = tpu.memref_slice %arg5[%add3A, %dma_wait3A_212, %dma_wait3A_213] : memref<32x125x80xi32, #tpu.memory_space<hbm>> -> memref<1x125x80xi32, #tpu.memory_space<hbm>>
      %dma_wait3A_215 = tpu.memref_squeeze %dma_wait3A_214 : memref<1x125x80xi32, #tpu.memory_space<hbm>> -> memref<125x80xi32, #tpu.memory_space<hbm>>
      tpu.wait_dma2 semaphore(%run_scoped3A : memref<!tpu.dma_semaphore, #tpu.memory_space<semaphore_mem>>) src(%dma_wait3A_215 : memref<125x80xi32, #tpu.memory_space<hbm>>) dst(%arg10 : memref<125x80xi32, #tpu.memory_space<vmem>>)
      tpu.yield
    }) : () -> ()
    "tpu.region"() ({
      %run_scoped3A = tpu.sem_alloc : memref<!tpu.dma_semaphore, #tpu.memory_space<semaphore_mem>>
      tpu.enqueue_dma source(%arg6 : memref<16xf32, #tpu.memory_space<hbm>>) target(%arg11 : memref<16xf32, #tpu.memory_space<vmem>>) target_semaphore(%run_scoped3A : memref<!tpu.dma_semaphore, #tpu.memory_space<semaphore_mem>>)
      tpu.wait_dma2 semaphore(%run_scoped3A : memref<!tpu.dma_semaphore, #tpu.memory_space<semaphore_mem>>) src(%arg6 : memref<16xf32, #tpu.memory_space<hbm>>) dst(%arg11 : memref<16xf32, #tpu.memory_space<vmem>>)
      tpu.yield
    }) : () -> ()
    %barrier3A = arith.constant 0 : index
    tpu.barrier barrier_id(%barrier3A)
    %dma_start3A = arith.constant 0 : i32
    %dma_start3A_3 = arith.constant 0 : i32
    %dma_start3A_4 = arith.constant 0 : i32
    %dma_start3A_5 = arith.constant 0 : i32
    %dma_start3A_6 = arith.constant 0 : i32
    %dma_start3A_7 = tpu.memref_slice %arg12[%dma_start3A_3, %dma_start3A_5, %dma_start3A_6] : memref<4x80x80xf32, #tpu.memory_space<vmem>> -> memref<1x80x80xf32, #tpu.memory_space<vmem>>
    %dma_start3A_8 = tpu.memref_squeeze %dma_start3A_7 : memref<1x80x80xf32, #tpu.memory_space<vmem>> -> memref<80x80xf32, #tpu.memory_space<vmem>>
    %dma_start3A_9 = arith.constant 0 : i32
    %dma_start3A_10 = tpu.memref_slice %arg9[%dma_start3A, %dma_start3A_9] : memref<125x80xi32, #tpu.memory_space<vmem>> -> memref<1x80xi32, #tpu.memory_space<vmem>>
    %dma_start3A_11 = tpu.memref_squeeze %dma_start3A_10 : memref<1x80xi32, #tpu.memory_space<vmem>> -> memref<80xi32, #tpu.memory_space<vmem>>
    %dma_start3A_12 = arith.constant 0 : i32
    %dma_start3A_13 = arith.constant 0 : i32
    %dma_start3A_14 = tpu.memref_slice %arg2[%dma_start3A_12, %dma_start3A_13] : memref<10000x80xf32, #tpu.memory_space<hbm>> -> memref<10000x80xf32, #tpu.memory_space<hbm>>
    %dma_start3A_15 = tpu.memref_slice %arg16[%dma_start3A_4] : memref<4x!tpu.dma_semaphore, #tpu.memory_space<semaphore_mem>> -> memref<1x!tpu.dma_semaphore, #tpu.memory_space<semaphore_mem>>
    %dma_start3A_16 = tpu.memref_squeeze %dma_start3A_15 : memref<1x!tpu.dma_semaphore, #tpu.memory_space<semaphore_mem>> -> memref<!tpu.dma_semaphore, #tpu.memory_space<semaphore_mem>>
    tpu.enqueue_indirect_dma source(%dma_start3A_14 : memref<10000x80xf32, #tpu.memory_space<hbm>>) target(%dma_start3A_8 : memref<80x80xf32, #tpu.memory_space<vmem>>) offsets(%dma_start3A_11 : memref<80xi32, #tpu.memory_space<vmem>>) semaphore(%dma_start3A_16 : memref<!tpu.dma_semaphore, #tpu.memory_space<semaphore_mem>>)
    %dma_start3A_17 = arith.constant 0 : i32
    %dma_start3A_18 = arith.constant 0 : i32
    %dma_start3A_19 = arith.constant 0 : i32
    %dma_start3A_20 = arith.constant 0 : i32
    %dma_start3A_21 = arith.constant 0 : i32
    %dma_start3A_22 = tpu.memref_slice %arg13[%dma_start3A_18, %dma_start3A_20, %dma_start3A_21] : memref<4x80x16xf32, #tpu.memory_space<vmem>> -> memref<1x80x16xf32, #tpu.memory_space<vmem>>
    %dma_start3A_23 = tpu.memref_squeeze %dma_start3A_22 : memref<1x80x16xf32, #tpu.memory_space<vmem>> -> memref<80x16xf32, #tpu.memory_space<vmem>>
    %dma_start3A_24 = arith.constant 0 : i32
    %dma_start3A_25 = tpu.memref_slice %arg10[%dma_start3A_17, %dma_start3A_24] : memref<125x80xi32, #tpu.memory_space<vmem>> -> memref<1x80xi32, #tpu.memory_space<vmem>>
    %dma_start3A_26 = tpu.memref_squeeze %dma_start3A_25 : memref<1x80xi32, #tpu.memory_space<vmem>> -> memref<80xi32, #tpu.memory_space<vmem>>
    %dma_start3A_27 = arith.constant 0 : i32
    %dma_start3A_28 = arith.constant 0 : i32
    %dma_start3A_29 = tpu.memref_slice %arg3[%dma_start3A_27, %dma_start3A_28] : memref<10000x16xf32, #tpu.memory_space<hbm>> -> memref<10000x16xf32, #tpu.memory_space<hbm>>
    %dma_start3A_30 = tpu.memref_slice %arg16[%dma_start3A_19] : memref<4x!tpu.dma_semaphore, #tpu.memory_space<semaphore_mem>> -> memref<1x!tpu.dma_semaphore, #tpu.memory_space<semaphore_mem>>
    %dma_start3A_31 = tpu.memref_squeeze %dma_start3A_30 : memref<1x!tpu.dma_semaphore, #tpu.memory_space<semaphore_mem>> -> memref<!tpu.dma_semaphore, #tpu.memory_space<semaphore_mem>>
    tpu.enqueue_indirect_dma source(%dma_start3A_29 : memref<10000x16xf32, #tpu.memory_space<hbm>>) target(%dma_start3A_23 : memref<80x16xf32, #tpu.memory_space<vmem>>) offsets(%dma_start3A_26 : memref<80xi32, #tpu.memory_space<vmem>>) semaphore(%dma_start3A_31 : memref<!tpu.dma_semaphore, #tpu.memory_space<semaphore_mem>>)
    %dma_start3A_32 = arith.constant 1 : i32
    %dma_start3A_33 = arith.constant 1 : i32
    %dma_start3A_34 = arith.constant 1 : i32
    %dma_start3A_35 = arith.constant 0 : i32
    %dma_start3A_36 = arith.constant 0 : i32
    %dma_start3A_37 = tpu.memref_slice %arg12[%dma_start3A_33, %dma_start3A_35, %dma_start3A_36] : memref<4x80x80xf32, #tpu.memory_space<vmem>> -> memref<1x80x80xf32, #tpu.memory_space<vmem>>
    %dma_start3A_38 = tpu.memref_squeeze %dma_start3A_37 : memref<1x80x80xf32, #tpu.memory_space<vmem>> -> memref<80x80xf32, #tpu.memory_space<vmem>>
    %dma_start3A_39 = arith.constant 0 : i32
    %dma_start3A_40 = tpu.memref_slice %arg9[%dma_start3A_32, %dma_start3A_39] : memref<125x80xi32, #tpu.memory_space<vmem>> -> memref<1x80xi32, #tpu.memory_space<vmem>>
    %dma_start3A_41 = tpu.memref_squeeze %dma_start3A_40 : memref<1x80xi32, #tpu.memory_space<vmem>> -> memref<80xi32, #tpu.memory_space<vmem>>
    %dma_start3A_42 = arith.constant 0 : i32
    %dma_start3A_43 = arith.constant 0 : i32
    %dma_start3A_44 = tpu.memref_slice %arg2[%dma_start3A_42, %dma_start3A_43] : memref<10000x80xf32, #tpu.memory_space<hbm>> -> memref<10000x80xf32, #tpu.memory_space<hbm>>
    %dma_start3A_45 = tpu.memref_slice %arg16[%dma_start3A_34] : memref<4x!tpu.dma_semaphore, #tpu.memory_space<semaphore_mem>> -> memref<1x!tpu.dma_semaphore, #tpu.memory_space<semaphore_mem>>
    %dma_start3A_46 = tpu.memref_squeeze %dma_start3A_45 : memref<1x!tpu.dma_semaphore, #tpu.memory_space<semaphore_mem>> -> memref<!tpu.dma_semaphore, #tpu.memory_space<semaphore_mem>>
    tpu.enqueue_indirect_dma source(%dma_start3A_44 : memref<10000x80xf32, #tpu.memory_space<hbm>>) target(%dma_start3A_38 : memref<80x80xf32, #tpu.memory_space<vmem>>) offsets(%dma_start3A_41 : memref<80xi32, #tpu.memory_space<vmem>>) semaphore(%dma_start3A_46 : memref<!tpu.dma_semaphore, #tpu.memory_space<semaphore_mem>>)
    %dma_start3A_47 = arith.constant 1 : i32
    %dma_start3A_48 = arith.constant 1 : i32
    %dma_start3A_49 = arith.constant 1 : i32
    %dma_start3A_50 = arith.constant 0 : i32
    %dma_start3A_51 = arith.constant 0 : i32
    %dma_start3A_52 = tpu.memref_slice %arg13[%dma_start3A_48, %dma_start3A_50, %dma_start3A_51] : memref<4x80x16xf32, #tpu.memory_space<vmem>> -> memref<1x80x16xf32, #tpu.memory_space<vmem>>
    %dma_start3A_53 = tpu.memref_squeeze %dma_start3A_52 : memref<1x80x16xf32, #tpu.memory_space<vmem>> -> memref<80x16xf32, #tpu.memory_space<vmem>>
    %dma_start3A_54 = arith.constant 0 : i32
    %dma_start3A_55 = tpu.memref_slice %arg10[%dma_start3A_47, %dma_start3A_54] : memref<125x80xi32, #tpu.memory_space<vmem>> -> memref<1x80xi32, #tpu.memory_space<vmem>>
    %dma_start3A_56 = tpu.memref_squeeze %dma_start3A_55 : memref<1x80xi32, #tpu.memory_space<vmem>> -> memref<80xi32, #tpu.memory_space<vmem>>
    %dma_start3A_57 = arith.constant 0 : i32
    %dma_start3A_58 = arith.constant 0 : i32
    %dma_start3A_59 = tpu.memref_slice %arg3[%dma_start3A_57, %dma_start3A_58] : memref<10000x16xf32, #tpu.memory_space<hbm>> -> memref<10000x16xf32, #tpu.memory_space<hbm>>
    %dma_start3A_60 = tpu.memref_slice %arg16[%dma_start3A_49] : memref<4x!tpu.dma_semaphore, #tpu.memory_space<semaphore_mem>> -> memref<1x!tpu.dma_semaphore, #tpu.memory_space<semaphore_mem>>
    %dma_start3A_61 = tpu.memref_squeeze %dma_start3A_60 : memref<1x!tpu.dma_semaphore, #tpu.memory_space<semaphore_mem>> -> memref<!tpu.dma_semaphore, #tpu.memory_space<semaphore_mem>>
    tpu.enqueue_indirect_dma source(%dma_start3A_59 : memref<10000x16xf32, #tpu.memory_space<hbm>>) target(%dma_start3A_53 : memref<80x16xf32, #tpu.memory_space<vmem>>) offsets(%dma_start3A_56 : memref<80xi32, #tpu.memory_space<vmem>>) semaphore(%dma_start3A_61 : memref<!tpu.dma_semaphore, #tpu.memory_space<semaphore_mem>>)
    %dma_start3A_62 = arith.constant 2 : i32
    %dma_start3A_63 = arith.constant 2 : i32
    %dma_start3A_64 = arith.constant 2 : i32
    %dma_start3A_65 = arith.constant 0 : i32
    %dma_start3A_66 = arith.constant 0 : i32
    %dma_start3A_67 = tpu.memref_slice %arg12[%dma_start3A_63, %dma_start3A_65, %dma_start3A_66] : memref<4x80x80xf32, #tpu.memory_space<vmem>> -> memref<1x80x80xf32, #tpu.memory_space<vmem>>
    %dma_start3A_68 = tpu.memref_squeeze %dma_start3A_67 : memref<1x80x80xf32, #tpu.memory_space<vmem>> -> memref<80x80xf32, #tpu.memory_space<vmem>>
    %dma_start3A_69 = arith.constant 0 : i32
    %dma_start3A_70 = tpu.memref_slice %arg9[%dma_start3A_62, %dma_start3A_69] : memref<125x80xi32, #tpu.memory_space<vmem>> -> memref<1x80xi32, #tpu.memory_space<vmem>>
    %dma_start3A_71 = tpu.memref_squeeze %dma_start3A_70 : memref<1x80xi32, #tpu.memory_space<vmem>> -> memref<80xi32, #tpu.memory_space<vmem>>
    %dma_start3A_72 = arith.constant 0 : i32
    %dma_start3A_73 = arith.constant 0 : i32
    %dma_start3A_74 = tpu.memref_slice %arg2[%dma_start3A_72, %dma_start3A_73] : memref<10000x80xf32, #tpu.memory_space<hbm>> -> memref<10000x80xf32, #tpu.memory_space<hbm>>
    %dma_start3A_75 = tpu.memref_slice %arg16[%dma_start3A_64] : memref<4x!tpu.dma_semaphore, #tpu.memory_space<semaphore_mem>> -> memref<1x!tpu.dma_semaphore, #tpu.memory_space<semaphore_mem>>
    %dma_start3A_76 = tpu.memref_squeeze %dma_start3A_75 : memref<1x!tpu.dma_semaphore, #tpu.memory_space<semaphore_mem>> -> memref<!tpu.dma_semaphore, #tpu.memory_space<semaphore_mem>>
    tpu.enqueue_indirect_dma source(%dma_start3A_74 : memref<10000x80xf32, #tpu.memory_space<hbm>>) target(%dma_start3A_68 : memref<80x80xf32, #tpu.memory_space<vmem>>) offsets(%dma_start3A_71 : memref<80xi32, #tpu.memory_space<vmem>>) semaphore(%dma_start3A_76 : memref<!tpu.dma_semaphore, #tpu.memory_space<semaphore_mem>>)
    %dma_start3A_77 = arith.constant 2 : i32
    %dma_start3A_78 = arith.constant 2 : i32
    %dma_start3A_79 = arith.constant 2 : i32
    %dma_start3A_80 = arith.constant 0 : i32
    %dma_start3A_81 = arith.constant 0 : i32
    %dma_start3A_82 = tpu.memref_slice %arg13[%dma_start3A_78, %dma_start3A_80, %dma_start3A_81] : memref<4x80x16xf32, #tpu.memory_space<vmem>> -> memref<1x80x16xf32, #tpu.memory_space<vmem>>
    %dma_start3A_83 = tpu.memref_squeeze %dma_start3A_82 : memref<1x80x16xf32, #tpu.memory_space<vmem>> -> memref<80x16xf32, #tpu.memory_space<vmem>>
    %dma_start3A_84 = arith.constant 0 : i32
    %dma_start3A_85 = tpu.memref_slice %arg10[%dma_start3A_77, %dma_start3A_84] : memref<125x80xi32, #tpu.memory_space<vmem>> -> memref<1x80xi32, #tpu.memory_space<vmem>>
    %dma_start3A_86 = tpu.memref_squeeze %dma_start3A_85 : memref<1x80xi32, #tpu.memory_space<vmem>> -> memref<80xi32, #tpu.memory_space<vmem>>
    %dma_start3A_87 = arith.constant 0 : i32
    %dma_start3A_88 = arith.constant 0 : i32
    %dma_start3A_89 = tpu.memref_slice %arg3[%dma_start3A_87, %dma_start3A_88] : memref<10000x16xf32, #tpu.memory_space<hbm>> -> memref<10000x16xf32, #tpu.memory_space<hbm>>
    %dma_start3A_90 = tpu.memref_slice %arg16[%dma_start3A_79] : memref<4x!tpu.dma_semaphore, #tpu.memory_space<semaphore_mem>> -> memref<1x!tpu.dma_semaphore, #tpu.memory_space<semaphore_mem>>
    %dma_start3A_91 = tpu.memref_squeeze %dma_start3A_90 : memref<1x!tpu.dma_semaphore, #tpu.memory_space<semaphore_mem>> -> memref<!tpu.dma_semaphore, #tpu.memory_space<semaphore_mem>>
    tpu.enqueue_indirect_dma source(%dma_start3A_89 : memref<10000x16xf32, #tpu.memory_space<hbm>>) target(%dma_start3A_83 : memref<80x16xf32, #tpu.memory_space<vmem>>) offsets(%dma_start3A_86 : memref<80xi32, #tpu.memory_space<vmem>>) semaphore(%dma_start3A_91 : memref<!tpu.dma_semaphore, #tpu.memory_space<semaphore_mem>>)
    %scan3A = arith.constant 0 : i32
    %scan3A_92 = arith.constant 31 : i32
    %scan3A_93 = arith.addi %scan3A, %scan3A_92 : i32
    %scan3A_94 = arith.constant 1 : i32
    scf.for %scan3A_200 = %scan3A to %scan3A_93 step %scan3A_94  : i32 {
      %mul3A_201 = arith.constant 4 : i32
      %mul3A_202 = arith.muli %scan3A_200, %mul3A_201 : i32
      %add3A_203 = arith.constant 0 : i32
      %add3A_204 = arith.addi %add3A_203, %mul3A_202 : i32
      %add3A_205 = arith.constant 0 : i32
      %add3A_206 = arith.addi %add3A_204, %add3A_205 : i32
      %add3A_207 = arith.constant 3 : i32
      %add3A_208 = arith.addi %add3A_206, %add3A_207 : i32
      %lt3A = arith.constant 125 : i32
      %lt3A_209 = arith.cmpi slt, %add3A_208, %lt3A : i32
      %convert_element_type3A = arith.extui %lt3A_209 : i1 to i32
      %cond3A = arith.constant 0 : i32
      %cond3A_210 = arith.cmpi ne, %convert_element_type3A, %cond3A : i32
      scf.if %cond3A_210 {
        %add3A_477 = arith.constant 3 : i32
        %add3A_478 = arith.addi %add3A_206, %add3A_477 : i32
        %dma_start3A_479 = arith.constant 3 : i32
        %dma_start3A_480 = arith.constant 3 : i32
        %dma_start3A_481 = arith.constant 0 : i32
        %dma_start3A_482 = arith.constant 0 : i32
        %dma_start3A_483 = tpu.memref_slice %arg12[%dma_start3A_479, %dma_start3A_481, %dma_start3A_482] : memref<4x80x80xf32, #tpu.memory_space<vmem>> -> memref<1x80x80xf32, #tpu.memory_space<vmem>>
        %dma_start3A_484 = tpu.memref_squeeze %dma_start3A_483 : memref<1x80x80xf32, #tpu.memory_space<vmem>> -> memref<80x80xf32, #tpu.memory_space<vmem>>
        %dma_start3A_485 = arith.constant 0 : i32
        %dma_start3A_486 = tpu.memref_slice %arg9[%add3A_478, %dma_start3A_485] : memref<125x80xi32, #tpu.memory_space<vmem>> -> memref<1x80xi32, #tpu.memory_space<vmem>>
        %dma_start3A_487 = tpu.memref_squeeze %dma_start3A_486 : memref<1x80xi32, #tpu.memory_space<vmem>> -> memref<80xi32, #tpu.memory_space<vmem>>
        %dma_start3A_488 = arith.constant 0 : i32
        %dma_start3A_489 = arith.constant 0 : i32
        %dma_start3A_490 = tpu.memref_slice %arg2[%dma_start3A_488, %dma_start3A_489] : memref<10000x80xf32, #tpu.memory_space<hbm>> -> memref<10000x80xf32, #tpu.memory_space<hbm>>
        %dma_start3A_491 = tpu.memref_slice %arg16[%dma_start3A_480] : memref<4x!tpu.dma_semaphore, #tpu.memory_space<semaphore_mem>> -> memref<1x!tpu.dma_semaphore, #tpu.memory_space<semaphore_mem>>
        %dma_start3A_492 = tpu.memref_squeeze %dma_start3A_491 : memref<1x!tpu.dma_semaphore, #tpu.memory_space<semaphore_mem>> -> memref<!tpu.dma_semaphore, #tpu.memory_space<semaphore_mem>>
        tpu.enqueue_indirect_dma source(%dma_start3A_490 : memref<10000x80xf32, #tpu.memory_space<hbm>>) target(%dma_start3A_484 : memref<80x80xf32, #tpu.memory_space<vmem>>) offsets(%dma_start3A_487 : memref<80xi32, #tpu.memory_space<vmem>>) semaphore(%dma_start3A_492 : memref<!tpu.dma_semaphore, #tpu.memory_space<semaphore_mem>>)
        %dma_start3A_493 = arith.constant 3 : i32
        %dma_start3A_494 = arith.constant 3 : i32
        %dma_start3A_495 = arith.constant 0 : i32
        %dma_start3A_496 = arith.constant 0 : i32
        %dma_start3A_497 = tpu.memref_slice %arg13[%dma_start3A_493, %dma_start3A_495, %dma_start3A_496] : memref<4x80x16xf32, #tpu.memory_space<vmem>> -> memref<1x80x16xf32, #tpu.memory_space<vmem>>
        %dma_start3A_498 = tpu.memref_squeeze %dma_start3A_497 : memref<1x80x16xf32, #tpu.memory_space<vmem>> -> memref<80x16xf32, #tpu.memory_space<vmem>>
        %dma_start3A_499 = arith.constant 0 : i32
        %dma_start3A_500 = tpu.memref_slice %arg10[%add3A_478, %dma_start3A_499] : memref<125x80xi32, #tpu.memory_space<vmem>> -> memref<1x80xi32, #tpu.memory_space<vmem>>
        %dma_start3A_501 = tpu.memref_squeeze %dma_start3A_500 : memref<1x80xi32, #tpu.memory_space<vmem>> -> memref<80xi32, #tpu.memory_space<vmem>>
        %dma_start3A_502 = arith.constant 0 : i32
        %dma_start3A_503 = arith.constant 0 : i32
        %dma_start3A_504 = tpu.memref_slice %arg3[%dma_start3A_502, %dma_start3A_503] : memref<10000x16xf32, #tpu.memory_space<hbm>> -> memref<10000x16xf32, #tpu.memory_space<hbm>>
        %dma_start3A_505 = tpu.memref_slice %arg16[%dma_start3A_494] : memref<4x!tpu.dma_semaphore, #tpu.memory_space<semaphore_mem>> -> memref<1x!tpu.dma_semaphore, #tpu.memory_space<semaphore_mem>>
        %dma_start3A_506 = tpu.memref_squeeze %dma_start3A_505 : memref<1x!tpu.dma_semaphore, #tpu.memory_space<semaphore_mem>> -> memref<!tpu.dma_semaphore, #tpu.memory_space<semaphore_mem>>
        tpu.enqueue_indirect_dma source(%dma_start3A_504 : memref<10000x16xf32, #tpu.memory_space<hbm>>) target(%dma_start3A_498 : memref<80x16xf32, #tpu.memory_space<vmem>>) offsets(%dma_start3A_501 : memref<80xi32, #tpu.memory_space<vmem>>) semaphore(%dma_start3A_506 : memref<!tpu.dma_semaphore, #tpu.memory_space<semaphore_mem>>)
      } else {
      }
      %dma_wait3A_211 = arith.constant 0 : i32
      %dma_wait3A_212 = arith.constant 0 : i32
      %dma_wait3A_213 = arith.constant 0 : i32
      %dma_wait3A_214 = arith.constant 0 : i32
      %dma_wait3A_215 = arith.constant 0 : i32
      %dma_wait3A_216 = tpu.memref_slice %arg12[%dma_wait3A_212, %dma_wait3A_214, %dma_wait3A_215] : memref<4x80x80xf32, #tpu.memory_space<vmem>> -> memref<1x80x80xf32, #tpu.memory_space<vmem>>
      %dma_wait3A_217 = tpu.memref_squeeze %dma_wait3A_216 : memref<1x80x80xf32, #tpu.memory_space<vmem>> -> memref<80x80xf32, #tpu.memory_space<vmem>>
      %dma_wait3A_218 = arith.constant 0 : i32
      %dma_wait3A_219 = tpu.memref_slice %arg9[%dma_wait3A_211, %dma_wait3A_218] : memref<125x80xi32, #tpu.memory_space<vmem>> -> memref<1x80xi32, #tpu.memory_space<vmem>>
      %dma_wait3A_220 = tpu.memref_squeeze %dma_wait3A_219 : memref<1x80xi32, #tpu.memory_space<vmem>> -> memref<80xi32, #tpu.memory_space<vmem>>
      %dma_wait3A_221 = arith.constant 0 : i32
      %dma_wait3A_222 = arith.constant 0 : i32
      %dma_wait3A_223 = tpu.memref_slice %arg2[%dma_wait3A_221, %dma_wait3A_222] : memref<10000x80xf32, #tpu.memory_space<hbm>> -> memref<10000x80xf32, #tpu.memory_space<hbm>>
      %dma_wait3A_224 = tpu.memref_slice %arg16[%dma_wait3A_213] : memref<4x!tpu.dma_semaphore, #tpu.memory_space<semaphore_mem>> -> memref<1x!tpu.dma_semaphore, #tpu.memory_space<semaphore_mem>>
      %dma_wait3A_225 = tpu.memref_squeeze %dma_wait3A_224 : memref<1x!tpu.dma_semaphore, #tpu.memory_space<semaphore_mem>> -> memref<!tpu.dma_semaphore, #tpu.memory_space<semaphore_mem>>
      tpu.wait_indirect_dma semaphore(%dma_wait3A_225 : memref<!tpu.dma_semaphore, #tpu.memory_space<semaphore_mem>>) src(%dma_wait3A_223 : memref<10000x80xf32, #tpu.memory_space<hbm>>) dst(%dma_wait3A_217 : memref<80x80xf32, #tpu.memory_space<vmem>>)
      %dma_wait3A_226 = arith.constant 0 : i32
      %dma_wait3A_227 = arith.constant 0 : i32
      %dma_wait3A_228 = arith.constant 0 : i32
      %dma_wait3A_229 = arith.constant 0 : i32
      %dma_wait3A_230 = arith.constant 0 : i32
      %dma_wait3A_231 = tpu.memref_slice %arg13[%dma_wait3A_227, %dma_wait3A_229, %dma_wait3A_230] : memref<4x80x16xf32, #tpu.memory_space<vmem>> -> memref<1x80x16xf32, #tpu.memory_space<vmem>>
      %dma_wait3A_232 = tpu.memref_squeeze %dma_wait3A_231 : memref<1x80x16xf32, #tpu.memory_space<vmem>> -> memref<80x16xf32, #tpu.memory_space<vmem>>
      %dma_wait3A_233 = arith.constant 0 : i32
      %dma_wait3A_234 = tpu.memref_slice %arg9[%dma_wait3A_226, %dma_wait3A_233] : memref<125x80xi32, #tpu.memory_space<vmem>> -> memref<1x80xi32, #tpu.memory_space<vmem>>
      %dma_wait3A_235 = tpu.memref_squeeze %dma_wait3A_234 : memref<1x80xi32, #tpu.memory_space<vmem>> -> memref<80xi32, #tpu.memory_space<vmem>>
      %dma_wait3A_236 = arith.constant 0 : i32
      %dma_wait3A_237 = arith.constant 0 : i32
      %dma_wait3A_238 = tpu.memref_slice %arg3[%dma_wait3A_236, %dma_wait3A_237] : memref<10000x16xf32, #tpu.memory_space<hbm>> -> memref<10000x16xf32, #tpu.memory_space<hbm>>
      %dma_wait3A_239 = tpu.memref_slice %arg16[%dma_wait3A_228] : memref<4x!tpu.dma_semaphore, #tpu.memory_space<semaphore_mem>> -> memref<1x!tpu.dma_semaphore, #tpu.memory_space<semaphore_mem>>
      %dma_wait3A_240 = tpu.memref_squeeze %dma_wait3A_239 : memref<1x!tpu.dma_semaphore, #tpu.memory_space<semaphore_mem>> -> memref<!tpu.dma_semaphore, #tpu.memory_space<semaphore_mem>>
      tpu.wait_indirect_dma semaphore(%dma_wait3A_240 : memref<!tpu.dma_semaphore, #tpu.memory_space<semaphore_mem>>) src(%dma_wait3A_238 : memref<10000x16xf32, #tpu.memory_space<hbm>>) dst(%dma_wait3A_232 : memref<80x16xf32, #tpu.memory_space<vmem>>)
      %ge3A = arith.constant 2 : i32
      %ge3A_241 = arith.cmpi sge, %add3A_206, %ge3A : i32
      %convert_element_type3A_242 = arith.extui %ge3A_241 : i1 to i32
      %cond3A_243 = arith.constant 0 : i32
      %cond3A_244 = arith.cmpi ne, %convert_element_type3A_242, %cond3A_243 : i32
      scf.if %cond3A_244 {
        %dma_wait3A_477 = arith.constant 0 : i32
        %dma_wait3A_478 = arith.constant 0 : i32
        %dma_wait3A_479 = arith.constant 0 : i32
        %dma_wait3A_480 = arith.constant 0 : i32
        %dma_wait3A_481 = arith.constant 0 : i32
        %dma_wait3A_482 = tpu.memref_slice %arg14[%dma_wait3A_477, %dma_wait3A_480, %dma_wait3A_481] : memref<2x80x80xf32, #tpu.memory_space<vmem>> -> memref<1x80x80xf32, #tpu.memory_space<vmem>>
        %dma_wait3A_483 = tpu.memref_squeeze %dma_wait3A_482 : memref<1x80x80xf32, #tpu.memory_space<vmem>> -> memref<80x80xf32, #tpu.memory_space<vmem>>
        %dma_wait3A_484 = arith.constant 0 : i32
        %dma_wait3A_485 = tpu.memref_slice %arg10[%dma_wait3A_478, %dma_wait3A_484] : memref<125x80xi32, #tpu.memory_space<vmem>> -> memref<1x80xi32, #tpu.memory_space<vmem>>
        %dma_wait3A_486 = tpu.memref_squeeze %dma_wait3A_485 : memref<1x80xi32, #tpu.memory_space<vmem>> -> memref<80xi32, #tpu.memory_space<vmem>>
        %dma_wait3A_487 = arith.constant 0 : i32
        %dma_wait3A_488 = arith.constant 0 : i32
        %dma_wait3A_489 = tpu.memref_slice %arg15[%dma_wait3A_487, %dma_wait3A_488] : memref<12000x80xf32, #tpu.memory_space<vmem_shared>> -> memref<12000x80xf32, #tpu.memory_space<vmem_shared>>
        %dma_wait3A_490 = tpu.memref_slice %arg17[%dma_wait3A_479] : memref<2x!tpu.dma_semaphore, #tpu.memory_space<semaphore_mem>> -> memref<1x!tpu.dma_semaphore, #tpu.memory_space<semaphore_mem>>
        %dma_wait3A_491 = tpu.memref_squeeze %dma_wait3A_490 : memref<1x!tpu.dma_semaphore, #tpu.memory_space<semaphore_mem>> -> memref<!tpu.dma_semaphore, #tpu.memory_space<semaphore_mem>>
        tpu.wait_indirect_dma semaphore(%dma_wait3A_491 : memref<!tpu.dma_semaphore, #tpu.memory_space<semaphore_mem>>) src(%dma_wait3A_483 : memref<80x80xf32, #tpu.memory_space<vmem>>) dst(%dma_wait3A_489 : memref<12000x80xf32, #tpu.memory_space<vmem_shared>>)
      } else {
      }
      %get3A_245 = arith.constant 0 : index
      %get3A_246 = tpu.vector_load %arg11[%get3A_245] {strides = array<i32>} : memref<16xf32, #tpu.memory_space<vmem>>, vector<16xf32>,
      %get3A_247 = vector.shape_cast %get3A_246 : vector<16xf32> to vector<16xf32>
      %scan3A_248 = arith.constant 0 : i32
      %scan3A_249 = arith.constant 0 : i32
      %scan3A_250 = arith.constant 0 : i32
      %scan3A_251 = arith.constant 0 : i32
      %scan3A_252 = arith.constant 80 : i32
      %scan3A_253 = arith.addi %scan3A_251, %scan3A_252 : i32
      %scan3A_254 = arith.constant 1 : i32
      scf.for %scan3A_477 = %scan3A_251 to %scan3A_253 step %scan3A_254  : i32 {
        %mul3A_478 = arith.constant 1 : i32
        %mul3A_479 = arith.muli %scan3A_477, %mul3A_478 : i32
        %add3A_480 = arith.constant 0 : i32
        %add3A_481 = arith.addi %add3A_480, %mul3A_479 : i32
        %get3A_482 = arith.constant 0 : i32
        %get3A_483 = arith.constant 0 : i32
        %get3A_484 = tpu.memref_slice %arg12[%scan3A_248, %get3A_482, %get3A_483] : memref<4x80x80xf32, #tpu.memory_space<vmem>> -> memref<1x80x80xf32, #tpu.memory_space<vmem>>
        %get3A_485 = tpu.memref_squeeze %get3A_484 : memref<1x80x80xf32, #tpu.memory_space<vmem>> -> memref<80x80xf32, #tpu.memory_space<vmem>>
        %get3A_486 = arith.index_cast %add3A_481 : i32 to index
        %get3A_487 = arith.constant 64 : index
        %get3A_488 = tpu.vector_load %get3A_485[%get3A_486, %get3A_487] {strides = array<i32>} : memref<80x80xf32, #tpu.memory_space<vmem>>, vector<1x16xf32>,
        %get3A_489 = vector.shape_cast %get3A_488 : vector<1x16xf32> to vector<16xf32>
        %get3A_490 = arith.constant 0 : i32
        %get3A_491 = arith.constant 0 : i32
        %get3A_492 = tpu.memref_slice %arg13[%scan3A_249, %get3A_490, %get3A_491] : memref<4x80x16xf32, #tpu.memory_space<vmem>> -> memref<1x80x16xf32, #tpu.memory_space<vmem>>
        %get3A_493 = tpu.memref_squeeze %get3A_492 : memref<1x80x16xf32, #tpu.memory_space<vmem>> -> memref<80x16xf32, #tpu.memory_space<vmem>>
        %get3A_494 = arith.index_cast %add3A_481 : i32 to index
        %get3A_495 = arith.constant 0 : index
        %get3A_496 = tpu.vector_load %get3A_493[%get3A_494, %get3A_495] {strides = array<i32>} : memref<80x16xf32, #tpu.memory_space<vmem>>, vector<1x16xf32>,
        %get3A_497 = vector.shape_cast %get3A_496 : vector<1x16xf32> to vector<16xf32>
        %add3A_498 = arith.addf %get3A_489, %get3A_497 : vector<16xf32>
        %ge3A_499 = arith.constant 0.000000e+00 : f32
        %ge3A_500 = vector.broadcast %ge3A_499 : f32 to vector<16xf32>
        %ge3A_501 = arith.cmpf oge, %add3A_498, %ge3A_500 : vector<16xf32>
        %mul3A_502 = arith.constant 2.000000e-01 : f32
        %mul3A_503 = vector.broadcast %mul3A_502 : f32 to vector<16xf32>
        %mul3A_504 = arith.mulf %mul3A_503, %add3A_498 : vector<16xf32>
        %select_n3A = arith.select %ge3A_501, %add3A_498, %mul3A_504 : vector<16xi1>, vector<16xf32>
        %sub3A = arith.subf %select_n3A, %get3A_247 : vector<16xf32>
        %exp3A = math.exp %sub3A : vector<16xf32>
        %swap3A = arith.constant 0 : i32
        %swap3A_505 = arith.constant 0 : i32
        %swap3A_506 = tpu.memref_slice %arg14[%scan3A_250, %swap3A, %swap3A_505] : memref<2x80x80xf32, #tpu.memory_space<vmem>> -> memref<1x80x80xf32, #tpu.memory_space<vmem>>
        %swap3A_507 = tpu.memref_squeeze %swap3A_506 : memref<1x80x80xf32, #tpu.memory_space<vmem>> -> memref<80x80xf32, #tpu.memory_space<vmem>>
        %swap3A_508 = arith.index_cast %add3A_481 : i32 to index
        %swap3A_509 = arith.constant 64 : index
        %swap3A_510 = tpu.vector_load %swap3A_507[%swap3A_508, %swap3A_509] {strides = array<i32>} : memref<80x80xf32, #tpu.memory_space<vmem>>, vector<1x16xf32>,
        %swap3A_511 = vector.shape_cast %swap3A_510 : vector<1x16xf32> to vector<16xf32>
        %swap3A_512 = vector.shape_cast %exp3A : vector<16xf32> to vector<1x16xf32>
        tpu.vector_store %swap3A_507[%swap3A_508, %swap3A_509], %swap3A_512 {strides = array<i32>} : memref<80x80xf32, #tpu.memory_space<vmem>>, vector<1x16xf32>,
        %get3A_513 = arith.constant 0 : i32
        %get3A_514 = arith.constant 0 : i32
        %get3A_515 = tpu.memref_slice %arg12[%scan3A_248, %get3A_513, %get3A_514] : memref<4x80x80xf32, #tpu.memory_space<vmem>> -> memref<1x80x80xf32, #tpu.memory_space<vmem>>
        %get3A_516 = tpu.memref_squeeze %get3A_515 : memref<1x80x80xf32, #tpu.memory_space<vmem>> -> memref<80x80xf32, #tpu.memory_space<vmem>>
        %get3A_517 = arith.index_cast %add3A_481 : i32 to index
        %get3A_518 = arith.constant 0 : index
        %get3A_519 = tpu.vector_load %get3A_516[%get3A_517, %get3A_518] {strides = array<i32>} : memref<80x80xf32, #tpu.memory_space<vmem>>, vector<1x16xf32>,
        %get3A_520 = vector.shape_cast %get3A_519 : vector<1x16xf32> to vector<16xf32>
        %mul3A_521 = arith.mulf %get3A_520, %exp3A : vector<16xf32>
        %swap3A_522 = arith.constant 0 : i32
        %swap3A_523 = arith.constant 0 : i32
        %swap3A_524 = tpu.memref_slice %arg14[%scan3A_250, %swap3A_522, %swap3A_523] : memref<2x80x80xf32, #tpu.memory_space<vmem>> -> memref<1x80x80xf32, #tpu.memory_space<vmem>>
        %swap3A_525 = tpu.memref_squeeze %swap3A_524 : memref<1x80x80xf32, #tpu.memory_space<vmem>> -> memref<80x80xf32, #tpu.memory_space<vmem>>
        %swap3A_526 = arith.index_cast %add3A_481 : i32 to index
        %swap3A_527 = arith.constant 0 : index
        %swap3A_528 = tpu.vector_load %swap3A_525[%swap3A_526, %swap3A_527] {strides = array<i32>} : memref<80x80xf32, #tpu.memory_space<vmem>>, vector<1x16xf32>,
        %swap3A_529 = vector.shape_cast %swap3A_528 : vector<1x16xf32> to vector<16xf32>
        %swap3A_530 = vector.shape_cast %mul3A_521 : vector<16xf32> to vector<1x16xf32>
        tpu.vector_store %swap3A_525[%swap3A_526, %swap3A_527], %swap3A_530 {strides = array<i32>} : memref<80x80xf32, #tpu.memory_space<vmem>>, vector<1x16xf32>,
        %get3A_531 = arith.constant 0 : i32
        %get3A_532 = arith.constant 0 : i32
        %get3A_533 = tpu.memref_slice %arg12[%scan3A_248, %get3A_531, %get3A_532] : memref<4x80x80xf32, #tpu.memory_space<vmem>> -> memref<1x80x80xf32, #tpu.memory_space<vmem>>
        %get3A_534 = tpu.memref_squeeze %get3A_533 : memref<1x80x80xf32, #tpu.memory_space<vmem>> -> memref<80x80xf32, #tpu.memory_space<vmem>>
        %get3A_535 = arith.index_cast %add3A_481 : i32 to index
        %get3A_536 = arith.constant 16 : index
        %get3A_537 = tpu.vector_load %get3A_534[%get3A_535, %get3A_536] {strides = array<i32>} : memref<80x80xf32, #tpu.memory_space<vmem>>, vector<1x16xf32>,
        %get3A_538 = vector.shape_cast %get3A_537 : vector<1x16xf32> to vector<16xf32>
        %mul3A_539 = arith.mulf %get3A_538, %exp3A : vector<16xf32>
        %swap3A_540 = arith.constant 0 : i32
        %swap3A_541 = arith.constant 0 : i32
        %swap3A_542 = tpu.memref_slice %arg14[%scan3A_250, %swap3A_540, %swap3A_541] : memref<2x80x80xf32, #tpu.memory_space<vmem>> -> memref<1x80x80xf32, #tpu.memory_space<vmem>>
        %swap3A_543 = tpu.memref_squeeze %swap3A_542 : memref<1x80x80xf32, #tpu.memory_space<vmem>> -> memref<80x80xf32, #tpu.memory_space<vmem>>
        %swap3A_544 = arith.index_cast %add3A_481 : i32 to index
        %swap3A_545 = arith.constant 16 : index
        %swap3A_546 = tpu.vector_load %swap3A_543[%swap3A_544, %swap3A_545] {strides = array<i32>} : memref<80x80xf32, #tpu.memory_space<vmem>>, vector<1x16xf32>,
        %swap3A_547 = vector.shape_cast %swap3A_546 : vector<1x16xf32> to vector<16xf32>
        %swap3A_548 = vector.shape_cast %mul3A_539 : vector<16xf32> to vector<1x16xf32>
        tpu.vector_store %swap3A_543[%swap3A_544, %swap3A_545], %swap3A_548 {strides = array<i32>} : memref<80x80xf32, #tpu.memory_space<vmem>>, vector<1x16xf32>,
        %get3A_549 = arith.constant 0 : i32
        %get3A_550 = arith.constant 0 : i32
        %get3A_551 = tpu.memref_slice %arg12[%scan3A_248, %get3A_549, %get3A_550] : memref<4x80x80xf32, #tpu.memory_space<vmem>> -> memref<1x80x80xf32, #tpu.memory_space<vmem>>
        %get3A_552 = tpu.memref_squeeze %get3A_551 : memref<1x80x80xf32, #tpu.memory_space<vmem>> -> memref<80x80xf32, #tpu.memory_space<vmem>>
        %get3A_553 = arith.index_cast %add3A_481 : i32 to index
        %get3A_554 = arith.constant 32 : index
        %get3A_555 = tpu.vector_load %get3A_552[%get3A_553, %get3A_554] {strides = array<i32>} : memref<80x80xf32, #tpu.memory_space<vmem>>, vector<1x16xf32>,
        %get3A_556 = vector.shape_cast %get3A_555 : vector<1x16xf32> to vector<16xf32>
        %mul3A_557 = arith.mulf %get3A_556, %exp3A : vector<16xf32>
        %swap3A_558 = arith.constant 0 : i32
        %swap3A_559 = arith.constant 0 : i32
        %swap3A_560 = tpu.memref_slice %arg14[%scan3A_250, %swap3A_558, %swap3A_559] : memref<2x80x80xf32, #tpu.memory_space<vmem>> -> memref<1x80x80xf32, #tpu.memory_space<vmem>>
        %swap3A_561 = tpu.memref_squeeze %swap3A_560 : memref<1x80x80xf32, #tpu.memory_space<vmem>> -> memref<80x80xf32, #tpu.memory_space<vmem>>
        %swap3A_562 = arith.index_cast %add3A_481 : i32 to index
        %swap3A_563 = arith.constant 32 : index
        %swap3A_564 = tpu.vector_load %swap3A_561[%swap3A_562, %swap3A_563] {strides = array<i32>} : memref<80x80xf32, #tpu.memory_space<vmem>>, vector<1x16xf32>,
        %swap3A_565 = vector.shape_cast %swap3A_564 : vector<1x16xf32> to vector<16xf32>
        %swap3A_566 = vector.shape_cast %mul3A_557 : vector<16xf32> to vector<1x16xf32>
        tpu.vector_store %swap3A_561[%swap3A_562, %swap3A_563], %swap3A_566 {strides = array<i32>} : memref<80x80xf32, #tpu.memory_space<vmem>>, vector<1x16xf32>,
        %get3A_567 = arith.constant 0 : i32
        %get3A_568 = arith.constant 0 : i32
        %get3A_569 = tpu.memref_slice %arg12[%scan3A_248, %get3A_567, %get3A_568] : memref<4x80x80xf32, #tpu.memory_space<vmem>> -> memref<1x80x80xf32, #tpu.memory_space<vmem>>
        %get3A_570 = tpu.memref_squeeze %get3A_569 : memref<1x80x80xf32, #tpu.memory_space<vmem>> -> memref<80x80xf32, #tpu.memory_space<vmem>>
        %get3A_571 = arith.index_cast %add3A_481 : i32 to index
        %get3A_572 = arith.constant 48 : index
        %get3A_573 = tpu.vector_load %get3A_570[%get3A_571, %get3A_572] {strides = array<i32>} : memref<80x80xf32, #tpu.memory_space<vmem>>, vector<1x16xf32>,
        %get3A_574 = vector.shape_cast %get3A_573 : vector<1x16xf32> to vector<16xf32>
        %mul3A_575 = arith.mulf %get3A_574, %exp3A : vector<16xf32>
        %swap3A_576 = arith.constant 0 : i32
        %swap3A_577 = arith.constant 0 : i32
        %swap3A_578 = tpu.memref_slice %arg14[%scan3A_250, %swap3A_576, %swap3A_577] : memref<2x80x80xf32, #tpu.memory_space<vmem>> -> memref<1x80x80xf32, #tpu.memory_space<vmem>>
        %swap3A_579 = tpu.memref_squeeze %swap3A_578 : memref<1x80x80xf32, #tpu.memory_space<vmem>> -> memref<80x80xf32, #tpu.memory_space<vmem>>
        %swap3A_580 = arith.index_cast %add3A_481 : i32 to index
        %swap3A_581 = arith.constant 48 : index
        %swap3A_582 = tpu.vector_load %swap3A_579[%swap3A_580, %swap3A_581] {strides = array<i32>} : memref<80x80xf32, #tpu.memory_space<vmem>>, vector<1x16xf32>,
        %swap3A_583 = vector.shape_cast %swap3A_582 : vector<1x16xf32> to vector<16xf32>
        %swap3A_584 = vector.shape_cast %mul3A_575 : vector<16xf32> to vector<1x16xf32>
        tpu.vector_store %swap3A_579[%swap3A_580, %swap3A_581], %swap3A_584 {strides = array<i32>} : memref<80x80xf32, #tpu.memory_space<vmem>>, vector<1x16xf32>,
      }
      %scan3A_255 = arith.constant 80 : i32
      %dma_start3A_256 = arith.constant 0 : i32
      %dma_start3A_257 = arith.constant 0 : i32
      %dma_start3A_258 = arith.constant 0 : i32
      %dma_start3A_259 = arith.constant 0 : i32
      %dma_start3A_260 = tpu.memref_slice %arg14[%dma_start3A_256, %dma_start3A_258, %dma_start3A_259] : memref<2x80x80xf32, #tpu.memory_space<vmem>> -> memref<1x80x80xf32, #tpu.memory_space<vmem>>
      %dma_start3A_261 = tpu.memref_squeeze %dma_start3A_260 : memref<1x80x80xf32, #tpu.memory_space<vmem>> -> memref<80x80xf32, #tpu.memory_space<vmem>>
      %dma_start3A_262 = arith.constant 0 : i32
      %dma_start3A_263 = tpu.memref_slice %arg10[%add3A_206, %dma_start3A_262] : memref<125x80xi32, #tpu.memory_space<vmem>> -> memref<1x80xi32, #tpu.memory_space<vmem>>
      %dma_start3A_264 = tpu.memref_squeeze %dma_start3A_263 : memref<1x80xi32, #tpu.memory_space<vmem>> -> memref<80xi32, #tpu.memory_space<vmem>>
      %dma_start3A_265 = arith.constant 0 : i32
      %dma_start3A_266 = arith.constant 0 : i32
      %dma_start3A_267 = tpu.memref_slice %arg15[%dma_start3A_265, %dma_start3A_266] : memref<12000x80xf32, #tpu.memory_space<vmem_shared>> -> memref<12000x80xf32, #tpu.memory_space<vmem_shared>>
      %dma_start3A_268 = tpu.memref_slice %arg17[%dma_start3A_257] : memref<2x!tpu.dma_semaphore, #tpu.memory_space<semaphore_mem>> -> memref<1x!tpu.dma_semaphore, #tpu.memory_space<semaphore_mem>>
      %dma_start3A_269 = tpu.memref_squeeze %dma_start3A_268 : memref<1x!tpu.dma_semaphore, #tpu.memory_space<semaphore_mem>> -> memref<!tpu.dma_semaphore, #tpu.memory_space<semaphore_mem>>
      tpu.enqueue_indirect_dma source(%dma_start3A_261 : memref<80x80xf32, #tpu.memory_space<vmem>>) target(%dma_start3A_267 : memref<12000x80xf32, #tpu.memory_space<vmem_shared>>) offsets(%dma_start3A_264 : memref<80xi32, #tpu.memory_space<vmem>>) semaphore(%dma_start3A_269 : memref<!tpu.dma_semaphore, #tpu.memory_space<semaphore_mem>>) {add = true}
      %add3A_270 = arith.constant 1 : i32
      %add3A_271 = arith.addi %add3A_204, %add3A_270 : i32
      %add3A_272 = arith.constant 3 : i32
      %add3A_273 = arith.addi %add3A_271, %add3A_272 : i32
      %lt3A_274 = arith.constant 125 : i32
      %lt3A_275 = arith.cmpi slt, %add3A_273, %lt3A_274 : i32
      %convert_element_type3A_276 = arith.extui %lt3A_275 : i1 to i32
      %cond3A_277 = arith.constant 0 : i32
      %cond3A_278 = arith.cmpi ne, %convert_element_type3A_276, %cond3A_277 : i32
      scf.if %cond3A_278 {
        %add3A_477 = arith.constant 3 : i32
        %add3A_478 = arith.addi %add3A_271, %add3A_477 : i32
        %dma_start3A_479 = arith.constant 0 : i32
        %dma_start3A_480 = arith.constant 0 : i32
        %dma_start3A_481 = arith.constant 0 : i32
        %dma_start3A_482 = arith.constant 0 : i32
        %dma_start3A_483 = tpu.memref_slice %arg12[%dma_start3A_479, %dma_start3A_481, %dma_start3A_482] : memref<4x80x80xf32, #tpu.memory_space<vmem>> -> memref<1x80x80xf32, #tpu.memory_space<vmem>>
        %dma_start3A_484 = tpu.memref_squeeze %dma_start3A_483 : memref<1x80x80xf32, #tpu.memory_space<vmem>> -> memref<80x80xf32, #tpu.memory_space<vmem>>
        %dma_start3A_485 = arith.constant 0 : i32
        %dma_start3A_486 = tpu.memref_slice %arg9[%add3A_478, %dma_start3A_485] : memref<125x80xi32, #tpu.memory_space<vmem>> -> memref<1x80xi32, #tpu.memory_space<vmem>>
        %dma_start3A_487 = tpu.memref_squeeze %dma_start3A_486 : memref<1x80xi32, #tpu.memory_space<vmem>> -> memref<80xi32, #tpu.memory_space<vmem>>
        %dma_start3A_488 = arith.constant 0 : i32
        %dma_start3A_489 = arith.constant 0 : i32
        %dma_start3A_490 = tpu.memref_slice %arg2[%dma_start3A_488, %dma_start3A_489] : memref<10000x80xf32, #tpu.memory_space<hbm>> -> memref<10000x80xf32, #tpu.memory_space<hbm>>
        %dma_start3A_491 = tpu.memref_slice %arg16[%dma_start3A_480] : memref<4x!tpu.dma_semaphore, #tpu.memory_space<semaphore_mem>> -> memref<1x!tpu.dma_semaphore, #tpu.memory_space<semaphore_mem>>
        %dma_start3A_492 = tpu.memref_squeeze %dma_start3A_491 : memref<1x!tpu.dma_semaphore, #tpu.memory_space<semaphore_mem>> -> memref<!tpu.dma_semaphore, #tpu.memory_space<semaphore_mem>>
        tpu.enqueue_indirect_dma source(%dma_start3A_490 : memref<10000x80xf32, #tpu.memory_space<hbm>>) target(%dma_start3A_484 : memref<80x80xf32, #tpu.memory_space<vmem>>) offsets(%dma_start3A_487 : memref<80xi32, #tpu.memory_space<vmem>>) semaphore(%dma_start3A_492 : memref<!tpu.dma_semaphore, #tpu.memory_space<semaphore_mem>>)
        %dma_start3A_493 = arith.constant 0 : i32
        %dma_start3A_494 = arith.constant 0 : i32
        %dma_start3A_495 = arith.constant 0 : i32
        %dma_start3A_496 = arith.constant 0 : i32
        %dma_start3A_497 = tpu.memref_slice %arg13[%dma_start3A_493, %dma_start3A_495, %dma_start3A_496] : memref<4x80x16xf32, #tpu.memory_space<vmem>> -> memref<1x80x16xf32, #tpu.memory_space<vmem>>
        %dma_start3A_498 = tpu.memref_squeeze %dma_start3A_497 : memref<1x80x16xf32, #tpu.memory_space<vmem>> -> memref<80x16xf32, #tpu.memory_space<vmem>>
        %dma_start3A_499 = arith.constant 0 : i32
        %dma_start3A_500 = tpu.memref_slice %arg10[%add3A_478, %dma_start3A_499] : memref<125x80xi32, #tpu.memory_space<vmem>> -> memref<1x80xi32, #tpu.memory_space<vmem>>
        %dma_start3A_501 = tpu.memref_squeeze %dma_start3A_500 : memref<1x80xi32, #tpu.memory_space<vmem>> -> memref<80xi32, #tpu.memory_space<vmem>>
        %dma_start3A_502 = arith.constant 0 : i32
        %dma_start3A_503 = arith.constant 0 : i32
        %dma_start3A_504 = tpu.memref_slice %arg3[%dma_start3A_502, %dma_start3A_503] : memref<10000x16xf32, #tpu.memory_space<hbm>> -> memref<10000x16xf32, #tpu.memory_space<hbm>>
        %dma_start3A_505 = tpu.memref_slice %arg16[%dma_start3A_494] : memref<4x!tpu.dma_semaphore, #tpu.memory_space<semaphore_mem>> -> memref<1x!tpu.dma_semaphore, #tpu.memory_space<semaphore_mem>>
        %dma_start3A_506 = tpu.memref_squeeze %dma_start3A_505 : memref<1x!tpu.dma_semaphore, #tpu.memory_space<semaphore_mem>> -> memref<!tpu.dma_semaphore, #tpu.memory_space<semaphore_mem>>
        tpu.enqueue_indirect_dma source(%dma_start3A_504 : memref<10000x16xf32, #tpu.memory_space<hbm>>) target(%dma_start3A_498 : memref<80x16xf32, #tpu.memory_space<vmem>>) offsets(%dma_start3A_501 : memref<80xi32, #tpu.memory_space<vmem>>) semaphore(%dma_start3A_506 : memref<!tpu.dma_semaphore, #tpu.memory_space<semaphore_mem>>)
      } else {
      }
      %dma_wait3A_279 = arith.constant 0 : i32
      %dma_wait3A_280 = arith.constant 1 : i32
      %dma_wait3A_281 = arith.constant 1 : i32
      %dma_wait3A_282 = arith.constant 0 : i32
      %dma_wait3A_283 = arith.constant 0 : i32
      %dma_wait3A_284 = tpu.memref_slice %arg12[%dma_wait3A_280, %dma_wait3A_282, %dma_wait3A_283] : memref<4x80x80xf32, #tpu.memory_space<vmem>> -> memref<1x80x80xf32, #tpu.memory_space<vmem>>
      %dma_wait3A_285 = tpu.memref_squeeze %dma_wait3A_284 : memref<1x80x80xf32, #tpu.memory_space<vmem>> -> memref<80x80xf32, #tpu.memory_space<vmem>>
      %dma_wait3A_286 = arith.constant 0 : i32
      %dma_wait3A_287 = tpu.memref_slice %arg9[%dma_wait3A_279, %dma_wait3A_286] : memref<125x80xi32, #tpu.memory_space<vmem>> -> memref<1x80xi32, #tpu.memory_space<vmem>>
      %dma_wait3A_288 = tpu.memref_squeeze %dma_wait3A_287 : memref<1x80xi32, #tpu.memory_space<vmem>> -> memref<80xi32, #tpu.memory_space<vmem>>
      %dma_wait3A_289 = arith.constant 0 : i32
      %dma_wait3A_290 = arith.constant 0 : i32
      %dma_wait3A_291 = tpu.memref_slice %arg2[%dma_wait3A_289, %dma_wait3A_290] : memref<10000x80xf32, #tpu.memory_space<hbm>> -> memref<10000x80xf32, #tpu.memory_space<hbm>>
      %dma_wait3A_292 = tpu.memref_slice %arg16[%dma_wait3A_281] : memref<4x!tpu.dma_semaphore, #tpu.memory_space<semaphore_mem>> -> memref<1x!tpu.dma_semaphore, #tpu.memory_space<semaphore_mem>>
      %dma_wait3A_293 = tpu.memref_squeeze %dma_wait3A_292 : memref<1x!tpu.dma_semaphore, #tpu.memory_space<semaphore_mem>> -> memref<!tpu.dma_semaphore, #tpu.memory_space<semaphore_mem>>
      tpu.wait_indirect_dma semaphore(%dma_wait3A_293 : memref<!tpu.dma_semaphore, #tpu.memory_space<semaphore_mem>>) src(%dma_wait3A_291 : memref<10000x80xf32, #tpu.memory_space<hbm>>) dst(%dma_wait3A_285 : memref<80x80xf32, #tpu.memory_space<vmem>>)
      %dma_wait3A_294 = arith.constant 0 : i32
      %dma_wait3A_295 = arith.constant 1 : i32
      %dma_wait3A_296 = arith.constant 1 : i32
      %dma_wait3A_297 = arith.constant 0 : i32
      %dma_wait3A_298 = arith.constant 0 : i32
      %dma_wait3A_299 = tpu.memref_slice %arg13[%dma_wait3A_295, %dma_wait3A_297, %dma_wait3A_298] : memref<4x80x16xf32, #tpu.memory_space<vmem>> -> memref<1x80x16xf32, #tpu.memory_space<vmem>>
      %dma_wait3A_300 = tpu.memref_squeeze %dma_wait3A_299 : memref<1x80x16xf32, #tpu.memory_space<vmem>> -> memref<80x16xf32, #tpu.memory_space<vmem>>
      %dma_wait3A_301 = arith.constant 0 : i32
      %dma_wait3A_302 = tpu.memref_slice %arg9[%dma_wait3A_294, %dma_wait3A_301] : memref<125x80xi32, #tpu.memory_space<vmem>> -> memref<1x80xi32, #tpu.memory_space<vmem>>
      %dma_wait3A_303 = tpu.memref_squeeze %dma_wait3A_302 : memref<1x80xi32, #tpu.memory_space<vmem>> -> memref<80xi32, #tpu.memory_space<vmem>>
      %dma_wait3A_304 = arith.constant 0 : i32
      %dma_wait3A_305 = arith.constant 0 : i32
      %dma_wait3A_306 = tpu.memref_slice %arg3[%dma_wait3A_304, %dma_wait3A_305] : memref<10000x16xf32, #tpu.memory_space<hbm>> -> memref<10000x16xf32, #tpu.memory_space<hbm>>
      %dma_wait3A_307 = tpu.memref_slice %arg16[%dma_wait3A_296] : memref<4x!tpu.dma_semaphore, #tpu.memory_space<semaphore_mem>> -> memref<1x!tpu.dma_semaphore, #tpu.memory_space<semaphore_mem>>
      %dma_wait3A_308 = tpu.memref_squeeze %dma_wait3A_307 : memref<1x!tpu.dma_semaphore, #tpu.memory_space<semaphore_mem>> -> memref<!tpu.dma_semaphore, #tpu.memory_space<semaphore_mem>>
      tpu.wait_indirect_dma semaphore(%dma_wait3A_308 : memref<!tpu.dma_semaphore, #tpu.memory_space<semaphore_mem>>) src(%dma_wait3A_306 : memref<10000x16xf32, #tpu.memory_space<hbm>>) dst(%dma_wait3A_300 : memref<80x16xf32, #tpu.memory_space<vmem>>)
      %ge3A_309 = arith.constant 2 : i32
      %ge3A_310 = arith.cmpi sge, %add3A_271, %ge3A_309 : i32
      %convert_element_type3A_311 = arith.extui %ge3A_310 : i1 to i32
      %cond3A_312 = arith.constant 0 : i32
      %cond3A_313 = arith.cmpi ne, %convert_element_type3A_311, %cond3A_312 : i32
      scf.if %cond3A_313 {
        %dma_wait3A_477 = arith.constant 1 : i32
        %dma_wait3A_478 = arith.constant 0 : i32
        %dma_wait3A_479 = arith.constant 1 : i32
        %dma_wait3A_480 = arith.constant 0 : i32
        %dma_wait3A_481 = arith.constant 0 : i32
        %dma_wait3A_482 = tpu.memref_slice %arg14[%dma_wait3A_477, %dma_wait3A_480, %dma_wait3A_481] : memref<2x80x80xf32, #tpu.memory_space<vmem>> -> memref<1x80x80xf32, #tpu.memory_space<vmem>>
        %dma_wait3A_483 = tpu.memref_squeeze %dma_wait3A_482 : memref<1x80x80xf32, #tpu.memory_space<vmem>> -> memref<80x80xf32, #tpu.memory_space<vmem>>
        %dma_wait3A_484 = arith.constant 0 : i32
        %dma_wait3A_485 = tpu.memref_slice %arg10[%dma_wait3A_478, %dma_wait3A_484] : memref<125x80xi32, #tpu.memory_space<vmem>> -> memref<1x80xi32, #tpu.memory_space<vmem>>
        %dma_wait3A_486 = tpu.memref_squeeze %dma_wait3A_485 : memref<1x80xi32, #tpu.memory_space<vmem>> -> memref<80xi32, #tpu.memory_space<vmem>>
        %dma_wait3A_487 = arith.constant 0 : i32
        %dma_wait3A_488 = arith.constant 0 : i32
        %dma_wait3A_489 = tpu.memref_slice %arg15[%dma_wait3A_487, %dma_wait3A_488] : memref<12000x80xf32, #tpu.memory_space<vmem_shared>> -> memref<12000x80xf32, #tpu.memory_space<vmem_shared>>
        %dma_wait3A_490 = tpu.memref_slice %arg17[%dma_wait3A_479] : memref<2x!tpu.dma_semaphore, #tpu.memory_space<semaphore_mem>> -> memref<1x!tpu.dma_semaphore, #tpu.memory_space<semaphore_mem>>
        %dma_wait3A_491 = tpu.memref_squeeze %dma_wait3A_490 : memref<1x!tpu.dma_semaphore, #tpu.memory_space<semaphore_mem>> -> memref<!tpu.dma_semaphore, #tpu.memory_space<semaphore_mem>>
        tpu.wait_indirect_dma semaphore(%dma_wait3A_491 : memref<!tpu.dma_semaphore, #tpu.memory_space<semaphore_mem>>) src(%dma_wait3A_483 : memref<80x80xf32, #tpu.memory_space<vmem>>) dst(%dma_wait3A_489 : memref<12000x80xf32, #tpu.memory_space<vmem_shared>>)
      } else {
      }
      %get3A_314 = arith.constant 0 : index
      %get3A_315 = tpu.vector_load %arg11[%get3A_314] {strides = array<i32>} : memref<16xf32, #tpu.memory_space<vmem>>, vector<16xf32>,
      %get3A_316 = vector.shape_cast %get3A_315 : vector<16xf32> to vector<16xf32>
      %scan3A_317 = arith.constant 1 : i32
      %scan3A_318 = arith.constant 1 : i32
      %scan3A_319 = arith.constant 1 : i32
      %scan3A_320 = arith.constant 0 : i32
      %scan3A_321 = arith.constant 80 : i32
      %scan3A_322 = arith.addi %scan3A_320, %scan3A_321 : i32
      %scan3A_323 = arith.constant 1 : i32
      scf.for %scan3A_477 = %scan3A_320 to %scan3A_322 step %scan3A_323  : i32 {
        %mul3A_478 = arith.constant 1 : i32
        %mul3A_479 = arith.muli %scan3A_477, %mul3A_478 : i32
        %add3A_480 = arith.constant 0 : i32
        %add3A_481 = arith.addi %add3A_480, %mul3A_479 : i32
        %get3A_482 = arith.constant 0 : i32
        %get3A_483 = arith.constant 0 : i32
        %get3A_484 = tpu.memref_slice %arg12[%scan3A_317, %get3A_482, %get3A_483] : memref<4x80x80xf32, #tpu.memory_space<vmem>> -> memref<1x80x80xf32, #tpu.memory_space<vmem>>
        %get3A_485 = tpu.memref_squeeze %get3A_484 : memref<1x80x80xf32, #tpu.memory_space<vmem>> -> memref<80x80xf32, #tpu.memory_space<vmem>>
        %get3A_486 = arith.index_cast %add3A_481 : i32 to index
        %get3A_487 = arith.constant 64 : index
        %get3A_488 = tpu.vector_load %get3A_485[%get3A_486, %get3A_487] {strides = array<i32>} : memref<80x80xf32, #tpu.memory_space<vmem>>, vector<1x16xf32>,
        %get3A_489 = vector.shape_cast %get3A_488 : vector<1x16xf32> to vector<16xf32>
        %get3A_490 = arith.constant 0 : i32
        %get3A_491 = arith.constant 0 : i32
        %get3A_492 = tpu.memref_slice %arg13[%scan3A_318, %get3A_490, %get3A_491] : memref<4x80x16xf32, #tpu.memory_space<vmem>> -> memref<1x80x16xf32, #tpu.memory_space<vmem>>
        %get3A_493 = tpu.memref_squeeze %get3A_492 : memref<1x80x16xf32, #tpu.memory_space<vmem>> -> memref<80x16xf32, #tpu.memory_space<vmem>>
        %get3A_494 = arith.index_cast %add3A_481 : i32 to index
        %get3A_495 = arith.constant 0 : index
        %get3A_496 = tpu.vector_load %get3A_493[%get3A_494, %get3A_495] {strides = array<i32>} : memref<80x16xf32, #tpu.memory_space<vmem>>, vector<1x16xf32>,
        %get3A_497 = vector.shape_cast %get3A_496 : vector<1x16xf32> to vector<16xf32>
        %add3A_498 = arith.addf %get3A_489, %get3A_497 : vector<16xf32>
        %ge3A_499 = arith.constant 0.000000e+00 : f32
        %ge3A_500 = vector.broadcast %ge3A_499 : f32 to vector<16xf32>
        %ge3A_501 = arith.cmpf oge, %add3A_498, %ge3A_500 : vector<16xf32>
        %mul3A_502 = arith.constant 2.000000e-01 : f32
        %mul3A_503 = vector.broadcast %mul3A_502 : f32 to vector<16xf32>
        %mul3A_504 = arith.mulf %mul3A_503, %add3A_498 : vector<16xf32>
        %select_n3A = arith.select %ge3A_501, %add3A_498, %mul3A_504 : vector<16xi1>, vector<16xf32>
        %sub3A = arith.subf %select_n3A, %get3A_316 : vector<16xf32>
        %exp3A = math.exp %sub3A : vector<16xf32>
        %swap3A = arith.constant 0 : i32
        %swap3A_505 = arith.constant 0 : i32
        %swap3A_506 = tpu.memref_slice %arg14[%scan3A_319, %swap3A, %swap3A_505] : memref<2x80x80xf32, #tpu.memory_space<vmem>> -> memref<1x80x80xf32, #tpu.memory_space<vmem>>
        %swap3A_507 = tpu.memref_squeeze %swap3A_506 : memref<1x80x80xf32, #tpu.memory_space<vmem>> -> memref<80x80xf32, #tpu.memory_space<vmem>>
        %swap3A_508 = arith.index_cast %add3A_481 : i32 to index
        %swap3A_509 = arith.constant 64 : index
        %swap3A_510 = tpu.vector_load %swap3A_507[%swap3A_508, %swap3A_509] {strides = array<i32>} : memref<80x80xf32, #tpu.memory_space<vmem>>, vector<1x16xf32>,
        %swap3A_511 = vector.shape_cast %swap3A_510 : vector<1x16xf32> to vector<16xf32>
        %swap3A_512 = vector.shape_cast %exp3A : vector<16xf32> to vector<1x16xf32>
        tpu.vector_store %swap3A_507[%swap3A_508, %swap3A_509], %swap3A_512 {strides = array<i32>} : memref<80x80xf32, #tpu.memory_space<vmem>>, vector<1x16xf32>,
        %get3A_513 = arith.constant 0 : i32
        %get3A_514 = arith.constant 0 : i32
        %get3A_515 = tpu.memref_slice %arg12[%scan3A_317, %get3A_513, %get3A_514] : memref<4x80x80xf32, #tpu.memory_space<vmem>> -> memref<1x80x80xf32, #tpu.memory_space<vmem>>
        %get3A_516 = tpu.memref_squeeze %get3A_515 : memref<1x80x80xf32, #tpu.memory_space<vmem>> -> memref<80x80xf32, #tpu.memory_space<vmem>>
        %get3A_517 = arith.index_cast %add3A_481 : i32 to index
        %get3A_518 = arith.constant 0 : index
        %get3A_519 = tpu.vector_load %get3A_516[%get3A_517, %get3A_518] {strides = array<i32>} : memref<80x80xf32, #tpu.memory_space<vmem>>, vector<1x16xf32>,
        %get3A_520 = vector.shape_cast %get3A_519 : vector<1x16xf32> to vector<16xf32>
        %mul3A_521 = arith.mulf %get3A_520, %exp3A : vector<16xf32>
        %swap3A_522 = arith.constant 0 : i32
        %swap3A_523 = arith.constant 0 : i32
        %swap3A_524 = tpu.memref_slice %arg14[%scan3A_319, %swap3A_522, %swap3A_523] : memref<2x80x80xf32, #tpu.memory_space<vmem>> -> memref<1x80x80xf32, #tpu.memory_space<vmem>>
        %swap3A_525 = tpu.memref_squeeze %swap3A_524 : memref<1x80x80xf32, #tpu.memory_space<vmem>> -> memref<80x80xf32, #tpu.memory_space<vmem>>
        %swap3A_526 = arith.index_cast %add3A_481 : i32 to index
        %swap3A_527 = arith.constant 0 : index
        %swap3A_528 = tpu.vector_load %swap3A_525[%swap3A_526, %swap3A_527] {strides = array<i32>} : memref<80x80xf32, #tpu.memory_space<vmem>>, vector<1x16xf32>,
        %swap3A_529 = vector.shape_cast %swap3A_528 : vector<1x16xf32> to vector<16xf32>
        %swap3A_530 = vector.shape_cast %mul3A_521 : vector<16xf32> to vector<1x16xf32>
        tpu.vector_store %swap3A_525[%swap3A_526, %swap3A_527], %swap3A_530 {strides = array<i32>} : memref<80x80xf32, #tpu.memory_space<vmem>>, vector<1x16xf32>,
        %get3A_531 = arith.constant 0 : i32
        %get3A_532 = arith.constant 0 : i32
        %get3A_533 = tpu.memref_slice %arg12[%scan3A_317, %get3A_531, %get3A_532] : memref<4x80x80xf32, #tpu.memory_space<vmem>> -> memref<1x80x80xf32, #tpu.memory_space<vmem>>
        %get3A_534 = tpu.memref_squeeze %get3A_533 : memref<1x80x80xf32, #tpu.memory_space<vmem>> -> memref<80x80xf32, #tpu.memory_space<vmem>>
        %get3A_535 = arith.index_cast %add3A_481 : i32 to index
        %get3A_536 = arith.constant 16 : index
        %get3A_537 = tpu.vector_load %get3A_534[%get3A_535, %get3A_536] {strides = array<i32>} : memref<80x80xf32, #tpu.memory_space<vmem>>, vector<1x16xf32>,
        %get3A_538 = vector.shape_cast %get3A_537 : vector<1x16xf32> to vector<16xf32>
        %mul3A_539 = arith.mulf %get3A_538, %exp3A : vector<16xf32>
        %swap3A_540 = arith.constant 0 : i32
        %swap3A_541 = arith.constant 0 : i32
        %swap3A_542 = tpu.memref_slice %arg14[%scan3A_319, %swap3A_540, %swap3A_541] : memref<2x80x80xf32, #tpu.memory_space<vmem>> -> memref<1x80x80xf32, #tpu.memory_space<vmem>>
        %swap3A_543 = tpu.memref_squeeze %swap3A_542 : memref<1x80x80xf32, #tpu.memory_space<vmem>> -> memref<80x80xf32, #tpu.memory_space<vmem>>
        %swap3A_544 = arith.index_cast %add3A_481 : i32 to index
        %swap3A_545 = arith.constant 16 : index
        %swap3A_546 = tpu.vector_load %swap3A_543[%swap3A_544, %swap3A_545] {strides = array<i32>} : memref<80x80xf32, #tpu.memory_space<vmem>>, vector<1x16xf32>,
        %swap3A_547 = vector.shape_cast %swap3A_546 : vector<1x16xf32> to vector<16xf32>
        %swap3A_548 = vector.shape_cast %mul3A_539 : vector<16xf32> to vector<1x16xf32>
        tpu.vector_store %swap3A_543[%swap3A_544, %swap3A_545], %swap3A_548 {strides = array<i32>} : memref<80x80xf32, #tpu.memory_space<vmem>>, vector<1x16xf32>,
        %get3A_549 = arith.constant 0 : i32
        %get3A_550 = arith.constant 0 : i32
        %get3A_551 = tpu.memref_slice %arg12[%scan3A_317, %get3A_549, %get3A_550] : memref<4x80x80xf32, #tpu.memory_space<vmem>> -> memref<1x80x80xf32, #tpu.memory_space<vmem>>
        %get3A_552 = tpu.memref_squeeze %get3A_551 : memref<1x80x80xf32, #tpu.memory_space<vmem>> -> memref<80x80xf32, #tpu.memory_space<vmem>>
        %get3A_553 = arith.index_cast %add3A_481 : i32 to index
        %get3A_554 = arith.constant 32 : index
        %get3A_555 = tpu.vector_load %get3A_552[%get3A_553, %get3A_554] {strides = array<i32>} : memref<80x80xf32, #tpu.memory_space<vmem>>, vector<1x16xf32>,
        %get3A_556 = vector.shape_cast %get3A_555 : vector<1x16xf32> to vector<16xf32>
        %mul3A_557 = arith.mulf %get3A_556, %exp3A : vector<16xf32>
        %swap3A_558 = arith.constant 0 : i32
        %swap3A_559 = arith.constant 0 : i32
        %swap3A_560 = tpu.memref_slice %arg14[%scan3A_319, %swap3A_558, %swap3A_559] : memref<2x80x80xf32, #tpu.memory_space<vmem>> -> memref<1x80x80xf32, #tpu.memory_space<vmem>>
        %swap3A_561 = tpu.memref_squeeze %swap3A_560 : memref<1x80x80xf32, #tpu.memory_space<vmem>> -> memref<80x80xf32, #tpu.memory_space<vmem>>
        %swap3A_562 = arith.index_cast %add3A_481 : i32 to index
        %swap3A_563 = arith.constant 32 : index
        %swap3A_564 = tpu.vector_load %swap3A_561[%swap3A_562, %swap3A_563] {strides = array<i32>} : memref<80x80xf32, #tpu.memory_space<vmem>>, vector<1x16xf32>,
        %swap3A_565 = vector.shape_cast %swap3A_564 : vector<1x16xf32> to vector<16xf32>
        %swap3A_566 = vector.shape_cast %mul3A_557 : vector<16xf32> to vector<1x16xf32>
        tpu.vector_store %swap3A_561[%swap3A_562, %swap3A_563], %swap3A_566 {strides = array<i32>} : memref<80x80xf32, #tpu.memory_space<vmem>>, vector<1x16xf32>,
        %get3A_567 = arith.constant 0 : i32
        %get3A_568 = arith.constant 0 : i32
        %get3A_569 = tpu.memref_slice %arg12[%scan3A_317, %get3A_567, %get3A_568] : memref<4x80x80xf32, #tpu.memory_space<vmem>> -> memref<1x80x80xf32, #tpu.memory_space<vmem>>
        %get3A_570 = tpu.memref_squeeze %get3A_569 : memref<1x80x80xf32, #tpu.memory_space<vmem>> -> memref<80x80xf32, #tpu.memory_space<vmem>>
        %get3A_571 = arith.index_cast %add3A_481 : i32 to index
        %get3A_572 = arith.constant 48 : index
        %get3A_573 = tpu.vector_load %get3A_570[%get3A_571, %get3A_572] {strides = array<i32>} : memref<80x80xf32, #tpu.memory_space<vmem>>, vector<1x16xf32>,
        %get3A_574 = vector.shape_cast %get3A_573 : vector<1x16xf32> to vector<16xf32>
        %mul3A_575 = arith.mulf %get3A_574, %exp3A : vector<16xf32>
        %swap3A_576 = arith.constant 0 : i32
        %swap3A_577 = arith.constant 0 : i32
        %swap3A_578 = tpu.memref_slice %arg14[%scan3A_319, %swap3A_576, %swap3A_577] : memref<2x80x80xf32, #tpu.memory_space<vmem>> -> memref<1x80x80xf32, #tpu.memory_space<vmem>>
        %swap3A_579 = tpu.memref_squeeze %swap3A_578 : memref<1x80x80xf32, #tpu.memory_space<vmem>> -> memref<80x80xf32, #tpu.memory_space<vmem>>
        %swap3A_580 = arith.index_cast %add3A_481 : i32 to index
        %swap3A_581 = arith.constant 48 : index
        %swap3A_582 = tpu.vector_load %swap3A_579[%swap3A_580, %swap3A_581] {strides = array<i32>} : memref<80x80xf32, #tpu.memory_space<vmem>>, vector<1x16xf32>,
        %swap3A_583 = vector.shape_cast %swap3A_582 : vector<1x16xf32> to vector<16xf32>
        %swap3A_584 = vector.shape_cast %mul3A_575 : vector<16xf32> to vector<1x16xf32>
        tpu.vector_store %swap3A_579[%swap3A_580, %swap3A_581], %swap3A_584 {strides = array<i32>} : memref<80x80xf32, #tpu.memory_space<vmem>>, vector<1x16xf32>,
      }
      %scan3A_324 = arith.constant 80 : i32
      %dma_start3A_325 = arith.constant 1 : i32
      %dma_start3A_326 = arith.constant 1 : i32
      %dma_start3A_327 = arith.constant 0 : i32
      %dma_start3A_328 = arith.constant 0 : i32
      %dma_start3A_329 = tpu.memref_slice %arg14[%dma_start3A_325, %dma_start3A_327, %dma_start3A_328] : memref<2x80x80xf32, #tpu.memory_space<vmem>> -> memref<1x80x80xf32, #tpu.memory_space<vmem>>
      %dma_start3A_330 = tpu.memref_squeeze %dma_start3A_329 : memref<1x80x80xf32, #tpu.memory_space<vmem>> -> memref<80x80xf32, #tpu.memory_space<vmem>>
      %dma_start3A_331 = arith.constant 0 : i32
      %dma_start3A_332 = tpu.memref_slice %arg10[%add3A_271, %dma_start3A_331] : memref<125x80xi32, #tpu.memory_space<vmem>> -> memref<1x80xi32, #tpu.memory_space<vmem>>
      %dma_start3A_333 = tpu.memref_squeeze %dma_start3A_332 : memref<1x80xi32, #tpu.memory_space<vmem>> -> memref<80xi32, #tpu.memory_space<vmem>>
      %dma_start3A_334 = arith.constant 0 : i32
      %dma_start3A_335 = arith.constant 0 : i32
      %dma_start3A_336 = tpu.memref_slice %arg15[%dma_start3A_334, %dma_start3A_335] : memref<12000x80xf32, #tpu.memory_space<vmem_shared>> -> memref<12000x80xf32, #tpu.memory_space<vmem_shared>>
      %dma_start3A_337 = tpu.memref_slice %arg17[%dma_start3A_326] : memref<2x!tpu.dma_semaphore, #tpu.memory_space<semaphore_mem>> -> memref<1x!tpu.dma_semaphore, #tpu.memory_space<semaphore_mem>>
      %dma_start3A_338 = tpu.memref_squeeze %dma_start3A_337 : memref<1x!tpu.dma_semaphore, #tpu.memory_space<semaphore_mem>> -> memref<!tpu.dma_semaphore, #tpu.memory_space<semaphore_mem>>
      tpu.enqueue_indirect_dma source(%dma_start3A_330 : memref<80x80xf32, #tpu.memory_space<vmem>>) target(%dma_start3A_336 : memref<12000x80xf32, #tpu.memory_space<vmem_shared>>) offsets(%dma_start3A_333 : memref<80xi32, #tpu.memory_space<vmem>>) semaphore(%dma_start3A_338 : memref<!tpu.dma_semaphore, #tpu.memory_space<semaphore_mem>>) {add = true}
      %add3A_339 = arith.constant 2 : i32
      %add3A_340 = arith.addi %add3A_204, %add3A_339 : i32
      %add3A_341 = arith.constant 3 : i32
      %add3A_342 = arith.addi %add3A_340, %add3A_341 : i32
      %lt3A_343 = arith.constant 125 : i32
      %lt3A_344 = arith.cmpi slt, %add3A_342, %lt3A_343 : i32
      %convert_element_type3A_345 = arith.extui %lt3A_344 : i1 to i32
      %cond3A_346 = arith.constant 0 : i32
      %cond3A_347 = arith.cmpi ne, %convert_element_type3A_345, %cond3A_346 : i32
      scf.if %cond3A_347 {
        %add3A_477 = arith.constant 3 : i32
        %add3A_478 = arith.addi %add3A_340, %add3A_477 : i32
        %dma_start3A_479 = arith.constant 1 : i32
        %dma_start3A_480 = arith.constant 1 : i32
        %dma_start3A_481 = arith.constant 0 : i32
        %dma_start3A_482 = arith.constant 0 : i32
        %dma_start3A_483 = tpu.memref_slice %arg12[%dma_start3A_479, %dma_start3A_481, %dma_start3A_482] : memref<4x80x80xf32, #tpu.memory_space<vmem>> -> memref<1x80x80xf32, #tpu.memory_space<vmem>>
        %dma_start3A_484 = tpu.memref_squeeze %dma_start3A_483 : memref<1x80x80xf32, #tpu.memory_space<vmem>> -> memref<80x80xf32, #tpu.memory_space<vmem>>
        %dma_start3A_485 = arith.constant 0 : i32
        %dma_start3A_486 = tpu.memref_slice %arg9[%add3A_478, %dma_start3A_485] : memref<125x80xi32, #tpu.memory_space<vmem>> -> memref<1x80xi32, #tpu.memory_space<vmem>>
        %dma_start3A_487 = tpu.memref_squeeze %dma_start3A_486 : memref<1x80xi32, #tpu.memory_space<vmem>> -> memref<80xi32, #tpu.memory_space<vmem>>
        %dma_start3A_488 = arith.constant 0 : i32
        %dma_start3A_489 = arith.constant 0 : i32
        %dma_start3A_490 = tpu.memref_slice %arg2[%dma_start3A_488, %dma_start3A_489] : memref<10000x80xf32, #tpu.memory_space<hbm>> -> memref<10000x80xf32, #tpu.memory_space<hbm>>
        %dma_start3A_491 = tpu.memref_slice %arg16[%dma_start3A_480] : memref<4x!tpu.dma_semaphore, #tpu.memory_space<semaphore_mem>> -> memref<1x!tpu.dma_semaphore, #tpu.memory_space<semaphore_mem>>
        %dma_start3A_492 = tpu.memref_squeeze %dma_start3A_491 : memref<1x!tpu.dma_semaphore, #tpu.memory_space<semaphore_mem>> -> memref<!tpu.dma_semaphore, #tpu.memory_space<semaphore_mem>>
        tpu.enqueue_indirect_dma source(%dma_start3A_490 : memref<10000x80xf32, #tpu.memory_space<hbm>>) target(%dma_start3A_484 : memref<80x80xf32, #tpu.memory_space<vmem>>) offsets(%dma_start3A_487 : memref<80xi32, #tpu.memory_space<vmem>>) semaphore(%dma_start3A_492 : memref<!tpu.dma_semaphore, #tpu.memory_space<semaphore_mem>>)
        %dma_start3A_493 = arith.constant 1 : i32
        %dma_start3A_494 = arith.constant 1 : i32
        %dma_start3A_495 = arith.constant 0 : i32
        %dma_start3A_496 = arith.constant 0 : i32
        %dma_start3A_497 = tpu.memref_slice %arg13[%dma_start3A_493, %dma_start3A_495, %dma_start3A_496] : memref<4x80x16xf32, #tpu.memory_space<vmem>> -> memref<1x80x16xf32, #tpu.memory_space<vmem>>
        %dma_start3A_498 = tpu.memref_squeeze %dma_start3A_497 : memref<1x80x16xf32, #tpu.memory_space<vmem>> -> memref<80x16xf32, #tpu.memory_space<vmem>>
        %dma_start3A_499 = arith.constant 0 : i32
        %dma_start3A_500 = tpu.memref_slice %arg10[%add3A_478, %dma_start3A_499] : memref<125x80xi32, #tpu.memory_space<vmem>> -> memref<1x80xi32, #tpu.memory_space<vmem>>
        %dma_start3A_501 = tpu.memref_squeeze %dma_start3A_500 : memref<1x80xi32, #tpu.memory_space<vmem>> -> memref<80xi32, #tpu.memory_space<vmem>>
        %dma_start3A_502 = arith.constant 0 : i32
        %dma_start3A_503 = arith.constant 0 : i32
        %dma_start3A_504 = tpu.memref_slice %arg3[%dma_start3A_502, %dma_start3A_503] : memref<10000x16xf32, #tpu.memory_space<hbm>> -> memref<10000x16xf32, #tpu.memory_space<hbm>>
        %dma_start3A_505 = tpu.memref_slice %arg16[%dma_start3A_494] : memref<4x!tpu.dma_semaphore, #tpu.memory_space<semaphore_mem>> -> memref<1x!tpu.dma_semaphore, #tpu.memory_space<semaphore_mem>>
        %dma_start3A_506 = tpu.memref_squeeze %dma_start3A_505 : memref<1x!tpu.dma_semaphore, #tpu.memory_space<semaphore_mem>> -> memref<!tpu.dma_semaphore, #tpu.memory_space<semaphore_mem>>
        tpu.enqueue_indirect_dma source(%dma_start3A_504 : memref<10000x16xf32, #tpu.memory_space<hbm>>) target(%dma_start3A_498 : memref<80x16xf32, #tpu.memory_space<vmem>>) offsets(%dma_start3A_501 : memref<80xi32, #tpu.memory_space<vmem>>) semaphore(%dma_start3A_506 : memref<!tpu.dma_semaphore, #tpu.memory_space<semaphore_mem>>)
      } else {
      }
      %dma_wait3A_348 = arith.constant 0 : i32
      %dma_wait3A_349 = arith.constant 2 : i32
      %dma_wait3A_350 = arith.constant 2 : i32
      %dma_wait3A_351 = arith.constant 0 : i32
      %dma_wait3A_352 = arith.constant 0 : i32
      %dma_wait3A_353 = tpu.memref_slice %arg12[%dma_wait3A_349, %dma_wait3A_351, %dma_wait3A_352] : memref<4x80x80xf32, #tpu.memory_space<vmem>> -> memref<1x80x80xf32, #tpu.memory_space<vmem>>
      %dma_wait3A_354 = tpu.memref_squeeze %dma_wait3A_353 : memref<1x80x80xf32, #tpu.memory_space<vmem>> -> memref<80x80xf32, #tpu.memory_space<vmem>>
      %dma_wait3A_355 = arith.constant 0 : i32
      %dma_wait3A_356 = tpu.memref_slice %arg9[%dma_wait3A_348, %dma_wait3A_355] : memref<125x80xi32, #tpu.memory_space<vmem>> -> memref<1x80xi32, #tpu.memory_space<vmem>>
      %dma_wait3A_357 = tpu.memref_squeeze %dma_wait3A_356 : memref<1x80xi32, #tpu.memory_space<vmem>> -> memref<80xi32, #tpu.memory_space<vmem>>
      %dma_wait3A_358 = arith.constant 0 : i32
      %dma_wait3A_359 = arith.constant 0 : i32
      %dma_wait3A_360 = tpu.memref_slice %arg2[%dma_wait3A_358, %dma_wait3A_359] : memref<10000x80xf32, #tpu.memory_space<hbm>> -> memref<10000x80xf32, #tpu.memory_space<hbm>>
      %dma_wait3A_361 = tpu.memref_slice %arg16[%dma_wait3A_350] : memref<4x!tpu.dma_semaphore, #tpu.memory_space<semaphore_mem>> -> memref<1x!tpu.dma_semaphore, #tpu.memory_space<semaphore_mem>>
      %dma_wait3A_362 = tpu.memref_squeeze %dma_wait3A_361 : memref<1x!tpu.dma_semaphore, #tpu.memory_space<semaphore_mem>> -> memref<!tpu.dma_semaphore, #tpu.memory_space<semaphore_mem>>
      tpu.wait_indirect_dma semaphore(%dma_wait3A_362 : memref<!tpu.dma_semaphore, #tpu.memory_space<semaphore_mem>>) src(%dma_wait3A_360 : memref<10000x80xf32, #tpu.memory_space<hbm>>) dst(%dma_wait3A_354 : memref<80x80xf32, #tpu.memory_space<vmem>>)
      %dma_wait3A_363 = arith.constant 0 : i32
      %dma_wait3A_364 = arith.constant 2 : i32
      %dma_wait3A_365 = arith.constant 2 : i32
      %dma_wait3A_366 = arith.constant 0 : i32
      %dma_wait3A_367 = arith.constant 0 : i32
      %dma_wait3A_368 = tpu.memref_slice %arg13[%dma_wait3A_364, %dma_wait3A_366, %dma_wait3A_367] : memref<4x80x16xf32, #tpu.memory_space<vmem>> -> memref<1x80x16xf32, #tpu.memory_space<vmem>>
      %dma_wait3A_369 = tpu.memref_squeeze %dma_wait3A_368 : memref<1x80x16xf32, #tpu.memory_space<vmem>> -> memref<80x16xf32, #tpu.memory_space<vmem>>
      %dma_wait3A_370 = arith.constant 0 : i32
      %dma_wait3A_371 = tpu.memref_slice %arg9[%dma_wait3A_363, %dma_wait3A_370] : memref<125x80xi32, #tpu.memory_space<vmem>> -> memref<1x80xi32, #tpu.memory_space<vmem>>
      %dma_wait3A_372 = tpu.memref_squeeze %dma_wait3A_371 : memref<1x80xi32, #tpu.memory_space<vmem>> -> memref<80xi32, #tpu.memory_space<vmem>>
      %dma_wait3A_373 = arith.constant 0 : i32
      %dma_wait3A_374 = arith.constant 0 : i32
      %dma_wait3A_375 = tpu.memref_slice %arg3[%dma_wait3A_373, %dma_wait3A_374] : memref<10000x16xf32, #tpu.memory_space<hbm>> -> memref<10000x16xf32, #tpu.memory_space<hbm>>
      %dma_wait3A_376 = tpu.memref_slice %arg16[%dma_wait3A_365] : memref<4x!tpu.dma_semaphore, #tpu.memory_space<semaphore_mem>> -> memref<1x!tpu.dma_semaphore, #tpu.memory_space<semaphore_mem>>
      %dma_wait3A_377 = tpu.memref_squeeze %dma_wait3A_376 : memref<1x!tpu.dma_semaphore, #tpu.memory_space<semaphore_mem>> -> memref<!tpu.dma_semaphore, #tpu.memory_space<semaphore_mem>>
      tpu.wait_indirect_dma semaphore(%dma_wait3A_377 : memref<!tpu.dma_semaphore, #tpu.memory_space<semaphore_mem>>) src(%dma_wait3A_375 : memref<10000x16xf32, #tpu.memory_space<hbm>>) dst(%dma_wait3A_369 : memref<80x16xf32, #tpu.memory_space<vmem>>)
      %ge3A_378 = arith.constant 2 : i32
      %ge3A_379 = arith.cmpi sge, %add3A_340, %ge3A_378 : i32
      %convert_element_type3A_380 = arith.extui %ge3A_379 : i1 to i32
      %cond3A_381 = arith.constant 0 : i32
      %cond3A_382 = arith.cmpi ne, %convert_element_type3A_380, %cond3A_381 : i32
      scf.if %cond3A_382 {
        %dma_wait3A_477 = arith.constant 0 : i32
        %dma_wait3A_478 = arith.constant 0 : i32
        %dma_wait3A_479 = arith.constant 0 : i32
        %dma_wait3A_480 = arith.constant 0 : i32
        %dma_wait3A_481 = arith.constant 0 : i32
        %dma_wait3A_482 = tpu.memref_slice %arg14[%dma_wait3A_477, %dma_wait3A_480, %dma_wait3A_481] : memref<2x80x80xf32, #tpu.memory_space<vmem>> -> memref<1x80x80xf32, #tpu.memory_space<vmem>>
        %dma_wait3A_483 = tpu.memref_squeeze %dma_wait3A_482 : memref<1x80x80xf32, #tpu.memory_space<vmem>> -> memref<80x80xf32, #tpu.memory_space<vmem>>
        %dma_wait3A_484 = arith.constant 0 : i32
        %dma_wait3A_485 = tpu.memref_slice %arg10[%dma_wait3A_478, %dma_wait3A_484] : memref<125x80xi32, #tpu.memory_space<vmem>> -> memref<1x80xi32, #tpu.memory_space<vmem>>
        %dma_wait3A_486 = tpu.memref_squeeze %dma_wait3A_485 : memref<1x80xi32, #tpu.memory_space<vmem>> -> memref<80xi32, #tpu.memory_space<vmem>>
        %dma_wait3A_487 = arith.constant 0 : i32
        %dma_wait3A_488 = arith.constant 0 : i32
        %dma_wait3A_489 = tpu.memref_slice %arg15[%dma_wait3A_487, %dma_wait3A_488] : memref<12000x80xf32, #tpu.memory_space<vmem_shared>> -> memref<12000x80xf32, #tpu.memory_space<vmem_shared>>
        %dma_wait3A_490 = tpu.memref_slice %arg17[%dma_wait3A_479] : memref<2x!tpu.dma_semaphore, #tpu.memory_space<semaphore_mem>> -> memref<1x!tpu.dma_semaphore, #tpu.memory_space<semaphore_mem>>
        %dma_wait3A_491 = tpu.memref_squeeze %dma_wait3A_490 : memref<1x!tpu.dma_semaphore, #tpu.memory_space<semaphore_mem>> -> memref<!tpu.dma_semaphore, #tpu.memory_space<semaphore_mem>>
        tpu.wait_indirect_dma semaphore(%dma_wait3A_491 : memref<!tpu.dma_semaphore, #tpu.memory_space<semaphore_mem>>) src(%dma_wait3A_483 : memref<80x80xf32, #tpu.memory_space<vmem>>) dst(%dma_wait3A_489 : memref<12000x80xf32, #tpu.memory_space<vmem_shared>>)
      } else {
      }
      %get3A_383 = arith.constant 0 : index
      %get3A_384 = tpu.vector_load %arg11[%get3A_383] {strides = array<i32>} : memref<16xf32, #tpu.memory_space<vmem>>, vector<16xf32>,
      %get3A_385 = vector.shape_cast %get3A_384 : vector<16xf32> to vector<16xf32>
      %scan3A_386 = arith.constant 2 : i32
      %scan3A_387 = arith.constant 2 : i32
      %scan3A_388 = arith.constant 0 : i32
      %scan3A_389 = arith.constant 0 : i32
      %scan3A_390 = arith.constant 80 : i32
      %scan3A_391 = arith.addi %scan3A_389, %scan3A_390 : i32
      %scan3A_392 = arith.constant 1 : i32
      scf.for %scan3A_477 = %scan3A_389 to %scan3A_391 step %scan3A_392  : i32 {
        %mul3A_478 = arith.constant 1 : i32
        %mul3A_479 = arith.muli %scan3A_477, %mul3A_478 : i32
        %add3A_480 = arith.constant 0 : i32
        %add3A_481 = arith.addi %add3A_480, %mul3A_479 : i32
        %get3A_482 = arith.constant 0 : i32
        %get3A_483 = arith.constant 0 : i32
        %get3A_484 = tpu.memref_slice %arg12[%scan3A_386, %get3A_482, %get3A_483] : memref<4x80x80xf32, #tpu.memory_space<vmem>> -> memref<1x80x80xf32, #tpu.memory_space<vmem>>
        %get3A_485 = tpu.memref_squeeze %get3A_484 : memref<1x80x80xf32, #tpu.memory_space<vmem>> -> memref<80x80xf32, #tpu.memory_space<vmem>>
        %get3A_486 = arith.index_cast %add3A_481 : i32 to index
        %get3A_487 = arith.constant 64 : index
        %get3A_488 = tpu.vector_load %get3A_485[%get3A_486, %get3A_487] {strides = array<i32>} : memref<80x80xf32, #tpu.memory_space<vmem>>, vector<1x16xf32>,
        %get3A_489 = vector.shape_cast %get3A_488 : vector<1x16xf32> to vector<16xf32>
        %get3A_490 = arith.constant 0 : i32
        %get3A_491 = arith.constant 0 : i32
        %get3A_492 = tpu.memref_slice %arg13[%scan3A_387, %get3A_490, %get3A_491] : memref<4x80x16xf32, #tpu.memory_space<vmem>> -> memref<1x80x16xf32, #tpu.memory_space<vmem>>
        %get3A_493 = tpu.memref_squeeze %get3A_492 : memref<1x80x16xf32, #tpu.memory_space<vmem>> -> memref<80x16xf32, #tpu.memory_space<vmem>>
        %get3A_494 = arith.index_cast %add3A_481 : i32 to index
        %get3A_495 = arith.constant 0 : index
        %get3A_496 = tpu.vector_load %get3A_493[%get3A_494, %get3A_495] {strides = array<i32>} : memref<80x16xf32, #tpu.memory_space<vmem>>, vector<1x16xf32>,
        %get3A_497 = vector.shape_cast %get3A_496 : vector<1x16xf32> to vector<16xf32>
        %add3A_498 = arith.addf %get3A_489, %get3A_497 : vector<16xf32>
        %ge3A_499 = arith.constant 0.000000e+00 : f32
        %ge3A_500 = vector.broadcast %ge3A_499 : f32 to vector<16xf32>
        %ge3A_501 = arith.cmpf oge, %add3A_498, %ge3A_500 : vector<16xf32>
        %mul3A_502 = arith.constant 2.000000e-01 : f32
        %mul3A_503 = vector.broadcast %mul3A_502 : f32 to vector<16xf32>
        %mul3A_504 = arith.mulf %mul3A_503, %add3A_498 : vector<16xf32>
        %select_n3A = arith.select %ge3A_501, %add3A_498, %mul3A_504 : vector<16xi1>, vector<16xf32>
        %sub3A = arith.subf %select_n3A, %get3A_385 : vector<16xf32>
        %exp3A = math.exp %sub3A : vector<16xf32>
        %swap3A = arith.constant 0 : i32
        %swap3A_505 = arith.constant 0 : i32
        %swap3A_506 = tpu.memref_slice %arg14[%scan3A_388, %swap3A, %swap3A_505] : memref<2x80x80xf32, #tpu.memory_space<vmem>> -> memref<1x80x80xf32, #tpu.memory_space<vmem>>
        %swap3A_507 = tpu.memref_squeeze %swap3A_506 : memref<1x80x80xf32, #tpu.memory_space<vmem>> -> memref<80x80xf32, #tpu.memory_space<vmem>>
        %swap3A_508 = arith.index_cast %add3A_481 : i32 to index
        %swap3A_509 = arith.constant 64 : index
        %swap3A_510 = tpu.vector_load %swap3A_507[%swap3A_508, %swap3A_509] {strides = array<i32>} : memref<80x80xf32, #tpu.memory_space<vmem>>, vector<1x16xf32>,
        %swap3A_511 = vector.shape_cast %swap3A_510 : vector<1x16xf32> to vector<16xf32>
        %swap3A_512 = vector.shape_cast %exp3A : vector<16xf32> to vector<1x16xf32>
        tpu.vector_store %swap3A_507[%swap3A_508, %swap3A_509], %swap3A_512 {strides = array<i32>} : memref<80x80xf32, #tpu.memory_space<vmem>>, vector<1x16xf32>,
        %get3A_513 = arith.constant 0 : i32
        %get3A_514 = arith.constant 0 : i32
        %get3A_515 = tpu.memref_slice %arg12[%scan3A_386, %get3A_513, %get3A_514] : memref<4x80x80xf32, #tpu.memory_space<vmem>> -> memref<1x80x80xf32, #tpu.memory_space<vmem>>
        %get3A_516 = tpu.memref_squeeze %get3A_515 : memref<1x80x80xf32, #tpu.memory_space<vmem>> -> memref<80x80xf32, #tpu.memory_space<vmem>>
        %get3A_517 = arith.index_cast %add3A_481 : i32 to index
        %get3A_518 = arith.constant 0 : index
        %get3A_519 = tpu.vector_load %get3A_516[%get3A_517, %get3A_518] {strides = array<i32>} : memref<80x80xf32, #tpu.memory_space<vmem>>, vector<1x16xf32>,
        %get3A_520 = vector.shape_cast %get3A_519 : vector<1x16xf32> to vector<16xf32>
        %mul3A_521 = arith.mulf %get3A_520, %exp3A : vector<16xf32>
        %swap3A_522 = arith.constant 0 : i32
        %swap3A_523 = arith.constant 0 : i32
        %swap3A_524 = tpu.memref_slice %arg14[%scan3A_388, %swap3A_522, %swap3A_523] : memref<2x80x80xf32, #tpu.memory_space<vmem>> -> memref<1x80x80xf32, #tpu.memory_space<vmem>>
        %swap3A_525 = tpu.memref_squeeze %swap3A_524 : memref<1x80x80xf32, #tpu.memory_space<vmem>> -> memref<80x80xf32, #tpu.memory_space<vmem>>
        %swap3A_526 = arith.index_cast %add3A_481 : i32 to index
        %swap3A_527 = arith.constant 0 : index
        %swap3A_528 = tpu.vector_load %swap3A_525[%swap3A_526, %swap3A_527] {strides = array<i32>} : memref<80x80xf32, #tpu.memory_space<vmem>>, vector<1x16xf32>,
        %swap3A_529 = vector.shape_cast %swap3A_528 : vector<1x16xf32> to vector<16xf32>
        %swap3A_530 = vector.shape_cast %mul3A_521 : vector<16xf32> to vector<1x16xf32>
        tpu.vector_store %swap3A_525[%swap3A_526, %swap3A_527], %swap3A_530 {strides = array<i32>} : memref<80x80xf32, #tpu.memory_space<vmem>>, vector<1x16xf32>,
        %get3A_531 = arith.constant 0 : i32
        %get3A_532 = arith.constant 0 : i32
        %get3A_533 = tpu.memref_slice %arg12[%scan3A_386, %get3A_531, %get3A_532] : memref<4x80x80xf32, #tpu.memory_space<vmem>> -> memref<1x80x80xf32, #tpu.memory_space<vmem>>
        %get3A_534 = tpu.memref_squeeze %get3A_533 : memref<1x80x80xf32, #tpu.memory_space<vmem>> -> memref<80x80xf32, #tpu.memory_space<vmem>>
        %get3A_535 = arith.index_cast %add3A_481 : i32 to index
        %get3A_536 = arith.constant 16 : index
        %get3A_537 = tpu.vector_load %get3A_534[%get3A_535, %get3A_536] {strides = array<i32>} : memref<80x80xf32, #tpu.memory_space<vmem>>, vector<1x16xf32>,
        %get3A_538 = vector.shape_cast %get3A_537 : vector<1x16xf32> to vector<16xf32>
        %mul3A_539 = arith.mulf %get3A_538, %exp3A : vector<16xf32>
        %swap3A_540 = arith.constant 0 : i32
        %swap3A_541 = arith.constant 0 : i32
        %swap3A_542 = tpu.memref_slice %arg14[%scan3A_388, %swap3A_540, %swap3A_541] : memref<2x80x80xf32, #tpu.memory_space<vmem>> -> memref<1x80x80xf32, #tpu.memory_space<vmem>>
        %swap3A_543 = tpu.memref_squeeze %swap3A_542 : memref<1x80x80xf32, #tpu.memory_space<vmem>> -> memref<80x80xf32, #tpu.memory_space<vmem>>
        %swap3A_544 = arith.index_cast %add3A_481 : i32 to index
        %swap3A_545 = arith.constant 16 : index
        %swap3A_546 = tpu.vector_load %swap3A_543[%swap3A_544, %swap3A_545] {strides = array<i32>} : memref<80x80xf32, #tpu.memory_space<vmem>>, vector<1x16xf32>,
        %swap3A_547 = vector.shape_cast %swap3A_546 : vector<1x16xf32> to vector<16xf32>
        %swap3A_548 = vector.shape_cast %mul3A_539 : vector<16xf32> to vector<1x16xf32>
        tpu.vector_store %swap3A_543[%swap3A_544, %swap3A_545], %swap3A_548 {strides = array<i32>} : memref<80x80xf32, #tpu.memory_space<vmem>>, vector<1x16xf32>,
        %get3A_549 = arith.constant 0 : i32
        %get3A_550 = arith.constant 0 : i32
        %get3A_551 = tpu.memref_slice %arg12[%scan3A_386, %get3A_549, %get3A_550] : memref<4x80x80xf32, #tpu.memory_space<vmem>> -> memref<1x80x80xf32, #tpu.memory_space<vmem>>
        %get3A_552 = tpu.memref_squeeze %get3A_551 : memref<1x80x80xf32, #tpu.memory_space<vmem>> -> memref<80x80xf32, #tpu.memory_space<vmem>>
        %get3A_553 = arith.index_cast %add3A_481 : i32 to index
        %get3A_554 = arith.constant 32 : index
        %get3A_555 = tpu.vector_load %get3A_552[%get3A_553, %get3A_554] {strides = array<i32>} : memref<80x80xf32, #tpu.memory_space<vmem>>, vector<1x16xf32>,
        %get3A_556 = vector.shape_cast %get3A_555 : vector<1x16xf32> to vector<16xf32>
        %mul3A_557 = arith.mulf %get3A_556, %exp3A : vector<16xf32>
        %swap3A_558 = arith.constant 0 : i32
        %swap3A_559 = arith.constant 0 : i32
        %swap3A_560 = tpu.memref_slice %arg14[%scan3A_388, %swap3A_558, %swap3A_559] : memref<2x80x80xf32, #tpu.memory_space<vmem>> -> memref<1x80x80xf32, #tpu.memory_space<vmem>>
        %swap3A_561 = tpu.memref_squeeze %swap3A_560 : memref<1x80x80xf32, #tpu.memory_space<vmem>> -> memref<80x80xf32, #tpu.memory_space<vmem>>
        %swap3A_562 = arith.index_cast %add3A_481 : i32 to index
        %swap3A_563 = arith.constant 32 : index
        %swap3A_564 = tpu.vector_load %swap3A_561[%swap3A_562, %swap3A_563] {strides = array<i32>} : memref<80x80xf32, #tpu.memory_space<vmem>>, vector<1x16xf32>,
        %swap3A_565 = vector.shape_cast %swap3A_564 : vector<1x16xf32> to vector<16xf32>
        %swap3A_566 = vector.shape_cast %mul3A_557 : vector<16xf32> to vector<1x16xf32>
        tpu.vector_store %swap3A_561[%swap3A_562, %swap3A_563], %swap3A_566 {strides = array<i32>} : memref<80x80xf32, #tpu.memory_space<vmem>>, vector<1x16xf32>,
        %get3A_567 = arith.constant 0 : i32
        %get3A_568 = arith.constant 0 : i32
        %get3A_569 = tpu.memref_slice %arg12[%scan3A_386, %get3A_567, %get3A_568] : memref<4x80x80xf32, #tpu.memory_space<vmem>> -> memref<1x80x80xf32, #tpu.memory_space<vmem>>
        %get3A_570 = tpu.memref_squeeze %get3A_569 : memref<1x80x80xf32, #tpu.memory_space<vmem>> -> memref<80x80xf32, #tpu.memory_space<vmem>>
        %get3A_571 = arith.index_cast %add3A_481 : i32 to index
        %get3A_572 = arith.constant 48 : index
        %get3A_573 = tpu.vector_load %get3A_570[%get3A_571, %get3A_572] {strides = array<i32>} : memref<80x80xf32, #tpu.memory_space<vmem>>, vector<1x16xf32>,
        %get3A_574 = vector.shape_cast %get3A_573 : vector<1x16xf32> to vector<16xf32>
        %mul3A_575 = arith.mulf %get3A_574, %exp3A : vector<16xf32>
        %swap3A_576 = arith.constant 0 : i32
        %swap3A_577 = arith.constant 0 : i32
        %swap3A_578 = tpu.memref_slice %arg14[%scan3A_388, %swap3A_576, %swap3A_577] : memref<2x80x80xf32, #tpu.memory_space<vmem>> -> memref<1x80x80xf32, #tpu.memory_space<vmem>>
        %swap3A_579 = tpu.memref_squeeze %swap3A_578 : memref<1x80x80xf32, #tpu.memory_space<vmem>> -> memref<80x80xf32, #tpu.memory_space<vmem>>
        %swap3A_580 = arith.index_cast %add3A_481 : i32 to index
        %swap3A_581 = arith.constant 48 : index
        %swap3A_582 = tpu.vector_load %swap3A_579[%swap3A_580, %swap3A_581] {strides = array<i32>} : memref<80x80xf32, #tpu.memory_space<vmem>>, vector<1x16xf32>,
        %swap3A_583 = vector.shape_cast %swap3A_582 : vector<1x16xf32> to vector<16xf32>
        %swap3A_584 = vector.shape_cast %mul3A_575 : vector<16xf32> to vector<1x16xf32>
        tpu.vector_store %swap3A_579[%swap3A_580, %swap3A_581], %swap3A_584 {strides = array<i32>} : memref<80x80xf32, #tpu.memory_space<vmem>>, vector<1x16xf32>,
      }
      %scan3A_393 = arith.constant 80 : i32
      %dma_start3A_394 = arith.constant 0 : i32
      %dma_start3A_395 = arith.constant 0 : i32
      %dma_start3A_396 = arith.constant 0 : i32
      %dma_start3A_397 = arith.constant 0 : i32
      %dma_start3A_398 = tpu.memref_slice %arg14[%dma_start3A_394, %dma_start3A_396, %dma_start3A_397] : memref<2x80x80xf32, #tpu.memory_space<vmem>> -> memref<1x80x80xf32, #tpu.memory_space<vmem>>
      %dma_start3A_399 = tpu.memref_squeeze %dma_start3A_398 : memref<1x80x80xf32, #tpu.memory_space<vmem>> -> memref<80x80xf32, #tpu.memory_space<vmem>>
      %dma_start3A_400 = arith.constant 0 : i32
      %dma_start3A_401 = tpu.memref_slice %arg10[%add3A_340, %dma_start3A_400] : memref<125x80xi32, #tpu.memory_space<vmem>> -> memref<1x80xi32, #tpu.memory_space<vmem>>
      %dma_start3A_402 = tpu.memref_squeeze %dma_start3A_401 : memref<1x80xi32, #tpu.memory_space<vmem>> -> memref<80xi32, #tpu.memory_space<vmem>>
      %dma_start3A_403 = arith.constant 0 : i32
      %dma_start3A_404 = arith.constant 0 : i32
      %dma_start3A_405 = tpu.memref_slice %arg15[%dma_start3A_403, %dma_start3A_404] : memref<12000x80xf32, #tpu.memory_space<vmem_shared>> -> memref<12000x80xf32, #tpu.memory_space<vmem_shared>>
      %dma_start3A_406 = tpu.memref_slice %arg17[%dma_start3A_395] : memref<2x!tpu.dma_semaphore, #tpu.memory_space<semaphore_mem>> -> memref<1x!tpu.dma_semaphore, #tpu.memory_space<semaphore_mem>>
      %dma_start3A_407 = tpu.memref_squeeze %dma_start3A_406 : memref<1x!tpu.dma_semaphore, #tpu.memory_space<semaphore_mem>> -> memref<!tpu.dma_semaphore, #tpu.memory_space<semaphore_mem>>
      tpu.enqueue_indirect_dma source(%dma_start3A_399 : memref<80x80xf32, #tpu.memory_space<vmem>>) target(%dma_start3A_405 : memref<12000x80xf32, #tpu.memory_space<vmem_shared>>) offsets(%dma_start3A_402 : memref<80xi32, #tpu.memory_space<vmem>>) semaphore(%dma_start3A_407 : memref<!tpu.dma_semaphore, #tpu.memory_space<semaphore_mem>>) {add = true}
      %add3A_408 = arith.constant 3 : i32
      %add3A_409 = arith.addi %add3A_204, %add3A_408 : i32
      %add3A_410 = arith.constant 3 : i32
      %add3A_411 = arith.addi %add3A_409, %add3A_410 : i32
      %lt3A_412 = arith.constant 125 : i32
      %lt3A_413 = arith.cmpi slt, %add3A_411, %lt3A_412 : i32
      %convert_element_type3A_414 = arith.extui %lt3A_413 : i1 to i32
      %cond3A_415 = arith.constant 0 : i32
      %cond3A_416 = arith.cmpi ne, %convert_element_type3A_414, %cond3A_415 : i32
      scf.if %cond3A_416 {
        %add3A_477 = arith.constant 3 : i32
        %add3A_478 = arith.addi %add3A_409, %add3A_477 : i32
        %dma_start3A_479 = arith.constant 2 : i32
        %dma_start3A_480 = arith.constant 2 : i32
        %dma_start3A_481 = arith.constant 0 : i32
        %dma_start3A_482 = arith.constant 0 : i32
        %dma_start3A_483 = tpu.memref_slice %arg12[%dma_start3A_479, %dma_start3A_481, %dma_start3A_482] : memref<4x80x80xf32, #tpu.memory_space<vmem>> -> memref<1x80x80xf32, #tpu.memory_space<vmem>>
        %dma_start3A_484 = tpu.memref_squeeze %dma_start3A_483 : memref<1x80x80xf32, #tpu.memory_space<vmem>> -> memref<80x80xf32, #tpu.memory_space<vmem>>
        %dma_start3A_485 = arith.constant 0 : i32
        %dma_start3A_486 = tpu.memref_slice %arg9[%add3A_478, %dma_start3A_485] : memref<125x80xi32, #tpu.memory_space<vmem>> -> memref<1x80xi32, #tpu.memory_space<vmem>>
        %dma_start3A_487 = tpu.memref_squeeze %dma_start3A_486 : memref<1x80xi32, #tpu.memory_space<vmem>> -> memref<80xi32, #tpu.memory_space<vmem>>
        %dma_start3A_488 = arith.constant 0 : i32
        %dma_start3A_489 = arith.constant 0 : i32
        %dma_start3A_490 = tpu.memref_slice %arg2[%dma_start3A_488, %dma_start3A_489] : memref<10000x80xf32, #tpu.memory_space<hbm>> -> memref<10000x80xf32, #tpu.memory_space<hbm>>
        %dma_start3A_491 = tpu.memref_slice %arg16[%dma_start3A_480] : memref<4x!tpu.dma_semaphore, #tpu.memory_space<semaphore_mem>> -> memref<1x!tpu.dma_semaphore, #tpu.memory_space<semaphore_mem>>
        %dma_start3A_492 = tpu.memref_squeeze %dma_start3A_491 : memref<1x!tpu.dma_semaphore, #tpu.memory_space<semaphore_mem>> -> memref<!tpu.dma_semaphore, #tpu.memory_space<semaphore_mem>>
        tpu.enqueue_indirect_dma source(%dma_start3A_490 : memref<10000x80xf32, #tpu.memory_space<hbm>>) target(%dma_start3A_484 : memref<80x80xf32, #tpu.memory_space<vmem>>) offsets(%dma_start3A_487 : memref<80xi32, #tpu.memory_space<vmem>>) semaphore(%dma_start3A_492 : memref<!tpu.dma_semaphore, #tpu.memory_space<semaphore_mem>>)
        %dma_start3A_493 = arith.constant 2 : i32
        %dma_start3A_494 = arith.constant 2 : i32
        %dma_start3A_495 = arith.constant 0 : i32
        %dma_start3A_496 = arith.constant 0 : i32
        %dma_start3A_497 = tpu.memref_slice %arg13[%dma_start3A_493, %dma_start3A_495, %dma_start3A_496] : memref<4x80x16xf32, #tpu.memory_space<vmem>> -> memref<1x80x16xf32, #tpu.memory_space<vmem>>
        %dma_start3A_498 = tpu.memref_squeeze %dma_start3A_497 : memref<1x80x16xf32, #tpu.memory_space<vmem>> -> memref<80x16xf32, #tpu.memory_space<vmem>>
        %dma_start3A_499 = arith.constant 0 : i32
        %dma_start3A_500 = tpu.memref_slice %arg10[%add3A_478, %dma_start3A_499] : memref<125x80xi32, #tpu.memory_space<vmem>> -> memref<1x80xi32, #tpu.memory_space<vmem>>
        %dma_start3A_501 = tpu.memref_squeeze %dma_start3A_500 : memref<1x80xi32, #tpu.memory_space<vmem>> -> memref<80xi32, #tpu.memory_space<vmem>>
        %dma_start3A_502 = arith.constant 0 : i32
        %dma_start3A_503 = arith.constant 0 : i32
        %dma_start3A_504 = tpu.memref_slice %arg3[%dma_start3A_502, %dma_start3A_503] : memref<10000x16xf32, #tpu.memory_space<hbm>> -> memref<10000x16xf32, #tpu.memory_space<hbm>>
        %dma_start3A_505 = tpu.memref_slice %arg16[%dma_start3A_494] : memref<4x!tpu.dma_semaphore, #tpu.memory_space<semaphore_mem>> -> memref<1x!tpu.dma_semaphore, #tpu.memory_space<semaphore_mem>>
        %dma_start3A_506 = tpu.memref_squeeze %dma_start3A_505 : memref<1x!tpu.dma_semaphore, #tpu.memory_space<semaphore_mem>> -> memref<!tpu.dma_semaphore, #tpu.memory_space<semaphore_mem>>
        tpu.enqueue_indirect_dma source(%dma_start3A_504 : memref<10000x16xf32, #tpu.memory_space<hbm>>) target(%dma_start3A_498 : memref<80x16xf32, #tpu.memory_space<vmem>>) offsets(%dma_start3A_501 : memref<80xi32, #tpu.memory_space<vmem>>) semaphore(%dma_start3A_506 : memref<!tpu.dma_semaphore, #tpu.memory_space<semaphore_mem>>)
      } else {
      }
      %dma_wait3A_417 = arith.constant 0 : i32
      %dma_wait3A_418 = arith.constant 3 : i32
      %dma_wait3A_419 = arith.constant 3 : i32
      %dma_wait3A_420 = arith.constant 0 : i32
      %dma_wait3A_421 = arith.constant 0 : i32
      %dma_wait3A_422 = tpu.memref_slice %arg12[%dma_wait3A_418, %dma_wait3A_420, %dma_wait3A_421] : memref<4x80x80xf32, #tpu.memory_space<vmem>> -> memref<1x80x80xf32, #tpu.memory_space<vmem>>
      %dma_wait3A_423 = tpu.memref_squeeze %dma_wait3A_422 : memref<1x80x80xf32, #tpu.memory_space<vmem>> -> memref<80x80xf32, #tpu.memory_space<vmem>>
      %dma_wait3A_424 = arith.constant 0 : i32
      %dma_wait3A_425 = tpu.memref_slice %arg9[%dma_wait3A_417, %dma_wait3A_424] : memref<125x80xi32, #tpu.memory_space<vmem>> -> memref<1x80xi32, #tpu.memory_space<vmem>>
      %dma_wait3A_426 = tpu.memref_squeeze %dma_wait3A_425 : memref<1x80xi32, #tpu.memory_space<vmem>> -> memref<80xi32, #tpu.memory_space<vmem>>
      %dma_wait3A_427 = arith.constant 0 : i32
      %dma_wait3A_428 = arith.constant 0 : i32
      %dma_wait3A_429 = tpu.memref_slice %arg2[%dma_wait3A_427, %dma_wait3A_428] : memref<10000x80xf32, #tpu.memory_space<hbm>> -> memref<10000x80xf32, #tpu.memory_space<hbm>>
      %dma_wait3A_430 = tpu.memref_slice %arg16[%dma_wait3A_419] : memref<4x!tpu.dma_semaphore, #tpu.memory_space<semaphore_mem>> -> memref<1x!tpu.dma_semaphore, #tpu.memory_space<semaphore_mem>>
      %dma_wait3A_431 = tpu.memref_squeeze %dma_wait3A_430 : memref<1x!tpu.dma_semaphore, #tpu.memory_space<semaphore_mem>> -> memref<!tpu.dma_semaphore, #tpu.memory_space<semaphore_mem>>
      tpu.wait_indirect_dma semaphore(%dma_wait3A_431 : memref<!tpu.dma_semaphore, #tpu.memory_space<semaphore_mem>>) src(%dma_wait3A_429 : memref<10000x80xf32, #tpu.memory_space<hbm>>) dst(%dma_wait3A_423 : memref<80x80xf32, #tpu.memory_space<vmem>>)
      %dma_wait3A_432 = arith.constant 0 : i32
      %dma_wait3A_433 = arith.constant 3 : i32
      %dma_wait3A_434 = arith.constant 3 : i32
      %dma_wait3A_435 = arith.constant 0 : i32
      %dma_wait3A_436 = arith.constant 0 : i32
      %dma_wait3A_437 = tpu.memref_slice %arg13[%dma_wait3A_433, %dma_wait3A_435, %dma_wait3A_436] : memref<4x80x16xf32, #tpu.memory_space<vmem>> -> memref<1x80x16xf32, #tpu.memory_space<vmem>>
      %dma_wait3A_438 = tpu.memref_squeeze %dma_wait3A_437 : memref<1x80x16xf32, #tpu.memory_space<vmem>> -> memref<80x16xf32, #tpu.memory_space<vmem>>
      %dma_wait3A_439 = arith.constant 0 : i32
      %dma_wait3A_440 = tpu.memref_slice %arg9[%dma_wait3A_432, %dma_wait3A_439] : memref<125x80xi32, #tpu.memory_space<vmem>> -> memref<1x80xi32, #tpu.memory_space<vmem>>
      %dma_wait3A_441 = tpu.memref_squeeze %dma_wait3A_440 : memref<1x80xi32, #tpu.memory_space<vmem>> -> memref<80xi32, #tpu.memory_space<vmem>>
      %dma_wait3A_442 = arith.constant 0 : i32
      %dma_wait3A_443 = arith.constant 0 : i32
      %dma_wait3A_444 = tpu.memref_slice %arg3[%dma_wait3A_442, %dma_wait3A_443] : memref<10000x16xf32, #tpu.memory_space<hbm>> -> memref<10000x16xf32, #tpu.memory_space<hbm>>
      %dma_wait3A_445 = tpu.memref_slice %arg16[%dma_wait3A_434] : memref<4x!tpu.dma_semaphore, #tpu.memory_space<semaphore_mem>> -> memref<1x!tpu.dma_semaphore, #tpu.memory_space<semaphore_mem>>
      %dma_wait3A_446 = tpu.memref_squeeze %dma_wait3A_445 : memref<1x!tpu.dma_semaphore, #tpu.memory_space<semaphore_mem>> -> memref<!tpu.dma_semaphore, #tpu.memory_space<semaphore_mem>>
      tpu.wait_indirect_dma semaphore(%dma_wait3A_446 : memref<!tpu.dma_semaphore, #tpu.memory_space<semaphore_mem>>) src(%dma_wait3A_444 : memref<10000x16xf32, #tpu.memory_space<hbm>>) dst(%dma_wait3A_438 : memref<80x16xf32, #tpu.memory_space<vmem>>)
      %ge3A_447 = arith.constant 2 : i32
      %ge3A_448 = arith.cmpi sge, %add3A_409, %ge3A_447 : i32
      %convert_element_type3A_449 = arith.extui %ge3A_448 : i1 to i32
      %cond3A_450 = arith.constant 0 : i32
      %cond3A_451 = arith.cmpi ne, %convert_element_type3A_449, %cond3A_450 : i32
      scf.if %cond3A_451 {
        %dma_wait3A_477 = arith.constant 1 : i32
        %dma_wait3A_478 = arith.constant 0 : i32
        %dma_wait3A_479 = arith.constant 1 : i32
        %dma_wait3A_480 = arith.constant 0 : i32
        %dma_wait3A_481 = arith.constant 0 : i32
        %dma_wait3A_482 = tpu.memref_slice %arg14[%dma_wait3A_477, %dma_wait3A_480, %dma_wait3A_481] : memref<2x80x80xf32, #tpu.memory_space<vmem>> -> memref<1x80x80xf32, #tpu.memory_space<vmem>>
        %dma_wait3A_483 = tpu.memref_squeeze %dma_wait3A_482 : memref<1x80x80xf32, #tpu.memory_space<vmem>> -> memref<80x80xf32, #tpu.memory_space<vmem>>
        %dma_wait3A_484 = arith.constant 0 : i32
        %dma_wait3A_485 = tpu.memref_slice %arg10[%dma_wait3A_478, %dma_wait3A_484] : memref<125x80xi32, #tpu.memory_space<vmem>> -> memref<1x80xi32, #tpu.memory_space<vmem>>
        %dma_wait3A_486 = tpu.memref_squeeze %dma_wait3A_485 : memref<1x80xi32, #tpu.memory_space<vmem>> -> memref<80xi32, #tpu.memory_space<vmem>>
        %dma_wait3A_487 = arith.constant 0 : i32
        %dma_wait3A_488 = arith.constant 0 : i32
        %dma_wait3A_489 = tpu.memref_slice %arg15[%dma_wait3A_487, %dma_wait3A_488] : memref<12000x80xf32, #tpu.memory_space<vmem_shared>> -> memref<12000x80xf32, #tpu.memory_space<vmem_shared>>
        %dma_wait3A_490 = tpu.memref_slice %arg17[%dma_wait3A_479] : memref<2x!tpu.dma_semaphore, #tpu.memory_space<semaphore_mem>> -> memref<1x!tpu.dma_semaphore, #tpu.memory_space<semaphore_mem>>
        %dma_wait3A_491 = tpu.memref_squeeze %dma_wait3A_490 : memref<1x!tpu.dma_semaphore, #tpu.memory_space<semaphore_mem>> -> memref<!tpu.dma_semaphore, #tpu.memory_space<semaphore_mem>>
        tpu.wait_indirect_dma semaphore(%dma_wait3A_491 : memref<!tpu.dma_semaphore, #tpu.memory_space<semaphore_mem>>) src(%dma_wait3A_483 : memref<80x80xf32, #tpu.memory_space<vmem>>) dst(%dma_wait3A_489 : memref<12000x80xf32, #tpu.memory_space<vmem_shared>>)
      } else {
      }
      %get3A_452 = arith.constant 0 : index
      %get3A_453 = tpu.vector_load %arg11[%get3A_452] {strides = array<i32>} : memref<16xf32, #tpu.memory_space<vmem>>, vector<16xf32>,
      %get3A_454 = vector.shape_cast %get3A_453 : vector<16xf32> to vector<16xf32>
      %scan3A_455 = arith.constant 3 : i32
      %scan3A_456 = arith.constant 3 : i32
      %scan3A_457 = arith.constant 1 : i32
      %scan3A_458 = arith.constant 0 : i32
      %scan3A_459 = arith.constant 80 : i32
      %scan3A_460 = arith.addi %scan3A_458, %scan3A_459 : i32
      %scan3A_461 = arith.constant 1 : i32
      scf.for %scan3A_477 = %scan3A_458 to %scan3A_460 step %scan3A_461  : i32 {
        %mul3A_478 = arith.constant 1 : i32
        %mul3A_479 = arith.muli %scan3A_477, %mul3A_478 : i32
        %add3A_480 = arith.constant 0 : i32
        %add3A_481 = arith.addi %add3A_480, %mul3A_479 : i32
        %get3A_482 = arith.constant 0 : i32
        %get3A_483 = arith.constant 0 : i32
        %get3A_484 = tpu.memref_slice %arg12[%scan3A_455, %get3A_482, %get3A_483] : memref<4x80x80xf32, #tpu.memory_space<vmem>> -> memref<1x80x80xf32, #tpu.memory_space<vmem>>
        %get3A_485 = tpu.memref_squeeze %get3A_484 : memref<1x80x80xf32, #tpu.memory_space<vmem>> -> memref<80x80xf32, #tpu.memory_space<vmem>>
        %get3A_486 = arith.index_cast %add3A_481 : i32 to index
        %get3A_487 = arith.constant 64 : index
        %get3A_488 = tpu.vector_load %get3A_485[%get3A_486, %get3A_487] {strides = array<i32>} : memref<80x80xf32, #tpu.memory_space<vmem>>, vector<1x16xf32>,
        %get3A_489 = vector.shape_cast %get3A_488 : vector<1x16xf32> to vector<16xf32>
        %get3A_490 = arith.constant 0 : i32
        %get3A_491 = arith.constant 0 : i32
        %get3A_492 = tpu.memref_slice %arg13[%scan3A_456, %get3A_490, %get3A_491] : memref<4x80x16xf32, #tpu.memory_space<vmem>> -> memref<1x80x16xf32, #tpu.memory_space<vmem>>
        %get3A_493 = tpu.memref_squeeze %get3A_492 : memref<1x80x16xf32, #tpu.memory_space<vmem>> -> memref<80x16xf32, #tpu.memory_space<vmem>>
        %get3A_494 = arith.index_cast %add3A_481 : i32 to index
        %get3A_495 = arith.constant 0 : index
        %get3A_496 = tpu.vector_load %get3A_493[%get3A_494, %get3A_495] {strides = array<i32>} : memref<80x16xf32, #tpu.memory_space<vmem>>, vector<1x16xf32>,
        %get3A_497 = vector.shape_cast %get3A_496 : vector<1x16xf32> to vector<16xf32>
        %add3A_498 = arith.addf %get3A_489, %get3A_497 : vector<16xf32>
        %ge3A_499 = arith.constant 0.000000e+00 : f32
        %ge3A_500 = vector.broadcast %ge3A_499 : f32 to vector<16xf32>
        %ge3A_501 = arith.cmpf oge, %add3A_498, %ge3A_500 : vector<16xf32>
        %mul3A_502 = arith.constant 2.000000e-01 : f32
        %mul3A_503 = vector.broadcast %mul3A_502 : f32 to vector<16xf32>
        %mul3A_504 = arith.mulf %mul3A_503, %add3A_498 : vector<16xf32>
        %select_n3A = arith.select %ge3A_501, %add3A_498, %mul3A_504 : vector<16xi1>, vector<16xf32>
        %sub3A = arith.subf %select_n3A, %get3A_454 : vector<16xf32>
        %exp3A = math.exp %sub3A : vector<16xf32>
        %swap3A = arith.constant 0 : i32
        %swap3A_505 = arith.constant 0 : i32
        %swap3A_506 = tpu.memref_slice %arg14[%scan3A_457, %swap3A, %swap3A_505] : memref<2x80x80xf32, #tpu.memory_space<vmem>> -> memref<1x80x80xf32, #tpu.memory_space<vmem>>
        %swap3A_507 = tpu.memref_squeeze %swap3A_506 : memref<1x80x80xf32, #tpu.memory_space<vmem>> -> memref<80x80xf32, #tpu.memory_space<vmem>>
        %swap3A_508 = arith.index_cast %add3A_481 : i32 to index
        %swap3A_509 = arith.constant 64 : index
        %swap3A_510 = tpu.vector_load %swap3A_507[%swap3A_508, %swap3A_509] {strides = array<i32>} : memref<80x80xf32, #tpu.memory_space<vmem>>, vector<1x16xf32>,
        %swap3A_511 = vector.shape_cast %swap3A_510 : vector<1x16xf32> to vector<16xf32>
        %swap3A_512 = vector.shape_cast %exp3A : vector<16xf32> to vector<1x16xf32>
        tpu.vector_store %swap3A_507[%swap3A_508, %swap3A_509], %swap3A_512 {strides = array<i32>} : memref<80x80xf32, #tpu.memory_space<vmem>>, vector<1x16xf32>,
        %get3A_513 = arith.constant 0 : i32
        %get3A_514 = arith.constant 0 : i32
        %get3A_515 = tpu.memref_slice %arg12[%scan3A_455, %get3A_513, %get3A_514] : memref<4x80x80xf32, #tpu.memory_space<vmem>> -> memref<1x80x80xf32, #tpu.memory_space<vmem>>
        %get3A_516 = tpu.memref_squeeze %get3A_515 : memref<1x80x80xf32, #tpu.memory_space<vmem>> -> memref<80x80xf32, #tpu.memory_space<vmem>>
        %get3A_517 = arith.index_cast %add3A_481 : i32 to index
        %get3A_518 = arith.constant 0 : index
        %get3A_519 = tpu.vector_load %get3A_516[%get3A_517, %get3A_518] {strides = array<i32>} : memref<80x80xf32, #tpu.memory_space<vmem>>, vector<1x16xf32>,
        %get3A_520 = vector.shape_cast %get3A_519 : vector<1x16xf32> to vector<16xf32>
        %mul3A_521 = arith.mulf %get3A_520, %exp3A : vector<16xf32>
        %swap3A_522 = arith.constant 0 : i32
        %swap3A_523 = arith.constant 0 : i32
        %swap3A_524 = tpu.memref_slice %arg14[%scan3A_457, %swap3A_522, %swap3A_523] : memref<2x80x80xf32, #tpu.memory_space<vmem>> -> memref<1x80x80xf32, #tpu.memory_space<vmem>>
        %swap3A_525 = tpu.memref_squeeze %swap3A_524 : memref<1x80x80xf32, #tpu.memory_space<vmem>> -> memref<80x80xf32, #tpu.memory_space<vmem>>
        %swap3A_526 = arith.index_cast %add3A_481 : i32 to index
        %swap3A_527 = arith.constant 0 : index
        %swap3A_528 = tpu.vector_load %swap3A_525[%swap3A_526, %swap3A_527] {strides = array<i32>} : memref<80x80xf32, #tpu.memory_space<vmem>>, vector<1x16xf32>,
        %swap3A_529 = vector.shape_cast %swap3A_528 : vector<1x16xf32> to vector<16xf32>
        %swap3A_530 = vector.shape_cast %mul3A_521 : vector<16xf32> to vector<1x16xf32>
        tpu.vector_store %swap3A_525[%swap3A_526, %swap3A_527], %swap3A_530 {strides = array<i32>} : memref<80x80xf32, #tpu.memory_space<vmem>>, vector<1x16xf32>,
        %get3A_531 = arith.constant 0 : i32
        %get3A_532 = arith.constant 0 : i32
        %get3A_533 = tpu.memref_slice %arg12[%scan3A_455, %get3A_531, %get3A_532] : memref<4x80x80xf32, #tpu.memory_space<vmem>> -> memref<1x80x80xf32, #tpu.memory_space<vmem>>
        %get3A_534 = tpu.memref_squeeze %get3A_533 : memref<1x80x80xf32, #tpu.memory_space<vmem>> -> memref<80x80xf32, #tpu.memory_space<vmem>>
        %get3A_535 = arith.index_cast %add3A_481 : i32 to index
        %get3A_536 = arith.constant 16 : index
        %get3A_537 = tpu.vector_load %get3A_534[%get3A_535, %get3A_536] {strides = array<i32>} : memref<80x80xf32, #tpu.memory_space<vmem>>, vector<1x16xf32>,
        %get3A_538 = vector.shape_cast %get3A_537 : vector<1x16xf32> to vector<16xf32>
        %mul3A_539 = arith.mulf %get3A_538, %exp3A : vector<16xf32>
        %swap3A_540 = arith.constant 0 : i32
        %swap3A_541 = arith.constant 0 : i32
        %swap3A_542 = tpu.memref_slice %arg14[%scan3A_457, %swap3A_540, %swap3A_541] : memref<2x80x80xf32, #tpu.memory_space<vmem>> -> memref<1x80x80xf32, #tpu.memory_space<vmem>>
        %swap3A_543 = tpu.memref_squeeze %swap3A_542 : memref<1x80x80xf32, #tpu.memory_space<vmem>> -> memref<80x80xf32, #tpu.memory_space<vmem>>
        %swap3A_544 = arith.index_cast %add3A_481 : i32 to index
        %swap3A_545 = arith.constant 16 : index
        %swap3A_546 = tpu.vector_load %swap3A_543[%swap3A_544, %swap3A_545] {strides = array<i32>} : memref<80x80xf32, #tpu.memory_space<vmem>>, vector<1x16xf32>,
        %swap3A_547 = vector.shape_cast %swap3A_546 : vector<1x16xf32> to vector<16xf32>
        %swap3A_548 = vector.shape_cast %mul3A_539 : vector<16xf32> to vector<1x16xf32>
        tpu.vector_store %swap3A_543[%swap3A_544, %swap3A_545], %swap3A_548 {strides = array<i32>} : memref<80x80xf32, #tpu.memory_space<vmem>>, vector<1x16xf32>,
        %get3A_549 = arith.constant 0 : i32
        %get3A_550 = arith.constant 0 : i32
        %get3A_551 = tpu.memref_slice %arg12[%scan3A_455, %get3A_549, %get3A_550] : memref<4x80x80xf32, #tpu.memory_space<vmem>> -> memref<1x80x80xf32, #tpu.memory_space<vmem>>
        %get3A_552 = tpu.memref_squeeze %get3A_551 : memref<1x80x80xf32, #tpu.memory_space<vmem>> -> memref<80x80xf32, #tpu.memory_space<vmem>>
        %get3A_553 = arith.index_cast %add3A_481 : i32 to index
        %get3A_554 = arith.constant 32 : index
        %get3A_555 = tpu.vector_load %get3A_552[%get3A_553, %get3A_554] {strides = array<i32>} : memref<80x80xf32, #tpu.memory_space<vmem>>, vector<1x16xf32>,
        %get3A_556 = vector.shape_cast %get3A_555 : vector<1x16xf32> to vector<16xf32>
        %mul3A_557 = arith.mulf %get3A_556, %exp3A : vector<16xf32>
        %swap3A_558 = arith.constant 0 : i32
        %swap3A_559 = arith.constant 0 : i32
        %swap3A_560 = tpu.memref_slice %arg14[%scan3A_457, %swap3A_558, %swap3A_559] : memref<2x80x80xf32, #tpu.memory_space<vmem>> -> memref<1x80x80xf32, #tpu.memory_space<vmem>>
        %swap3A_561 = tpu.memref_squeeze %swap3A_560 : memref<1x80x80xf32, #tpu.memory_space<vmem>> -> memref<80x80xf32, #tpu.memory_space<vmem>>
        %swap3A_562 = arith.index_cast %add3A_481 : i32 to index
        %swap3A_563 = arith.constant 32 : index
        %swap3A_564 = tpu.vector_load %swap3A_561[%swap3A_562, %swap3A_563] {strides = array<i32>} : memref<80x80xf32, #tpu.memory_space<vmem>>, vector<1x16xf32>,
        %swap3A_565 = vector.shape_cast %swap3A_564 : vector<1x16xf32> to vector<16xf32>
        %swap3A_566 = vector.shape_cast %mul3A_557 : vector<16xf32> to vector<1x16xf32>
        tpu.vector_store %swap3A_561[%swap3A_562, %swap3A_563], %swap3A_566 {strides = array<i32>} : memref<80x80xf32, #tpu.memory_space<vmem>>, vector<1x16xf32>,
        %get3A_567 = arith.constant 0 : i32
        %get3A_568 = arith.constant 0 : i32
        %get3A_569 = tpu.memref_slice %arg12[%scan3A_455, %get3A_567, %get3A_568] : memref<4x80x80xf32, #tpu.memory_space<vmem>> -> memref<1x80x80xf32, #tpu.memory_space<vmem>>
        %get3A_570 = tpu.memref_squeeze %get3A_569 : memref<1x80x80xf32, #tpu.memory_space<vmem>> -> memref<80x80xf32, #tpu.memory_space<vmem>>
        %get3A_571 = arith.index_cast %add3A_481 : i32 to index
        %get3A_572 = arith.constant 48 : index
        %get3A_573 = tpu.vector_load %get3A_570[%get3A_571, %get3A_572] {strides = array<i32>} : memref<80x80xf32, #tpu.memory_space<vmem>>, vector<1x16xf32>,
        %get3A_574 = vector.shape_cast %get3A_573 : vector<1x16xf32> to vector<16xf32>
        %mul3A_575 = arith.mulf %get3A_574, %exp3A : vector<16xf32>
        %swap3A_576 = arith.constant 0 : i32
        %swap3A_577 = arith.constant 0 : i32
        %swap3A_578 = tpu.memref_slice %arg14[%scan3A_457, %swap3A_576, %swap3A_577] : memref<2x80x80xf32, #tpu.memory_space<vmem>> -> memref<1x80x80xf32, #tpu.memory_space<vmem>>
        %swap3A_579 = tpu.memref_squeeze %swap3A_578 : memref<1x80x80xf32, #tpu.memory_space<vmem>> -> memref<80x80xf32, #tpu.memory_space<vmem>>
        %swap3A_580 = arith.index_cast %add3A_481 : i32 to index
        %swap3A_581 = arith.constant 48 : index
        %swap3A_582 = tpu.vector_load %swap3A_579[%swap3A_580, %swap3A_581] {strides = array<i32>} : memref<80x80xf32, #tpu.memory_space<vmem>>, vector<1x16xf32>,
        %swap3A_583 = vector.shape_cast %swap3A_582 : vector<1x16xf32> to vector<16xf32>
        %swap3A_584 = vector.shape_cast %mul3A_575 : vector<16xf32> to vector<1x16xf32>
        tpu.vector_store %swap3A_579[%swap3A_580, %swap3A_581], %swap3A_584 {strides = array<i32>} : memref<80x80xf32, #tpu.memory_space<vmem>>, vector<1x16xf32>,
      }
      %scan3A_462 = arith.constant 80 : i32
      %dma_start3A_463 = arith.constant 1 : i32
      %dma_start3A_464 = arith.constant 1 : i32
      %dma_start3A_465 = arith.constant 0 : i32
      %dma_start3A_466 = arith.constant 0 : i32
      %dma_start3A_467 = tpu.memref_slice %arg14[%dma_start3A_463, %dma_start3A_465, %dma_start3A_466] : memref<2x80x80xf32, #tpu.memory_space<vmem>> -> memref<1x80x80xf32, #tpu.memory_space<vmem>>
      %dma_start3A_468 = tpu.memref_squeeze %dma_start3A_467 : memref<1x80x80xf32, #tpu.memory_space<vmem>> -> memref<80x80xf32, #tpu.memory_space<vmem>>
      %dma_start3A_469 = arith.constant 0 : i32
      %dma_start3A_470 = tpu.memref_slice %arg10[%add3A_409, %dma_start3A_469] : memref<125x80xi32, #tpu.memory_space<vmem>> -> memref<1x80xi32, #tpu.memory_space<vmem>>
      %dma_start3A_471 = tpu.memref_squeeze %dma_start3A_470 : memref<1x80xi32, #tpu.memory_space<vmem>> -> memref<80xi32, #tpu.memory_space<vmem>>
      %dma_start3A_472 = arith.constant 0 : i32
      %dma_start3A_473 = arith.constant 0 : i32
      %dma_start3A_474 = tpu.memref_slice %arg15[%dma_start3A_472, %dma_start3A_473] : memref<12000x80xf32, #tpu.memory_space<vmem_shared>> -> memref<12000x80xf32, #tpu.memory_space<vmem_shared>>
      %dma_start3A_475 = tpu.memref_slice %arg17[%dma_start3A_464] : memref<2x!tpu.dma_semaphore, #tpu.memory_space<semaphore_mem>> -> memref<1x!tpu.dma_semaphore, #tpu.memory_space<semaphore_mem>>
      %dma_start3A_476 = tpu.memref_squeeze %dma_start3A_475 : memref<1x!tpu.dma_semaphore, #tpu.memory_space<semaphore_mem>> -> memref<!tpu.dma_semaphore, #tpu.memory_space<semaphore_mem>>
      tpu.enqueue_indirect_dma source(%dma_start3A_468 : memref<80x80xf32, #tpu.memory_space<vmem>>) target(%dma_start3A_474 : memref<12000x80xf32, #tpu.memory_space<vmem_shared>>) offsets(%dma_start3A_471 : memref<80xi32, #tpu.memory_space<vmem>>) semaphore(%dma_start3A_476 : memref<!tpu.dma_semaphore, #tpu.memory_space<semaphore_mem>>) {add = true}
    }
    %scan3A_95 = arith.constant 31 : i32
    %dma_wait3A = arith.constant 0 : i32
    %dma_wait3A_96 = arith.constant 0 : i32
    %dma_wait3A_97 = arith.constant 0 : i32
    %dma_wait3A_98 = arith.constant 0 : i32
    %dma_wait3A_99 = arith.constant 0 : i32
    %dma_wait3A_100 = tpu.memref_slice %arg12[%dma_wait3A_96, %dma_wait3A_98, %dma_wait3A_99] : memref<4x80x80xf32, #tpu.memory_space<vmem>> -> memref<1x80x80xf32, #tpu.memory_space<vmem>>
    %dma_wait3A_101 = tpu.memref_squeeze %dma_wait3A_100 : memref<1x80x80xf32, #tpu.memory_space<vmem>> -> memref<80x80xf32, #tpu.memory_space<vmem>>
    %dma_wait3A_102 = arith.constant 0 : i32
    %dma_wait3A_103 = tpu.memref_slice %arg9[%dma_wait3A, %dma_wait3A_102] : memref<125x80xi32, #tpu.memory_space<vmem>> -> memref<1x80xi32, #tpu.memory_space<vmem>>
    %dma_wait3A_104 = tpu.memref_squeeze %dma_wait3A_103 : memref<1x80xi32, #tpu.memory_space<vmem>> -> memref<80xi32, #tpu.memory_space<vmem>>
    %dma_wait3A_105 = arith.constant 0 : i32
    %dma_wait3A_106 = arith.constant 0 : i32
    %dma_wait3A_107 = tpu.memref_slice %arg2[%dma_wait3A_105, %dma_wait3A_106] : memref<10000x80xf32, #tpu.memory_space<hbm>> -> memref<10000x80xf32, #tpu.memory_space<hbm>>
    %dma_wait3A_108 = tpu.memref_slice %arg16[%dma_wait3A_97] : memref<4x!tpu.dma_semaphore, #tpu.memory_space<semaphore_mem>> -> memref<1x!tpu.dma_semaphore, #tpu.memory_space<semaphore_mem>>
    %dma_wait3A_109 = tpu.memref_squeeze %dma_wait3A_108 : memref<1x!tpu.dma_semaphore, #tpu.memory_space<semaphore_mem>> -> memref<!tpu.dma_semaphore, #tpu.memory_space<semaphore_mem>>
    tpu.wait_indirect_dma semaphore(%dma_wait3A_109 : memref<!tpu.dma_semaphore, #tpu.memory_space<semaphore_mem>>) src(%dma_wait3A_107 : memref<10000x80xf32, #tpu.memory_space<hbm>>) dst(%dma_wait3A_101 : memref<80x80xf32, #tpu.memory_space<vmem>>)
    %dma_wait3A_110 = arith.constant 0 : i32
    %dma_wait3A_111 = arith.constant 0 : i32
    %dma_wait3A_112 = arith.constant 0 : i32
    %dma_wait3A_113 = arith.constant 0 : i32
    %dma_wait3A_114 = arith.constant 0 : i32
    %dma_wait3A_115 = tpu.memref_slice %arg13[%dma_wait3A_111, %dma_wait3A_113, %dma_wait3A_114] : memref<4x80x16xf32, #tpu.memory_space<vmem>> -> memref<1x80x16xf32, #tpu.memory_space<vmem>>
    %dma_wait3A_116 = tpu.memref_squeeze %dma_wait3A_115 : memref<1x80x16xf32, #tpu.memory_space<vmem>> -> memref<80x16xf32, #tpu.memory_space<vmem>>
    %dma_wait3A_117 = arith.constant 0 : i32
    %dma_wait3A_118 = tpu.memref_slice %arg9[%dma_wait3A_110, %dma_wait3A_117] : memref<125x80xi32, #tpu.memory_space<vmem>> -> memref<1x80xi32, #tpu.memory_space<vmem>>
    %dma_wait3A_119 = tpu.memref_squeeze %dma_wait3A_118 : memref<1x80xi32, #tpu.memory_space<vmem>> -> memref<80xi32, #tpu.memory_space<vmem>>
    %dma_wait3A_120 = arith.constant 0 : i32
    %dma_wait3A_121 = arith.constant 0 : i32
    %dma_wait3A_122 = tpu.memref_slice %arg3[%dma_wait3A_120, %dma_wait3A_121] : memref<10000x16xf32, #tpu.memory_space<hbm>> -> memref<10000x16xf32, #tpu.memory_space<hbm>>
    %dma_wait3A_123 = tpu.memref_slice %arg16[%dma_wait3A_112] : memref<4x!tpu.dma_semaphore, #tpu.memory_space<semaphore_mem>> -> memref<1x!tpu.dma_semaphore, #tpu.memory_space<semaphore_mem>>
    %dma_wait3A_124 = tpu.memref_squeeze %dma_wait3A_123 : memref<1x!tpu.dma_semaphore, #tpu.memory_space<semaphore_mem>> -> memref<!tpu.dma_semaphore, #tpu.memory_space<semaphore_mem>>
    tpu.wait_indirect_dma semaphore(%dma_wait3A_124 : memref<!tpu.dma_semaphore, #tpu.memory_space<semaphore_mem>>) src(%dma_wait3A_122 : memref<10000x16xf32, #tpu.memory_space<hbm>>) dst(%dma_wait3A_116 : memref<80x16xf32, #tpu.memory_space<vmem>>)
    %dma_wait3A_125 = arith.constant 0 : i32
    %dma_wait3A_126 = arith.constant 0 : i32
    %dma_wait3A_127 = arith.constant 0 : i32
    %dma_wait3A_128 = arith.constant 0 : i32
    %dma_wait3A_129 = arith.constant 0 : i32
    %dma_wait3A_130 = tpu.memref_slice %arg14[%dma_wait3A_125, %dma_wait3A_128, %dma_wait3A_129] : memref<2x80x80xf32, #tpu.memory_space<vmem>> -> memref<1x80x80xf32, #tpu.memory_space<vmem>>
    %dma_wait3A_131 = tpu.memref_squeeze %dma_wait3A_130 : memref<1x80x80xf32, #tpu.memory_space<vmem>> -> memref<80x80xf32, #tpu.memory_space<vmem>>
    %dma_wait3A_132 = arith.constant 0 : i32
    %dma_wait3A_133 = tpu.memref_slice %arg10[%dma_wait3A_126, %dma_wait3A_132] : memref<125x80xi32, #tpu.memory_space<vmem>> -> memref<1x80xi32, #tpu.memory_space<vmem>>
    %dma_wait3A_134 = tpu.memref_squeeze %dma_wait3A_133 : memref<1x80xi32, #tpu.memory_space<vmem>> -> memref<80xi32, #tpu.memory_space<vmem>>
    %dma_wait3A_135 = arith.constant 0 : i32
    %dma_wait3A_136 = arith.constant 0 : i32
    %dma_wait3A_137 = tpu.memref_slice %arg15[%dma_wait3A_135, %dma_wait3A_136] : memref<12000x80xf32, #tpu.memory_space<vmem_shared>> -> memref<12000x80xf32, #tpu.memory_space<vmem_shared>>
    %dma_wait3A_138 = tpu.memref_slice %arg17[%dma_wait3A_127] : memref<2x!tpu.dma_semaphore, #tpu.memory_space<semaphore_mem>> -> memref<1x!tpu.dma_semaphore, #tpu.memory_space<semaphore_mem>>
    %dma_wait3A_139 = tpu.memref_squeeze %dma_wait3A_138 : memref<1x!tpu.dma_semaphore, #tpu.memory_space<semaphore_mem>> -> memref<!tpu.dma_semaphore, #tpu.memory_space<semaphore_mem>>
    tpu.wait_indirect_dma semaphore(%dma_wait3A_139 : memref<!tpu.dma_semaphore, #tpu.memory_space<semaphore_mem>>) src(%dma_wait3A_131 : memref<80x80xf32, #tpu.memory_space<vmem>>) dst(%dma_wait3A_137 : memref<12000x80xf32, #tpu.memory_space<vmem_shared>>)
    %get3A = arith.constant 0 : index
    %get3A_140 = tpu.vector_load %arg11[%get3A] {strides = array<i32>} : memref<16xf32, #tpu.memory_space<vmem>>, vector<16xf32>,
    %get3A_141 = vector.shape_cast %get3A_140 : vector<16xf32> to vector<16xf32>
    %scan3A_142 = arith.constant 0 : i32
    %scan3A_143 = arith.constant 0 : i32
    %scan3A_144 = arith.constant 0 : i32
    %scan3A_145 = arith.constant 0 : i32
    %scan3A_146 = arith.constant 80 : i32
    %scan3A_147 = arith.addi %scan3A_145, %scan3A_146 : i32
    %scan3A_148 = arith.constant 1 : i32
    scf.for %scan3A_200 = %scan3A_145 to %scan3A_147 step %scan3A_148  : i32 {
      %mul3A_201 = arith.constant 1 : i32
      %mul3A_202 = arith.muli %scan3A_200, %mul3A_201 : i32
      %add3A_203 = arith.constant 0 : i32
      %add3A_204 = arith.addi %add3A_203, %mul3A_202 : i32
      %get3A_205 = arith.constant 0 : i32
      %get3A_206 = arith.constant 0 : i32
      %get3A_207 = tpu.memref_slice %arg12[%scan3A_142, %get3A_205, %get3A_206] : memref<4x80x80xf32, #tpu.memory_space<vmem>> -> memref<1x80x80xf32, #tpu.memory_space<vmem>>
      %get3A_208 = tpu.memref_squeeze %get3A_207 : memref<1x80x80xf32, #tpu.memory_space<vmem>> -> memref<80x80xf32, #tpu.memory_space<vmem>>
      %get3A_209 = arith.index_cast %add3A_204 : i32 to index
      %get3A_210 = arith.constant 64 : index
      %get3A_211 = tpu.vector_load %get3A_208[%get3A_209, %get3A_210] {strides = array<i32>} : memref<80x80xf32, #tpu.memory_space<vmem>>, vector<1x16xf32>,
      %get3A_212 = vector.shape_cast %get3A_211 : vector<1x16xf32> to vector<16xf32>
      %get3A_213 = arith.constant 0 : i32
      %get3A_214 = arith.constant 0 : i32
      %get3A_215 = tpu.memref_slice %arg13[%scan3A_143, %get3A_213, %get3A_214] : memref<4x80x16xf32, #tpu.memory_space<vmem>> -> memref<1x80x16xf32, #tpu.memory_space<vmem>>
      %get3A_216 = tpu.memref_squeeze %get3A_215 : memref<1x80x16xf32, #tpu.memory_space<vmem>> -> memref<80x16xf32, #tpu.memory_space<vmem>>
      %get3A_217 = arith.index_cast %add3A_204 : i32 to index
      %get3A_218 = arith.constant 0 : index
      %get3A_219 = tpu.vector_load %get3A_216[%get3A_217, %get3A_218] {strides = array<i32>} : memref<80x16xf32, #tpu.memory_space<vmem>>, vector<1x16xf32>,
      %get3A_220 = vector.shape_cast %get3A_219 : vector<1x16xf32> to vector<16xf32>
      %add3A_221 = arith.addf %get3A_212, %get3A_220 : vector<16xf32>
      %ge3A = arith.constant 0.000000e+00 : f32
      %ge3A_222 = vector.broadcast %ge3A : f32 to vector<16xf32>
      %ge3A_223 = arith.cmpf oge, %add3A_221, %ge3A_222 : vector<16xf32>
      %mul3A_224 = arith.constant 2.000000e-01 : f32
      %mul3A_225 = vector.broadcast %mul3A_224 : f32 to vector<16xf32>
      %mul3A_226 = arith.mulf %mul3A_225, %add3A_221 : vector<16xf32>
      %select_n3A = arith.select %ge3A_223, %add3A_221, %mul3A_226 : vector<16xi1>, vector<16xf32>
      %sub3A = arith.subf %select_n3A, %get3A_141 : vector<16xf32>
      %exp3A = math.exp %sub3A : vector<16xf32>
      %swap3A = arith.constant 0 : i32
      %swap3A_227 = arith.constant 0 : i32
      %swap3A_228 = tpu.memref_slice %arg14[%scan3A_144, %swap3A, %swap3A_227] : memref<2x80x80xf32, #tpu.memory_space<vmem>> -> memref<1x80x80xf32, #tpu.memory_space<vmem>>
      %swap3A_229 = tpu.memref_squeeze %swap3A_228 : memref<1x80x80xf32, #tpu.memory_space<vmem>> -> memref<80x80xf32, #tpu.memory_space<vmem>>
      %swap3A_230 = arith.index_cast %add3A_204 : i32 to index
      %swap3A_231 = arith.constant 64 : index
      %swap3A_232 = tpu.vector_load %swap3A_229[%swap3A_230, %swap3A_231] {strides = array<i32>} : memref<80x80xf32, #tpu.memory_space<vmem>>, vector<1x16xf32>,
      %swap3A_233 = vector.shape_cast %swap3A_232 : vector<1x16xf32> to vector<16xf32>
      %swap3A_234 = vector.shape_cast %exp3A : vector<16xf32> to vector<1x16xf32>
      tpu.vector_store %swap3A_229[%swap3A_230, %swap3A_231], %swap3A_234 {strides = array<i32>} : memref<80x80xf32, #tpu.memory_space<vmem>>, vector<1x16xf32>,
      %get3A_235 = arith.constant 0 : i32
      %get3A_236 = arith.constant 0 : i32
      %get3A_237 = tpu.memref_slice %arg12[%scan3A_142, %get3A_235, %get3A_236] : memref<4x80x80xf32, #tpu.memory_space<vmem>> -> memref<1x80x80xf32, #tpu.memory_space<vmem>>
      %get3A_238 = tpu.memref_squeeze %get3A_237 : memref<1x80x80xf32, #tpu.memory_space<vmem>> -> memref<80x80xf32, #tpu.memory_space<vmem>>
      %get3A_239 = arith.index_cast %add3A_204 : i32 to index
      %get3A_240 = arith.constant 0 : index
      %get3A_241 = tpu.vector_load %get3A_238[%get3A_239, %get3A_240] {strides = array<i32>} : memref<80x80xf32, #tpu.memory_space<vmem>>, vector<1x16xf32>,
      %get3A_242 = vector.shape_cast %get3A_241 : vector<1x16xf32> to vector<16xf32>
      %mul3A_243 = arith.mulf %get3A_242, %exp3A : vector<16xf32>
      %swap3A_244 = arith.constant 0 : i32
      %swap3A_245 = arith.constant 0 : i32
      %swap3A_246 = tpu.memref_slice %arg14[%scan3A_144, %swap3A_244, %swap3A_245] : memref<2x80x80xf32, #tpu.memory_space<vmem>> -> memref<1x80x80xf32, #tpu.memory_space<vmem>>
      %swap3A_247 = tpu.memref_squeeze %swap3A_246 : memref<1x80x80xf32, #tpu.memory_space<vmem>> -> memref<80x80xf32, #tpu.memory_space<vmem>>
      %swap3A_248 = arith.index_cast %add3A_204 : i32 to index
      %swap3A_249 = arith.constant 0 : index
      %swap3A_250 = tpu.vector_load %swap3A_247[%swap3A_248, %swap3A_249] {strides = array<i32>} : memref<80x80xf32, #tpu.memory_space<vmem>>, vector<1x16xf32>,
      %swap3A_251 = vector.shape_cast %swap3A_250 : vector<1x16xf32> to vector<16xf32>
      %swap3A_252 = vector.shape_cast %mul3A_243 : vector<16xf32> to vector<1x16xf32>
      tpu.vector_store %swap3A_247[%swap3A_248, %swap3A_249], %swap3A_252 {strides = array<i32>} : memref<80x80xf32, #tpu.memory_space<vmem>>, vector<1x16xf32>,
      %get3A_253 = arith.constant 0 : i32
      %get3A_254 = arith.constant 0 : i32
      %get3A_255 = tpu.memref_slice %arg12[%scan3A_142, %get3A_253, %get3A_254] : memref<4x80x80xf32, #tpu.memory_space<vmem>> -> memref<1x80x80xf32, #tpu.memory_space<vmem>>
      %get3A_256 = tpu.memref_squeeze %get3A_255 : memref<1x80x80xf32, #tpu.memory_space<vmem>> -> memref<80x80xf32, #tpu.memory_space<vmem>>
      %get3A_257 = arith.index_cast %add3A_204 : i32 to index
      %get3A_258 = arith.constant 16 : index
      %get3A_259 = tpu.vector_load %get3A_256[%get3A_257, %get3A_258] {strides = array<i32>} : memref<80x80xf32, #tpu.memory_space<vmem>>, vector<1x16xf32>,
      %get3A_260 = vector.shape_cast %get3A_259 : vector<1x16xf32> to vector<16xf32>
      %mul3A_261 = arith.mulf %get3A_260, %exp3A : vector<16xf32>
      %swap3A_262 = arith.constant 0 : i32
      %swap3A_263 = arith.constant 0 : i32
      %swap3A_264 = tpu.memref_slice %arg14[%scan3A_144, %swap3A_262, %swap3A_263] : memref<2x80x80xf32, #tpu.memory_space<vmem>> -> memref<1x80x80xf32, #tpu.memory_space<vmem>>
      %swap3A_265 = tpu.memref_squeeze %swap3A_264 : memref<1x80x80xf32, #tpu.memory_space<vmem>> -> memref<80x80xf32, #tpu.memory_space<vmem>>
      %swap3A_266 = arith.index_cast %add3A_204 : i32 to index
      %swap3A_267 = arith.constant 16 : index
      %swap3A_268 = tpu.vector_load %swap3A_265[%swap3A_266, %swap3A_267] {strides = array<i32>} : memref<80x80xf32, #tpu.memory_space<vmem>>, vector<1x16xf32>,
      %swap3A_269 = vector.shape_cast %swap3A_268 : vector<1x16xf32> to vector<16xf32>
      %swap3A_270 = vector.shape_cast %mul3A_261 : vector<16xf32> to vector<1x16xf32>
      tpu.vector_store %swap3A_265[%swap3A_266, %swap3A_267], %swap3A_270 {strides = array<i32>} : memref<80x80xf32, #tpu.memory_space<vmem>>, vector<1x16xf32>,
      %get3A_271 = arith.constant 0 : i32
      %get3A_272 = arith.constant 0 : i32
      %get3A_273 = tpu.memref_slice %arg12[%scan3A_142, %get3A_271, %get3A_272] : memref<4x80x80xf32, #tpu.memory_space<vmem>> -> memref<1x80x80xf32, #tpu.memory_space<vmem>>
      %get3A_274 = tpu.memref_squeeze %get3A_273 : memref<1x80x80xf32, #tpu.memory_space<vmem>> -> memref<80x80xf32, #tpu.memory_space<vmem>>
      %get3A_275 = arith.index_cast %add3A_204 : i32 to index
      %get3A_276 = arith.constant 32 : index
      %get3A_277 = tpu.vector_load %get3A_274[%get3A_275, %get3A_276] {strides = array<i32>} : memref<80x80xf32, #tpu.memory_space<vmem>>, vector<1x16xf32>,
      %get3A_278 = vector.shape_cast %get3A_277 : vector<1x16xf32> to vector<16xf32>
      %mul3A_279 = arith.mulf %get3A_278, %exp3A : vector<16xf32>
      %swap3A_280 = arith.constant 0 : i32
      %swap3A_281 = arith.constant 0 : i32
      %swap3A_282 = tpu.memref_slice %arg14[%scan3A_144, %swap3A_280, %swap3A_281] : memref<2x80x80xf32, #tpu.memory_space<vmem>> -> memref<1x80x80xf32, #tpu.memory_space<vmem>>
      %swap3A_283 = tpu.memref_squeeze %swap3A_282 : memref<1x80x80xf32, #tpu.memory_space<vmem>> -> memref<80x80xf32, #tpu.memory_space<vmem>>
      %swap3A_284 = arith.index_cast %add3A_204 : i32 to index
      %swap3A_285 = arith.constant 32 : index
      %swap3A_286 = tpu.vector_load %swap3A_283[%swap3A_284, %swap3A_285] {strides = array<i32>} : memref<80x80xf32, #tpu.memory_space<vmem>>, vector<1x16xf32>,
      %swap3A_287 = vector.shape_cast %swap3A_286 : vector<1x16xf32> to vector<16xf32>
      %swap3A_288 = vector.shape_cast %mul3A_279 : vector<16xf32> to vector<1x16xf32>
      tpu.vector_store %swap3A_283[%swap3A_284, %swap3A_285], %swap3A_288 {strides = array<i32>} : memref<80x80xf32, #tpu.memory_space<vmem>>, vector<1x16xf32>,
      %get3A_289 = arith.constant 0 : i32
      %get3A_290 = arith.constant 0 : i32
      %get3A_291 = tpu.memref_slice %arg12[%scan3A_142, %get3A_289, %get3A_290] : memref<4x80x80xf32, #tpu.memory_space<vmem>> -> memref<1x80x80xf32, #tpu.memory_space<vmem>>
      %get3A_292 = tpu.memref_squeeze %get3A_291 : memref<1x80x80xf32, #tpu.memory_space<vmem>> -> memref<80x80xf32, #tpu.memory_space<vmem>>
      %get3A_293 = arith.index_cast %add3A_204 : i32 to index
      %get3A_294 = arith.constant 48 : index
      %get3A_295 = tpu.vector_load %get3A_292[%get3A_293, %get3A_294] {strides = array<i32>} : memref<80x80xf32, #tpu.memory_space<vmem>>, vector<1x16xf32>,
      %get3A_296 = vector.shape_cast %get3A_295 : vector<1x16xf32> to vector<16xf32>
      %mul3A_297 = arith.mulf %get3A_296, %exp3A : vector<16xf32>
      %swap3A_298 = arith.constant 0 : i32
      %swap3A_299 = arith.constant 0 : i32
      %swap3A_300 = tpu.memref_slice %arg14[%scan3A_144, %swap3A_298, %swap3A_299] : memref<2x80x80xf32, #tpu.memory_space<vmem>> -> memref<1x80x80xf32, #tpu.memory_space<vmem>>
      %swap3A_301 = tpu.memref_squeeze %swap3A_300 : memref<1x80x80xf32, #tpu.memory_space<vmem>> -> memref<80x80xf32, #tpu.memory_space<vmem>>
      %swap3A_302 = arith.index_cast %add3A_204 : i32 to index
      %swap3A_303 = arith.constant 48 : index
      %swap3A_304 = tpu.vector_load %swap3A_301[%swap3A_302, %swap3A_303] {strides = array<i32>} : memref<80x80xf32, #tpu.memory_space<vmem>>, vector<1x16xf32>,
      %swap3A_305 = vector.shape_cast %swap3A_304 : vector<1x16xf32> to vector<16xf32>
      %swap3A_306 = vector.shape_cast %mul3A_297 : vector<16xf32> to vector<1x16xf32>
      tpu.vector_store %swap3A_301[%swap3A_302, %swap3A_303], %swap3A_306 {strides = array<i32>} : memref<80x80xf32, #tpu.memory_space<vmem>>, vector<1x16xf32>,
    }
    %scan3A_149 = arith.constant 80 : i32
    %dma_start3A_150 = arith.constant 0 : i32
    %dma_start3A_151 = arith.constant 124 : i32
    %dma_start3A_152 = arith.constant 0 : i32
    %dma_start3A_153 = arith.constant 0 : i32
    %dma_start3A_154 = arith.constant 0 : i32
    %dma_start3A_155 = tpu.memref_slice %arg14[%dma_start3A_150, %dma_start3A_153, %dma_start3A_154] : memref<2x80x80xf32, #tpu.memory_space<vmem>> -> memref<1x80x80xf32, #tpu.memory_space<vmem>>
    %dma_start3A_156 = tpu.memref_squeeze %dma_start3A_155 : memref<1x80x80xf32, #tpu.memory_space<vmem>> -> memref<80x80xf32, #tpu.memory_space<vmem>>
    %dma_start3A_157 = arith.constant 0 : i32
    %dma_start3A_158 = tpu.memref_slice %arg10[%dma_start3A_151, %dma_start3A_157] : memref<125x80xi32, #tpu.memory_space<vmem>> -> memref<1x80xi32, #tpu.memory_space<vmem>>
    %dma_start3A_159 = tpu.memref_squeeze %dma_start3A_158 : memref<1x80xi32, #tpu.memory_space<vmem>> -> memref<80xi32, #tpu.memory_space<vmem>>
    %dma_start3A_160 = arith.constant 0 : i32
    %dma_start3A_161 = arith.constant 0 : i32
    %dma_start3A_162 = tpu.memref_slice %arg15[%dma_start3A_160, %dma_start3A_161] : memref<12000x80xf32, #tpu.memory_space<vmem_shared>> -> memref<12000x80xf32, #tpu.memory_space<vmem_shared>>
    %dma_start3A_163 = tpu.memref_slice %arg17[%dma_start3A_152] : memref<2x!tpu.dma_semaphore, #tpu.memory_space<semaphore_mem>> -> memref<1x!tpu.dma_semaphore, #tpu.memory_space<semaphore_mem>>
    %dma_start3A_164 = tpu.memref_squeeze %dma_start3A_163 : memref<1x!tpu.dma_semaphore, #tpu.memory_space<semaphore_mem>> -> memref<!tpu.dma_semaphore, #tpu.memory_space<semaphore_mem>>
    tpu.enqueue_indirect_dma source(%dma_start3A_156 : memref<80x80xf32, #tpu.memory_space<vmem>>) target(%dma_start3A_162 : memref<12000x80xf32, #tpu.memory_space<vmem_shared>>) offsets(%dma_start3A_159 : memref<80xi32, #tpu.memory_space<vmem>>) semaphore(%dma_start3A_164 : memref<!tpu.dma_semaphore, #tpu.memory_space<semaphore_mem>>) {add = true}
    %dma_wait3A_165 = arith.constant 1 : i32
    %dma_wait3A_166 = arith.constant 0 : i32
    %dma_wait3A_167 = arith.constant 1 : i32
    %dma_wait3A_168 = arith.constant 0 : i32
    %dma_wait3A_169 = arith.constant 0 : i32
    %dma_wait3A_170 = tpu.memref_slice %arg14[%dma_wait3A_165, %dma_wait3A_168, %dma_wait3A_169] : memref<2x80x80xf32, #tpu.memory_space<vmem>> -> memref<1x80x80xf32, #tpu.memory_space<vmem>>
    %dma_wait3A_171 = tpu.memref_squeeze %dma_wait3A_170 : memref<1x80x80xf32, #tpu.memory_space<vmem>> -> memref<80x80xf32, #tpu.memory_space<vmem>>
    %dma_wait3A_172 = arith.constant 0 : i32
    %dma_wait3A_173 = tpu.memref_slice %arg10[%dma_wait3A_166, %dma_wait3A_172] : memref<125x80xi32, #tpu.memory_space<vmem>> -> memref<1x80xi32, #tpu.memory_space<vmem>>
    %dma_wait3A_174 = tpu.memref_squeeze %dma_wait3A_173 : memref<1x80xi32, #tpu.memory_space<vmem>> -> memref<80xi32, #tpu.memory_space<vmem>>
    %dma_wait3A_175 = arith.constant 0 : i32
    %dma_wait3A_176 = arith.constant 0 : i32
    %dma_wait3A_177 = tpu.memref_slice %arg15[%dma_wait3A_175, %dma_wait3A_176] : memref<12000x80xf32, #tpu.memory_space<vmem_shared>> -> memref<12000x80xf32, #tpu.memory_space<vmem_shared>>
    %dma_wait3A_178 = tpu.memref_slice %arg17[%dma_wait3A_167] : memref<2x!tpu.dma_semaphore, #tpu.memory_space<semaphore_mem>> -> memref<1x!tpu.dma_semaphore, #tpu.memory_space<semaphore_mem>>
    %dma_wait3A_179 = tpu.memref_squeeze %dma_wait3A_178 : memref<1x!tpu.dma_semaphore, #tpu.memory_space<semaphore_mem>> -> memref<!tpu.dma_semaphore, #tpu.memory_space<semaphore_mem>>
    tpu.wait_indirect_dma semaphore(%dma_wait3A_179 : memref<!tpu.dma_semaphore, #tpu.memory_space<semaphore_mem>>) src(%dma_wait3A_171 : memref<80x80xf32, #tpu.memory_space<vmem>>) dst(%dma_wait3A_177 : memref<12000x80xf32, #tpu.memory_space<vmem_shared>>)
    %dma_wait3A_180 = arith.constant 0 : i32
    %dma_wait3A_181 = arith.constant 0 : i32
    %dma_wait3A_182 = arith.constant 0 : i32
    %dma_wait3A_183 = arith.constant 0 : i32
    %dma_wait3A_184 = arith.constant 0 : i32
    %dma_wait3A_185 = tpu.memref_slice %arg14[%dma_wait3A_180, %dma_wait3A_183, %dma_wait3A_184] : memref<2x80x80xf32, #tpu.memory_space<vmem>> -> memref<1x80x80xf32, #tpu.memory_space<vmem>>
    %dma_wait3A_186 = tpu.memref_squeeze %dma_wait3A_185 : memref<1x80x80xf32, #tpu.memory_space<vmem>> -> memref<80x80xf32, #tpu.memory_space<vmem>>
    %dma_wait3A_187 = arith.constant 0 : i32
    %dma_wait3A_188 = tpu.memref_slice %arg10[%dma_wait3A_181, %dma_wait3A_187] : memref<125x80xi32, #tpu.memory_space<vmem>> -> memref<1x80xi32, #tpu.memory_space<vmem>>
    %dma_wait3A_189 = tpu.memref_squeeze %dma_wait3A_188 : memref<1x80xi32, #tpu.memory_space<vmem>> -> memref<80xi32, #tpu.memory_space<vmem>>
    %dma_wait3A_190 = arith.constant 0 : i32
    %dma_wait3A_191 = arith.constant 0 : i32
    %dma_wait3A_192 = tpu.memref_slice %arg15[%dma_wait3A_190, %dma_wait3A_191] : memref<12000x80xf32, #tpu.memory_space<vmem_shared>> -> memref<12000x80xf32, #tpu.memory_space<vmem_shared>>
    %dma_wait3A_193 = tpu.memref_slice %arg17[%dma_wait3A_182] : memref<2x!tpu.dma_semaphore, #tpu.memory_space<semaphore_mem>> -> memref<1x!tpu.dma_semaphore, #tpu.memory_space<semaphore_mem>>
    %dma_wait3A_194 = tpu.memref_squeeze %dma_wait3A_193 : memref<1x!tpu.dma_semaphore, #tpu.memory_space<semaphore_mem>> -> memref<!tpu.dma_semaphore, #tpu.memory_space<semaphore_mem>>
    tpu.wait_indirect_dma semaphore(%dma_wait3A_194 : memref<!tpu.dma_semaphore, #tpu.memory_space<semaphore_mem>>) src(%dma_wait3A_186 : memref<80x80xf32, #tpu.memory_space<vmem>>) dst(%dma_wait3A_192 : memref<12000x80xf32, #tpu.memory_space<vmem_shared>>)
    %barrier3A_195 = arith.constant 0 : index
    tpu.barrier barrier_id(%barrier3A_195)
    %mul3A_196 = arith.constant 750 : i32
    %mul3A_197 = arith.muli %arg1, %mul3A_196 : i32
    %mul3A_198 = arith.constant 750 : i32
    %mul3A_199 = arith.muli %arg1, %mul3A_198 : i32
    "tpu.region"() ({
      %run_scoped3A = tpu.sem_alloc : memref<!tpu.dma_semaphore, #tpu.memory_space<semaphore_mem>>
      %dma_start3A_200 = arith.constant 0 : i32
      %dma_start3A_201 = tpu.memref_slice %arg8[%arg0, %mul3A_199, %dma_start3A_200] : memref<2x12000x80xf32, #tpu.memory_space<hbm>> -> memref<1x750x80xf32, #tpu.memory_space<hbm>>
      %dma_start3A_202 = tpu.memref_squeeze %dma_start3A_201 : memref<1x750x80xf32, #tpu.memory_space<hbm>> -> memref<750x80xf32, #tpu.memory_space<hbm>>
      %dma_start3A_203 = arith.constant 0 : i32
      %dma_start3A_204 = tpu.memref_slice %arg15[%mul3A_197, %dma_start3A_203] : memref<12000x80xf32, #tpu.memory_space<vmem_shared>> -> memref<750x80xf32, #tpu.memory_space<vmem_shared>>
      tpu.enqueue_dma source(%dma_start3A_204 : memref<750x80xf32, #tpu.memory_space<vmem_shared>>) target(%dma_start3A_202 : memref<750x80xf32, #tpu.memory_space<hbm>>) target_semaphore(%run_scoped3A : memref<!tpu.dma_semaphore, #tpu.memory_space<semaphore_mem>>)
      %dma_wait3A_205 = arith.constant 0 : i32
      %dma_wait3A_206 = tpu.memref_slice %arg8[%arg0, %mul3A_199, %dma_wait3A_205] : memref<2x12000x80xf32, #tpu.memory_space<hbm>> -> memref<1x750x80xf32, #tpu.memory_space<hbm>>
      %dma_wait3A_207 = tpu.memref_squeeze %dma_wait3A_206 : memref<1x750x80xf32, #tpu.memory_space<hbm>> -> memref<750x80xf32, #tpu.memory_space<hbm>>
      %dma_wait3A_208 = arith.constant 0 : i32
      %dma_wait3A_209 = tpu.memref_slice %arg15[%mul3A_197, %dma_wait3A_208] : memref<12000x80xf32, #tpu.memory_space<vmem_shared>> -> memref<750x80xf32, #tpu.memory_space<vmem_shared>>
      tpu.wait_dma2 semaphore(%run_scoped3A : memref<!tpu.dma_semaphore, #tpu.memory_space<semaphore_mem>>) src(%dma_wait3A_209 : memref<750x80xf32, #tpu.memory_space<vmem_shared>>) dst(%dma_wait3A_207 : memref<750x80xf32, #tpu.memory_space<hbm>>)
      tpu.yield
    }) : () -> ()
    return
  }
}

module attributes {stable_mosaic.version = 14 : i64} {
  func.func @_prep1_body(%arg0: i32, %arg1: memref<2000x128xf32, #tpu.memory_space<vmem>>, %arg2: memref<128x64xf32, #tpu.memory_space<vmem>>, %arg3: memref<8x8xf32, #tpu.memory_space<vmem>>, %arg4: memref<8x8xf32, #tpu.memory_space<vmem>>, %arg5: memref<2000x80xf32, #tpu.memory_space<vmem>>, %arg6: memref<2000x16xf32, #tpu.memory_space<vmem>>, %arg7: memref<1x16xf32, #tpu.memory_space<vmem>>, %arg8: memref<1x16xf32, #tpu.memory_space<vmem>>) attributes {dimension_semantics = [#tpu.dimension_semantics<arbitrary>], iteration_bounds = array<i64: 5>, scalar_prefetch = 0 : i64, scratch_operands = 1 : i64, tpu.core_type = #tpu.core_type<tc>, window_params = [{transform_indices = @transform_0, window_bounds = array<i64: 2000, 128>}, {pipeline_mode = #tpu.pipeline_mode<synchronous>, transform_indices = @transform_1, window_bounds = array<i64: 128, 64>}, {pipeline_mode = #tpu.pipeline_mode<synchronous>, transform_indices = @transform_2, window_bounds = array<i64: 8, 8>}, {pipeline_mode = #tpu.pipeline_mode<synchronous>, transform_indices = @transform_3, window_bounds = array<i64: 8, 8>}, {transform_indices = @transform_4, window_bounds = array<i64: 2000, 80>}, {transform_indices = @transform_5, window_bounds = array<i64: 2000, 16>}, {pipeline_mode = #tpu.pipeline_mode<synchronous>, transform_indices = @transform_6, window_bounds = array<i64: 1, 16>}]} {
    %get3A = arith.constant 0 : index
    %get3A_0 = arith.constant 0 : index
    %get3A_1 = vector.load %arg1[%get3A, %get3A_0] : memref<2000x128xf32, #tpu.memory_space<vmem>>, vector<2000x128xf32>
    %get3A_2 = arith.constant 0 : index
    %get3A_3 = arith.constant 0 : index
    %get3A_4 = vector.load %arg2[%get3A_2, %get3A_3] : memref<128x64xf32, #tpu.memory_space<vmem>>, vector<128x64xf32>
    %dot_general3A = arith.constant dense<0.000000e+00> : vector<2000x64xf32>
    %dot_general3A_5 = tpu.matmul %get3A_1, %get3A_4, %dot_general3A {dimension_numbers = #tpu.dot_dimension_numbers<[1], [0], [0], [1], [0, 0, 1, 1], [], []>, transpose_lhs_hint = false} : vector<2000x128xf32>, vector<128x64xf32>, vector<2000x64xf32> -> vector<2000x64xf32>
    %reshape3A = vector.shape_cast %dot_general3A_5 : vector<2000x64xf32> to vector<2000x8x8xf32>
    %transpose3A = tpu.transpose %reshape3A, [0, 2, 1] : vector<2000x8x8xf32> -> vector<2000x8x8xf32>
    %reshape3A_6 = vector.shape_cast %transpose3A : vector<2000x8x8xf32> to vector<2000x64xf32>
    %get3A_7 = arith.constant 0 : index
    %get3A_8 = arith.constant 0 : index
    %get3A_9 = vector.load %arg3[%get3A_7, %get3A_8] : memref<8x8xf32, #tpu.memory_space<vmem>>, vector<8x8xf32>
    %broadcast_in_dim3A = vector.shape_cast %get3A_9 : vector<8x8xf32> to vector<1x8x8xf32>
    %mul3A = vector.broadcast %broadcast_in_dim3A : vector<1x8x8xf32> to vector<2000x8x8xf32>
    %mul3A_10 = arith.mulf %reshape3A, %mul3A : vector<2000x8x8xf32>
    %reduce_sum3A = arith.constant dense<0.000000e+00> : vector<2000x8xf32>
    %reduce_sum3A_11 = vector.multi_reduction <add>, %mul3A_10, %reduce_sum3A [2] : vector<2000x8x8xf32> to vector<2000x8xf32>
    %get3A_12 = arith.constant 0 : index
    %get3A_13 = arith.constant 0 : index
    %get3A_14 = vector.load %arg4[%get3A_12, %get3A_13] : memref<8x8xf32, #tpu.memory_space<vmem>>, vector<8x8xf32>
    %broadcast_in_dim3A_15 = vector.shape_cast %get3A_14 : vector<8x8xf32> to vector<1x8x8xf32>
    %mul3A_16 = vector.broadcast %broadcast_in_dim3A_15 : vector<1x8x8xf32> to vector<2000x8x8xf32>
    %mul3A_17 = arith.mulf %reshape3A, %mul3A_16 : vector<2000x8x8xf32>
    %reduce_sum3A_18 = arith.constant dense<0.000000e+00> : vector<2000x8xf32>
    %reduce_sum3A_19 = vector.multi_reduction <add>, %mul3A_17, %reduce_sum3A_18 [2] : vector<2000x8x8xf32> to vector<2000x8xf32>
    %concatenate3A = tpu.concatenate %reshape3A_6, %reduce_sum3A_11, %reduce_sum3A_11 in 1 : vector<2000x64xf32>, vector<2000x8xf32>, vector<2000x8xf32> -> vector<2000x80xf32>
    %swap3A = arith.constant 0 : index
    %swap3A_20 = arith.constant 0 : index
    %swap3A_21 = vector.load %arg5[%swap3A, %swap3A_20] : memref<2000x80xf32, #tpu.memory_space<vmem>>, vector<2000x80xf32>
    tpu.vector_store %arg5[%swap3A, %swap3A_20], %concatenate3A {strides = array<i32>} : memref<2000x80xf32, #tpu.memory_space<vmem>>, vector<2000x80xf32>,
    %concatenate3A_22 = tpu.concatenate %reduce_sum3A_19, %reduce_sum3A_19 in 1 : vector<2000x8xf32>, vector<2000x8xf32> -> vector<2000x16xf32>
    %swap3A_23 = arith.constant 0 : index
    %swap3A_24 = arith.constant 0 : index
    %swap3A_25 = vector.load %arg6[%swap3A_23, %swap3A_24] : memref<2000x16xf32, #tpu.memory_space<vmem>>, vector<2000x16xf32>
    tpu.vector_store %arg6[%swap3A_23, %swap3A_24], %concatenate3A_22 {strides = array<i32>} : memref<2000x16xf32, #tpu.memory_space<vmem>>, vector<2000x16xf32>,
    %reduce_max3A = arith.constant dense<0xFF800000> : vector<8xf32>
    %reduce_max3A_26 = vector.multi_reduction <maximumf>, %reduce_sum3A_11, %reduce_max3A [0] : vector<2000x8xf32> to vector<8xf32>
    %reduce_max3A_27 = arith.constant dense<0xFF800000> : vector<8xf32>
    %reduce_max3A_28 = vector.multi_reduction <maximumf>, %reduce_sum3A_19, %reduce_max3A_27 [0] : vector<2000x8xf32> to vector<8xf32>
    %concatenate3A_29 = tpu.concatenate %reduce_max3A_26, %reduce_max3A_28 in 0 : vector<8xf32>, vector<8xf32> -> vector<16xf32>
    %broadcast_in_dim3A_30 = vector.shape_cast %concatenate3A_29 : vector<16xf32> to vector<1x16xf32>
    %eq3A = arith.constant 0 : i32
    %eq3A_31 = arith.cmpi eq, %arg0, %eq3A : i32
    %convert_element_type3A = arith.extui %eq3A_31 : i1 to i32
    %cond3A = arith.constant 0 : i32
    %cond3A_32 = arith.cmpi ne, %convert_element_type3A, %cond3A : i32
    scf.if %cond3A_32 {
      %swap3A_42 = arith.constant 0 : index
      %swap3A_43 = arith.constant 0 : index
      %swap3A_44 = vector.load %arg8[%swap3A_42, %swap3A_43] : memref<1x16xf32, #tpu.memory_space<vmem>>, vector<1x16xf32>
      tpu.vector_store %arg8[%swap3A_42, %swap3A_43], %broadcast_in_dim3A_30 {strides = array<i32>} : memref<1x16xf32, #tpu.memory_space<vmem>>, vector<1x16xf32>,
    } else {
    }
    %gt3A = arith.constant 0 : i32
    %gt3A_33 = arith.cmpi sgt, %arg0, %gt3A : i32
    %convert_element_type3A_34 = arith.extui %gt3A_33 : i1 to i32
    %cond3A_35 = arith.constant 0 : i32
    %cond3A_36 = arith.cmpi ne, %convert_element_type3A_34, %cond3A_35 : i32
    scf.if %cond3A_36 {
      %get3A_42 = arith.constant 0 : index
      %get3A_43 = arith.constant 0 : index
      %get3A_44 = vector.load %arg8[%get3A_42, %get3A_43] : memref<1x16xf32, #tpu.memory_space<vmem>>, vector<1x16xf32>
      %max3A = arith.maximumf %get3A_44, %broadcast_in_dim3A_30 : vector<1x16xf32>
      %swap3A_45 = arith.constant 0 : index
      %swap3A_46 = arith.constant 0 : index
      %swap3A_47 = vector.load %arg8[%swap3A_45, %swap3A_46] : memref<1x16xf32, #tpu.memory_space<vmem>>, vector<1x16xf32>
      tpu.vector_store %arg8[%swap3A_45, %swap3A_46], %max3A {strides = array<i32>} : memref<1x16xf32, #tpu.memory_space<vmem>>, vector<1x16xf32>,
    } else {
    }
    %eq3A_37 = arith.constant 4 : i32
    %eq3A_38 = arith.cmpi eq, %arg0, %eq3A_37 : i32
    %convert_element_type3A_39 = arith.extui %eq3A_38 : i1 to i32
    %cond3A_40 = arith.constant 0 : i32
    %cond3A_41 = arith.cmpi ne, %convert_element_type3A_39, %cond3A_40 : i32
    scf.if %cond3A_41 {
      %get3A_42 = arith.constant 0 : index
      %get3A_43 = arith.constant 0 : index
      %get3A_44 = vector.load %arg8[%get3A_42, %get3A_43] : memref<1x16xf32, #tpu.memory_space<vmem>>, vector<1x16xf32>
      %slice3A = vector.extract_strided_slice %get3A_44 {offsets = [0, 0], sizes = [1, 8], strides = [1, 1]} : vector<1x16xf32> to vector<1x8xf32>
      %slice3A_45 = vector.extract_strided_slice %get3A_44 {offsets = [0, 8], sizes = [1, 8], strides = [1, 1]} : vector<1x16xf32> to vector<1x8xf32>
      %add3A = arith.addf %slice3A, %slice3A_45 : vector<1x8xf32>
      %ge3A = arith.constant 0.000000e+00 : f32
      %ge3A_46 = vector.broadcast %ge3A : f32 to vector<1x8xf32>
      %ge3A_47 = arith.cmpf oge, %add3A, %ge3A_46 : vector<1x8xf32>
      %mul3A_48 = arith.constant 2.000000e-01 : f32
      %mul3A_49 = vector.broadcast %mul3A_48 : f32 to vector<1x8xf32>
      %mul3A_50 = arith.mulf %mul3A_49, %add3A : vector<1x8xf32>
      %select_n3A = arith.select %ge3A_47, %add3A, %mul3A_50 : vector<1x8xi1>, vector<1x8xf32>
      %concatenate3A_51 = tpu.concatenate %select_n3A, %select_n3A in 1 : vector<1x8xf32>, vector<1x8xf32> -> vector<1x16xf32>
      %swap3A_52 = arith.constant 0 : index
      %swap3A_53 = arith.constant 0 : index
      %swap3A_54 = vector.load %arg7[%swap3A_52, %swap3A_53] : memref<1x16xf32, #tpu.memory_space<vmem>>, vector<1x16xf32>
      tpu.vector_store %arg7[%swap3A_52, %swap3A_53], %concatenate3A_51 {strides = array<i32>} : memref<1x16xf32, #tpu.memory_space<vmem>>, vector<1x16xf32>,
    } else {
    }
    return
  }
  func.func @transform_0(%arg0: i32) -> (i32, i32) {
    %c0_i32 = arith.constant 0 : i32
    %c0_i32_0 = arith.constant 0 : i32
    return %arg0, %c0_i32 : i32, i32
  }
  func.func @transform_1(%arg0: i32) -> (i32, i32) {
    %c0_i32 = arith.constant 0 : i32
    %c0_i32_0 = arith.constant 0 : i32
    %c0_i32_1 = arith.constant 0 : i32
    return %c0_i32, %c0_i32_0 : i32, i32
  }
  func.func @transform_2(%arg0: i32) -> (i32, i32) {
    %c0_i32 = arith.constant 0 : i32
    %c0_i32_0 = arith.constant 0 : i32
    %c0_i32_1 = arith.constant 0 : i32
    return %c0_i32, %c0_i32_0 : i32, i32
  }
  func.func @transform_3(%arg0: i32) -> (i32, i32) {
    %c0_i32 = arith.constant 0 : i32
    %c0_i32_0 = arith.constant 0 : i32
    %c0_i32_1 = arith.constant 0 : i32
    return %c0_i32, %c0_i32_0 : i32, i32
  }
  func.func @transform_4(%arg0: i32) -> (i32, i32) {
    %c0_i32 = arith.constant 0 : i32
    %c0_i32_0 = arith.constant 0 : i32
    return %arg0, %c0_i32 : i32, i32
  }
  func.func @transform_5(%arg0: i32) -> (i32, i32) {
    %c0_i32 = arith.constant 0 : i32
    %c0_i32_0 = arith.constant 0 : i32
    return %arg0, %c0_i32 : i32, i32
  }
  func.func @transform_6(%arg0: i32) -> (i32, i32) {
    %c0_i32 = arith.constant 0 : i32
    %c0_i32_0 = arith.constant 0 : i32
    %c0_i32_1 = arith.constant 0 : i32
    return %c0_i32, %c0_i32_0 : i32, i32
  }
}

module attributes {stable_mosaic.version = 14 : i64} {
  func.func @_post1_body(%arg0: i32, %arg1: memref<1x2000x80xf32, #tpu.memory_space<vmem>>, %arg2: memref<1x2000x80xf32, #tpu.memory_space<vmem>>, %arg3: memref<1x64xf32, #tpu.memory_space<vmem>>, %arg4: memref<64x64xf32, #tpu.memory_space<vmem>>, %arg5: memref<1x64xf32, #tpu.memory_space<vmem>>, %arg6: memref<64x64xf32, #tpu.memory_space<vmem>>, %arg7: memref<1x64xf32, #tpu.memory_space<vmem>>, %arg8: memref<1x64xf32, #tpu.memory_space<vmem>>, %arg9: memref<1x64xf32, #tpu.memory_space<vmem>>, %arg10: memref<64x64xf32, #tpu.memory_space<vmem>>, %arg11: memref<1x64xf32, #tpu.memory_space<vmem>>, %arg12: memref<1x64xf32, #tpu.memory_space<vmem>>, %arg13: memref<2000x64xf32, #tpu.memory_space<vmem>>, %arg14: memref<2000x80xf32, #tpu.memory_space<vmem>>, %arg15: memref<2000x16xf32, #tpu.memory_space<vmem>>, %arg16: memref<1x16xf32, #tpu.memory_space<vmem>>, %arg17: memref<1x16xf32, #tpu.memory_space<vmem>>) attributes {dimension_semantics = [#tpu.dimension_semantics<arbitrary>], iteration_bounds = array<i64: 5>, scalar_prefetch = 0 : i64, scratch_operands = 1 : i64, tpu.core_type = #tpu.core_type<tc>, window_params = [{transform_indices = @transform_0, window_bounds = array<i64: 1, 2000, 80>}, {transform_indices = @transform_1, window_bounds = array<i64: 1, 2000, 80>}, {pipeline_mode = #tpu.pipeline_mode<synchronous>, transform_indices = @transform_2, window_bounds = array<i64: 1, 64>}, {pipeline_mode = #tpu.pipeline_mode<synchronous>, transform_indices = @transform_3, window_bounds = array<i64: 64, 64>}, {pipeline_mode = #tpu.pipeline_mode<synchronous>, transform_indices = @transform_4, window_bounds = array<i64: 1, 64>}, {pipeline_mode = #tpu.pipeline_mode<synchronous>, transform_indices = @transform_5, window_bounds = array<i64: 64, 64>}, {pipeline_mode = #tpu.pipeline_mode<synchronous>, transform_indices = @transform_6, window_bounds = array<i64: 1, 64>}, {pipeline_mode = #tpu.pipeline_mode<synchronous>, transform_indices = @transform_7, window_bounds = array<i64: 1, 64>}, {pipeline_mode = #tpu.pipeline_mode<synchronous>, transform_indices = @transform_8, window_bounds = array<i64: 1, 64>}, {pipeline_mode = #tpu.pipeline_mode<synchronous>, transform_indices = @transform_9, window_bounds = array<i64: 64, 64>}, {pipeline_mode = #tpu.pipeline_mode<synchronous>, transform_indices = @transform_10, window_bounds = array<i64: 1, 64>}, {pipeline_mode = #tpu.pipeline_mode<synchronous>, transform_indices = @transform_11, window_bounds = array<i64: 1, 64>}, {transform_indices = @transform_12, window_bounds = array<i64: 2000, 64>}, {transform_indices = @transform_13, window_bounds = array<i64: 2000, 80>}, {transform_indices = @transform_14, window_bounds = array<i64: 2000, 16>}, {pipeline_mode = #tpu.pipeline_mode<synchronous>, transform_indices = @transform_15, window_bounds = array<i64: 1, 16>}]} {
    %get3A = arith.constant 0 : index
    %get3A_0 = arith.constant 0 : index
    %get3A_1 = arith.constant 0 : index
    %get3A_2 = vector.load %arg1[%get3A, %get3A_0, %get3A_1] : memref<1x2000x80xf32, #tpu.memory_space<vmem>>, vector<1x2000x80xf32>
    %get3A_3 = vector.shape_cast %get3A_2 : vector<1x2000x80xf32> to vector<2000x80xf32>
    %get3A_4 = arith.constant 0 : index
    %get3A_5 = arith.constant 0 : index
    %get3A_6 = arith.constant 0 : index
    %get3A_7 = vector.load %arg2[%get3A_4, %get3A_5, %get3A_6] : memref<1x2000x80xf32, #tpu.memory_space<vmem>>, vector<1x2000x80xf32>
    %get3A_8 = vector.shape_cast %get3A_7 : vector<1x2000x80xf32> to vector<2000x80xf32>
    %add3A = arith.addf %get3A_3, %get3A_8 : vector<2000x80xf32>
    %slice3A = vector.extract_strided_slice %add3A {offsets = [0, 64], sizes = [2000, 8], strides = [1, 1]} : vector<2000x80xf32> to vector<2000x8xf32>
    %slice3A_9 = vector.extract_strided_slice %add3A {offsets = [0, 0], sizes = [2000, 64], strides = [1, 1]} : vector<2000x80xf32> to vector<2000x64xf32>
    %reshape3A = vector.shape_cast %slice3A_9 : vector<2000x64xf32> to vector<2000x8x8xf32>
    %transpose3A = tpu.transpose %reshape3A, [0, 2, 1] : vector<2000x8x8xf32> -> vector<2000x8x8xf32>
    %broadcast_in_dim3A = vector.shape_cast %slice3A : vector<2000x8xf32> to vector<2000x8x1xf32>
    %add3A_10 = arith.constant 1.000000e-16 : f32
    %add3A_11 = vector.broadcast %add3A_10 : f32 to vector<2000x8x1xf32>
    %add3A_12 = arith.addf %broadcast_in_dim3A, %add3A_11 : vector<2000x8x1xf32>
    %div3A = vector.broadcast %add3A_12 : vector<2000x8x1xf32> to vector<2000x8x8xf32>
    %div3A_13 = arith.divf %transpose3A, %div3A : vector<2000x8x8xf32>
    %reshape3A_14 = vector.shape_cast %div3A_13 : vector<2000x8x8xf32> to vector<2000x64xf32>
    %get3A_15 = arith.constant 0 : index
    %get3A_16 = arith.constant 0 : index
    %get3A_17 = vector.load %arg3[%get3A_15, %get3A_16] : memref<1x64xf32, #tpu.memory_space<vmem>>, vector<1x64xf32>
    %add3A_18 = vector.broadcast %get3A_17 : vector<1x64xf32> to vector<2000x64xf32>
    %add3A_19 = arith.addf %reshape3A_14, %add3A_18 : vector<2000x64xf32>
    %max3A = arith.constant 0.000000e+00 : f32
    %max3A_20 = vector.broadcast %max3A : f32 to vector<2000x64xf32>
    %max3A_21 = arith.maximumf %add3A_19, %max3A_20 : vector<2000x64xf32>
    %get3A_22 = arith.constant 0 : index
    %get3A_23 = arith.constant 0 : index
    %get3A_24 = vector.load %arg4[%get3A_22, %get3A_23] : memref<64x64xf32, #tpu.memory_space<vmem>>, vector<64x64xf32>
    %dot_general3A = arith.constant dense<0.000000e+00> : vector<2000x64xf32>
    %dot_general3A_25 = tpu.matmul %max3A_21, %get3A_24, %dot_general3A {dimension_numbers = #tpu.dot_dimension_numbers<[1], [0], [0], [1], [0, 0, 1, 1], [], []>, transpose_lhs_hint = false} : vector<2000x64xf32>, vector<64x64xf32>, vector<2000x64xf32> -> vector<2000x64xf32>
    %get3A_26 = arith.constant 0 : index
    %get3A_27 = arith.constant 0 : index
    %get3A_28 = vector.load %arg5[%get3A_26, %get3A_27] : memref<1x64xf32, #tpu.memory_space<vmem>>, vector<1x64xf32>
    %add3A_29 = vector.broadcast %get3A_28 : vector<1x64xf32> to vector<2000x64xf32>
    %add3A_30 = arith.addf %dot_general3A_25, %add3A_29 : vector<2000x64xf32>
    %max3A_31 = arith.constant 0.000000e+00 : f32
    %max3A_32 = vector.broadcast %max3A_31 : f32 to vector<2000x64xf32>
    %max3A_33 = arith.maximumf %add3A_30, %max3A_32 : vector<2000x64xf32>
    %get3A_34 = arith.constant 0 : index
    %get3A_35 = arith.constant 0 : index
    %get3A_36 = vector.load %arg6[%get3A_34, %get3A_35] : memref<64x64xf32, #tpu.memory_space<vmem>>, vector<64x64xf32>
    %dot_general3A_37 = arith.constant dense<0.000000e+00> : vector<2000x64xf32>
    %dot_general3A_38 = tpu.matmul %max3A_33, %get3A_36, %dot_general3A_37 {dimension_numbers = #tpu.dot_dimension_numbers<[1], [0], [0], [1], [0, 0, 1, 1], [], []>, transpose_lhs_hint = false} : vector<2000x64xf32>, vector<64x64xf32>, vector<2000x64xf32> -> vector<2000x64xf32>
    %get3A_39 = arith.constant 0 : index
    %get3A_40 = arith.constant 0 : index
    %get3A_41 = vector.load %arg7[%get3A_39, %get3A_40] : memref<1x64xf32, #tpu.memory_space<vmem>>, vector<1x64xf32>
    %add3A_42 = vector.broadcast %get3A_41 : vector<1x64xf32> to vector<2000x64xf32>
    %add3A_43 = arith.addf %dot_general3A_38, %add3A_42 : vector<2000x64xf32>
    %add3A_44 = arith.addf %add3A_43, %max3A_21 : vector<2000x64xf32>
    %max3A_45 = arith.constant 0.000000e+00 : f32
    %max3A_46 = vector.broadcast %max3A_45 : f32 to vector<2000x64xf32>
    %max3A_47 = arith.maximumf %add3A_44, %max3A_46 : vector<2000x64xf32>
    %get3A_48 = arith.constant 0 : index
    %get3A_49 = arith.constant 0 : index
    %get3A_50 = vector.load %arg8[%get3A_48, %get3A_49] : memref<1x64xf32, #tpu.memory_space<vmem>>, vector<1x64xf32>
    %get3A_51 = arith.constant 0 : index
    %get3A_52 = arith.constant 0 : index
    %get3A_53 = vector.load %arg9[%get3A_51, %get3A_52] : memref<1x64xf32, #tpu.memory_space<vmem>>, vector<1x64xf32>
    %reduce_sum3A = arith.constant dense<0.000000e+00> : vector<2000xf32>
    %reduce_sum3A_54 = vector.multi_reduction <add>, %max3A_47, %reduce_sum3A [1] : vector<2000x64xf32> to vector<2000xf32>
    %broadcast_in_dim3A_55 = vector.shape_cast %reduce_sum3A_54 : vector<2000xf32> to vector<2000x1xf32>
    %div3A_56 = arith.constant 6.400000e+01 : f32
    %div3A_57 = vector.broadcast %div3A_56 : f32 to vector<2000x1xf32>
    %div3A_58 = arith.divf %broadcast_in_dim3A_55, %div3A_57 : vector<2000x1xf32>
    %sub3A = vector.broadcast %div3A_58 : vector<2000x1xf32> to vector<2000x64xf32>
    %sub3A_59 = arith.subf %max3A_47, %sub3A : vector<2000x64xf32>
    %integer_pow3A = arith.mulf %sub3A_59, %sub3A_59 : vector<2000x64xf32>
    %reduce_sum3A_60 = arith.constant dense<0.000000e+00> : vector<2000xf32>
    %reduce_sum3A_61 = vector.multi_reduction <add>, %integer_pow3A, %reduce_sum3A_60 [1] : vector<2000x64xf32> to vector<2000xf32>
    %broadcast_in_dim3A_62 = vector.shape_cast %reduce_sum3A_61 : vector<2000xf32> to vector<2000x1xf32>
    %div3A_63 = arith.constant 6.400000e+01 : f32
    %div3A_64 = vector.broadcast %div3A_63 : f32 to vector<2000x1xf32>
    %div3A_65 = arith.divf %broadcast_in_dim3A_62, %div3A_64 : vector<2000x1xf32>
    %sub3A_66 = vector.broadcast %div3A_58 : vector<2000x1xf32> to vector<2000x64xf32>
    %sub3A_67 = arith.subf %max3A_47, %sub3A_66 : vector<2000x64xf32>
    %add3A_68 = arith.constant 9.99999974E-6 : f32
    %add3A_69 = vector.broadcast %add3A_68 : f32 to vector<2000x1xf32>
    %add3A_70 = arith.addf %div3A_65, %add3A_69 : vector<2000x1xf32>
    %sqrt3A = math.sqrt %add3A_70 : vector<2000x1xf32>
    %div3A_71 = vector.broadcast %sqrt3A : vector<2000x1xf32> to vector<2000x64xf32>
    %div3A_72 = arith.divf %sub3A_67, %div3A_71 : vector<2000x64xf32>
    %mul3A = vector.broadcast %get3A_50 : vector<1x64xf32> to vector<2000x64xf32>
    %mul3A_73 = arith.mulf %div3A_72, %mul3A : vector<2000x64xf32>
    %add3A_74 = vector.broadcast %get3A_53 : vector<1x64xf32> to vector<2000x64xf32>
    %add3A_75 = arith.addf %mul3A_73, %add3A_74 : vector<2000x64xf32>
    %swap3A = arith.constant 0 : index
    %swap3A_76 = arith.constant 0 : index
    %swap3A_77 = vector.load %arg13[%swap3A, %swap3A_76] : memref<2000x64xf32, #tpu.memory_space<vmem>>, vector<2000x64xf32>
    tpu.vector_store %arg13[%swap3A, %swap3A_76], %add3A_75 {strides = array<i32>} : memref<2000x64xf32, #tpu.memory_space<vmem>>, vector<2000x64xf32>,
    %get3A_78 = arith.constant 0 : index
    %get3A_79 = arith.constant 0 : index
    %get3A_80 = vector.load %arg10[%get3A_78, %get3A_79] : memref<64x64xf32, #tpu.memory_space<vmem>>, vector<64x64xf32>
    %dot_general3A_81 = arith.constant dense<0.000000e+00> : vector<2000x64xf32>
    %dot_general3A_82 = tpu.matmul %add3A_75, %get3A_80, %dot_general3A_81 {dimension_numbers = #tpu.dot_dimension_numbers<[1], [0], [0], [1], [0, 0, 1, 1], [], []>, transpose_lhs_hint = false} : vector<2000x64xf32>, vector<64x64xf32>, vector<2000x64xf32> -> vector<2000x64xf32>
    %get3A_83 = arith.constant 0 : index
    %get3A_84 = arith.constant 0 : index
    %get3A_85 = vector.load %arg11[%get3A_83, %get3A_84] : memref<1x64xf32, #tpu.memory_space<vmem>>, vector<1x64xf32>
    %mul3A_86 = vector.broadcast %get3A_85 : vector<1x64xf32> to vector<2000x64xf32>
    %mul3A_87 = arith.mulf %dot_general3A_82, %mul3A_86 : vector<2000x64xf32>
    %reduce_sum3A_88 = arith.constant dense<0.000000e+00> : vector<2000xf32>
    %reduce_sum3A_89 = vector.multi_reduction <add>, %mul3A_87, %reduce_sum3A_88 [1] : vector<2000x64xf32> to vector<2000xf32>
    %broadcast_in_dim3A_90 = vector.shape_cast %reduce_sum3A_89 : vector<2000xf32> to vector<2000x1xf32>
    %get3A_91 = arith.constant 0 : index
    %get3A_92 = arith.constant 0 : index
    %get3A_93 = vector.load %arg12[%get3A_91, %get3A_92] : memref<1x64xf32, #tpu.memory_space<vmem>>, vector<1x64xf32>
    %mul3A_94 = vector.broadcast %get3A_93 : vector<1x64xf32> to vector<2000x64xf32>
    %mul3A_95 = arith.mulf %dot_general3A_82, %mul3A_94 : vector<2000x64xf32>
    %reduce_sum3A_96 = arith.constant dense<0.000000e+00> : vector<2000xf32>
    %reduce_sum3A_97 = vector.multi_reduction <add>, %mul3A_95, %reduce_sum3A_96 [1] : vector<2000x64xf32> to vector<2000xf32>
    %broadcast_in_dim3A_98 = vector.shape_cast %reduce_sum3A_97 : vector<2000xf32> to vector<2000x1xf32>
    %broadcast_in_dim3A_99 = vector.shape_cast %broadcast_in_dim3A_90 : vector<2000x1xf32> to vector<2000x1xf32>
    %broadcast_in_dim3A_100 = vector.broadcast %broadcast_in_dim3A_99 : vector<2000x1xf32> to vector<2000x16xf32>
    %concatenate3A = tpu.concatenate %dot_general3A_82, %broadcast_in_dim3A_100 in 1 : vector<2000x64xf32>, vector<2000x16xf32> -> vector<2000x80xf32>
    %swap3A_101 = arith.constant 0 : index
    %swap3A_102 = arith.constant 0 : index
    %swap3A_103 = vector.load %arg14[%swap3A_101, %swap3A_102] : memref<2000x80xf32, #tpu.memory_space<vmem>>, vector<2000x80xf32>
    tpu.vector_store %arg14[%swap3A_101, %swap3A_102], %concatenate3A {strides = array<i32>} : memref<2000x80xf32, #tpu.memory_space<vmem>>, vector<2000x80xf32>,
    %broadcast_in_dim3A_104 = vector.shape_cast %broadcast_in_dim3A_98 : vector<2000x1xf32> to vector<2000x1xf32>
    %broadcast_in_dim3A_105 = vector.broadcast %broadcast_in_dim3A_104 : vector<2000x1xf32> to vector<2000x16xf32>
    %swap3A_106 = arith.constant 0 : index
    %swap3A_107 = arith.constant 0 : index
    %swap3A_108 = vector.load %arg15[%swap3A_106, %swap3A_107] : memref<2000x16xf32, #tpu.memory_space<vmem>>, vector<2000x16xf32>
    tpu.vector_store %arg15[%swap3A_106, %swap3A_107], %broadcast_in_dim3A_105 {strides = array<i32>} : memref<2000x16xf32, #tpu.memory_space<vmem>>, vector<2000x16xf32>,
    %reduce_max3A = arith.constant dense<0xFF800000> : vector<1xf32>
    %reduce_max3A_109 = vector.multi_reduction <maximumf>, %broadcast_in_dim3A_90, %reduce_max3A [0] : vector<2000x1xf32> to vector<1xf32>
    %reduce_max3A_110 = arith.constant dense<0xFF800000> : vector<1xf32>
    %reduce_max3A_111 = vector.multi_reduction <maximumf>, %broadcast_in_dim3A_98, %reduce_max3A_110 [0] : vector<2000x1xf32> to vector<1xf32>
    %broadcast_in_dim3A_112 = arith.constant 0.000000e+00 : f32
    %broadcast_in_dim3A_113 = vector.broadcast %broadcast_in_dim3A_112 : f32 to vector<14xf32>
    %concatenate3A_114 = tpu.concatenate %reduce_max3A_109, %reduce_max3A_111, %broadcast_in_dim3A_113 in 0 : vector<1xf32>, vector<1xf32>, vector<14xf32> -> vector<16xf32>
    %broadcast_in_dim3A_115 = vector.shape_cast %concatenate3A_114 : vector<16xf32> to vector<1x16xf32>
    %eq3A = arith.constant 0 : i32
    %eq3A_116 = arith.cmpi eq, %arg0, %eq3A : i32
    %convert_element_type3A = arith.extui %eq3A_116 : i1 to i32
    %cond3A = arith.constant 0 : i32
    %cond3A_117 = arith.cmpi ne, %convert_element_type3A, %cond3A : i32
    scf.if %cond3A_117 {
      %swap3A_127 = arith.constant 0 : index
      %swap3A_128 = arith.constant 0 : index
      %swap3A_129 = vector.load %arg17[%swap3A_127, %swap3A_128] : memref<1x16xf32, #tpu.memory_space<vmem>>, vector<1x16xf32>
      tpu.vector_store %arg17[%swap3A_127, %swap3A_128], %broadcast_in_dim3A_115 {strides = array<i32>} : memref<1x16xf32, #tpu.memory_space<vmem>>, vector<1x16xf32>,
    } else {
    }
    %gt3A = arith.constant 0 : i32
    %gt3A_118 = arith.cmpi sgt, %arg0, %gt3A : i32
    %convert_element_type3A_119 = arith.extui %gt3A_118 : i1 to i32
    %cond3A_120 = arith.constant 0 : i32
    %cond3A_121 = arith.cmpi ne, %convert_element_type3A_119, %cond3A_120 : i32
    scf.if %cond3A_121 {
      %get3A_127 = arith.constant 0 : index
      %get3A_128 = arith.constant 0 : index
      %get3A_129 = vector.load %arg17[%get3A_127, %get3A_128] : memref<1x16xf32, #tpu.memory_space<vmem>>, vector<1x16xf32>
      %max3A_130 = arith.maximumf %get3A_129, %broadcast_in_dim3A_115 : vector<1x16xf32>
      %swap3A_131 = arith.constant 0 : index
      %swap3A_132 = arith.constant 0 : index
      %swap3A_133 = vector.load %arg17[%swap3A_131, %swap3A_132] : memref<1x16xf32, #tpu.memory_space<vmem>>, vector<1x16xf32>
      tpu.vector_store %arg17[%swap3A_131, %swap3A_132], %max3A_130 {strides = array<i32>} : memref<1x16xf32, #tpu.memory_space<vmem>>, vector<1x16xf32>,
    } else {
    }
    %eq3A_122 = arith.constant 4 : i32
    %eq3A_123 = arith.cmpi eq, %arg0, %eq3A_122 : i32
    %convert_element_type3A_124 = arith.extui %eq3A_123 : i1 to i32
    %cond3A_125 = arith.constant 0 : i32
    %cond3A_126 = arith.cmpi ne, %convert_element_type3A_124, %cond3A_125 : i32
    scf.if %cond3A_126 {
      %get3A_127 = arith.constant 0 : index
      %get3A_128 = arith.constant 0 : index
      %get3A_129 = vector.load %arg17[%get3A_127, %get3A_128] : memref<1x16xf32, #tpu.memory_space<vmem>>, vector<1x16xf32>
      %slice3A_130 = vector.extract_strided_slice %get3A_129 {offsets = [0, 0], sizes = [1, 1], strides = [1, 1]} : vector<1x16xf32> to vector<1x1xf32>
      %slice3A_131 = vector.extract_strided_slice %get3A_129 {offsets = [0, 1], sizes = [1, 1], strides = [1, 1]} : vector<1x16xf32> to vector<1x1xf32>
      %add3A_132 = arith.addf %slice3A_130, %slice3A_131 : vector<1x1xf32>
      %ge3A = arith.constant 0.000000e+00 : f32
      %ge3A_133 = vector.broadcast %ge3A : f32 to vector<1x1xf32>
      %ge3A_134 = arith.cmpf oge, %add3A_132, %ge3A_133 : vector<1x1xf32>
      %mul3A_135 = arith.constant 2.000000e-01 : f32
      %mul3A_136 = vector.broadcast %mul3A_135 : f32 to vector<1x1xf32>
      %mul3A_137 = arith.mulf %mul3A_136, %add3A_132 : vector<1x1xf32>
      %select_n3A = arith.select %ge3A_134, %add3A_132, %mul3A_137 : vector<1x1xi1>, vector<1x1xf32>
      %broadcast_in_dim3A_138 = vector.shape_cast %select_n3A : vector<1x1xf32> to vector<1x1xf32>
      %broadcast_in_dim3A_139 = vector.broadcast %broadcast_in_dim3A_138 : vector<1x1xf32> to vector<1x16xf32>
      %swap3A_140 = arith.constant 0 : index
      %swap3A_141 = arith.constant 0 : index
      %swap3A_142 = vector.load %arg16[%swap3A_140, %swap3A_141] : memref<1x16xf32, #tpu.memory_space<vmem>>, vector<1x16xf32>
      tpu.vector_store %arg16[%swap3A_140, %swap3A_141], %broadcast_in_dim3A_139 {strides = array<i32>} : memref<1x16xf32, #tpu.memory_space<vmem>>, vector<1x16xf32>,
    } else {
    }
    return
  }
  func.func @transform_0(%arg0: i32) -> (i32, i32, i32) {
    %c0_i32 = arith.constant 0 : i32
    %c0_i32_0 = arith.constant 0 : i32
    %c0_i32_1 = arith.constant 0 : i32
    return %c0_i32, %arg0, %c0_i32_0 : i32, i32, i32
  }
  func.func @transform_1(%arg0: i32) -> (i32, i32, i32) {
    %c1_i32 = arith.constant 1 : i32
    %c0_i32 = arith.constant 0 : i32
    %c0_i32_0 = arith.constant 0 : i32
    return %c1_i32, %arg0, %c0_i32 : i32, i32, i32
  }
  func.func @transform_2(%arg0: i32) -> (i32, i32) {
    %c0_i32 = arith.constant 0 : i32
    %c0_i32_0 = arith.constant 0 : i32
    %c0_i32_1 = arith.constant 0 : i32
    return %c0_i32, %c0_i32_0 : i32, i32
  }
  func.func @transform_3(%arg0: i32) -> (i32, i32) {
    %c0_i32 = arith.constant 0 : i32
    %c0_i32_0 = arith.constant 0 : i32
    %c0_i32_1 = arith.constant 0 : i32
    return %c0_i32, %c0_i32_0 : i32, i32
  }
  func.func @transform_4(%arg0: i32) -> (i32, i32) {
    %c0_i32 = arith.constant 0 : i32
    %c0_i32_0 = arith.constant 0 : i32
    %c0_i32_1 = arith.constant 0 : i32
    return %c0_i32, %c0_i32_0 : i32, i32
  }
  func.func @transform_5(%arg0: i32) -> (i32, i32) {
    %c0_i32 = arith.constant 0 : i32
    %c0_i32_0 = arith.constant 0 : i32
    %c0_i32_1 = arith.constant 0 : i32
    return %c0_i32, %c0_i32_0 : i32, i32
  }
  func.func @transform_6(%arg0: i32) -> (i32, i32) {
    %c0_i32 = arith.constant 0 : i32
    %c0_i32_0 = arith.constant 0 : i32
    %c0_i32_1 = arith.constant 0 : i32
    return %c0_i32, %c0_i32_0 : i32, i32
  }
  func.func @transform_7(%arg0: i32) -> (i32, i32) {
    %c0_i32 = arith.constant 0 : i32
    %c0_i32_0 = arith.constant 0 : i32
    %c0_i32_1 = arith.constant 0 : i32
    return %c0_i32, %c0_i32_0 : i32, i32
  }
  func.func @transform_8(%arg0: i32) -> (i32, i32) {
    %c0_i32 = arith.constant 0 : i32
    %c0_i32_0 = arith.constant 0 : i32
    %c0_i32_1 = arith.constant 0 : i32
    return %c0_i32, %c0_i32_0 : i32, i32
  }
  func.func @transform_9(%arg0: i32) -> (i32, i32) {
    %c0_i32 = arith.constant 0 : i32
    %c0_i32_0 = arith.constant 0 : i32
    %c0_i32_1 = arith.constant 0 : i32
    return %c0_i32, %c0_i32_0 : i32, i32
  }
  func.func @transform_10(%arg0: i32) -> (i32, i32) {
    %c0_i32 = arith.constant 0 : i32
    %c0_i32_0 = arith.constant 0 : i32
    %c0_i32_1 = arith.constant 0 : i32
    return %c0_i32, %c0_i32_0 : i32, i32
  }
  func.func @transform_11(%arg0: i32) -> (i32, i32) {
    %c0_i32 = arith.constant 0 : i32
    %c0_i32_0 = arith.constant 0 : i32
    %c0_i32_1 = arith.constant 0 : i32
    return %c0_i32, %c0_i32_0 : i32, i32
  }
  func.func @transform_12(%arg0: i32) -> (i32, i32) {
    %c0_i32 = arith.constant 0 : i32
    %c0_i32_0 = arith.constant 0 : i32
    return %arg0, %c0_i32 : i32, i32
  }
  func.func @transform_13(%arg0: i32) -> (i32, i32) {
    %c0_i32 = arith.constant 0 : i32
    %c0_i32_0 = arith.constant 0 : i32
    return %arg0, %c0_i32 : i32, i32
  }
  func.func @transform_14(%arg0: i32) -> (i32, i32) {
    %c0_i32 = arith.constant 0 : i32
    %c0_i32_0 = arith.constant 0 : i32
    return %arg0, %c0_i32 : i32, i32
  }
  func.func @transform_15(%arg0: i32) -> (i32, i32) {
    %c0_i32 = arith.constant 0 : i32
    %c0_i32_0 = arith.constant 0 : i32
    %c0_i32_1 = arith.constant 0 : i32
    return %c0_i32, %c0_i32_0 : i32, i32
  }
}

module attributes {stable_mosaic.version = 14 : i64} {
  func.func @_post2_body(%arg0: i32, %arg1: memref<1x2000x80xf32, #tpu.memory_space<vmem>>, %arg2: memref<1x2000x80xf32, #tpu.memory_space<vmem>>, %arg3: memref<2000x64xf32, #tpu.memory_space<vmem>>, %arg4: memref<1x64xf32, #tpu.memory_space<vmem>>, %arg5: memref<64x64xf32, #tpu.memory_space<vmem>>, %arg6: memref<1x64xf32, #tpu.memory_space<vmem>>, %arg7: memref<64x64xf32, #tpu.memory_space<vmem>>, %arg8: memref<1x64xf32, #tpu.memory_space<vmem>>, %arg9: memref<1x64xf32, #tpu.memory_space<vmem>>, %arg10: memref<1x64xf32, #tpu.memory_space<vmem>>, %arg11: memref<64x40xf32, #tpu.memory_space<vmem>>, %arg12: memref<1x40xf32, #tpu.memory_space<vmem>>, %arg13: memref<2000x40xf32, #tpu.memory_space<vmem>>) attributes {dimension_semantics = [#tpu.dimension_semantics<arbitrary>], iteration_bounds = array<i64: 5>, scalar_prefetch = 0 : i64, scratch_operands = 0 : i64, tpu.core_type = #tpu.core_type<tc>, window_params = [{transform_indices = @transform_0, window_bounds = array<i64: 1, 2000, 80>}, {transform_indices = @transform_1, window_bounds = array<i64: 1, 2000, 80>}, {transform_indices = @transform_2, window_bounds = array<i64: 2000, 64>}, {pipeline_mode = #tpu.pipeline_mode<synchronous>, transform_indices = @transform_3, window_bounds = array<i64: 1, 64>}, {pipeline_mode = #tpu.pipeline_mode<synchronous>, transform_indices = @transform_4, window_bounds = array<i64: 64, 64>}, {pipeline_mode = #tpu.pipeline_mode<synchronous>, transform_indices = @transform_5, window_bounds = array<i64: 1, 64>}, {pipeline_mode = #tpu.pipeline_mode<synchronous>, transform_indices = @transform_6, window_bounds = array<i64: 64, 64>}, {pipeline_mode = #tpu.pipeline_mode<synchronous>, transform_indices = @transform_7, window_bounds = array<i64: 1, 64>}, {pipeline_mode = #tpu.pipeline_mode<synchronous>, transform_indices = @transform_8, window_bounds = array<i64: 1, 64>}, {pipeline_mode = #tpu.pipeline_mode<synchronous>, transform_indices = @transform_9, window_bounds = array<i64: 1, 64>}, {pipeline_mode = #tpu.pipeline_mode<synchronous>, transform_indices = @transform_10, window_bounds = array<i64: 64, 40>}, {pipeline_mode = #tpu.pipeline_mode<synchronous>, transform_indices = @transform_11, window_bounds = array<i64: 1, 40>}, {transform_indices = @transform_12, window_bounds = array<i64: 2000, 40>}]} {
    %get3A = arith.constant 0 : index
    %get3A_0 = arith.constant 0 : index
    %get3A_1 = arith.constant 0 : index
    %get3A_2 = vector.load %arg1[%get3A, %get3A_0, %get3A_1] : memref<1x2000x80xf32, #tpu.memory_space<vmem>>, vector<1x2000x80xf32>
    %get3A_3 = vector.shape_cast %get3A_2 : vector<1x2000x80xf32> to vector<2000x80xf32>
    %get3A_4 = arith.constant 0 : index
    %get3A_5 = arith.constant 0 : index
    %get3A_6 = arith.constant 0 : index
    %get3A_7 = vector.load %arg2[%get3A_4, %get3A_5, %get3A_6] : memref<1x2000x80xf32, #tpu.memory_space<vmem>>, vector<1x2000x80xf32>
    %get3A_8 = vector.shape_cast %get3A_7 : vector<1x2000x80xf32> to vector<2000x80xf32>
    %add3A = arith.addf %get3A_3, %get3A_8 : vector<2000x80xf32>
    %slice3A = vector.extract_strided_slice %add3A {offsets = [0, 64], sizes = [2000, 1], strides = [1, 1]} : vector<2000x80xf32> to vector<2000x1xf32>
    %slice3A_9 = vector.extract_strided_slice %add3A {offsets = [0, 0], sizes = [2000, 64], strides = [1, 1]} : vector<2000x80xf32> to vector<2000x64xf32>
    %add3A_10 = arith.constant 1.000000e-16 : f32
    %add3A_11 = vector.broadcast %add3A_10 : f32 to vector<2000x1xf32>
    %add3A_12 = arith.addf %slice3A, %add3A_11 : vector<2000x1xf32>
    %div3A = vector.broadcast %add3A_12 : vector<2000x1xf32> to vector<2000x64xf32>
    %div3A_13 = arith.divf %slice3A_9, %div3A : vector<2000x64xf32>
    %get3A_14 = arith.constant 0 : index
    %get3A_15 = arith.constant 0 : index
    %get3A_16 = vector.load %arg4[%get3A_14, %get3A_15] : memref<1x64xf32, #tpu.memory_space<vmem>>, vector<1x64xf32>
    %add3A_17 = vector.broadcast %get3A_16 : vector<1x64xf32> to vector<2000x64xf32>
    %add3A_18 = arith.addf %div3A_13, %add3A_17 : vector<2000x64xf32>
    %get3A_19 = arith.constant 0 : index
    %get3A_20 = arith.constant 0 : index
    %get3A_21 = vector.load %arg5[%get3A_19, %get3A_20] : memref<64x64xf32, #tpu.memory_space<vmem>>, vector<64x64xf32>
    %dot_general3A = arith.constant dense<0.000000e+00> : vector<2000x64xf32>
    %dot_general3A_22 = tpu.matmul %add3A_18, %get3A_21, %dot_general3A {dimension_numbers = #tpu.dot_dimension_numbers<[1], [0], [0], [1], [0, 0, 1, 1], [], []>, transpose_lhs_hint = false} : vector<2000x64xf32>, vector<64x64xf32>, vector<2000x64xf32> -> vector<2000x64xf32>
    %get3A_23 = arith.constant 0 : index
    %get3A_24 = arith.constant 0 : index
    %get3A_25 = vector.load %arg6[%get3A_23, %get3A_24] : memref<1x64xf32, #tpu.memory_space<vmem>>, vector<1x64xf32>
    %add3A_26 = vector.broadcast %get3A_25 : vector<1x64xf32> to vector<2000x64xf32>
    %add3A_27 = arith.addf %dot_general3A_22, %add3A_26 : vector<2000x64xf32>
    %max3A = arith.constant 0.000000e+00 : f32
    %max3A_28 = vector.broadcast %max3A : f32 to vector<2000x64xf32>
    %max3A_29 = arith.maximumf %add3A_27, %max3A_28 : vector<2000x64xf32>
    %get3A_30 = arith.constant 0 : index
    %get3A_31 = arith.constant 0 : index
    %get3A_32 = vector.load %arg7[%get3A_30, %get3A_31] : memref<64x64xf32, #tpu.memory_space<vmem>>, vector<64x64xf32>
    %dot_general3A_33 = arith.constant dense<0.000000e+00> : vector<2000x64xf32>
    %dot_general3A_34 = tpu.matmul %max3A_29, %get3A_32, %dot_general3A_33 {dimension_numbers = #tpu.dot_dimension_numbers<[1], [0], [0], [1], [0, 0, 1, 1], [], []>, transpose_lhs_hint = false} : vector<2000x64xf32>, vector<64x64xf32>, vector<2000x64xf32> -> vector<2000x64xf32>
    %get3A_35 = arith.constant 0 : index
    %get3A_36 = arith.constant 0 : index
    %get3A_37 = vector.load %arg8[%get3A_35, %get3A_36] : memref<1x64xf32, #tpu.memory_space<vmem>>, vector<1x64xf32>
    %add3A_38 = vector.broadcast %get3A_37 : vector<1x64xf32> to vector<2000x64xf32>
    %add3A_39 = arith.addf %dot_general3A_34, %add3A_38 : vector<2000x64xf32>
    %get3A_40 = arith.constant 0 : index
    %get3A_41 = arith.constant 0 : index
    %get3A_42 = vector.load %arg3[%get3A_40, %get3A_41] : memref<2000x64xf32, #tpu.memory_space<vmem>>, vector<2000x64xf32>
    %add3A_43 = arith.addf %add3A_39, %get3A_42 : vector<2000x64xf32>
    %get3A_44 = arith.constant 0 : index
    %get3A_45 = arith.constant 0 : index
    %get3A_46 = vector.load %arg9[%get3A_44, %get3A_45] : memref<1x64xf32, #tpu.memory_space<vmem>>, vector<1x64xf32>
    %get3A_47 = arith.constant 0 : index
    %get3A_48 = arith.constant 0 : index
    %get3A_49 = vector.load %arg10[%get3A_47, %get3A_48] : memref<1x64xf32, #tpu.memory_space<vmem>>, vector<1x64xf32>
    %reduce_sum3A = arith.constant dense<0.000000e+00> : vector<2000xf32>
    %reduce_sum3A_50 = vector.multi_reduction <add>, %add3A_43, %reduce_sum3A [1] : vector<2000x64xf32> to vector<2000xf32>
    %broadcast_in_dim3A = vector.shape_cast %reduce_sum3A_50 : vector<2000xf32> to vector<2000x1xf32>
    %div3A_51 = arith.constant 6.400000e+01 : f32
    %div3A_52 = vector.broadcast %div3A_51 : f32 to vector<2000x1xf32>
    %div3A_53 = arith.divf %broadcast_in_dim3A, %div3A_52 : vector<2000x1xf32>
    %sub3A = vector.broadcast %div3A_53 : vector<2000x1xf32> to vector<2000x64xf32>
    %sub3A_54 = arith.subf %add3A_43, %sub3A : vector<2000x64xf32>
    %integer_pow3A = arith.mulf %sub3A_54, %sub3A_54 : vector<2000x64xf32>
    %reduce_sum3A_55 = arith.constant dense<0.000000e+00> : vector<2000xf32>
    %reduce_sum3A_56 = vector.multi_reduction <add>, %integer_pow3A, %reduce_sum3A_55 [1] : vector<2000x64xf32> to vector<2000xf32>
    %broadcast_in_dim3A_57 = vector.shape_cast %reduce_sum3A_56 : vector<2000xf32> to vector<2000x1xf32>
    %div3A_58 = arith.constant 6.400000e+01 : f32
    %div3A_59 = vector.broadcast %div3A_58 : f32 to vector<2000x1xf32>
    %div3A_60 = arith.divf %broadcast_in_dim3A_57, %div3A_59 : vector<2000x1xf32>
    %sub3A_61 = vector.broadcast %div3A_53 : vector<2000x1xf32> to vector<2000x64xf32>
    %sub3A_62 = arith.subf %add3A_43, %sub3A_61 : vector<2000x64xf32>
    %add3A_63 = arith.constant 9.99999974E-6 : f32
    %add3A_64 = vector.broadcast %add3A_63 : f32 to vector<2000x1xf32>
    %add3A_65 = arith.addf %div3A_60, %add3A_64 : vector<2000x1xf32>
    %sqrt3A = math.sqrt %add3A_65 : vector<2000x1xf32>
    %div3A_66 = vector.broadcast %sqrt3A : vector<2000x1xf32> to vector<2000x64xf32>
    %div3A_67 = arith.divf %sub3A_62, %div3A_66 : vector<2000x64xf32>
    %mul3A = vector.broadcast %get3A_46 : vector<1x64xf32> to vector<2000x64xf32>
    %mul3A_68 = arith.mulf %div3A_67, %mul3A : vector<2000x64xf32>
    %add3A_69 = vector.broadcast %get3A_49 : vector<1x64xf32> to vector<2000x64xf32>
    %add3A_70 = arith.addf %mul3A_68, %add3A_69 : vector<2000x64xf32>
    %get3A_71 = arith.constant 0 : index
    %get3A_72 = arith.constant 0 : index
    %get3A_73 = vector.load %arg11[%get3A_71, %get3A_72] : memref<64x40xf32, #tpu.memory_space<vmem>>, vector<64x40xf32>
    %dot_general3A_74 = arith.constant dense<0.000000e+00> : vector<2000x40xf32>
    %dot_general3A_75 = tpu.matmul %add3A_70, %get3A_73, %dot_general3A_74 {dimension_numbers = #tpu.dot_dimension_numbers<[1], [0], [0], [1], [0, 0, 1, 1], [], []>, transpose_lhs_hint = false} : vector<2000x64xf32>, vector<64x40xf32>, vector<2000x40xf32> -> vector<2000x40xf32>
    %get3A_76 = arith.constant 0 : index
    %get3A_77 = arith.constant 0 : index
    %get3A_78 = vector.load %arg12[%get3A_76, %get3A_77] : memref<1x40xf32, #tpu.memory_space<vmem>>, vector<1x40xf32>
    %add3A_79 = vector.broadcast %get3A_78 : vector<1x40xf32> to vector<2000x40xf32>
    %add3A_80 = arith.addf %dot_general3A_75, %add3A_79 : vector<2000x40xf32>
    %reduce_max3A = arith.constant dense<0xFF800000> : vector<2000xf32>
    %reduce_max3A_81 = vector.multi_reduction <maximumf>, %add3A_80, %reduce_max3A [1] : vector<2000x40xf32> to vector<2000xf32>
    %broadcast_in_dim3A_82 = vector.shape_cast %reduce_max3A_81 : vector<2000xf32> to vector<2000x1xf32>
    %sub3A_83 = vector.broadcast %broadcast_in_dim3A_82 : vector<2000x1xf32> to vector<2000x40xf32>
    %sub3A_84 = arith.subf %add3A_80, %sub3A_83 : vector<2000x40xf32>
    %exp3A = math.exp %sub3A_84 : vector<2000x40xf32>
    %reduce_sum3A_85 = arith.constant dense<0.000000e+00> : vector<2000xf32>
    %reduce_sum3A_86 = vector.multi_reduction <add>, %exp3A, %reduce_sum3A_85 [1] : vector<2000x40xf32> to vector<2000xf32>
    %broadcast_in_dim3A_87 = vector.shape_cast %reduce_sum3A_86 : vector<2000xf32> to vector<2000x1xf32>
    %log3A = math.log %broadcast_in_dim3A_87 : vector<2000x1xf32>
    %sub3A_88 = vector.broadcast %log3A : vector<2000x1xf32> to vector<2000x40xf32>
    %sub3A_89 = arith.subf %sub3A_84, %sub3A_88 : vector<2000x40xf32>
    %swap3A = arith.constant 0 : index
    %swap3A_90 = arith.constant 0 : index
    %swap3A_91 = vector.load %arg13[%swap3A, %swap3A_90] : memref<2000x40xf32, #tpu.memory_space<vmem>>, vector<2000x40xf32>
    tpu.vector_store %arg13[%swap3A, %swap3A_90], %sub3A_89 {strides = array<i32>} : memref<2000x40xf32, #tpu.memory_space<vmem>>, vector<2000x40xf32>,
    return
  }
  func.func @transform_0(%arg0: i32) -> (i32, i32, i32) {
    %c0_i32 = arith.constant 0 : i32
    %c0_i32_0 = arith.constant 0 : i32
    %c0_i32_1 = arith.constant 0 : i32
    return %c0_i32, %arg0, %c0_i32_0 : i32, i32, i32
  }
  func.func @transform_1(%arg0: i32) -> (i32, i32, i32) {
    %c1_i32 = arith.constant 1 : i32
    %c0_i32 = arith.constant 0 : i32
    %c0_i32_0 = arith.constant 0 : i32
    return %c1_i32, %arg0, %c0_i32 : i32, i32, i32
  }
  func.func @transform_2(%arg0: i32) -> (i32, i32) {
    %c0_i32 = arith.constant 0 : i32
    %c0_i32_0 = arith.constant 0 : i32
    return %arg0, %c0_i32 : i32, i32
  }
  func.func @transform_3(%arg0: i32) -> (i32, i32) {
    %c0_i32 = arith.constant 0 : i32
    %c0_i32_0 = arith.constant 0 : i32
    %c0_i32_1 = arith.constant 0 : i32
    return %c0_i32, %c0_i32_0 : i32, i32
  }
  func.func @transform_4(%arg0: i32) -> (i32, i32) {
    %c0_i32 = arith.constant 0 : i32
    %c0_i32_0 = arith.constant 0 : i32
    %c0_i32_1 = arith.constant 0 : i32
    return %c0_i32, %c0_i32_0 : i32, i32
  }
  func.func @transform_5(%arg0: i32) -> (i32, i32) {
    %c0_i32 = arith.constant 0 : i32
    %c0_i32_0 = arith.constant 0 : i32
    %c0_i32_1 = arith.constant 0 : i32
    return %c0_i32, %c0_i32_0 : i32, i32
  }
  func.func @transform_6(%arg0: i32) -> (i32, i32) {
    %c0_i32 = arith.constant 0 : i32
    %c0_i32_0 = arith.constant 0 : i32
    %c0_i32_1 = arith.constant 0 : i32
    return %c0_i32, %c0_i32_0 : i32, i32
  }
  func.func @transform_7(%arg0: i32) -> (i32, i32) {
    %c0_i32 = arith.constant 0 : i32
    %c0_i32_0 = arith.constant 0 : i32
    %c0_i32_1 = arith.constant 0 : i32
    return %c0_i32, %c0_i32_0 : i32, i32
  }
  func.func @transform_8(%arg0: i32) -> (i32, i32) {
    %c0_i32 = arith.constant 0 : i32
    %c0_i32_0 = arith.constant 0 : i32
    %c0_i32_1 = arith.constant 0 : i32
    return %c0_i32, %c0_i32_0 : i32, i32
  }
  func.func @transform_9(%arg0: i32) -> (i32, i32) {
    %c0_i32 = arith.constant 0 : i32
    %c0_i32_0 = arith.constant 0 : i32
    %c0_i32_1 = arith.constant 0 : i32
    return %c0_i32, %c0_i32_0 : i32, i32
  }
  func.func @transform_10(%arg0: i32) -> (i32, i32) {
    %c0_i32 = arith.constant 0 : i32
    %c0_i32_0 = arith.constant 0 : i32
    %c0_i32_1 = arith.constant 0 : i32
    return %c0_i32, %c0_i32_0 : i32, i32
  }
  func.func @transform_11(%arg0: i32) -> (i32, i32) {
    %c0_i32 = arith.constant 0 : i32
    %c0_i32_0 = arith.constant 0 : i32
    %c0_i32_1 = arith.constant 0 : i32
    return %c0_i32, %c0_i32_0 : i32, i32
  }
  func.func @transform_12(%arg0: i32) -> (i32, i32) {
    %c0_i32 = arith.constant 0 : i32
    %c0_i32_0 = arith.constant 0 : i32
    return %arg0, %c0_i32 : i32, i32
  }
}

</mosaic_0001>

<sc_bundles>
// kernel: kernel.10.cloned.1.call-start
scs
__scs_entry_jumppad:
0x0: {  	(pc) =	sbr.rel $0x88, $3  }
0x1: {  	(tag) =	ssettag $0x0;
	lr =	simm.s32 $0x1  }
0x2: {  	[smem:$0x3F89] =	sst lr;
	_ =	strace $0xD0000000  }
0x3: {  	_ = 	snop  }
0x4: {  	_ = 	snop  }
0x5: {  	_ = 	snop  }
0x6: {  	_ = 	snop  }
0x7: {  	_ = 	snop  }
__scs_overlays_trampoline_lowered:
0x8: {  	[smem:$0x3F98] =	sst s0  }
0x9: {  	[smem:$0x3F99] =	sst s1  }
0xa: {  	[smem:$0x3F9A] =	sst s2  }
0xb: {  	[smem:$0x3F9B] =	sst s3  }
0xc: {  	[smem:$0x3F9C] =	sst s4  }
0xd: {  	[smem:$0x3F9D] =	sst s5  }
0xe: {  	[smem:$0x3F9E] =	sst s6  }
0xf: {  	[smem:$0x3F9F] =	sst s7  }
0x10: {  	[smem:$0x3FA0] =	sst s8  }
0x11: {  	[smem:$0x3FA1] =	sst s9;
	s0 =	simm.s32 @!p0 $0x0  }
0x12: {  	s1 =	sld [smem:$0x3F87];
	s0 =	simm.s32 @p0 $0x1  }
0x13: {  	[smem:$0x3FA2] =	sst s0;
	s0 =	simm.s32 @!p1 $0x0  }
0x14: {  	s2 =	sld [smem:$0x3F86];
	s0 =	simm.s32 @p1 $0x1  }
0x15: {  	[smem:$0x3FA3] =	sst s0;
	s0 =	simm.s32 @!p2 $0x0  }
0x16: {  	s3 =	sld [smem:$0x3FDB];
	s0 =	simm.s32 @p2 $0x1  }
0x17: {  	s4 =	simm.s32 $0x1BF5;
	[smem:$0x3FA5] =	sst s0  }
0x18: {  	s0 =	sld [smem:$0x3F88];
	_ =	swait.ge [sflag:s4], $0x0  }
0x19: {  	s7 =	sld [smem:$0x3F89]  }
0x1a: {  	s8 =	sadd.s32 $0xFFFFE003, lr  }
0x1b: {  	s9 =	sadd.s32 $0xFFFFFEF7, lr;
	s5 =	simm.s32 $0xFFFFFFFF;
	p2 =	slt.u32 s8, $0xFFFFF086  }
0x1c: {  	p1 =	slt.u32 s9, $0xF7A;
	s5 =	simm.s32 @!p2 $0x0  }
0x1d: {  	s5 =	simm.s32 @p1 $0x1;
	p0 =	seq.s32 s7, s2  }
0x1e: {  	s7 =	smul.u32 @!p0 $0xF7A, s2;
	p2 =	seq.s32 @!p0 s5, $0x0  }
0x1f: {  	s9 =	smul.u32 $0xF7A, s1;
	s8 =	simm.s32 @!p0 $0x1BF5;
	p2 =	por !p2, p0  }
0x20: {  	[sflag:s8] =	ssyncset.s32 @!p0 $0xFFFFF086;
	s6 =	sadd.s32 @!p0 s3, s7;
	s7 =	simm.s32 @!p0 $0x108  }
0x21: {  	s3 =	sadd.s32 s3, s9;
	s6 =	sadd.s32 @!p0 $0x88, s6;
	s7 =	simm.s32 @p2 $0x1082  }
0x22: {  	[simem:s7], [sflag:s8] =	dma.local @!p0 [hbm:s6], $0xF7A  }
0x23: {  	s9 =	sor.u32 $0xD0000000, s2;
	s6 =	simm.s32 $0x108;
	_ =	swait.ge @!p0 [sflag:s8], $0x0  }
0x24: {  	s3 =	sadd.s32 $0x88, s3;
	s6 =	simm.s32 @!p1 $0x1082;
	[sflag:s4] =	ssyncset.s32 $0xFFFFF086  }
0x25: {  	[simem:s6], [sflag:s4] =	dma.local [hbm:s3], $0xF7A  }
0x26: {  	[smem:$0x3F89] =	sst s1;
	(tag) =	ssettag s2;
	_ =	strace s9  }
0x27: {  	s1 =	sld [smem:$0x3F99]  }
0x28: {  	s2 =	sld [smem:$0x3F9A]  }
0x29: {  	s4 =	sld [smem:$0x3F9C]  }
0x2a: {  	p0 =	seq.s32 s5, $0x0;
	s5 =	sld [smem:$0x3F9D]  }
0x2b: {  	s6 =	sld [smem:$0x3F9E]  }
0x2c: {  	s7 =	sld [smem:$0x3F9F]  }
0x2d: {  	s3 =	simm.s32 $0x108;
	s8 =	sld [smem:$0x3FA0]  }
0x2e: {  	s3 =	simm.s32 @!p0 $0x1082;
	s9 =	sld [smem:$0x3FA1]  }
0x2f: {  	lr =	sadd.s32 s0, s3;
	s0 =	sld [smem:$0x3F98]  }
0x30: {  	s3 =	sld [smem:$0x3F9B]  }
0x31: {  	[smem:$0x3FA4] =	sst s10  }
0x32: {  	s10 =	sld [smem:$0x3FA2];
	_ =	sdelay $0x3  }
0x33: {  	p0 =	seq.s32 s10, $0x1;
	s10 =	sld [smem:$0x3FA4];
	_ =	sdelay $0x3  }
0x34: {  	[smem:$0x3FA4] =	sst s10  }
0x35: {  	s10 =	sld [smem:$0x3FA3];
	_ =	sdelay $0x3  }
0x36: {  	p1 =	seq.s32 s10, $0x1;
	s10 =	sld [smem:$0x3FA4];
	_ =	sdelay $0x3  }
0x37: {  	[smem:$0x3FA4] =	sst s10  }
0x38: {  	s10 =	sld [smem:$0x3FA5]  }
0x39: {  	_ = 	snop;
	(pc) =	sbr.ind lr, $3  }
0x3a: {  	_ = 	snop  }
0x3b: {  	_ = 	snop  }
0x3c: {  	p2 =	seq.s32 s10, $0x1;
	s10 =	sld [smem:$0x3FA4]  }
0x3d: {  	_ =	shalt  }
0x3e: {  	_ =	shalt  }
0x3f: {  	_ =	shalt  }
0x40: {  	_ =	shalt  }
0x41: {  	_ =	shalt  }
0x42: {  	_ =	shalt  }
0x43: {  	_ =	shalt  }
0x44: {  	_ =	shalt  }
0x45: {  	_ =	shalt  }
0x46: {  	_ =	shalt  }
0x47: {  	_ =	shalt  }
0x48: {  	_ =	shalt  }
0x49: {  	_ =	shalt  }
0x4a: {  	_ =	shalt  }
0x4b: {  	_ =	shalt  }
0x4c: {  	_ =	shalt  }
0x4d: {  	_ =	shalt  }
0x4e: {  	_ =	shalt  }
0x4f: {  	_ =	shalt  }
0x50: {  	_ =	shalt  }
0x51: {  	_ =	shalt  }
0x52: {  	_ =	shalt  }
0x53: {  	_ =	shalt  }
0x54: {  	_ =	shalt  }
0x55: {  	_ =	shalt  }
0x56: {  	_ =	shalt  }
0x57: {  	_ =	shalt  }
0x58: {  	_ =	shalt  }
0x59: {  	_ =	shalt  }
0x5a: {  	_ =	shalt  }
0x5b: {  	_ =	shalt  }
0x5c: {  	_ =	shalt  }
0x5d: {  	_ =	shalt  }
0x5e: {  	_ =	shalt  }
0x5f: {  	_ =	shalt  }
0x60: {  	_ =	shalt  }
0x61: {  	_ =	shalt  }
0x62: {  	_ =	shalt  }
0x63: {  	_ =	shalt  }
0x64: {  	_ =	shalt  }
0x65: {  	_ =	shalt  }
0x66: {  	_ =	shalt  }
0x67: {  	_ =	shalt  }
0x68: {  	_ =	shalt  }
0x69: {  	_ =	shalt  }
0x6a: {  	_ =	shalt  }
0x6b: {  	_ =	shalt  }
0x6c: {  	_ =	shalt  }
0x6d: {  	_ =	shalt  }
0x6e: {  	_ =	shalt  }
0x6f: {  	_ =	shalt  }
0x70: {  	_ =	shalt  }
0x71: {  	_ =	shalt  }
0x72: {  	_ =	shalt  }
0x73: {  	_ =	shalt  }
0x74: {  	_ =	shalt  }
0x75: {  	_ =	shalt  }
0x76: {  	_ =	shalt  }
0x77: {  	_ =	shalt  }
0x78: {  	_ =	shalt  }
0x79: {  	_ =	shalt  }
0x7a: {  	_ =	shalt  }
0x7b: {  	_ =	shalt  }
0x7c: {  	_ =	shalt  }
0x7d: {  	_ =	shalt  }
0x7e: {  	_ =	shalt  }
0x7f: {  	_ =	shalt  }
0x80: {  	_ =	shalt  }
0x81: {  	_ =	shalt  }
0x82: {  	_ =	shalt  }
0x83: {  	_ =	shalt  }
0x84: {  	_ =	shalt  }
0x85: {  	_ =	shalt  }
0x86: {  	_ =	shalt  }
0x87: {  	_ =	shalt  }
.Lfunc_end0:
.L_simem_size_0:
called_computation.1_lowered:
.L_overlay_start_0:
0x88: {  	s2 =	sld [smem:$0x3FD9]  }
0x89: {  	s3 =	sld [smem:$0x3FFE];
	_ =	sdelay $0x1  }
0x8a: {  	s1 =	srdreg.scid  }
0x8b: {  	s0 =	sand.u32 $0x1, s1  }
0x8c: {  	s17 =	sshll.u32 s0, $0xA;
	s2 =	sadd.s32 s3, s2  }
0x8d: {  	s2 =	sadd.s32 s2, s17  }
0x8e: {  	[smem:$0x3FB0] =	sst s2  }
0x8f: {  	_ = 	snop  }
0x90: {  	s2 =	sld [smem:$0x3FD0];
	(tm) =	ssettm $0x1  }
0x91: {  	s18 =	sld [smem:$0x3FFB];
	_ =	sdelay $0x3  }
0x92: {  	_ =	strace s18  }
0x93: {  	s3 =	sld [smem:$0x3FFC];
	_ =	sdelay $0x3  }
0x94: {  	_ =	strace s3  }
0x95: {  	s3 =	sld [smem:$0x3FFD];
	_ =	sdelay $0x3  }
0x96: {  	_ =	strace s3  }
0x97: {  	_ =	strace $0x8FFFFFFF  }
0x98: {  	s19 =	sld [smem:$0x3FDB];
	_ =	sdelay $0x1  }
0x99: {  	s4 =	simm.s32 $_scs_section_size  }
0x9a: {  	s5 =	simm.s32 $_size__tile_overlayer_lowered;
	s6 =	simm.s32 $_tile_overlayer_lowered  }
0x9b: {  	s22 =	simm.s32 $0x1BFF;
	s21 =	sshll.u32 s6, $0x1;
	s3 =	sadd.s32 s4, s19  }
0x9c: {  	s7 =	simm.s32 $0x0;
	s20 =	sshll.u32 s5, $0x1;
	s5 =	sadd.s32 s21, s3  }
0x9d: {  	[timem:s7], [sflag:s22] =	dma.local [hbm:s5], s20  }
0x9e: {  	_ =	swait.ge [sflag:s22], s20  }
0x9f: {  	s4 =	ssub.s32 $0x0, s20;
	[sflag:s22] =	ssyncset.done $0x0  }
0xa0: {  	[sflag:s22] =	ssyncadd.s32 s4;
	_ =	sdelay $0x1  }
0xa1: {  	s23 =	simm.s32 $0x1B8B  }
0xa2: {  	_ =	swait.ge [sflag:s23], $0x1  }
0xa3: {  	[sflag:s23] =	ssyncset.done $0x0  }
0xa4: {  	s25 =	simm.s32 $0x1B8E;
	s24 =	sld [smem:$0x3FFE];
	[sflag:s23] =	ssyncadd.s32 $0xFFFFFFFF  }
0xa5: {  	s26 =	simm.s32 $execute0_lowered;
	[smem:$0x3FD2] =	sst s25  }
0xa6: {  	s5 =	sshll.u32 s26, $0x1;
	_ =	strace $0x80000049;
	[dreg:$0x1] =	wrdreg $0xFFFFFFFF  }
0xa7: {  	s28 =	simm.s32 $_size_execute0_lowered;
	s3 =	sadd.s32 s3, s5;
	[dreg:$0x0] =	wrdreg $0x0  }
0xa8: {  	s5 =	sshll.u32 s28, $0x1;
	[dreg:$0x2] =	wrdreg s3  }
0xa9: {  	[dreg:$0x3] =	wrdreg s5  }
0xaa: {  	[dreg:$0x4] =	wrdreg $0xC0  }
0xab: {  	_ =	task [dreg:s7], $0x5FFFF  }
0xac: {  	[dreg:$0x1] =	wrdreg $0xFFFFFFFF  }
0xad: {  	[dreg:$0x0] =	wrdreg $0x60  }
0xae: {  	[dreg:$0x2] =	wrdreg s24  }
0xaf: {  	[dreg:$0x3] =	wrdreg s2  }
0xb0: {  	[dreg:$0x4] =	wrdreg $0xF8300  }
0xb1: {  	[dreg:$0x5] =	wrdreg $0x9  }
0xb2: {  	_ =	task.clear_ibuf [dreg:s7], $0x6FFFF;
	_ =	strace $0x90000049  }
0xb3: {  	s29 =	simm.s32 $0x9;
	_ =	strace $0x8000004B  }
0xb4: {  	_ =	swait.ge [sflag:s29], $0x1  }
0xb5: {  	[sflag:s29] =	ssyncadd.s32 $0xFFFFFFFF  }
0xb6: {  	_ =	strace $0x9000004B  }
0xb7: {  	_ =	sfence  }
0xb8: {  	s30 =	sld [smem:$0x0];
	_ =	sdelay $0x2  }
0xb9: {  	s31 =	sshll.u32 s1, $0xD;
	s1 =	sshrl.u32 s1, $0x2  }
0xba: {  	s3 =	sand.u32 $0x4000, s31;
	s1 =	sadd.s32 s1, s30  }
0xbb: {  	s0 =	sor.u32 s3, s0;
	s1 =	sshll.u32 s1, $0x11  }
0xbc: {  	s0 =	sor.u32 s1, s0  }
0xbd: {  	s0 =	sadd.s32 $0x8F2B, s0  }
0xbe: {  	[sflag:s0] =	ssyncadd.remote.s32 $0x1  }
0xbf: {  	_ =	sfence.sel $0xFFFF  }
0xc0: {  	[dreg:$0x0] =	wrdreg $0xFFFFFFFF;
	(pc) =	sbr.abs _section_cstart, $3  }
0xc1: {  	[dreg:$0x1] =	wrdreg $0xFFFFFFFF  }
0xc2: {  	_ =	task.clear_ibuf [dreg:s7], $0x2FFFF;
	_ =	strace $0x9FFFFFFF  }
0xc3: {  	(tm) =	ssettm $0x7FFFFFFF  }
tec
execute0_lowered:
.L_overlay_start_1:
0x0: {  	(tag) =	ssettag $0x1  }
0x1: {  	s0 =	srdreg.scid;
	s1 =	rddreg [dreg:$0x0]  }
0x2: {  	s11 =	stileid.u32;
	s6 =	rddreg [dreg:$0x1]  }
0x3: {  	s14 =	simm.s32 $0x7;
	s17 =	simm.s32 $0x50;
	s18 =	simm.s32 $0x4E30  }
0x4: {  	s19 =	simm.s32 $0xB230;
	s28 =	simm.s32 $0x9930;
	s29 =	simm.s32 $0xC130  }
0x5: {  	s30 =	simm.s32 $0x1;
	s31 =	simm.s32 $0xC630;
	s16 =	simm.s32 $0x3  }
0x6: {  	s20 =	simm.s32 $0x5;
	s21 =	simm.s32 $0x4;
	s22 =	simm.s32 $0x6  }
0x7: {  	s0 =	sand.u32 $0x1, s0;
	s2 =	sshll.u32 s11, $0x1;
	s8 =	smul.u32 $0xEA60, s11  }
0x8: {  	s4 =	sadd.s32 $0x3800, s1;
	s5 =	sadd.s32 $0x1C000, s1;
	s12 =	sadd.s32 $0x3600, s1  }
0x9: {  	s24 =	sadd.s32 $0x2AE00, s1;
	s11 =	sshll.u32 s11, $0x6;
	s3 =	sor.u32 s0, s2  }
0xa: {  	s2 =	rddreg [dreg:$0x2];
	s9 =	smul.u32 $0xEA600, s0;
	s0 =	ssub.s32 $0x2, s0  }
0xb: {  	s7 =	smul.u32 $0x4E2, s3;
	s3 =	simm.s32 $0x0;
	s25 =	sshrl.u32 s0, $0x1  }
0xc: {  	s26 =	sadd.s32 s8, s2;
	[smem:$0x7FF] =	sst s3;
	s9 =	sadd.s32 s8, s9  }
0xd: {  	s0 =	ssub.s32 s0, s25;
	s8 =	sor.u32 $0x1C07, s11;
	s13 =	sshrl.u32 s26, $0x3  }
0xe: {  	_ =	strace $0x8000004A;
	s10 =	sadd.s32 s7, s1;
	[dreg:$0x4] =	wrdreg s12  }
0xf: {  	[dreg:$0x5] =	wrdreg s24;
	s9 =	sshrl.u32 s9, $0x3;
	s6 =	sadd.s32 s6, s7  }
0x10: {  	s12 =	smax.u32 s0, $0x1;
	s0 =	simm.s32 $0xDF30;
	s24 =	simm.s32 $0x0  }
0x11: {  	s1 =	sadd.s32 s9, s1;
	s10 =	sadd.s32 $0x21000, s10;
	[dreg:$0x7] =	wrdreg s6  }
0x12: {  	[dreg:$0x6] =	wrdreg s10;
	s11 =	sadd.s32 $0x2CC00, s1;
	s1 =	simm.s32 $0x2  }
.LBB2_1:
0x13: {  	s6 =	rddreg [dreg:$0x5]  }
0x14: {  	[spmem:s13], [sflag:s8] =	dma.local [hbm:s6], $0x1D4C  }
0x15: {  	_ =	swait.ge [sflag:s14], $0x1D4C  }
0x16: {  	[sflag:s14] =	ssyncset.done $0x0  }
0x17: {  	s23 =	rddreg [dreg:$0x6];
	[sflag:s14] =	ssyncadd.s32 $0xFFFFE2B4  }
0x18: {  	[tilespmem:s3], [sflag:$0x7] =	stream.linear.gather [hbm4b:s23+s3], $0x2710, $0x38;
	[tilespmem:$0x1E290] =	vst v63  }
0x19: {  	_ =	swait.ge [sflag:s14], $0x2710  }
0x1a: {  	[sflag:s14] =	ssyncset.done $0x0  }
0x1b: {  	s7 =	simm.s32 $0x2710;
	s25 =	rddreg [dreg:$0x7];
	[sflag:s14] =	ssyncadd.s32 $0xFFFFD8F0  }
0x1c: {  	[tilespmem:s7], [sflag:$0x7] =	stream.linear.gather [hbm4b:s25+s3], $0x2710, $0x38;
	[tilespmem:$0x1E290] =	vst v63  }
0x1d: {  	_ =	swait.ge [sflag:s14], $0x2710  }
0x1e: {  	[sflag:s14] =	ssyncset.done $0x0  }
0x1f: {  	s9 =	simm.s32 $0x4E20;
	s26 =	rddreg [dreg:$0x4];
	[sflag:s14] =	ssyncadd.s32 $0xFFFFD8F0  }
0x20: {  	[tilespmem:s9], [sflag:$0x7] =	stream.linear.gather [hbm4b:s26+s3], $0x10, $0x38;
	[tilespmem:$0x1E290] =	vst v63  }
0x21: {  	_ =	swait.ge [sflag:s14], $0x10  }
0x22: {  	[sflag:s14] =	ssyncset.done $0x0  }
0x23: {  	[sflag:s14] =	ssyncadd.s32 $0xFFFFFFF0  }
0x24: {  	[bflag:$0x0] =	sbarrier.arrive $0xFFFF  }
0x25: {  	[tilespmem:s18], [sflag:$0x1] =	stream.indirect.gather [hbm4b:s4+s17], $0x50, s3, s17, $0xb8;
	[tilespmem:$0x1E290] =	vst v63  }
0x26: {  	_ = 	snop  }
0x27: {  	[tilespmem:s19], [sflag:$0x1] =	stream.indirect.gather [hbm4b:s5+s17], $0x10, s7, s17, $0xb8;
	[tilespmem:$0x1E290] =	vst v63  }
0x28: {  	s7 =	simm.s32 $0x6730  }
0x29: {  	[tilespmem:s7], [sflag:$0x2] =	stream.indirect.gather [hbm4b:s4+s17], $0x50, s17, s17, $0xb8;
	[tilespmem:$0x1E290] =	vst v63  }
0x2a: {  	s10 =	simm.s32 $0xB730;
	s9 =	simm.s32 $0x2760  }
0x2b: {  	[tilespmem:s10], [sflag:$0x2] =	stream.indirect.gather [hbm4b:s5+s17], $0x10, s9, s17, $0xb8;
	[tilespmem:$0x1E290] =	vst v63  }
0x2c: {  	s15 =	simm.s32 $0xA0;
	s23 =	simm.s32 $0x8030  }
0x2d: {  	[tilespmem:s23], [sflag:$0x3] =	stream.indirect.gather [hbm4b:s4+s17], $0x50, s15, s17, $0xb8;
	[tilespmem:$0x1E290] =	vst v63  }
0x2e: {  	s25 =	simm.s32 $0x27B0;
	s26 =	simm.s32 $0xBC30  }
0x2f: {  	[tilespmem:s26], [sflag:$0x3] =	stream.indirect.gather [hbm4b:s5+s17], $0x10, s25, s17, $0xb8;
	[tilespmem:$0x1E290] =	vst v63  }
0x30: {  	s25 =	simm.s32 $0x0  }
.LBB2_2:
0x31: {  	s26 =	sshllo.u32 s25, $0x2  }
0x32: {  	s6 =	smul.u32 $0x50, s26;
	_ =	sdelay $0x1  }
0x33: {  	[tilespmem:s28], [sflag:$0x4] =	stream.indirect.gather [hbm4b:s4+s17], $0x50, s6, s17, $0xb8;
	[tilespmem:$0x1E290] =	vst v63  }
0x34: {  	s6 =	sadd.s32 $0x2710, s6  }
0x35: {  	[tilespmem:s29], [sflag:$0x4] =	stream.indirect.gather [hbm4b:s5+s17], $0x10, s6, s17, $0xb8;
	[tilespmem:$0x1E290] =	vst v63  }
0x36: {  	_ =	swait.ge [sflag:s30], $0x1900  }
0x37: {  	[sflag:s30] =	ssyncset.done $0x0  }
0x38: {  	[sflag:s30] =	ssyncadd.s32 $0xFFFFE700  }
0x39: {  	_ =	swait.ge [sflag:s30], $0x500  }
0x3a: {  	p0 =	seq.s32 s25, $0x0;
	[sflag:s30] =	ssyncset.done $0x0  }
0x3b: {  	s6 =	simm.s32 @!p0 $0x5;
	[sflag:s30] =	ssyncadd.s32 $0xFFFFFB00  }
0x3c: {  	_ =	swait.ge @!p0 [sflag:s6], $0x1900  }
0x3d: {  	[sflag:s6] =	ssyncset.done @!p0 $0x0  }
0x3e: {  	[sflag:s6] =	ssyncadd.s32 @!p0 $0xFFFFE700  }
0x3f: {  	s23 =	simm.s32 $0x0;
	v0 =	vld [tilespmem:$0x4E20]  }
0x40: {  	s7 =	simm.s32 $0x140;
	s6 =	simm.s32 $0xB230;
	v1 =	vld [tilespmem:s23+$0x4E70]  }
.LBB2_3:
0x41: {  	p1 =	sne.s32 s7, $0x62C0;
	v2 =	vld [tilespmem:s6+$0x0];
	_ =	sdelay $0x4  }
0x42: {  	v1 =	vadd.f32 v2, v1;
	_ =	sdelay $0x1  }
0x43: {  	v2 =	vmul.f32 $2.000000030e-01, v1  }
0x44: {  	vm0 =	vge.f32 v1, $0.0e+00  }
0x45: {  	v1 =	vsel vm0, v1, v2  }
0x46: {  	v1 =	vsub.f32 v1, v0;
	_ =	sdelay $0x1  }
0x47: {  	v1 =	vmul.f32 $1.442695020e+00, v1;
	_ =	sdelay $0x1  }
0x48: {  	(erf) = vpow2.f32 v1;
	_ =	sdelay $0x2  }
0x49: {  	v1 =	vld [tilespmem:s23+$0x4E30]  }
0x4a: {  	v2 =	vld [tilespmem:s23+$0x4E40]  }
0x4b: {  	v3 =	vld [tilespmem:s23+$0x4E50]  }
0x4c: {  	v4 =	vld [tilespmem:s23+$0x4E60];
	_ =	sdelay $0x2  }
0x4d: {  	v5 =	vpop (erf)  }
0x4e: {  	[tilespmem:s23+$0xC670] =	vst v5;
	v1 =	vmul.f32 v5, v1;
	v2 =	vmul.f32 v5, v2  }
.Ltmp0:
0x4f: {  	v3 =	vmul.f32 v5, v3;
	v4 =	vmul.f32 v4, v5;
	(pc) =	sbr.rel @p1 .LBB2_3-.Ltmp0, $4  }
0x50: {  	[tilespmem:s23+$0xC630] =	vst v1  }
0x51: {  	[tilespmem:s23+$0xC640] =	vst v2  }
0x52: {  	s9 =	sshra.s32 s7, $0x2;
	[tilespmem:s23+$0xC650] =	vst v3  }
0x53: {  	s7 =	sadd.s32 $0x140, s7;
	s6 =	sadd.s32 $0x10, s6;
	v1 =	vld [tilespmem:s9+$0x4E70];
	[tilespmem:s23+$0xC660] =	vst v4;
	s23 =	smov.u32 s9  }
0x54: {  	v2 =	vld [tilespmem:s6+$0x0];
	_ =	sdelay $0x4  }
0x55: {  	v1 =	vadd.f32 v2, v1;
	_ =	sdelay $0x1  }
0x56: {  	v2 =	vmul.f32 $2.000000030e-01, v1  }
0x57: {  	vm0 =	vge.f32 v1, $0.0e+00  }
0x58: {  	v1 =	vsel vm0, v1, v2  }
0x59: {  	v0 =	vsub.f32 v1, v0;
	_ =	sdelay $0x1  }
0x5a: {  	v0 =	vmul.f32 $1.442695020e+00, v0;
	_ =	sdelay $0x1  }
0x5b: {  	(erf) = vpow2.f32 v0;
	_ =	sdelay $0x4  }
0x5c: {  	v0 =	vld [tilespmem:s23+$0x4E30]  }
0x5d: {  	v1 =	vld [tilespmem:s23+$0x4E40]  }
0x5e: {  	v2 =	vld [tilespmem:s23+$0x4E50]  }
0x5f: {  	v3 =	vld [tilespmem:s23+$0x4E60]  }
0x60: {  	v4 =	vpop (erf)  }
0x61: {  	v0 =	vmul.f32 v4, v0  }
0x62: {  	[tilespmem:s23+$0xC670] =	vst v4;
	v1 =	vmul.f32 v4, v1  }
0x63: {  	s9 =	smul.u32 $0x500, s25;
	v2 =	vmul.f32 v4, v2;
	[tilespmem:s23+$0xC630] =	vst v0  }
0x64: {  	v0 =	vmul.f32 v3, v4;
	[tilespmem:s23+$0xC640] =	vst v1  }
0x65: {  	s6 =	sshra.s32 s9, $0x2;
	[tilespmem:s23+$0xC650] =	vst v2  }
0x66: {  	s7 =	sadd.s32 $0x2710, s6;
	[tilespmem:s23+$0xC660] =	vst v0;
	s23 =	smul.u32 $0x140, s25  }
0x67: {  	[spmem:s2] =	stream.indirect.scatter.add.f32 [tilespmem:s31], [sflag:$0x5], $0x50, s7, s17, $0xb8;
	[tilespmem:$0x1E290] =	vst v63  }
0x68: {  	s10 =	sadd.s32 $0x140, s23  }
0x69: {  	[tilespmem:s18], [sflag:$0x1] =	stream.indirect.gather [hbm4b:s4+s17], $0x50, s10, s17, $0xb8;
	[tilespmem:$0x1E290] =	vst v63  }
0x6a: {  	s15 =	sadd.s32 $0x2850, s23  }
0x6b: {  	[tilespmem:s19], [sflag:$0x1] =	stream.indirect.gather [hbm4b:s5+s17], $0x10, s15, s17, $0xb8;
	[tilespmem:$0x1E290] =	vst v63  }
0x6c: {  	_ =	swait.ge [sflag:s1], $0x1900  }
0x6d: {  	[sflag:s1] =	ssyncset.done $0x0  }
0x6e: {  	[sflag:s1] =	ssyncadd.s32 $0xFFFFE700  }
0x6f: {  	_ =	swait.ge [sflag:s1], $0x500  }
0x70: {  	[sflag:s1] =	ssyncset.done $0x0  }
0x71: {  	s7 =	simm.s32 @!p0 $0x6;
	[sflag:s1] =	ssyncadd.s32 $0xFFFFFB00  }
0x72: {  	_ =	swait.ge @!p0 [sflag:s7], $0x1900  }
0x73: {  	[sflag:s7] =	ssyncset.done @!p0 $0x0  }
0x74: {  	[sflag:s7] =	ssyncadd.s32 @!p0 $0xFFFFE700  }
0x75: {  	s7 =	simm.s32 $0x0;
	v0 =	vld [tilespmem:$0x4E20]  }
0x76: {  	s9 =	simm.s32 $0x140;
	s15 =	simm.s32 $0xB730;
	v1 =	vld [tilespmem:s7+$0x6770]  }
.LBB2_5:
0x77: {  	p0 =	sne.s32 s9, $0x62C0;
	v2 =	vld [tilespmem:s15+$0x0];
	_ =	sdelay $0x4  }
0x78: {  	v1 =	vadd.f32 v2, v1;
	_ =	sdelay $0x1  }
0x79: {  	v2 =	vmul.f32 $2.000000030e-01, v1  }
0x7a: {  	vm0 =	vge.f32 v1, $0.0e+00  }
0x7b: {  	v1 =	vsel vm0, v1, v2  }
0x7c: {  	v1 =	vsub.f32 v1, v0;
	_ =	sdelay $0x1  }
0x7d: {  	v1 =	vmul.f32 $1.442695020e+00, v1;
	_ =	sdelay $0x1  }
0x7e: {  	(erf) = vpow2.f32 v1;
	_ =	sdelay $0x2  }
0x7f: {  	v1 =	vld [tilespmem:s7+$0x6730]  }
0x80: {  	v2 =	vld [tilespmem:s7+$0x6740]  }
0x81: {  	v3 =	vld [tilespmem:s7+$0x6750]  }
0x82: {  	v4 =	vld [tilespmem:s7+$0x6760];
	_ =	sdelay $0x2  }
0x83: {  	v5 =	vpop (erf)  }
0x84: {  	[tilespmem:s7+$0xDF70] =	vst v5;
	v1 =	vmul.f32 v5, v1;
	v2 =	vmul.f32 v5, v2  }
.Ltmp1:
0x85: {  	v3 =	vmul.f32 v5, v3;
	v4 =	vmul.f32 v4, v5;
	(pc) =	sbr.rel @p0 .LBB2_5-.Ltmp1, $4  }
0x86: {  	[tilespmem:s7+$0xDF30] =	vst v1  }
0x87: {  	[tilespmem:s7+$0xDF40] =	vst v2  }
0x88: {  	s10 =	sshra.s32 s9, $0x2;
	[tilespmem:s7+$0xDF50] =	vst v3  }
0x89: {  	s9 =	sadd.s32 $0x140, s9;
	s15 =	sadd.s32 $0x10, s15;
	v1 =	vld [tilespmem:s10+$0x6770];
	[tilespmem:s7+$0xDF60] =	vst v4;
	s7 =	smov.u32 s10  }
0x8a: {  	v2 =	vld [tilespmem:s15+$0x0];
	_ =	sdelay $0x4  }
0x8b: {  	v1 =	vadd.f32 v2, v1;
	_ =	sdelay $0x1  }
0x8c: {  	v2 =	vmul.f32 $2.000000030e-01, v1  }
0x8d: {  	vm0 =	vge.f32 v1, $0.0e+00  }
0x8e: {  	v1 =	vsel vm0, v1, v2  }
0x8f: {  	v0 =	vsub.f32 v1, v0;
	_ =	sdelay $0x1  }
0x90: {  	v0 =	vmul.f32 $1.442695020e+00, v0;
	_ =	sdelay $0x1  }
0x91: {  	(erf) = vpow2.f32 v0;
	_ =	sdelay $0x4  }
0x92: {  	v0 =	vld [tilespmem:s7+$0x6730]  }
0x93: {  	v1 =	vld [tilespmem:s7+$0x6740]  }
0x94: {  	v2 =	vld [tilespmem:s7+$0x6750]  }
0x95: {  	v3 =	vld [tilespmem:s7+$0x6760]  }
0x96: {  	v4 =	vpop (erf)  }
0x97: {  	v0 =	vmul.f32 v4, v0  }
0x98: {  	[tilespmem:s7+$0xDF70] =	vst v4;
	v1 =	vmul.f32 v4, v1  }
0x99: {  	v2 =	vmul.f32 v4, v2;
	[tilespmem:s7+$0xDF30] =	vst v0  }
0x9a: {  	v0 =	vmul.f32 v3, v4;
	[tilespmem:s7+$0xDF40] =	vst v1  }
0x9b: {  	[tilespmem:s7+$0xDF50] =	vst v2  }
0x9c: {  	s15 =	sadd.s32 $0x2760, s6;
	p0 =	seq.s32 s25, $0x1E;
	[tilespmem:s7+$0xDF60] =	vst v0  }
0x9d: {  	[spmem:s2] =	stream.indirect.scatter.add.f32 [tilespmem:s0], [sflag:$0x6], $0x50, s15, s17, $0xb8;
	[tilespmem:$0x1E290] =	vst v63  }
0x9e: {  	s9 =	simm.s32 @!p0 $0x50;
	s10 =	simm.s32 @!p0 $0x6730;
	s7 =	sadd.s32 @!p0 $0x190, s23  }
0x9f: {  	[tilespmem:s10], [sflag:$0x2] =	stream.indirect.gather @!p0 [hbm4b:s4+s9], $0x50, s7, s9, $0xb8;
	[tilespmem:$0x1E290] =	vst v63  }
0xa0: {  	s7 =	sadd.s32 @!p0 $0x28A0, s23;
	s10 =	simm.s32 @!p0 $0xB730  }
0xa1: {  	[tilespmem:s10], [sflag:$0x2] =	stream.indirect.gather @!p0 [hbm4b:s5+s9], $0x10, s7, s9, $0xb8;
	[tilespmem:$0x1E290] =	vst v63  }
0xa2: {  	_ =	swait.ge [sflag:s16], $0x1900  }
0xa3: {  	[sflag:s16] =	ssyncset.done $0x0  }
0xa4: {  	[sflag:s16] =	ssyncadd.s32 $0xFFFFE700  }
0xa5: {  	_ =	swait.ge [sflag:s16], $0x500  }
0xa6: {  	[sflag:s16] =	ssyncset.done $0x0  }
0xa7: {  	[sflag:s16] =	ssyncadd.s32 $0xFFFFFB00  }
0xa8: {  	_ =	swait.ge [sflag:s20], $0x1900  }
0xa9: {  	[sflag:s20] =	ssyncset.done $0x0  }
0xaa: {  	[sflag:s20] =	ssyncadd.s32 $0xFFFFE700  }
0xab: {  	s7 =	simm.s32 $0x0;
	v0 =	vld [tilespmem:$0x4E20]  }
0xac: {  	s15 =	simm.s32 $0xBC30;
	s9 =	simm.s32 $0x140;
	v1 =	vld [tilespmem:s7+$0x8070]  }
.LBB2_7:
0xad: {  	p1 =	sne.s32 s9, $0x62C0;
	v2 =	vld [tilespmem:s15+$0x0];
	_ =	sdelay $0x4  }
0xae: {  	v1 =	vadd.f32 v2, v1;
	_ =	sdelay $0x1  }
0xaf: {  	v2 =	vmul.f32 $2.000000030e-01, v1  }
0xb0: {  	vm0 =	vge.f32 v1, $0.0e+00  }
0xb1: {  	v1 =	vsel vm0, v1, v2  }
0xb2: {  	v1 =	vsub.f32 v1, v0;
	_ =	sdelay $0x1  }
0xb3: {  	v1 =	vmul.f32 $1.442695020e+00, v1;
	_ =	sdelay $0x1  }
0xb4: {  	(erf) = vpow2.f32 v1;
	_ =	sdelay $0x2  }
0xb5: {  	v1 =	vld [tilespmem:s7+$0x8030]  }
0xb6: {  	v2 =	vld [tilespmem:s7+$0x8040]  }
0xb7: {  	v3 =	vld [tilespmem:s7+$0x8050]  }
0xb8: {  	v4 =	vld [tilespmem:s7+$0x8060];
	_ =	sdelay $0x2  }
0xb9: {  	v5 =	vpop (erf)  }
0xba: {  	[tilespmem:s7+$0xC670] =	vst v5;
	v1 =	vmul.f32 v5, v1;
	v2 =	vmul.f32 v5, v2  }
.Ltmp2:
0xbb: {  	v3 =	vmul.f32 v5, v3;
	v4 =	vmul.f32 v4, v5;
	(pc) =	sbr.rel @p1 .LBB2_7-.Ltmp2, $4  }
0xbc: {  	[tilespmem:s7+$0xC630] =	vst v1  }
0xbd: {  	[tilespmem:s7+$0xC640] =	vst v2  }
0xbe: {  	s10 =	sshra.s32 s9, $0x2;
	[tilespmem:s7+$0xC650] =	vst v3  }
0xbf: {  	s9 =	sadd.s32 $0x140, s9;
	s15 =	sadd.s32 $0x10, s15;
	v1 =	vld [tilespmem:s10+$0x8070];
	[tilespmem:s7+$0xC660] =	vst v4;
	s7 =	smov.u32 s10  }
0xc0: {  	v2 =	vld [tilespmem:s15+$0x0];
	_ =	sdelay $0x4  }
0xc1: {  	v1 =	vadd.f32 v2, v1;
	_ =	sdelay $0x1  }
0xc2: {  	v2 =	vmul.f32 $2.000000030e-01, v1  }
0xc3: {  	vm0 =	vge.f32 v1, $0.0e+00  }
0xc4: {  	v1 =	vsel vm0, v1, v2  }
0xc5: {  	v0 =	vsub.f32 v1, v0;
	_ =	sdelay $0x1  }
0xc6: {  	v0 =	vmul.f32 $1.442695020e+00, v0;
	_ =	sdelay $0x1  }
0xc7: {  	(erf) = vpow2.f32 v0;
	_ =	sdelay $0x4  }
0xc8: {  	v0 =	vld [tilespmem:s7+$0x8030]  }
0xc9: {  	v1 =	vld [tilespmem:s7+$0x8040]  }
0xca: {  	v2 =	vld [tilespmem:s7+$0x8050]  }
0xcb: {  	v3 =	vld [tilespmem:s7+$0x8060]  }
0xcc: {  	v4 =	vpop (erf)  }
0xcd: {  	v0 =	vmul.f32 v4, v0  }
0xce: {  	[tilespmem:s7+$0xC670] =	vst v4;
	v1 =	vmul.f32 v4, v1  }
0xcf: {  	v2 =	vmul.f32 v4, v2;
	[tilespmem:s7+$0xC630] =	vst v0  }
0xd0: {  	v0 =	vmul.f32 v3, v4;
	[tilespmem:s7+$0xC640] =	vst v1  }
0xd1: {  	[tilespmem:s7+$0xC650] =	vst v2  }
0xd2: {  	s6 =	sadd.s32 $0x27B0, s6;
	[tilespmem:s7+$0xC660] =	vst v0  }
0xd3: {  	[spmem:s2] =	stream.indirect.scatter.add.f32 [tilespmem:s31], [sflag:$0x5], $0x50, s6, s17, $0xb8;
	[tilespmem:$0x1E290] =	vst v63  }
0xd4: {  	s9 =	simm.s32 @!p0 $0x8030;
	s7 =	simm.s32 @!p0 $0x50;
	s6 =	sadd.s32 @!p0 $0x1E0, s23  }
0xd5: {  	[tilespmem:s9], [sflag:$0x3] =	stream.indirect.gather @!p0 [hbm4b:s4+s7], $0x50, s6, s7, $0xb8;
	[tilespmem:$0x1E290] =	vst v63  }
0xd6: {  	s6 =	sadd.s32 @!p0 $0x28F0, s23;
	s9 =	simm.s32 @!p0 $0xBC30  }
0xd7: {  	[tilespmem:s9], [sflag:$0x3] =	stream.indirect.gather @!p0 [hbm4b:s5+s7], $0x10, s6, s7, $0xb8;
	[tilespmem:$0x1E290] =	vst v63  }
0xd8: {  	_ =	swait.ge [sflag:s21], $0x1900  }
0xd9: {  	[sflag:s21] =	ssyncset.done $0x0  }
0xda: {  	[sflag:s21] =	ssyncadd.s32 $0xFFFFE700  }
0xdb: {  	_ =	swait.ge [sflag:s21], $0x500  }
0xdc: {  	[sflag:s21] =	ssyncset.done $0x0  }
0xdd: {  	[sflag:s21] =	ssyncadd.s32 $0xFFFFFB00  }
0xde: {  	_ =	swait.ge [sflag:s22], $0x1900  }
0xdf: {  	[sflag:s22] =	ssyncset.done $0x0  }
0xe0: {  	[sflag:s22] =	ssyncadd.s32 $0xFFFFE700  }
0xe1: {  	s6 =	simm.s32 $0x0;
	v0 =	vld [tilespmem:$0x4E20]  }
0xe2: {  	s7 =	simm.s32 $0xC130;
	s9 =	simm.s32 $0x140;
	v1 =	vld [tilespmem:s6+$0x9970]  }
.LBB2_9:
0xe3: {  	p0 =	sne.s32 s9, $0x62C0;
	v2 =	vld [tilespmem:s7+$0x0];
	_ =	sdelay $0x4  }
0xe4: {  	v1 =	vadd.f32 v2, v1;
	_ =	sdelay $0x1  }
0xe5: {  	v2 =	vmul.f32 $2.000000030e-01, v1  }
0xe6: {  	vm0 =	vge.f32 v1, $0.0e+00  }
0xe7: {  	v1 =	vsel vm0, v1, v2  }
0xe8: {  	v1 =	vsub.f32 v1, v0;
	_ =	sdelay $0x1  }
0xe9: {  	v1 =	vmul.f32 $1.442695020e+00, v1;
	_ =	sdelay $0x1  }
0xea: {  	(erf) = vpow2.f32 v1;
	_ =	sdelay $0x2  }
0xeb: {  	v1 =	vld [tilespmem:s6+$0x9930]  }
0xec: {  	v2 =	vld [tilespmem:s6+$0x9940]  }
0xed: {  	v3 =	vld [tilespmem:s6+$0x9950]  }
0xee: {  	v4 =	vld [tilespmem:s6+$0x9960];
	_ =	sdelay $0x2  }
0xef: {  	v5 =	vpop (erf)  }
0xf0: {  	[tilespmem:s6+$0xDF70] =	vst v5;
	v1 =	vmul.f32 v5, v1;
	v2 =	vmul.f32 v5, v2  }
.Ltmp3:
0xf1: {  	v3 =	vmul.f32 v5, v3;
	v4 =	vmul.f32 v4, v5;
	(pc) =	sbr.rel @p0 .LBB2_9-.Ltmp3, $4  }
0xf2: {  	[tilespmem:s6+$0xDF30] =	vst v1  }
0xf3: {  	[tilespmem:s6+$0xDF40] =	vst v2  }
0xf4: {  	s10 =	sshra.s32 s9, $0x2;
	[tilespmem:s6+$0xDF50] =	vst v3  }
0xf5: {  	s9 =	sadd.s32 $0x140, s9;
	s7 =	sadd.s32 $0x10, s7;
	v1 =	vld [tilespmem:s10+$0x9970];
	[tilespmem:s6+$0xDF60] =	vst v4;
	s6 =	smov.u32 s10  }
0xf6: {  	v2 =	vld [tilespmem:s7+$0x0];
	_ =	sdelay $0x4  }
0xf7: {  	v1 =	vadd.f32 v2, v1;
	_ =	sdelay $0x1  }
0xf8: {  	v2 =	vmul.f32 $2.000000030e-01, v1  }
0xf9: {  	vm0 =	vge.f32 v1, $0.0e+00  }
0xfa: {  	v1 =	vsel vm0, v1, v2  }
0xfb: {  	v0 =	vsub.f32 v1, v0;
	_ =	sdelay $0x1  }
0xfc: {  	v0 =	vmul.f32 $1.442695020e+00, v0;
	_ =	sdelay $0x1  }
0xfd: {  	(erf) = vpow2.f32 v0;
	_ =	sdelay $0x4  }
0xfe: {  	v60 =	vld [tilespmem:s6+$0x9930]  }
0xff: {  	v61 =	vld [tilespmem:s6+$0x9940]  }
0x100: {  	v62 =	vld [tilespmem:s6+$0x9950]  }
0x101: {  	v3 =	vld [tilespmem:s6+$0x9960]  }
0x102: {  	v4 =	vpop (erf)  }
0x103: {  	s25 =	sadd.s32 $0x1, s25;
	v0 =	vmul.f32 v4, v60  }
0x104: {  	s23 =	smul.u32 $0x140, s26;
	p0 =	sne.s32 s25, $0x1F;
	[tilespmem:s6+$0xDF70] =	vst v4;
	v1 =	vmul.f32 v4, v61  }
.Ltmp4:
0x105: {  	v2 =	vmul.f32 v4, v62;
	[tilespmem:s6+$0xDF30] =	vst v0;
	(pc) =	sbr.rel @p0 .LBB2_2-.Ltmp4, $4  }
0x106: {  	v63 =	vmul.f32 v3, v4;
	[tilespmem:s6+$0xDF40] =	vst v1  }
0x107: {  	s7 =	sshra.s32 s23, $0x2;
	[tilespmem:s6+$0xDF50] =	vst v2  }
0x108: {  	s26 =	sadd.s32 $0x2710, s7;
	[tilespmem:s6+$0xDF60] =	vst v63  }
0x109: {  	[spmem:s2] =	stream.indirect.scatter.add.f32 [tilespmem:s0], [sflag:$0x6], $0x50, s26, s17, $0xb8;
	[tilespmem:$0x1E290] =	vst v63  }
0x10a: {  	_ =	swait.ge [sflag:s30], $0x1900  }
0x10b: {  	[sflag:s30] =	ssyncset.done $0x0  }
0x10c: {  	[sflag:s30] =	ssyncadd.s32 $0xFFFFE700  }
0x10d: {  	_ =	swait.ge [sflag:s30], $0x500  }
0x10e: {  	[sflag:s30] =	ssyncset.done $0x0  }
0x10f: {  	[sflag:s30] =	ssyncadd.s32 $0xFFFFFB00  }
0x110: {  	_ =	swait.ge [sflag:s20], $0x1900  }
0x111: {  	[sflag:s20] =	ssyncset.done $0x0  }
0x112: {  	[sflag:s20] =	ssyncadd.s32 $0xFFFFE700  }
0x113: {  	s6 =	simm.s32 $0x0;
	v0 =	vld [tilespmem:$0x4E20]  }
0x114: {  	s7 =	simm.s32 $0xB230;
	s9 =	simm.s32 $0x140;
	v1 =	vld [tilespmem:s6+$0x4E70]  }
.LBB2_12:
0x115: {  	p0 =	sne.s32 s9, $0x62C0;
	v2 =	vld [tilespmem:s7+$0x0];
	_ =	sdelay $0x4  }
0x116: {  	v1 =	vadd.f32 v2, v1;
	_ =	sdelay $0x1  }
0x117: {  	v2 =	vmul.f32 $2.000000030e-01, v1  }
0x118: {  	vm0 =	vge.f32 v1, $0.0e+00  }
0x119: {  	v1 =	vsel vm0, v1, v2  }
0x11a: {  	v1 =	vsub.f32 v1, v0;
	_ =	sdelay $0x1  }
0x11b: {  	v1 =	vmul.f32 $1.442695020e+00, v1;
	_ =	sdelay $0x1  }
0x11c: {  	(erf) = vpow2.f32 v1;
	_ =	sdelay $0x2  }
0x11d: {  	v1 =	vld [tilespmem:s6+$0x4E30]  }
0x11e: {  	v2 =	vld [tilespmem:s6+$0x4E40]  }
0x11f: {  	v3 =	vld [tilespmem:s6+$0x4E50]  }
0x120: {  	v4 =	vld [tilespmem:s6+$0x4E60];
	_ =	sdelay $0x2  }
0x121: {  	v5 =	vpop (erf)  }
0x122: {  	[tilespmem:s6+$0xC670] =	vst v5;
	v1 =	vmul.f32 v5, v1;
	v2 =	vmul.f32 v5, v2  }
.Ltmp5:
0x123: {  	v3 =	vmul.f32 v5, v3;
	v4 =	vmul.f32 v4, v5;
	(pc) =	sbr.rel @p0 .LBB2_12-.Ltmp5, $4  }
0x124: {  	[tilespmem:s6+$0xC630] =	vst v1  }
0x125: {  	[tilespmem:s6+$0xC640] =	vst v2  }
0x126: {  	s10 =	sshra.s32 s9, $0x2;
	[tilespmem:s6+$0xC650] =	vst v3  }
0x127: {  	s9 =	sadd.s32 $0x140, s9;
	s7 =	sadd.s32 $0x10, s7;
	v1 =	vld [tilespmem:s10+$0x4E70];
	[tilespmem:s6+$0xC660] =	vst v4;
	s6 =	smov.u32 s10  }
0x128: {  	v2 =	vld [tilespmem:s7+$0x0];
	_ =	sdelay $0x4  }
0x129: {  	v1 =	vadd.f32 v2, v1;
	_ =	sdelay $0x1  }
0x12a: {  	v2 =	vmul.f32 $2.000000030e-01, v1  }
0x12b: {  	vm0 =	vge.f32 v1, $0.0e+00  }
0x12c: {  	v1 =	vsel vm0, v1, v2  }
0x12d: {  	v0 =	vsub.f32 v1, v0;
	_ =	sdelay $0x1  }
0x12e: {  	v0 =	vmul.f32 $1.442695020e+00, v0;
	_ =	sdelay $0x1  }
0x12f: {  	(erf) = vpow2.f32 v0;
	_ =	sdelay $0x4  }
0x130: {  	v60 =	vld [tilespmem:s6+$0x4E30]  }
0x131: {  	v61 =	vld [tilespmem:s6+$0x4E40]  }
0x132: {  	v62 =	vld [tilespmem:s6+$0x4E50]  }
0x133: {  	v3 =	vld [tilespmem:s6+$0x4E60]  }
0x134: {  	v4 =	vpop (erf)  }
0x135: {  	v0 =	vmul.f32 v4, v60  }
0x136: {  	[tilespmem:s6+$0xC670] =	vst v4;
	v1 =	vmul.f32 v4, v61  }
0x137: {  	v2 =	vmul.f32 v4, v62;
	[tilespmem:s6+$0xC630] =	vst v0  }
0x138: {  	v63 =	vmul.f32 v3, v4;
	[tilespmem:s6+$0xC640] =	vst v1  }
0x139: {  	[tilespmem:s6+$0xC650] =	vst v2  }
0x13a: {  	s26 =	simm.s32 $0x4DD0;
	[tilespmem:s6+$0xC660] =	vst v63  }
0x13b: {  	[spmem:s2] =	stream.indirect.scatter.add.f32 [tilespmem:s31], [sflag:$0x5], $0x50, s26, s17, $0xb8;
	[tilespmem:$0x1E290] =	vst v63  }
0x13c: {  	_ =	swait.ge [sflag:s22], $0x1900  }
0x13d: {  	[sflag:s22] =	ssyncset.done $0x0  }
0x13e: {  	[sflag:s22] =	ssyncadd.s32 $0xFFFFE700  }
0x13f: {  	_ =	swait.ge [sflag:s20], $0x1900  }
0x140: {  	s24 =	sadd.s32 $0x1, s24;
	[sflag:s20] =	ssyncset.done $0x0  }
0x141: {  	p0 =	sne.s32 s24, s12;
	[sflag:s20] =	ssyncadd.s32 $0xFFFFE700  }
.Ltmp6:
0x142: {  	[bflag:$0x0] =	sbarrier.arrive $0xFFFF;
	(pc) =	sbr.rel @p0 .LBB2_1-.Ltmp6, $4  }
0x143: {  	[hbm:s11], [sflag:s8] =	dma.local [spmem:s13], $0x1D4C  }
0x144: {  	_ =	swait.ge [sflag:s14], $0x1D4C  }
0x145: {  	[sflag:s14] =	ssyncset.done $0x0  }
0x146: {  	[sflag:s14] =	ssyncadd.s32 $0xFFFFE2B4  }
0x147: {  	_ =	sfence.sel $0x180000  }
0x148: {  	[bflag:$0x0] =	sbarrier.arrive $0xFFFF  }
0x149: {  	_ =	strace $0x9000004A  }
0x14a: {  	s0 =	stileid.u32;
	[bflag:$0x2] =	sbarrier.arrive $0xFFFF  }
0x14b: {  	p0 =	sne.s32 s0, $0x0;
	s0 =	rddreg [dreg:$0x3]  }
0x14c: {  	s0 =	sadd.s32 @!p0 $0x100000, s0  }
0x14d: {  	[sflag:s0] =	ssyncadd.tile.s32 @!p0 $0x1;
	_ =	shalt  }
.Lfunc_end2:
_tile_overlayer_lowered:
.L_overlay_start_2:
0x14e: {  	(tag) =	ssettag $0x2  }
0x14f: {  	s0 =	rddreg [dreg:$0x0];
	s2 =	stileid.u32  }
0x150: {  	s1 =	rddreg [dreg:$0x1];
	p0 =	sne.s32 s2, $0x0  }
0x151: {  	s3 =	rddreg [dreg:$0x2];
	[bflag:$0x3] =	sbarrier.arrive $0xFFFF;
	s2 =	simm.s32 @!p0 $0x1C07  }
0x152: {  	[timem:s3], [sflag:s2] =	dma.local @!p0 [hbm:s0], s1  }
0x153: {  	s0 =	simm.s32 @!p0 $0x7  }
0x154: {  	_ =	swait.ge @!p0 [sflag:s0], s1  }
0x155: {  	s1 =	ssub.s32 @!p0 $0x0, s1;
	[sflag:s0] =	ssyncset.done @!p0 $0x0  }
0x156: {  	[sflag:s0] =	ssyncadd.s32 @!p0 s1  }
0x157: {  	[bflag:$0x3] =	sbarrier.arrive $0xFFFF  }
0x158: {  	_ =	shalt  }

// kernel: kernel.7.cloned.1.call-start
scs
__scs_entry_jumppad:
0x0: {  	(pc) =	sbr.rel $0x88, $3  }
0x1: {  	(tag) =	ssettag $0x0;
	lr =	simm.s32 $0x1  }
0x2: {  	[smem:$0x3F89] =	sst lr;
	_ =	strace $0xD0000000  }
0x3: {  	_ = 	snop  }
0x4: {  	_ = 	snop  }
0x5: {  	_ = 	snop  }
0x6: {  	_ = 	snop  }
0x7: {  	_ = 	snop  }
__scs_overlays_trampoline_lowered:
0x8: {  	[smem:$0x3F98] =	sst s0  }
0x9: {  	[smem:$0x3F99] =	sst s1  }
0xa: {  	[smem:$0x3F9A] =	sst s2  }
0xb: {  	[smem:$0x3F9B] =	sst s3  }
0xc: {  	[smem:$0x3F9C] =	sst s4  }
0xd: {  	[smem:$0x3F9D] =	sst s5  }
0xe: {  	[smem:$0x3F9E] =	sst s6  }
0xf: {  	[smem:$0x3F9F] =	sst s7  }
0x10: {  	[smem:$0x3FA0] =	sst s8  }
0x11: {  	[smem:$0x3FA1] =	sst s9;
	s0 =	simm.s32 @!p0 $0x0  }
0x12: {  	s1 =	sld [smem:$0x3F87];
	s0 =	simm.s32 @p0 $0x1  }
0x13: {  	[smem:$0x3FA2] =	sst s0;
	s0 =	simm.s32 @!p1 $0x0  }
0x14: {  	s2 =	sld [smem:$0x3F86];
	s0 =	simm.s32 @p1 $0x1  }
0x15: {  	[smem:$0x3FA3] =	sst s0;
	s0 =	simm.s32 @!p2 $0x0  }
0x16: {  	s3 =	sld [smem:$0x3FDB];
	s0 =	simm.s32 @p2 $0x1  }
0x17: {  	s4 =	simm.s32 $0x1BF5;
	[smem:$0x3FA5] =	sst s0  }
0x18: {  	s0 =	sld [smem:$0x3F88];
	_ =	swait.ge [sflag:s4], $0x0  }
0x19: {  	s7 =	sld [smem:$0x3F89]  }
0x1a: {  	s8 =	sadd.s32 $0xFFFFE003, lr  }
0x1b: {  	s9 =	sadd.s32 $0xFFFFFEF7, lr;
	s5 =	simm.s32 $0xFFFFFFFF;
	p2 =	slt.u32 s8, $0xFFFFF086  }
0x1c: {  	p1 =	slt.u32 s9, $0xF7A;
	s5 =	simm.s32 @!p2 $0x0  }
0x1d: {  	s5 =	simm.s32 @p1 $0x1;
	p0 =	seq.s32 s7, s2  }
0x1e: {  	s7 =	smul.u32 @!p0 $0xF7A, s2;
	p2 =	seq.s32 @!p0 s5, $0x0  }
0x1f: {  	s9 =	smul.u32 $0xF7A, s1;
	s8 =	simm.s32 @!p0 $0x1BF5;
	p2 =	por !p2, p0  }
0x20: {  	[sflag:s8] =	ssyncset.s32 @!p0 $0xFFFFF086;
	s6 =	sadd.s32 @!p0 s3, s7;
	s7 =	simm.s32 @!p0 $0x108  }
0x21: {  	s3 =	sadd.s32 s3, s9;
	s6 =	sadd.s32 @!p0 $0x88, s6;
	s7 =	simm.s32 @p2 $0x1082  }
0x22: {  	[simem:s7], [sflag:s8] =	dma.local @!p0 [hbm:s6], $0xF7A  }
0x23: {  	s9 =	sor.u32 $0xD0000000, s2;
	s6 =	simm.s32 $0x108;
	_ =	swait.ge @!p0 [sflag:s8], $0x0  }
0x24: {  	s3 =	sadd.s32 $0x88, s3;
	s6 =	simm.s32 @!p1 $0x1082;
	[sflag:s4] =	ssyncset.s32 $0xFFFFF086  }
0x25: {  	[simem:s6], [sflag:s4] =	dma.local [hbm:s3], $0xF7A  }
0x26: {  	[smem:$0x3F89] =	sst s1;
	(tag) =	ssettag s2;
	_ =	strace s9  }
0x27: {  	s1 =	sld [smem:$0x3F99]  }
0x28: {  	s2 =	sld [smem:$0x3F9A]  }
0x29: {  	s4 =	sld [smem:$0x3F9C]  }
0x2a: {  	p0 =	seq.s32 s5, $0x0;
	s5 =	sld [smem:$0x3F9D]  }
0x2b: {  	s6 =	sld [smem:$0x3F9E]  }
0x2c: {  	s7 =	sld [smem:$0x3F9F]  }
0x2d: {  	s3 =	simm.s32 $0x108;
	s8 =	sld [smem:$0x3FA0]  }
0x2e: {  	s3 =	simm.s32 @!p0 $0x1082;
	s9 =	sld [smem:$0x3FA1]  }
0x2f: {  	lr =	sadd.s32 s0, s3;
	s0 =	sld [smem:$0x3F98]  }
0x30: {  	s3 =	sld [smem:$0x3F9B]  }
0x31: {  	[smem:$0x3FA4] =	sst s10  }
0x32: {  	s10 =	sld [smem:$0x3FA2];
	_ =	sdelay $0x3  }
0x33: {  	p0 =	seq.s32 s10, $0x1;
	s10 =	sld [smem:$0x3FA4];
	_ =	sdelay $0x3  }
0x34: {  	[smem:$0x3FA4] =	sst s10  }
0x35: {  	s10 =	sld [smem:$0x3FA3];
	_ =	sdelay $0x3  }
0x36: {  	p1 =	seq.s32 s10, $0x1;
	s10 =	sld [smem:$0x3FA4];
	_ =	sdelay $0x3  }
0x37: {  	[smem:$0x3FA4] =	sst s10  }
0x38: {  	s10 =	sld [smem:$0x3FA5]  }
0x39: {  	_ = 	snop;
	(pc) =	sbr.ind lr, $3  }
0x3a: {  	_ = 	snop  }
0x3b: {  	_ = 	snop  }
0x3c: {  	p2 =	seq.s32 s10, $0x1;
	s10 =	sld [smem:$0x3FA4]  }
0x3d: {  	_ =	shalt  }
0x3e: {  	_ =	shalt  }
0x3f: {  	_ =	shalt  }
0x40: {  	_ =	shalt  }
0x41: {  	_ =	shalt  }
0x42: {  	_ =	shalt  }
0x43: {  	_ =	shalt  }
0x44: {  	_ =	shalt  }
0x45: {  	_ =	shalt  }
0x46: {  	_ =	shalt  }
0x47: {  	_ =	shalt  }
0x48: {  	_ =	shalt  }
0x49: {  	_ =	shalt  }
0x4a: {  	_ =	shalt  }
0x4b: {  	_ =	shalt  }
0x4c: {  	_ =	shalt  }
0x4d: {  	_ =	shalt  }
0x4e: {  	_ =	shalt  }
0x4f: {  	_ =	shalt  }
0x50: {  	_ =	shalt  }
0x51: {  	_ =	shalt  }
0x52: {  	_ =	shalt  }
0x53: {  	_ =	shalt  }
0x54: {  	_ =	shalt  }
0x55: {  	_ =	shalt  }
0x56: {  	_ =	shalt  }
0x57: {  	_ =	shalt  }
0x58: {  	_ =	shalt  }
0x59: {  	_ =	shalt  }
0x5a: {  	_ =	shalt  }
0x5b: {  	_ =	shalt  }
0x5c: {  	_ =	shalt  }
0x5d: {  	_ =	shalt  }
0x5e: {  	_ =	shalt  }
0x5f: {  	_ =	shalt  }
0x60: {  	_ =	shalt  }
0x61: {  	_ =	shalt  }
0x62: {  	_ =	shalt  }
0x63: {  	_ =	shalt  }
0x64: {  	_ =	shalt  }
0x65: {  	_ =	shalt  }
0x66: {  	_ =	shalt  }
0x67: {  	_ =	shalt  }
0x68: {  	_ =	shalt  }
0x69: {  	_ =	shalt  }
0x6a: {  	_ =	shalt  }
0x6b: {  	_ =	shalt  }
0x6c: {  	_ =	shalt  }
0x6d: {  	_ =	shalt  }
0x6e: {  	_ =	shalt  }
0x6f: {  	_ =	shalt  }
0x70: {  	_ =	shalt  }
0x71: {  	_ =	shalt  }
0x72: {  	_ =	shalt  }
0x73: {  	_ =	shalt  }
0x74: {  	_ =	shalt  }
0x75: {  	_ =	shalt  }
0x76: {  	_ =	shalt  }
0x77: {  	_ =	shalt  }
0x78: {  	_ =	shalt  }
0x79: {  	_ =	shalt  }
0x7a: {  	_ =	shalt  }
0x7b: {  	_ =	shalt  }
0x7c: {  	_ =	shalt  }
0x7d: {  	_ =	shalt  }
0x7e: {  	_ =	shalt  }
0x7f: {  	_ =	shalt  }
0x80: {  	_ =	shalt  }
0x81: {  	_ =	shalt  }
0x82: {  	_ =	shalt  }
0x83: {  	_ =	shalt  }
0x84: {  	_ =	shalt  }
0x85: {  	_ =	shalt  }
0x86: {  	_ =	shalt  }
0x87: {  	_ =	shalt  }
.Lfunc_end0:
.L_simem_size_0:
called_computation_lowered:
.L_overlay_start_0:
0x88: {  	s2 =	sld [smem:$0x3FD9]  }
0x89: {  	s3 =	sld [smem:$0x3FFE];
	_ =	sdelay $0x1  }
0x8a: {  	s1 =	srdreg.scid  }
0x8b: {  	s0 =	sand.u32 $0x1, s1  }
0x8c: {  	s17 =	sshll.u32 s0, $0xA;
	s2 =	sadd.s32 s3, s2  }
0x8d: {  	s2 =	sadd.s32 s2, s17  }
0x8e: {  	[smem:$0x3FB0] =	sst s2  }
0x8f: {  	_ = 	snop  }
0x90: {  	s2 =	sld [smem:$0x3FD0];
	(tm) =	ssettm $0x1  }
0x91: {  	s18 =	sld [smem:$0x3FFB];
	_ =	sdelay $0x3  }
0x92: {  	_ =	strace s18  }
0x93: {  	s3 =	sld [smem:$0x3FFC];
	_ =	sdelay $0x3  }
0x94: {  	_ =	strace s3  }
0x95: {  	s3 =	sld [smem:$0x3FFD];
	_ =	sdelay $0x3  }
0x96: {  	_ =	strace s3  }
0x97: {  	_ =	strace $0x8FFFFFFF  }
0x98: {  	s19 =	sld [smem:$0x3FDB];
	_ =	sdelay $0x1  }
0x99: {  	s4 =	simm.s32 $_scs_section_size  }
0x9a: {  	s5 =	simm.s32 $_size__tile_overlayer_lowered;
	s6 =	simm.s32 $_tile_overlayer_lowered  }
0x9b: {  	s22 =	simm.s32 $0x1BFF;
	s21 =	sshll.u32 s6, $0x1;
	s3 =	sadd.s32 s4, s19  }
0x9c: {  	s7 =	simm.s32 $0x0;
	s20 =	sshll.u32 s5, $0x1;
	s5 =	sadd.s32 s21, s3  }
0x9d: {  	[timem:s7], [sflag:s22] =	dma.local [hbm:s5], s20  }
0x9e: {  	_ =	swait.ge [sflag:s22], s20  }
0x9f: {  	s4 =	ssub.s32 $0x0, s20;
	[sflag:s22] =	ssyncset.done $0x0  }
0xa0: {  	[sflag:s22] =	ssyncadd.s32 s4;
	_ =	sdelay $0x1  }
0xa1: {  	s23 =	simm.s32 $0x1B8B  }
0xa2: {  	_ =	swait.ge [sflag:s23], $0x1  }
0xa3: {  	[sflag:s23] =	ssyncset.done $0x0  }
0xa4: {  	s25 =	simm.s32 $0x1B8E;
	s24 =	sld [smem:$0x3FFE];
	[sflag:s23] =	ssyncadd.s32 $0xFFFFFFFF  }
0xa5: {  	s26 =	simm.s32 $execute0_lowered;
	[smem:$0x3FD2] =	sst s25  }
0xa6: {  	s5 =	sshll.u32 s26, $0x1;
	_ =	strace $0x80000046;
	[dreg:$0x1] =	wrdreg $0xFFFFFFFF  }
0xa7: {  	s28 =	simm.s32 $_size_execute0_lowered;
	s3 =	sadd.s32 s3, s5;
	[dreg:$0x0] =	wrdreg $0x0  }
0xa8: {  	s5 =	sshll.u32 s28, $0x1;
	[dreg:$0x2] =	wrdreg s3  }
0xa9: {  	[dreg:$0x3] =	wrdreg s5  }
0xaa: {  	[dreg:$0x4] =	wrdreg $0xC0  }
0xab: {  	_ =	task [dreg:s7], $0x5FFFF  }
0xac: {  	[dreg:$0x1] =	wrdreg $0xFFFFFFFF  }
0xad: {  	[dreg:$0x0] =	wrdreg $0x60  }
0xae: {  	[dreg:$0x2] =	wrdreg s24  }
0xaf: {  	[dreg:$0x3] =	wrdreg s2  }
0xb0: {  	[dreg:$0x4] =	wrdreg $0xF8300  }
0xb1: {  	[dreg:$0x5] =	wrdreg $0x9  }
0xb2: {  	_ =	task.clear_ibuf [dreg:s7], $0x6FFFF;
	_ =	strace $0x90000046  }
0xb3: {  	s29 =	simm.s32 $0x9;
	_ =	strace $0x80000048  }
0xb4: {  	_ =	swait.ge [sflag:s29], $0x1  }
0xb5: {  	[sflag:s29] =	ssyncadd.s32 $0xFFFFFFFF  }
0xb6: {  	_ =	strace $0x90000048  }
0xb7: {  	_ =	sfence  }
0xb8: {  	s30 =	sld [smem:$0x0];
	_ =	sdelay $0x2  }
0xb9: {  	s31 =	sshll.u32 s1, $0xD;
	s1 =	sshrl.u32 s1, $0x2  }
0xba: {  	s3 =	sand.u32 $0x4000, s31;
	s1 =	sadd.s32 s1, s30  }
0xbb: {  	s0 =	sor.u32 s3, s0;
	s1 =	sshll.u32 s1, $0x11  }
0xbc: {  	s0 =	sor.u32 s1, s0  }
0xbd: {  	s0 =	sadd.s32 $0x8F2B, s0  }
0xbe: {  	[sflag:s0] =	ssyncadd.remote.s32 $0x1  }
0xbf: {  	_ =	sfence.sel $0xFFFF  }
0xc0: {  	[dreg:$0x0] =	wrdreg $0xFFFFFFFF;
	(pc) =	sbr.abs _section_cstart, $3  }
0xc1: {  	[dreg:$0x1] =	wrdreg $0xFFFFFFFF  }
0xc2: {  	_ =	task.clear_ibuf [dreg:s7], $0x2FFFF;
	_ =	strace $0x9FFFFFFF  }
0xc3: {  	(tm) =	ssettm $0x7FFFFFFF  }
tec
execute0_lowered:
.L_overlay_start_1:
0x0: {  	(tag) =	ssettag $0x1  }
0x1: {  	s0 =	srdreg.scid;
	s1 =	rddreg [dreg:$0x0]  }
0x2: {  	s11 =	stileid.u32;
	s6 =	rddreg [dreg:$0x1]  }
0x3: {  	s14 =	simm.s32 $0x7;
	s17 =	simm.s32 $0x50;
	s18 =	simm.s32 $0x4E30  }
0x4: {  	s19 =	simm.s32 $0xB230;
	s28 =	simm.s32 $0x9930;
	s29 =	simm.s32 $0xC130  }
0x5: {  	s30 =	simm.s32 $0x1;
	s31 =	simm.s32 $0xC630;
	s16 =	simm.s32 $0x3  }
0x6: {  	s20 =	simm.s32 $0x5;
	s21 =	simm.s32 $0x4;
	s22 =	simm.s32 $0x6  }
0x7: {  	s0 =	sand.u32 $0x1, s0;
	s2 =	sshll.u32 s11, $0x1;
	s8 =	smul.u32 $0xEA60, s11  }
0x8: {  	s4 =	sadd.s32 $0x3800, s1;
	s5 =	sadd.s32 $0x1C000, s1;
	s12 =	sadd.s32 $0x3600, s1  }
0x9: {  	s24 =	sadd.s32 $0x2AE00, s1;
	s11 =	sshll.u32 s11, $0x6;
	s3 =	sor.u32 s0, s2  }
0xa: {  	s2 =	rddreg [dreg:$0x2];
	s9 =	smul.u32 $0xEA600, s0;
	s0 =	ssub.s32 $0x2, s0  }
0xb: {  	s7 =	smul.u32 $0x4E2, s3;
	s3 =	simm.s32 $0x0;
	s25 =	sshrl.u32 s0, $0x1  }
0xc: {  	s26 =	sadd.s32 s8, s2;
	[smem:$0x7FF] =	sst s3;
	s9 =	sadd.s32 s8, s9  }
0xd: {  	s0 =	ssub.s32 s0, s25;
	s8 =	sor.u32 $0x1C07, s11;
	s13 =	sshrl.u32 s26, $0x3  }
0xe: {  	_ =	strace $0x80000047;
	s10 =	sadd.s32 s7, s1;
	[dreg:$0x4] =	wrdreg s12  }
0xf: {  	[dreg:$0x5] =	wrdreg s24;
	s9 =	sshrl.u32 s9, $0x3;
	s6 =	sadd.s32 s6, s7  }
0x10: {  	s12 =	smax.u32 s0, $0x1;
	s0 =	simm.s32 $0xDF30;
	s24 =	simm.s32 $0x0  }
0x11: {  	s1 =	sadd.s32 s9, s1;
	s10 =	sadd.s32 $0x21000, s10;
	[dreg:$0x7] =	wrdreg s6  }
0x12: {  	[dreg:$0x6] =	wrdreg s10;
	s11 =	sadd.s32 $0x2CC00, s1;
	s1 =	simm.s32 $0x2  }
.LBB2_1:
0x13: {  	s6 =	rddreg [dreg:$0x5]  }
0x14: {  	[spmem:s13], [sflag:s8] =	dma.local [hbm:s6], $0x1D4C  }
0x15: {  	_ =	swait.ge [sflag:s14], $0x1D4C  }
0x16: {  	[sflag:s14] =	ssyncset.done $0x0  }
0x17: {  	s23 =	rddreg [dreg:$0x6];
	[sflag:s14] =	ssyncadd.s32 $0xFFFFE2B4  }
0x18: {  	[tilespmem:s3], [sflag:$0x7] =	stream.linear.gather [hbm4b:s23+s3], $0x2710, $0x38;
	[tilespmem:$0x1E290] =	vst v63  }
0x19: {  	_ =	swait.ge [sflag:s14], $0x2710  }
0x1a: {  	[sflag:s14] =	ssyncset.done $0x0  }
0x1b: {  	s7 =	simm.s32 $0x2710;
	s25 =	rddreg [dreg:$0x7];
	[sflag:s14] =	ssyncadd.s32 $0xFFFFD8F0  }
0x1c: {  	[tilespmem:s7], [sflag:$0x7] =	stream.linear.gather [hbm4b:s25+s3], $0x2710, $0x38;
	[tilespmem:$0x1E290] =	vst v63  }
0x1d: {  	_ =	swait.ge [sflag:s14], $0x2710  }
0x1e: {  	[sflag:s14] =	ssyncset.done $0x0  }
0x1f: {  	s9 =	simm.s32 $0x4E20;
	s26 =	rddreg [dreg:$0x4];
	[sflag:s14] =	ssyncadd.s32 $0xFFFFD8F0  }
0x20: {  	[tilespmem:s9], [sflag:$0x7] =	stream.linear.gather [hbm4b:s26+s3], $0x10, $0x38;
	[tilespmem:$0x1E290] =	vst v63  }
0x21: {  	_ =	swait.ge [sflag:s14], $0x10  }
0x22: {  	[sflag:s14] =	ssyncset.done $0x0  }
0x23: {  	[sflag:s14] =	ssyncadd.s32 $0xFFFFFFF0  }
0x24: {  	[bflag:$0x0] =	sbarrier.arrive $0xFFFF  }
0x25: {  	[tilespmem:s18], [sflag:$0x1] =	stream.indirect.gather [hbm4b:s4+s17], $0x50, s3, s17, $0xb8;
	[tilespmem:$0x1E290] =	vst v63  }
0x26: {  	_ = 	snop  }
0x27: {  	[tilespmem:s19], [sflag:$0x1] =	stream.indirect.gather [hbm4b:s5+s17], $0x10, s7, s17, $0xb8;
	[tilespmem:$0x1E290] =	vst v63  }
0x28: {  	s7 =	simm.s32 $0x6730  }
0x29: {  	[tilespmem:s7], [sflag:$0x2] =	stream.indirect.gather [hbm4b:s4+s17], $0x50, s17, s17, $0xb8;
	[tilespmem:$0x1E290] =	vst v63  }
0x2a: {  	s10 =	simm.s32 $0xB730;
	s9 =	simm.s32 $0x2760  }
0x2b: {  	[tilespmem:s10], [sflag:$0x2] =	stream.indirect.gather [hbm4b:s5+s17], $0x10, s9, s17, $0xb8;
	[tilespmem:$0x1E290] =	vst v63  }
0x2c: {  	s15 =	simm.s32 $0xA0;
	s23 =	simm.s32 $0x8030  }
0x2d: {  	[tilespmem:s23], [sflag:$0x3] =	stream.indirect.gather [hbm4b:s4+s17], $0x50, s15, s17, $0xb8;
	[tilespmem:$0x1E290] =	vst v63  }
0x2e: {  	s25 =	simm.s32 $0x27B0;
	s26 =	simm.s32 $0xBC30  }
0x2f: {  	[tilespmem:s26], [sflag:$0x3] =	stream.indirect.gather [hbm4b:s5+s17], $0x10, s25, s17, $0xb8;
	[tilespmem:$0x1E290] =	vst v63  }
0x30: {  	s25 =	simm.s32 $0x0  }
.LBB2_2:
0x31: {  	s26 =	sshllo.u32 s25, $0x2  }
0x32: {  	s6 =	smul.u32 $0x50, s26;
	_ =	sdelay $0x1  }
0x33: {  	[tilespmem:s28], [sflag:$0x4] =	stream.indirect.gather [hbm4b:s4+s17], $0x50, s6, s17, $0xb8;
	[tilespmem:$0x1E290] =	vst v63  }
0x34: {  	s6 =	sadd.s32 $0x2710, s6  }
0x35: {  	[tilespmem:s29], [sflag:$0x4] =	stream.indirect.gather [hbm4b:s5+s17], $0x10, s6, s17, $0xb8;
	[tilespmem:$0x1E290] =	vst v63  }
0x36: {  	_ =	swait.ge [sflag:s30], $0x1900  }
0x37: {  	[sflag:s30] =	ssyncset.done $0x0  }
0x38: {  	[sflag:s30] =	ssyncadd.s32 $0xFFFFE700  }
0x39: {  	_ =	swait.ge [sflag:s30], $0x500  }
0x3a: {  	p0 =	seq.s32 s25, $0x0;
	[sflag:s30] =	ssyncset.done $0x0  }
0x3b: {  	s6 =	simm.s32 @!p0 $0x5;
	[sflag:s30] =	ssyncadd.s32 $0xFFFFFB00  }
0x3c: {  	_ =	swait.ge @!p0 [sflag:s6], $0x1900  }
0x3d: {  	[sflag:s6] =	ssyncset.done @!p0 $0x0  }
0x3e: {  	[sflag:s6] =	ssyncadd.s32 @!p0 $0xFFFFE700  }
0x3f: {  	s23 =	simm.s32 $0x0;
	v0 =	vld [tilespmem:$0x4E20]  }
0x40: {  	s7 =	simm.s32 $0x140;
	s6 =	simm.s32 $0xB230;
	v1 =	vld [tilespmem:s23+$0x4E70]  }
.LBB2_3:
0x41: {  	p1 =	sne.s32 s7, $0x62C0;
	v2 =	vld [tilespmem:s6+$0x0];
	_ =	sdelay $0x4  }
0x42: {  	v1 =	vadd.f32 v2, v1;
	_ =	sdelay $0x1  }
0x43: {  	v2 =	vmul.f32 $2.000000030e-01, v1  }
0x44: {  	vm0 =	vge.f32 v1, $0.0e+00  }
0x45: {  	v1 =	vsel vm0, v1, v2  }
0x46: {  	v1 =	vsub.f32 v1, v0;
	_ =	sdelay $0x1  }
0x47: {  	v1 =	vmul.f32 $1.442695020e+00, v1;
	_ =	sdelay $0x1  }
0x48: {  	(erf) = vpow2.f32 v1;
	_ =	sdelay $0x2  }
0x49: {  	v1 =	vld [tilespmem:s23+$0x4E30]  }
0x4a: {  	v2 =	vld [tilespmem:s23+$0x4E40]  }
0x4b: {  	v3 =	vld [tilespmem:s23+$0x4E50]  }
0x4c: {  	v4 =	vld [tilespmem:s23+$0x4E60];
	_ =	sdelay $0x2  }
0x4d: {  	v5 =	vpop (erf)  }
0x4e: {  	[tilespmem:s23+$0xC670] =	vst v5;
	v1 =	vmul.f32 v5, v1;
	v2 =	vmul.f32 v5, v2  }
.Ltmp0:
0x4f: {  	v3 =	vmul.f32 v5, v3;
	v4 =	vmul.f32 v4, v5;
	(pc) =	sbr.rel @p1 .LBB2_3-.Ltmp0, $4  }
0x50: {  	[tilespmem:s23+$0xC630] =	vst v1  }
0x51: {  	[tilespmem:s23+$0xC640] =	vst v2  }
0x52: {  	s9 =	sshra.s32 s7, $0x2;
	[tilespmem:s23+$0xC650] =	vst v3  }
0x53: {  	s7 =	sadd.s32 $0x140, s7;
	s6 =	sadd.s32 $0x10, s6;
	v1 =	vld [tilespmem:s9+$0x4E70];
	[tilespmem:s23+$0xC660] =	vst v4;
	s23 =	smov.u32 s9  }
0x54: {  	v2 =	vld [tilespmem:s6+$0x0];
	_ =	sdelay $0x4  }
0x55: {  	v1 =	vadd.f32 v2, v1;
	_ =	sdelay $0x1  }
0x56: {  	v2 =	vmul.f32 $2.000000030e-01, v1  }
0x57: {  	vm0 =	vge.f32 v1, $0.0e+00  }
0x58: {  	v1 =	vsel vm0, v1, v2  }
0x59: {  	v0 =	vsub.f32 v1, v0;
	_ =	sdelay $0x1  }
0x5a: {  	v0 =	vmul.f32 $1.442695020e+00, v0;
	_ =	sdelay $0x1  }
0x5b: {  	(erf) = vpow2.f32 v0;
	_ =	sdelay $0x4  }
0x5c: {  	v0 =	vld [tilespmem:s23+$0x4E30]  }
0x5d: {  	v1 =	vld [tilespmem:s23+$0x4E40]  }
0x5e: {  	v2 =	vld [tilespmem:s23+$0x4E50]  }
0x5f: {  	v3 =	vld [tilespmem:s23+$0x4E60]  }
0x60: {  	v4 =	vpop (erf)  }
0x61: {  	v0 =	vmul.f32 v4, v0  }
0x62: {  	[tilespmem:s23+$0xC670] =	vst v4;
	v1 =	vmul.f32 v4, v1  }
0x63: {  	s9 =	smul.u32 $0x500, s25;
	v2 =	vmul.f32 v4, v2;
	[tilespmem:s23+$0xC630] =	vst v0  }
0x64: {  	v0 =	vmul.f32 v3, v4;
	[tilespmem:s23+$0xC640] =	vst v1  }
0x65: {  	s6 =	sshra.s32 s9, $0x2;
	[tilespmem:s23+$0xC650] =	vst v2  }
0x66: {  	s7 =	sadd.s32 $0x2710, s6;
	[tilespmem:s23+$0xC660] =	vst v0;
	s23 =	smul.u32 $0x140, s25  }
0x67: {  	[spmem:s2] =	stream.indirect.scatter.add.f32 [tilespmem:s31], [sflag:$0x5], $0x50, s7, s17, $0xb8;
	[tilespmem:$0x1E290] =	vst v63  }
0x68: {  	s10 =	sadd.s32 $0x140, s23  }
0x69: {  	[tilespmem:s18], [sflag:$0x1] =	stream.indirect.gather [hbm4b:s4+s17], $0x50, s10, s17, $0xb8;
	[tilespmem:$0x1E290] =	vst v63  }
0x6a: {  	s15 =	sadd.s32 $0x2850, s23  }
0x6b: {  	[tilespmem:s19], [sflag:$0x1] =	stream.indirect.gather [hbm4b:s5+s17], $0x10, s15, s17, $0xb8;
	[tilespmem:$0x1E290] =	vst v63  }
0x6c: {  	_ =	swait.ge [sflag:s1], $0x1900  }
0x6d: {  	[sflag:s1] =	ssyncset.done $0x0  }
0x6e: {  	[sflag:s1] =	ssyncadd.s32 $0xFFFFE700  }
0x6f: {  	_ =	swait.ge [sflag:s1], $0x500  }
0x70: {  	[sflag:s1] =	ssyncset.done $0x0  }
0x71: {  	s7 =	simm.s32 @!p0 $0x6;
	[sflag:s1] =	ssyncadd.s32 $0xFFFFFB00  }
0x72: {  	_ =	swait.ge @!p0 [sflag:s7], $0x1900  }
0x73: {  	[sflag:s7] =	ssyncset.done @!p0 $0x0  }
0x74: {  	[sflag:s7] =	ssyncadd.s32 @!p0 $0xFFFFE700  }
0x75: {  	s7 =	simm.s32 $0x0;
	v0 =	vld [tilespmem:$0x4E20]  }
0x76: {  	s9 =	simm.s32 $0x140;
	s15 =	simm.s32 $0xB730;
	v1 =	vld [tilespmem:s7+$0x6770]  }
.LBB2_5:
0x77: {  	p0 =	sne.s32 s9, $0x62C0;
	v2 =	vld [tilespmem:s15+$0x0];
	_ =	sdelay $0x4  }
0x78: {  	v1 =	vadd.f32 v2, v1;
	_ =	sdelay $0x1  }
0x79: {  	v2 =	vmul.f32 $2.000000030e-01, v1  }
0x7a: {  	vm0 =	vge.f32 v1, $0.0e+00  }
0x7b: {  	v1 =	vsel vm0, v1, v2  }
0x7c: {  	v1 =	vsub.f32 v1, v0;
	_ =	sdelay $0x1  }
0x7d: {  	v1 =	vmul.f32 $1.442695020e+00, v1;
	_ =	sdelay $0x1  }
0x7e: {  	(erf) = vpow2.f32 v1;
	_ =	sdelay $0x2  }
0x7f: {  	v1 =	vld [tilespmem:s7+$0x6730]  }
0x80: {  	v2 =	vld [tilespmem:s7+$0x6740]  }
0x81: {  	v3 =	vld [tilespmem:s7+$0x6750]  }
0x82: {  	v4 =	vld [tilespmem:s7+$0x6760];
	_ =	sdelay $0x2  }
0x83: {  	v5 =	vpop (erf)  }
0x84: {  	[tilespmem:s7+$0xDF70] =	vst v5;
	v1 =	vmul.f32 v5, v1;
	v2 =	vmul.f32 v5, v2  }
.Ltmp1:
0x85: {  	v3 =	vmul.f32 v5, v3;
	v4 =	vmul.f32 v4, v5;
	(pc) =	sbr.rel @p0 .LBB2_5-.Ltmp1, $4  }
0x86: {  	[tilespmem:s7+$0xDF30] =	vst v1  }
0x87: {  	[tilespmem:s7+$0xDF40] =	vst v2  }
0x88: {  	s10 =	sshra.s32 s9, $0x2;
	[tilespmem:s7+$0xDF50] =	vst v3  }
0x89: {  	s9 =	sadd.s32 $0x140, s9;
	s15 =	sadd.s32 $0x10, s15;
	v1 =	vld [tilespmem:s10+$0x6770];
	[tilespmem:s7+$0xDF60] =	vst v4;
	s7 =	smov.u32 s10  }
0x8a: {  	v2 =	vld [tilespmem:s15+$0x0];
	_ =	sdelay $0x4  }
0x8b: {  	v1 =	vadd.f32 v2, v1;
	_ =	sdelay $0x1  }
0x8c: {  	v2 =	vmul.f32 $2.000000030e-01, v1  }
0x8d: {  	vm0 =	vge.f32 v1, $0.0e+00  }
0x8e: {  	v1 =	vsel vm0, v1, v2  }
0x8f: {  	v0 =	vsub.f32 v1, v0;
	_ =	sdelay $0x1  }
0x90: {  	v0 =	vmul.f32 $1.442695020e+00, v0;
	_ =	sdelay $0x1  }
0x91: {  	(erf) = vpow2.f32 v0;
	_ =	sdelay $0x4  }
0x92: {  	v0 =	vld [tilespmem:s7+$0x6730]  }
0x93: {  	v1 =	vld [tilespmem:s7+$0x6740]  }
0x94: {  	v2 =	vld [tilespmem:s7+$0x6750]  }
0x95: {  	v3 =	vld [tilespmem:s7+$0x6760]  }
0x96: {  	v4 =	vpop (erf)  }
0x97: {  	v0 =	vmul.f32 v4, v0  }
0x98: {  	[tilespmem:s7+$0xDF70] =	vst v4;
	v1 =	vmul.f32 v4, v1  }
0x99: {  	v2 =	vmul.f32 v4, v2;
	[tilespmem:s7+$0xDF30] =	vst v0  }
0x9a: {  	v0 =	vmul.f32 v3, v4;
	[tilespmem:s7+$0xDF40] =	vst v1  }
0x9b: {  	[tilespmem:s7+$0xDF50] =	vst v2  }
0x9c: {  	s15 =	sadd.s32 $0x2760, s6;
	p0 =	seq.s32 s25, $0x1E;
	[tilespmem:s7+$0xDF60] =	vst v0  }
0x9d: {  	[spmem:s2] =	stream.indirect.scatter.add.f32 [tilespmem:s0], [sflag:$0x6], $0x50, s15, s17, $0xb8;
	[tilespmem:$0x1E290] =	vst v63  }
0x9e: {  	s9 =	simm.s32 @!p0 $0x50;
	s10 =	simm.s32 @!p0 $0x6730;
	s7 =	sadd.s32 @!p0 $0x190, s23  }
0x9f: {  	[tilespmem:s10], [sflag:$0x2] =	stream.indirect.gather @!p0 [hbm4b:s4+s9], $0x50, s7, s9, $0xb8;
	[tilespmem:$0x1E290] =	vst v63  }
0xa0: {  	s7 =	sadd.s32 @!p0 $0x28A0, s23;
	s10 =	simm.s32 @!p0 $0xB730  }
0xa1: {  	[tilespmem:s10], [sflag:$0x2] =	stream.indirect.gather @!p0 [hbm4b:s5+s9], $0x10, s7, s9, $0xb8;
	[tilespmem:$0x1E290] =	vst v63  }
0xa2: {  	_ =	swait.ge [sflag:s16], $0x1900  }
0xa3: {  	[sflag:s16] =	ssyncset.done $0x0  }
0xa4: {  	[sflag:s16] =	ssyncadd.s32 $0xFFFFE700  }
0xa5: {  	_ =	swait.ge [sflag:s16], $0x500  }
0xa6: {  	[sflag:s16] =	ssyncset.done $0x0  }
0xa7: {  	[sflag:s16] =	ssyncadd.s32 $0xFFFFFB00  }
0xa8: {  	_ =	swait.ge [sflag:s20], $0x1900  }
0xa9: {  	[sflag:s20] =	ssyncset.done $0x0  }
0xaa: {  	[sflag:s20] =	ssyncadd.s32 $0xFFFFE700  }
0xab: {  	s7 =	simm.s32 $0x0;
	v0 =	vld [tilespmem:$0x4E20]  }
0xac: {  	s15 =	simm.s32 $0xBC30;
	s9 =	simm.s32 $0x140;
	v1 =	vld [tilespmem:s7+$0x8070]  }
.LBB2_7:
0xad: {  	p1 =	sne.s32 s9, $0x62C0;
	v2 =	vld [tilespmem:s15+$0x0];
	_ =	sdelay $0x4  }
0xae: {  	v1 =	vadd.f32 v2, v1;
	_ =	sdelay $0x1  }
0xaf: {  	v2 =	vmul.f32 $2.000000030e-01, v1  }
0xb0: {  	vm0 =	vge.f32 v1, $0.0e+00  }
0xb1: {  	v1 =	vsel vm0, v1, v2  }
0xb2: {  	v1 =	vsub.f32 v1, v0;
	_ =	sdelay $0x1  }
0xb3: {  	v1 =	vmul.f32 $1.442695020e+00, v1;
	_ =	sdelay $0x1  }
0xb4: {  	(erf) = vpow2.f32 v1;
	_ =	sdelay $0x2  }
0xb5: {  	v1 =	vld [tilespmem:s7+$0x8030]  }
0xb6: {  	v2 =	vld [tilespmem:s7+$0x8040]  }
0xb7: {  	v3 =	vld [tilespmem:s7+$0x8050]  }
0xb8: {  	v4 =	vld [tilespmem:s7+$0x8060];
	_ =	sdelay $0x2  }
0xb9: {  	v5 =	vpop (erf)  }
0xba: {  	[tilespmem:s7+$0xC670] =	vst v5;
	v1 =	vmul.f32 v5, v1;
	v2 =	vmul.f32 v5, v2  }
.Ltmp2:
0xbb: {  	v3 =	vmul.f32 v5, v3;
	v4 =	vmul.f32 v4, v5;
	(pc) =	sbr.rel @p1 .LBB2_7-.Ltmp2, $4  }
0xbc: {  	[tilespmem:s7+$0xC630] =	vst v1  }
0xbd: {  	[tilespmem:s7+$0xC640] =	vst v2  }
0xbe: {  	s10 =	sshra.s32 s9, $0x2;
	[tilespmem:s7+$0xC650] =	vst v3  }
0xbf: {  	s9 =	sadd.s32 $0x140, s9;
	s15 =	sadd.s32 $0x10, s15;
	v1 =	vld [tilespmem:s10+$0x8070];
	[tilespmem:s7+$0xC660] =	vst v4;
	s7 =	smov.u32 s10  }
0xc0: {  	v2 =	vld [tilespmem:s15+$0x0];
	_ =	sdelay $0x4  }
0xc1: {  	v1 =	vadd.f32 v2, v1;
	_ =	sdelay $0x1  }
0xc2: {  	v2 =	vmul.f32 $2.000000030e-01, v1  }
0xc3: {  	vm0 =	vge.f32 v1, $0.0e+00  }
0xc4: {  	v1 =	vsel vm0, v1, v2  }
0xc5: {  	v0 =	vsub.f32 v1, v0;
	_ =	sdelay $0x1  }
0xc6: {  	v0 =	vmul.f32 $1.442695020e+00, v0;
	_ =	sdelay $0x1  }
0xc7: {  	(erf) = vpow2.f32 v0;
	_ =	sdelay $0x4  }
0xc8: {  	v0 =	vld [tilespmem:s7+$0x8030]  }
0xc9: {  	v1 =	vld [tilespmem:s7+$0x8040]  }
0xca: {  	v2 =	vld [tilespmem:s7+$0x8050]  }
0xcb: {  	v3 =	vld [tilespmem:s7+$0x8060]  }
0xcc: {  	v4 =	vpop (erf)  }
0xcd: {  	v0 =	vmul.f32 v4, v0  }
0xce: {  	[tilespmem:s7+$0xC670] =	vst v4;
	v1 =	vmul.f32 v4, v1  }
0xcf: {  	v2 =	vmul.f32 v4, v2;
	[tilespmem:s7+$0xC630] =	vst v0  }
0xd0: {  	v0 =	vmul.f32 v3, v4;
	[tilespmem:s7+$0xC640] =	vst v1  }
0xd1: {  	[tilespmem:s7+$0xC650] =	vst v2  }
0xd2: {  	s6 =	sadd.s32 $0x27B0, s6;
	[tilespmem:s7+$0xC660] =	vst v0  }
0xd3: {  	[spmem:s2] =	stream.indirect.scatter.add.f32 [tilespmem:s31], [sflag:$0x5], $0x50, s6, s17, $0xb8;
	[tilespmem:$0x1E290] =	vst v63  }
0xd4: {  	s9 =	simm.s32 @!p0 $0x8030;
	s7 =	simm.s32 @!p0 $0x50;
	s6 =	sadd.s32 @!p0 $0x1E0, s23  }
0xd5: {  	[tilespmem:s9], [sflag:$0x3] =	stream.indirect.gather @!p0 [hbm4b:s4+s7], $0x50, s6, s7, $0xb8;
	[tilespmem:$0x1E290] =	vst v63  }
0xd6: {  	s6 =	sadd.s32 @!p0 $0x28F0, s23;
	s9 =	simm.s32 @!p0 $0xBC30  }
0xd7: {  	[tilespmem:s9], [sflag:$0x3] =	stream.indirect.gather @!p0 [hbm4b:s5+s7], $0x10, s6, s7, $0xb8;
	[tilespmem:$0x1E290] =	vst v63  }
0xd8: {  	_ =	swait.ge [sflag:s21], $0x1900  }
0xd9: {  	[sflag:s21] =	ssyncset.done $0x0  }
0xda: {  	[sflag:s21] =	ssyncadd.s32 $0xFFFFE700  }
0xdb: {  	_ =	swait.ge [sflag:s21], $0x500  }
0xdc: {  	[sflag:s21] =	ssyncset.done $0x0  }
0xdd: {  	[sflag:s21] =	ssyncadd.s32 $0xFFFFFB00  }
0xde: {  	_ =	swait.ge [sflag:s22], $0x1900  }
0xdf: {  	[sflag:s22] =	ssyncset.done $0x0  }
0xe0: {  	[sflag:s22] =	ssyncadd.s32 $0xFFFFE700  }
0xe1: {  	s6 =	simm.s32 $0x0;
	v0 =	vld [tilespmem:$0x4E20]  }
0xe2: {  	s7 =	simm.s32 $0xC130;
	s9 =	simm.s32 $0x140;
	v1 =	vld [tilespmem:s6+$0x9970]  }
.LBB2_9:
0xe3: {  	p0 =	sne.s32 s9, $0x62C0;
	v2 =	vld [tilespmem:s7+$0x0];
	_ =	sdelay $0x4  }
0xe4: {  	v1 =	vadd.f32 v2, v1;
	_ =	sdelay $0x1  }
0xe5: {  	v2 =	vmul.f32 $2.000000030e-01, v1  }
0xe6: {  	vm0 =	vge.f32 v1, $0.0e+00  }
0xe7: {  	v1 =	vsel vm0, v1, v2  }
0xe8: {  	v1 =	vsub.f32 v1, v0;
	_ =	sdelay $0x1  }
0xe9: {  	v1 =	vmul.f32 $1.442695020e+00, v1;
	_ =	sdelay $0x1  }
0xea: {  	(erf) = vpow2.f32 v1;
	_ =	sdelay $0x2  }
0xeb: {  	v1 =	vld [tilespmem:s6+$0x9930]  }
0xec: {  	v2 =	vld [tilespmem:s6+$0x9940]  }
0xed: {  	v3 =	vld [tilespmem:s6+$0x9950]  }
0xee: {  	v4 =	vld [tilespmem:s6+$0x9960];
	_ =	sdelay $0x2  }
0xef: {  	v5 =	vpop (erf)  }
0xf0: {  	[tilespmem:s6+$0xDF70] =	vst v5;
	v1 =	vmul.f32 v5, v1;
	v2 =	vmul.f32 v5, v2  }
.Ltmp3:
0xf1: {  	v3 =	vmul.f32 v5, v3;
	v4 =	vmul.f32 v4, v5;
	(pc) =	sbr.rel @p0 .LBB2_9-.Ltmp3, $4  }
0xf2: {  	[tilespmem:s6+$0xDF30] =	vst v1  }
0xf3: {  	[tilespmem:s6+$0xDF40] =	vst v2  }
0xf4: {  	s10 =	sshra.s32 s9, $0x2;
	[tilespmem:s6+$0xDF50] =	vst v3  }
0xf5: {  	s9 =	sadd.s32 $0x140, s9;
	s7 =	sadd.s32 $0x10, s7;
	v1 =	vld [tilespmem:s10+$0x9970];
	[tilespmem:s6+$0xDF60] =	vst v4;
	s6 =	smov.u32 s10  }
0xf6: {  	v2 =	vld [tilespmem:s7+$0x0];
	_ =	sdelay $0x4  }
0xf7: {  	v1 =	vadd.f32 v2, v1;
	_ =	sdelay $0x1  }
0xf8: {  	v2 =	vmul.f32 $2.000000030e-01, v1  }
0xf9: {  	vm0 =	vge.f32 v1, $0.0e+00  }
0xfa: {  	v1 =	vsel vm0, v1, v2  }
0xfb: {  	v0 =	vsub.f32 v1, v0;
	_ =	sdelay $0x1  }
0xfc: {  	v0 =	vmul.f32 $1.442695020e+00, v0;
	_ =	sdelay $0x1  }
0xfd: {  	(erf) = vpow2.f32 v0;
	_ =	sdelay $0x4  }
0xfe: {  	v60 =	vld [tilespmem:s6+$0x9930]  }
0xff: {  	v61 =	vld [tilespmem:s6+$0x9940]  }
0x100: {  	v62 =	vld [tilespmem:s6+$0x9950]  }
0x101: {  	v3 =	vld [tilespmem:s6+$0x9960]  }
0x102: {  	v4 =	vpop (erf)  }
0x103: {  	s25 =	sadd.s32 $0x1, s25;
	v0 =	vmul.f32 v4, v60  }
0x104: {  	s23 =	smul.u32 $0x140, s26;
	p0 =	sne.s32 s25, $0x1F;
	[tilespmem:s6+$0xDF70] =	vst v4;
	v1 =	vmul.f32 v4, v61  }
.Ltmp4:
0x105: {  	v2 =	vmul.f32 v4, v62;
	[tilespmem:s6+$0xDF30] =	vst v0;
	(pc) =	sbr.rel @p0 .LBB2_2-.Ltmp4, $4  }
0x106: {  	v63 =	vmul.f32 v3, v4;
	[tilespmem:s6+$0xDF40] =	vst v1  }
0x107: {  	s7 =	sshra.s32 s23, $0x2;
	[tilespmem:s6+$0xDF50] =	vst v2  }
0x108: {  	s26 =	sadd.s32 $0x2710, s7;
	[tilespmem:s6+$0xDF60] =	vst v63  }
0x109: {  	[spmem:s2] =	stream.indirect.scatter.add.f32 [tilespmem:s0], [sflag:$0x6], $0x50, s26, s17, $0xb8;
	[tilespmem:$0x1E290] =	vst v63  }
0x10a: {  	_ =	swait.ge [sflag:s30], $0x1900  }
0x10b: {  	[sflag:s30] =	ssyncset.done $0x0  }
0x10c: {  	[sflag:s30] =	ssyncadd.s32 $0xFFFFE700  }
0x10d: {  	_ =	swait.ge [sflag:s30], $0x500  }
0x10e: {  	[sflag:s30] =	ssyncset.done $0x0  }
0x10f: {  	[sflag:s30] =	ssyncadd.s32 $0xFFFFFB00  }
0x110: {  	_ =	swait.ge [sflag:s20], $0x1900  }
0x111: {  	[sflag:s20] =	ssyncset.done $0x0  }
0x112: {  	[sflag:s20] =	ssyncadd.s32 $0xFFFFE700  }
0x113: {  	s6 =	simm.s32 $0x0;
	v0 =	vld [tilespmem:$0x4E20]  }
0x114: {  	s7 =	simm.s32 $0xB230;
	s9 =	simm.s32 $0x140;
	v1 =	vld [tilespmem:s6+$0x4E70]  }
.LBB2_12:
0x115: {  	p0 =	sne.s32 s9, $0x62C0;
	v2 =	vld [tilespmem:s7+$0x0];
	_ =	sdelay $0x4  }
0x116: {  	v1 =	vadd.f32 v2, v1;
	_ =	sdelay $0x1  }
0x117: {  	v2 =	vmul.f32 $2.000000030e-01, v1  }
0x118: {  	vm0 =	vge.f32 v1, $0.0e+00  }
0x119: {  	v1 =	vsel vm0, v1, v2  }
0x11a: {  	v1 =	vsub.f32 v1, v0;
	_ =	sdelay $0x1  }
0x11b: {  	v1 =	vmul.f32 $1.442695020e+00, v1;
	_ =	sdelay $0x1  }
0x11c: {  	(erf) = vpow2.f32 v1;
	_ =	sdelay $0x2  }
0x11d: {  	v1 =	vld [tilespmem:s6+$0x4E30]  }
0x11e: {  	v2 =	vld [tilespmem:s6+$0x4E40]  }
0x11f: {  	v3 =	vld [tilespmem:s6+$0x4E50]  }
0x120: {  	v4 =	vld [tilespmem:s6+$0x4E60];
	_ =	sdelay $0x2  }
0x121: {  	v5 =	vpop (erf)  }
0x122: {  	[tilespmem:s6+$0xC670] =	vst v5;
	v1 =	vmul.f32 v5, v1;
	v2 =	vmul.f32 v5, v2  }
.Ltmp5:
0x123: {  	v3 =	vmul.f32 v5, v3;
	v4 =	vmul.f32 v4, v5;
	(pc) =	sbr.rel @p0 .LBB2_12-.Ltmp5, $4  }
0x124: {  	[tilespmem:s6+$0xC630] =	vst v1  }
0x125: {  	[tilespmem:s6+$0xC640] =	vst v2  }
0x126: {  	s10 =	sshra.s32 s9, $0x2;
	[tilespmem:s6+$0xC650] =	vst v3  }
0x127: {  	s9 =	sadd.s32 $0x140, s9;
	s7 =	sadd.s32 $0x10, s7;
	v1 =	vld [tilespmem:s10+$0x4E70];
	[tilespmem:s6+$0xC660] =	vst v4;
	s6 =	smov.u32 s10  }
0x128: {  	v2 =	vld [tilespmem:s7+$0x0];
	_ =	sdelay $0x4  }
0x129: {  	v1 =	vadd.f32 v2, v1;
	_ =	sdelay $0x1  }
0x12a: {  	v2 =	vmul.f32 $2.000000030e-01, v1  }
0x12b: {  	vm0 =	vge.f32 v1, $0.0e+00  }
0x12c: {  	v1 =	vsel vm0, v1, v2  }
0x12d: {  	v0 =	vsub.f32 v1, v0;
	_ =	sdelay $0x1  }
0x12e: {  	v0 =	vmul.f32 $1.442695020e+00, v0;
	_ =	sdelay $0x1  }
0x12f: {  	(erf) = vpow2.f32 v0;
	_ =	sdelay $0x4  }
0x130: {  	v60 =	vld [tilespmem:s6+$0x4E30]  }
0x131: {  	v61 =	vld [tilespmem:s6+$0x4E40]  }
0x132: {  	v62 =	vld [tilespmem:s6+$0x4E50]  }
0x133: {  	v3 =	vld [tilespmem:s6+$0x4E60]  }
0x134: {  	v4 =	vpop (erf)  }
0x135: {  	v0 =	vmul.f32 v4, v60  }
0x136: {  	[tilespmem:s6+$0xC670] =	vst v4;
	v1 =	vmul.f32 v4, v61  }
0x137: {  	v2 =	vmul.f32 v4, v62;
	[tilespmem:s6+$0xC630] =	vst v0  }
0x138: {  	v63 =	vmul.f32 v3, v4;
	[tilespmem:s6+$0xC640] =	vst v1  }
0x139: {  	[tilespmem:s6+$0xC650] =	vst v2  }
0x13a: {  	s26 =	simm.s32 $0x4DD0;
	[tilespmem:s6+$0xC660] =	vst v63  }
0x13b: {  	[spmem:s2] =	stream.indirect.scatter.add.f32 [tilespmem:s31], [sflag:$0x5], $0x50, s26, s17, $0xb8;
	[tilespmem:$0x1E290] =	vst v63  }
0x13c: {  	_ =	swait.ge [sflag:s22], $0x1900  }
0x13d: {  	[sflag:s22] =	ssyncset.done $0x0  }
0x13e: {  	[sflag:s22] =	ssyncadd.s32 $0xFFFFE700  }
0x13f: {  	_ =	swait.ge [sflag:s20], $0x1900  }
0x140: {  	s24 =	sadd.s32 $0x1, s24;
	[sflag:s20] =	ssyncset.done $0x0  }
0x141: {  	p0 =	sne.s32 s24, s12;
	[sflag:s20] =	ssyncadd.s32 $0xFFFFE700  }
.Ltmp6:
0x142: {  	[bflag:$0x0] =	sbarrier.arrive $0xFFFF;
	(pc) =	sbr.rel @p0 .LBB2_1-.Ltmp6, $4  }
0x143: {  	[hbm:s11], [sflag:s8] =	dma.local [spmem:s13], $0x1D4C  }
0x144: {  	_ =	swait.ge [sflag:s14], $0x1D4C  }
0x145: {  	[sflag:s14] =	ssyncset.done $0x0  }
0x146: {  	[sflag:s14] =	ssyncadd.s32 $0xFFFFE2B4  }
0x147: {  	_ =	sfence.sel $0x180000  }
0x148: {  	[bflag:$0x0] =	sbarrier.arrive $0xFFFF  }
0x149: {  	_ =	strace $0x90000047  }
0x14a: {  	s0 =	stileid.u32;
	[bflag:$0x2] =	sbarrier.arrive $0xFFFF  }
0x14b: {  	p0 =	sne.s32 s0, $0x0;
	s0 =	rddreg [dreg:$0x3]  }
0x14c: {  	s0 =	sadd.s32 @!p0 $0x100000, s0  }
0x14d: {  	[sflag:s0] =	ssyncadd.tile.s32 @!p0 $0x1;
	_ =	shalt  }
.Lfunc_end2:
_tile_overlayer_lowered:
.L_overlay_start_2:
0x14e: {  	(tag) =	ssettag $0x2  }
0x14f: {  	s0 =	rddreg [dreg:$0x0];
	s2 =	stileid.u32  }
0x150: {  	s1 =	rddreg [dreg:$0x1];
	p0 =	sne.s32 s2, $0x0  }
0x151: {  	s3 =	rddreg [dreg:$0x2];
	[bflag:$0x3] =	sbarrier.arrive $0xFFFF;
	s2 =	simm.s32 @!p0 $0x1C07  }
0x152: {  	[timem:s3], [sflag:s2] =	dma.local @!p0 [hbm:s0], s1  }
0x153: {  	s0 =	simm.s32 @!p0 $0x7  }
0x154: {  	_ =	swait.ge @!p0 [sflag:s0], s1  }
0x155: {  	s1 =	ssub.s32 @!p0 $0x0, s1;
	[sflag:s0] =	ssyncset.done @!p0 $0x0  }
0x156: {  	[sflag:s0] =	ssyncadd.s32 @!p0 s1  }
0x157: {  	[bflag:$0x3] =	sbarrier.arrive $0xFFFF  }
0x158: {  	_ =	shalt  }

</sc_bundles>
